<compile_context>
chip_gen: v7x
topology: tpu7x:2x2x1
jax: 0.10.2.dev20260603
libtpu: 0.0.44.dev20260713+nightly
codegen_flags: <defaults>
</compile_context>

<pallas_src>
import functools

import jax
import jax.numpy as jnp
from jax import lax
from jax.experimental import pallas as pl
from jax.experimental.pallas import tpu as pltpu
from jax.experimental.pallas import tpu_sc as plsc

B, S, D = 1, 2048, 768
E, K, DFF = 8, 2, 1024
T = B * S
LANES = 16
CB = 128


def _logits_kernel(x_ref, wr_ref, lt_ref):
    x = x_ref[...]
    lane = lax.broadcasted_iota(jnp.int32, (T, E), 1)
    l = jnp.dot(x, wr_ref[...], preferred_element_type=jnp.float32)
    l = jnp.where(lane < E - 1, l, -1e30)
    lt_ref[...] = jnp.transpose(l)


def _topk_body(lt_hbm, wt_hbm, lt_v, wt_v):
    c = lax.axis_index("c")
    s = lax.axis_index("s")
    wid = s * 2 + c

    @pl.when(wid < T // CB)
    def _work():
        t0 = wid * CB
        pltpu.sync_copy(lt_hbm.at[:, pl.ds(t0, CB)], lt_v)
        for ci in range(CB // LANES):
            sl = pl.ds(ci * LANES, LANES)
            neg = jnp.full((LANES,), -1e30, jnp.float32)
            m1 = neg
            for e in range(E - 1):
                m1 = jnp.maximum(m1, lt_v[e, sl])
            idx1 = jnp.full((LANES,), 99.0, jnp.float32)
            for e in range(E - 2, -1, -1):
                le = lt_v[e, sl]
                idx1 = jnp.where(le == m1, float(e), idx1)
            m2 = neg
            for e in range(E - 1):
                le = lt_v[e, sl]
                m2 = jnp.maximum(m2, jnp.where(idx1 == float(e), neg, le))
            idx2 = jnp.full((LANES,), 99.0, jnp.float32)
            for e in range(E - 2, -1, -1):
                le = lt_v[e, sl]
                hit = jnp.logical_and(le == m2, idx1 != float(e))
                idx2 = jnp.where(hit, float(e), idx2)
            p2 = jnp.exp(m2 - m1)
            den = 1.0 + p2
            w1n = 1.0 / den
            w2n = p2 / den
            for e in range(E):
                row = jnp.where(idx1 == float(e - 1), w1n, 0.0)
                row = row + jnp.where(idx2 == float(e - 1), w2n, 0.0)
                if e == 0:
                    row = row + 1.0
                wt_v[e, sl] = row
        pltpu.sync_copy(wt_v, wt_hbm.at[:, pl.ds(t0, CB)])


def _moe_dense_kernel(x_ref, w1_ref, w2_ref, wt_ref, out_ref):
    e = pl.program_id(0)

    x = x_ref[...]
    h = jnp.dot(x, w1_ref[0], preferred_element_type=jnp.float32)
    h = h * jax.lax.logistic(h)
    y = jnp.dot(h, w2_ref[0], preferred_element_type=jnp.float32)

    w = jnp.transpose(wt_ref[...])
    lane = lax.broadcasted_iota(jnp.int32, (T, E), 1)
    wcol = jnp.sum(jnp.where(lane == e, w, 0.0), axis=1, keepdims=True)
    contrib = y * wcol

    @pl.when(e == 0)
    def _init():
        out_ref[...] = contrib

    @pl.when(e > 0)
    def _acc():
        out_ref[...] += contrib


def kernel(hidden_states, Wr, W1, W2, interpret=False):
    x = hidden_states.reshape(T, D)
    wr_pad = jnp.zeros((D, E), jnp.float32).at[:, : E - 1].set(Wr)

    lt = pl.pallas_call(
        _logits_kernel,
        grid=(1,),
        in_specs=[
            pl.BlockSpec((T, D), lambda i: (0, 0)),
            pl.BlockSpec((D, E), lambda i: (0, 0)),
        ],
        out_specs=pl.BlockSpec((E, T), lambda i: (0, 0)),
        out_shape=jax.ShapeDtypeStruct((E, T), jnp.float32),
        interpret=interpret,
    )(x, wr_pad)

    mesh = plsc.VectorSubcoreMesh(core_axis_name="c", subcore_axis_name="s")
    wt = pl.kernel(
        _topk_body,
        mesh=mesh,
        out_type=jax.ShapeDtypeStruct((E, T), jnp.float32),
        scratch_types=[
            pltpu.VMEM((E, CB), jnp.float32),
            pltpu.VMEM((E, CB), jnp.float32),
        ],
    )(lt)

    out = pl.pallas_call(
        _moe_dense_kernel,
        grid=(E,),
        in_specs=[
            pl.BlockSpec((T, D), lambda e: (0, 0)),
            pl.BlockSpec((1, D, DFF), lambda e: (e, 0, 0)),
            pl.BlockSpec((1, DFF, D), lambda e: (e, 0, 0)),
            pl.BlockSpec((E, T), lambda e: (0, 0)),
        ],
        out_specs=pl.BlockSpec((T, D), lambda e: (0, 0)),
        out_shape=jax.ShapeDtypeStruct((T, D), jnp.float32),
        interpret=interpret,
    )(x, W1, W2, wt)
    return out.reshape(B, S, D)

# --- scband reference (transcript-rebuilt; emitter-appended) ---
"""Pipeline reference for scband-always-on-moe-on-forward-94489280669 (READ-ONLY COPY).

The authoritative reference and input builder live on the scoring server;
editing this copy changes nothing except your own understanding.
"""

import jax, jax.numpy as jnp
import numpy as np

B, S, D = 1, 2048, 768
E, K, DFF = 8, 2, 1024


def setup_inputs(seed: int = 0) -> dict:
    key = jax.random.key(seed)
    k1, k2, k3, k4 = jax.random.split(key, 4)
    return {
        "hidden_states": jax.random.normal(k1, (B, S, D), dtype=jnp.float32),
        "Wr": jax.random.normal(k2, (D, E - 1), dtype=jnp.float32) * 0.02,
        "W1": jax.random.normal(k3, (E, D, DFF), dtype=jnp.float32) * 0.02,
        "W2": jax.random.normal(k4, (E, DFF, D), dtype=jnp.float32) * 0.02,
    }


def reference(hidden_states, Wr, W1, W2):
    bsz, seq, d = hidden_states.shape
    x = hidden_states.reshape(-1, d)
    # router only scores the E-1 routed experts; expert 0 is always on
    router_logits = x @ Wr
    routing = jax.nn.softmax(router_logits.astype(jnp.float32), axis=-1)
    routing_weights, selected_experts = jax.lax.top_k(routing, K)
    routing_weights = routing_weights / jnp.sum(routing_weights, axis=-1, keepdims=True)
    routing_weights = routing_weights.astype(x.dtype)

    def expert(e, h):
        return jax.nn.silu(h @ W1[e]) @ W2[e]

    final_hidden_states = jnp.zeros((bsz * seq, D), dtype=x.dtype)
    expert_mask = jax.nn.one_hot(selected_experts, E - 1, dtype=jnp.int32)  # [T, K, E-1]
    expert_mask = jnp.transpose(expert_mask, (2, 1, 0))  # [E-1, K, T]

    always_on_out = expert(0, x)
    for expert_idx in range(1, E):
        mask = expert_mask[expert_idx - 1]  # [K, T]
        expert_weight = jnp.sum(
            mask.T.astype(x.dtype) * routing_weights, axis=-1, keepdims=True
        )  # [T, 1]; at most one top-k slot matches per token
        current_hidden_states = expert(expert_idx, x) * expert_weight
        final_hidden_states = final_hidden_states + current_hidden_states.astype(x.dtype)
    final_hidden_states = final_hidden_states + always_on_out
    return final_hidden_states.reshape(bsz, seq, D)

if __name__ == "__main__":
    import jax
    _d = setup_inputs()
    print(jax.jit(kernel)(*tuple(_d.values())))

</pallas_src>

<mosaic_0001>
#map = affine_map<(d0, d1) -> (0, 0)>
module attributes {stable_mosaic.version = 14 : i64} {
  func.func @_topk_body(%arg0: i32, %arg1: i32, %arg2: memref<8x2048xf32, #tpu.memory_space<hbm>>, %arg3: memref<8x2048xf32, #tpu.memory_space<hbm>>, %arg4: memref<8x128xf32, #tpu.memory_space<vmem>>, %arg5: memref<8x128xf32, #tpu.memory_space<vmem>>) attributes {dimension_semantics = [#tpu.dimension_semantics<core_parallel>, #tpu.dimension_semantics<subcore_parallel>], iteration_bounds = array<i64: 2, 16>, scalar_prefetch = 0 : i64, scratch_operands = 2 : i64, tpu.core_type = #tpu.core_type<sc_vector_subcore>, window_params = [{transform_indices = #map}, {transform_indices = #map}]} {
    %mul3A = arith.constant 2 : i32
    %mul3A_0 = arith.muli %arg1, %mul3A : i32
    %add3A = arith.addi %mul3A_0, %arg0 : i32
    %lt3A = arith.constant 16 : i32
    %lt3A_1 = arith.cmpi slt, %add3A, %lt3A : i32
    %convert_element_type3A = arith.extui %lt3A_1 : i1 to i32
    %cond3A = arith.constant 0 : i32
    %cond3A_2 = arith.cmpi ne, %convert_element_type3A, %cond3A : i32
    scf.if %cond3A_2 {
      %mul3A_3 = arith.constant 128 : i32
      %mul3A_4 = arith.muli %add3A, %mul3A_3 : i32
      "tpu.region"() ({
        %run_scoped3A = tpu.sem_alloc : memref<!tpu.dma_semaphore, #tpu.memory_space<semaphore_mem>>
        %dma_start3A = arith.constant 0 : i32
        %dma_start3A_3481 = tpu.memref_slice %arg2[%dma_start3A, %mul3A_4] : memref<8x2048xf32, #tpu.memory_space<hbm>> -> memref<8x128xf32, #tpu.memory_space<hbm>>
        %dma_start3A_3482 = arith.constant 0 : i32
        %dma_start3A_3483 = tpu.memref_slice %arg2[%dma_start3A_3482, %mul3A_4] : memref<8x2048xf32, #tpu.memory_space<hbm>> -> memref<8x128xf32, #tpu.memory_space<hbm>>
        tpu.enqueue_dma source(%dma_start3A_3483 : memref<8x128xf32, #tpu.memory_space<hbm>>) target(%arg4 : memref<8x128xf32, #tpu.memory_space<vmem>>) target_semaphore(%run_scoped3A : memref<!tpu.dma_semaphore, #tpu.memory_space<semaphore_mem>>)
        %dma_wait3A = arith.constant 0 : i32
        %dma_wait3A_3484 = tpu.memref_slice %arg2[%dma_wait3A, %mul3A_4] : memref<8x2048xf32, #tpu.memory_space<hbm>> -> memref<8x128xf32, #tpu.memory_space<hbm>>
        %dma_wait3A_3485 = arith.constant 0 : i32
        %dma_wait3A_3486 = tpu.memref_slice %arg2[%dma_wait3A_3485, %mul3A_4] : memref<8x2048xf32, #tpu.memory_space<hbm>> -> memref<8x128xf32, #tpu.memory_space<hbm>>
        tpu.wait_dma2 semaphore(%run_scoped3A : memref<!tpu.dma_semaphore, #tpu.memory_space<semaphore_mem>>) src(%dma_wait3A_3486 : memref<8x128xf32, #tpu.memory_space<hbm>>) dst(%arg4 : memref<8x128xf32, #tpu.memory_space<vmem>>)
        tpu.yield
      }) : () -> ()
      %broadcast_in_dim3A = arith.constant -1.000000e+30 : f32
      %broadcast_in_dim3A_5 = vector.broadcast %broadcast_in_dim3A : f32 to vector<16xf32>
      %get3A = arith.constant 0 : i32
      %get3A_6 = arith.index_cast %get3A : i32 to index
      %get3A_7 = arith.constant 0 : index
      %get3A_8 = tpu.vector_load %arg4[%get3A_6, %get3A_7] {strides = array<i32>} : memref<8x128xf32, #tpu.memory_space<vmem>>, vector<1x16xf32>,
      %get3A_9 = vector.shape_cast %get3A_8 : vector<1x16xf32> to vector<16xf32>
      %max3A = arith.maximumf %broadcast_in_dim3A_5, %get3A_9 : vector<16xf32>
      %get3A_10 = arith.constant 1 : i32
      %get3A_11 = arith.index_cast %get3A_10 : i32 to index
      %get3A_12 = arith.constant 0 : index
      %get3A_13 = tpu.vector_load %arg4[%get3A_11, %get3A_12] {strides = array<i32>} : memref<8x128xf32, #tpu.memory_space<vmem>>, vector<1x16xf32>,
      %get3A_14 = vector.shape_cast %get3A_13 : vector<1x16xf32> to vector<16xf32>
      %max3A_15 = arith.maximumf %max3A, %get3A_14 : vector<16xf32>
      %get3A_16 = arith.constant 2 : i32
      %get3A_17 = arith.index_cast %get3A_16 : i32 to index
      %get3A_18 = arith.constant 0 : index
      %get3A_19 = tpu.vector_load %arg4[%get3A_17, %get3A_18] {strides = array<i32>} : memref<8x128xf32, #tpu.memory_space<vmem>>, vector<1x16xf32>,
      %get3A_20 = vector.shape_cast %get3A_19 : vector<1x16xf32> to vector<16xf32>
      %max3A_21 = arith.maximumf %max3A_15, %get3A_20 : vector<16xf32>
      %get3A_22 = arith.constant 3 : i32
      %get3A_23 = arith.index_cast %get3A_22 : i32 to index
      %get3A_24 = arith.constant 0 : index
      %get3A_25 = tpu.vector_load %arg4[%get3A_23, %get3A_24] {strides = array<i32>} : memref<8x128xf32, #tpu.memory_space<vmem>>, vector<1x16xf32>,
      %get3A_26 = vector.shape_cast %get3A_25 : vector<1x16xf32> to vector<16xf32>
      %max3A_27 = arith.maximumf %max3A_21, %get3A_26 : vector<16xf32>
      %get3A_28 = arith.constant 4 : i32
      %get3A_29 = arith.index_cast %get3A_28 : i32 to index
      %get3A_30 = arith.constant 0 : index
      %get3A_31 = tpu.vector_load %arg4[%get3A_29, %get3A_30] {strides = array<i32>} : memref<8x128xf32, #tpu.memory_space<vmem>>, vector<1x16xf32>,
      %get3A_32 = vector.shape_cast %get3A_31 : vector<1x16xf32> to vector<16xf32>
      %max3A_33 = arith.maximumf %max3A_27, %get3A_32 : vector<16xf32>
      %get3A_34 = arith.constant 5 : i32
      %get3A_35 = arith.index_cast %get3A_34 : i32 to index
      %get3A_36 = arith.constant 0 : index
      %get3A_37 = tpu.vector_load %arg4[%get3A_35, %get3A_36] {strides = array<i32>} : memref<8x128xf32, #tpu.memory_space<vmem>>, vector<1x16xf32>,
      %get3A_38 = vector.shape_cast %get3A_37 : vector<1x16xf32> to vector<16xf32>
      %max3A_39 = arith.maximumf %max3A_33, %get3A_38 : vector<16xf32>
      %get3A_40 = arith.constant 6 : i32
      %get3A_41 = arith.index_cast %get3A_40 : i32 to index
      %get3A_42 = arith.constant 0 : index
      %get3A_43 = tpu.vector_load %arg4[%get3A_41, %get3A_42] {strides = array<i32>} : memref<8x128xf32, #tpu.memory_space<vmem>>, vector<1x16xf32>,
      %get3A_44 = vector.shape_cast %get3A_43 : vector<1x16xf32> to vector<16xf32>
      %max3A_45 = arith.maximumf %max3A_39, %get3A_44 : vector<16xf32>
      %broadcast_in_dim3A_46 = arith.constant 9.900000e+01 : f32
      %broadcast_in_dim3A_47 = vector.broadcast %broadcast_in_dim3A_46 : f32 to vector<16xf32>
      %get3A_48 = arith.constant 6 : i32
      %get3A_49 = arith.index_cast %get3A_48 : i32 to index
      %get3A_50 = arith.constant 0 : index
      %get3A_51 = tpu.vector_load %arg4[%get3A_49, %get3A_50] {strides = array<i32>} : memref<8x128xf32, #tpu.memory_space<vmem>>, vector<1x16xf32>,
      %get3A_52 = vector.shape_cast %get3A_51 : vector<1x16xf32> to vector<16xf32>
      %eq3A = arith.cmpf oeq, %get3A_52, %max3A_45 : vector<16xf32>
      %jit3A = arith.constant 6.000000e+00 : f32
      %broadcast_in_dim3A_53 = vector.broadcast %jit3A : f32 to vector<16xf32>
      %select_n3A = arith.select %eq3A, %broadcast_in_dim3A_53, %broadcast_in_dim3A_47 : vector<16xi1>, vector<16xf32>
      %get3A_54 = arith.constant 5 : i32
      %get3A_55 = arith.index_cast %get3A_54 : i32 to index
      %get3A_56 = arith.constant 0 : index
      %get3A_57 = tpu.vector_load %arg4[%get3A_55, %get3A_56] {strides = array<i32>} : memref<8x128xf32, #tpu.memory_space<vmem>>, vector<1x16xf32>,
      %get3A_58 = vector.shape_cast %get3A_57 : vector<1x16xf32> to vector<16xf32>
      %eq3A_59 = arith.cmpf oeq, %get3A_58, %max3A_45 : vector<16xf32>
      %jit3A_60 = arith.constant 5.000000e+00 : f32
      %broadcast_in_dim3A_61 = vector.broadcast %jit3A_60 : f32 to vector<16xf32>
      %select_n3A_62 = arith.select %eq3A_59, %broadcast_in_dim3A_61, %select_n3A : vector<16xi1>, vector<16xf32>
      %get3A_63 = arith.constant 4 : i32
      %get3A_64 = arith.index_cast %get3A_63 : i32 to index
      %get3A_65 = arith.constant 0 : index
      %get3A_66 = tpu.vector_load %arg4[%get3A_64, %get3A_65] {strides = array<i32>} : memref<8x128xf32, #tpu.memory_space<vmem>>, vector<1x16xf32>,
      %get3A_67 = vector.shape_cast %get3A_66 : vector<1x16xf32> to vector<16xf32>
      %eq3A_68 = arith.cmpf oeq, %get3A_67, %max3A_45 : vector<16xf32>
      %jit3A_69 = arith.constant 4.000000e+00 : f32
      %broadcast_in_dim3A_70 = vector.broadcast %jit3A_69 : f32 to vector<16xf32>
      %select_n3A_71 = arith.select %eq3A_68, %broadcast_in_dim3A_70, %select_n3A_62 : vector<16xi1>, vector<16xf32>
      %get3A_72 = arith.constant 3 : i32
      %get3A_73 = arith.index_cast %get3A_72 : i32 to index
      %get3A_74 = arith.constant 0 : index
      %get3A_75 = tpu.vector_load %arg4[%get3A_73, %get3A_74] {strides = array<i32>} : memref<8x128xf32, #tpu.memory_space<vmem>>, vector<1x16xf32>,
      %get3A_76 = vector.shape_cast %get3A_75 : vector<1x16xf32> to vector<16xf32>
      %eq3A_77 = arith.cmpf oeq, %get3A_76, %max3A_45 : vector<16xf32>
      %jit3A_78 = arith.constant 3.000000e+00 : f32
      %broadcast_in_dim3A_79 = vector.broadcast %jit3A_78 : f32 to vector<16xf32>
      %select_n3A_80 = arith.select %eq3A_77, %broadcast_in_dim3A_79, %select_n3A_71 : vector<16xi1>, vector<16xf32>
      %get3A_81 = arith.constant 2 : i32
      %get3A_82 = arith.index_cast %get3A_81 : i32 to index
      %get3A_83 = arith.constant 0 : index
      %get3A_84 = tpu.vector_load %arg4[%get3A_82, %get3A_83] {strides = array<i32>} : memref<8x128xf32, #tpu.memory_space<vmem>>, vector<1x16xf32>,
      %get3A_85 = vector.shape_cast %get3A_84 : vector<1x16xf32> to vector<16xf32>
      %eq3A_86 = arith.cmpf oeq, %get3A_85, %max3A_45 : vector<16xf32>
      %jit3A_87 = arith.constant 2.000000e+00 : f32
      %broadcast_in_dim3A_88 = vector.broadcast %jit3A_87 : f32 to vector<16xf32>
      %select_n3A_89 = arith.select %eq3A_86, %broadcast_in_dim3A_88, %select_n3A_80 : vector<16xi1>, vector<16xf32>
      %get3A_90 = arith.constant 1 : i32
      %get3A_91 = arith.index_cast %get3A_90 : i32 to index
      %get3A_92 = arith.constant 0 : index
      %get3A_93 = tpu.vector_load %arg4[%get3A_91, %get3A_92] {strides = array<i32>} : memref<8x128xf32, #tpu.memory_space<vmem>>, vector<1x16xf32>,
      %get3A_94 = vector.shape_cast %get3A_93 : vector<1x16xf32> to vector<16xf32>
      %eq3A_95 = arith.cmpf oeq, %get3A_94, %max3A_45 : vector<16xf32>
      %jit3A_96 = arith.constant 1.000000e+00 : f32
      %broadcast_in_dim3A_97 = vector.broadcast %jit3A_96 : f32 to vector<16xf32>
      %select_n3A_98 = arith.select %eq3A_95, %broadcast_in_dim3A_97, %select_n3A_89 : vector<16xi1>, vector<16xf32>
      %get3A_99 = arith.constant 0 : i32
      %get3A_100 = arith.index_cast %get3A_99 : i32 to index
      %get3A_101 = arith.constant 0 : index
      %get3A_102 = tpu.vector_load %arg4[%get3A_100, %get3A_101] {strides = array<i32>} : memref<8x128xf32, #tpu.memory_space<vmem>>, vector<1x16xf32>,
      %get3A_103 = vector.shape_cast %get3A_102 : vector<1x16xf32> to vector<16xf32>
      %eq3A_104 = arith.cmpf oeq, %get3A_103, %max3A_45 : vector<16xf32>
      %jit3A_105 = arith.constant 0.000000e+00 : f32
      %broadcast_in_dim3A_106 = vector.broadcast %jit3A_105 : f32 to vector<16xf32>
      %select_n3A_107 = arith.select %eq3A_104, %broadcast_in_dim3A_106, %select_n3A_98 : vector<16xi1>, vector<16xf32>
      %get3A_108 = arith.constant 0 : i32
      %get3A_109 = arith.index_cast %get3A_108 : i32 to index
      %get3A_110 = arith.constant 0 : index
      %get3A_111 = tpu.vector_load %arg4[%get3A_109, %get3A_110] {strides = array<i32>} : memref<8x128xf32, #tpu.memory_space<vmem>>, vector<1x16xf32>,
      %get3A_112 = vector.shape_cast %get3A_111 : vector<1x16xf32> to vector<16xf32>
      %eq3A_113 = arith.constant 0.000000e+00 : f32
      %eq3A_114 = vector.broadcast %eq3A_113 : f32 to vector<16xf32>
      %eq3A_115 = arith.cmpf oeq, %select_n3A_107, %eq3A_114 : vector<16xf32>
      %select_n3A_116 = arith.select %eq3A_115, %broadcast_in_dim3A_5, %get3A_112 : vector<16xi1>, vector<16xf32>
      %max3A_117 = arith.maximumf %broadcast_in_dim3A_5, %select_n3A_116 : vector<16xf32>
      %get3A_118 = arith.constant 1 : i32
      %get3A_119 = arith.index_cast %get3A_118 : i32 to index
      %get3A_120 = arith.constant 0 : index
      %get3A_121 = tpu.vector_load %arg4[%get3A_119, %get3A_120] {strides = array<i32>} : memref<8x128xf32, #tpu.memory_space<vmem>>, vector<1x16xf32>,
      %get3A_122 = vector.shape_cast %get3A_121 : vector<1x16xf32> to vector<16xf32>
      %eq3A_123 = arith.constant 1.000000e+00 : f32
      %eq3A_124 = vector.broadcast %eq3A_123 : f32 to vector<16xf32>
      %eq3A_125 = arith.cmpf oeq, %select_n3A_107, %eq3A_124 : vector<16xf32>
      %select_n3A_126 = arith.select %eq3A_125, %broadcast_in_dim3A_5, %get3A_122 : vector<16xi1>, vector<16xf32>
      %max3A_127 = arith.maximumf %max3A_117, %select_n3A_126 : vector<16xf32>
      %get3A_128 = arith.constant 2 : i32
      %get3A_129 = arith.index_cast %get3A_128 : i32 to index
      %get3A_130 = arith.constant 0 : index
      %get3A_131 = tpu.vector_load %arg4[%get3A_129, %get3A_130] {strides = array<i32>} : memref<8x128xf32, #tpu.memory_space<vmem>>, vector<1x16xf32>,
      %get3A_132 = vector.shape_cast %get3A_131 : vector<1x16xf32> to vector<16xf32>
      %eq3A_133 = arith.constant 2.000000e+00 : f32
      %eq3A_134 = vector.broadcast %eq3A_133 : f32 to vector<16xf32>
      %eq3A_135 = arith.cmpf oeq, %select_n3A_107, %eq3A_134 : vector<16xf32>
      %select_n3A_136 = arith.select %eq3A_135, %broadcast_in_dim3A_5, %get3A_132 : vector<16xi1>, vector<16xf32>
      %max3A_137 = arith.maximumf %max3A_127, %select_n3A_136 : vector<16xf32>
      %get3A_138 = arith.constant 3 : i32
      %get3A_139 = arith.index_cast %get3A_138 : i32 to index
      %get3A_140 = arith.constant 0 : index
      %get3A_141 = tpu.vector_load %arg4[%get3A_139, %get3A_140] {strides = array<i32>} : memref<8x128xf32, #tpu.memory_space<vmem>>, vector<1x16xf32>,
      %get3A_142 = vector.shape_cast %get3A_141 : vector<1x16xf32> to vector<16xf32>
      %eq3A_143 = arith.constant 3.000000e+00 : f32
      %eq3A_144 = vector.broadcast %eq3A_143 : f32 to vector<16xf32>
      %eq3A_145 = arith.cmpf oeq, %select_n3A_107, %eq3A_144 : vector<16xf32>
      %select_n3A_146 = arith.select %eq3A_145, %broadcast_in_dim3A_5, %get3A_142 : vector<16xi1>, vector<16xf32>
      %max3A_147 = arith.maximumf %max3A_137, %select_n3A_146 : vector<16xf32>
      %get3A_148 = arith.constant 4 : i32
      %get3A_149 = arith.index_cast %get3A_148 : i32 to index
      %get3A_150 = arith.constant 0 : index
      %get3A_151 = tpu.vector_load %arg4[%get3A_149, %get3A_150] {strides = array<i32>} : memref<8x128xf32, #tpu.memory_space<vmem>>, vector<1x16xf32>,
      %get3A_152 = vector.shape_cast %get3A_151 : vector<1x16xf32> to vector<16xf32>
      %eq3A_153 = arith.constant 4.000000e+00 : f32
      %eq3A_154 = vector.broadcast %eq3A_153 : f32 to vector<16xf32>
      %eq3A_155 = arith.cmpf oeq, %select_n3A_107, %eq3A_154 : vector<16xf32>
      %select_n3A_156 = arith.select %eq3A_155, %broadcast_in_dim3A_5, %get3A_152 : vector<16xi1>, vector<16xf32>
      %max3A_157 = arith.maximumf %max3A_147, %select_n3A_156 : vector<16xf32>
      %get3A_158 = arith.constant 5 : i32
      %get3A_159 = arith.index_cast %get3A_158 : i32 to index
      %get3A_160 = arith.constant 0 : index
      %get3A_161 = tpu.vector_load %arg4[%get3A_159, %get3A_160] {strides = array<i32>} : memref<8x128xf32, #tpu.memory_space<vmem>>, vector<1x16xf32>,
      %get3A_162 = vector.shape_cast %get3A_161 : vector<1x16xf32> to vector<16xf32>
      %eq3A_163 = arith.constant 5.000000e+00 : f32
      %eq3A_164 = vector.broadcast %eq3A_163 : f32 to vector<16xf32>
      %eq3A_165 = arith.cmpf oeq, %select_n3A_107, %eq3A_164 : vector<16xf32>
      %select_n3A_166 = arith.select %eq3A_165, %broadcast_in_dim3A_5, %get3A_162 : vector<16xi1>, vector<16xf32>
      %max3A_167 = arith.maximumf %max3A_157, %select_n3A_166 : vector<16xf32>
      %get3A_168 = arith.constant 6 : i32
      %get3A_169 = arith.index_cast %get3A_168 : i32 to index
      %get3A_170 = arith.constant 0 : index
      %get3A_171 = tpu.vector_load %arg4[%get3A_169, %get3A_170] {strides = array<i32>} : memref<8x128xf32, #tpu.memory_space<vmem>>, vector<1x16xf32>,
      %get3A_172 = vector.shape_cast %get3A_171 : vector<1x16xf32> to vector<16xf32>
      %eq3A_173 = arith.constant 6.000000e+00 : f32
      %eq3A_174 = vector.broadcast %eq3A_173 : f32 to vector<16xf32>
      %eq3A_175 = arith.cmpf oeq, %select_n3A_107, %eq3A_174 : vector<16xf32>
      %select_n3A_176 = arith.select %eq3A_175, %broadcast_in_dim3A_5, %get3A_172 : vector<16xi1>, vector<16xf32>
      %max3A_177 = arith.maximumf %max3A_167, %select_n3A_176 : vector<16xf32>
      %broadcast_in_dim3A_178 = arith.constant 9.900000e+01 : f32
      %broadcast_in_dim3A_179 = vector.broadcast %broadcast_in_dim3A_178 : f32 to vector<16xf32>
      %get3A_180 = arith.constant 6 : i32
      %get3A_181 = arith.index_cast %get3A_180 : i32 to index
      %get3A_182 = arith.constant 0 : index
      %get3A_183 = tpu.vector_load %arg4[%get3A_181, %get3A_182] {strides = array<i32>} : memref<8x128xf32, #tpu.memory_space<vmem>>, vector<1x16xf32>,
      %get3A_184 = vector.shape_cast %get3A_183 : vector<1x16xf32> to vector<16xf32>
      %eq3A_185 = arith.cmpf oeq, %get3A_184, %max3A_177 : vector<16xf32>
      %ne3A = arith.constant 6.000000e+00 : f32
      %ne3A_186 = vector.broadcast %ne3A : f32 to vector<16xf32>
      %ne3A_187 = arith.cmpf one, %select_n3A_107, %ne3A_186 : vector<16xf32>
      %and3A = arith.andi %eq3A_185, %ne3A_187 : vector<16xi1>
      %jit3A_188 = arith.constant 6.000000e+00 : f32
      %broadcast_in_dim3A_189 = vector.broadcast %jit3A_188 : f32 to vector<16xf32>
      %select_n3A_190 = arith.select %and3A, %broadcast_in_dim3A_189, %broadcast_in_dim3A_179 : vector<16xi1>, vector<16xf32>
      %get3A_191 = arith.constant 5 : i32
      %get3A_192 = arith.index_cast %get3A_191 : i32 to index
      %get3A_193 = arith.constant 0 : index
      %get3A_194 = tpu.vector_load %arg4[%get3A_192, %get3A_193] {strides = array<i32>} : memref<8x128xf32, #tpu.memory_space<vmem>>, vector<1x16xf32>,
      %get3A_195 = vector.shape_cast %get3A_194 : vector<1x16xf32> to vector<16xf32>
      %eq3A_196 = arith.cmpf oeq, %get3A_195, %max3A_177 : vector<16xf32>
      %ne3A_197 = arith.constant 5.000000e+00 : f32
      %ne3A_198 = vector.broadcast %ne3A_197 : f32 to vector<16xf32>
      %ne3A_199 = arith.cmpf one, %select_n3A_107, %ne3A_198 : vector<16xf32>
      %and3A_200 = arith.andi %eq3A_196, %ne3A_199 : vector<16xi1>
      %jit3A_201 = arith.constant 5.000000e+00 : f32
      %broadcast_in_dim3A_202 = vector.broadcast %jit3A_201 : f32 to vector<16xf32>
      %select_n3A_203 = arith.select %and3A_200, %broadcast_in_dim3A_202, %select_n3A_190 : vector<16xi1>, vector<16xf32>
      %get3A_204 = arith.constant 4 : i32
      %get3A_205 = arith.index_cast %get3A_204 : i32 to index
      %get3A_206 = arith.constant 0 : index
      %get3A_207 = tpu.vector_load %arg4[%get3A_205, %get3A_206] {strides = array<i32>} : memref<8x128xf32, #tpu.memory_space<vmem>>, vector<1x16xf32>,
      %get3A_208 = vector.shape_cast %get3A_207 : vector<1x16xf32> to vector<16xf32>
      %eq3A_209 = arith.cmpf oeq, %get3A_208, %max3A_177 : vector<16xf32>
      %ne3A_210 = arith.constant 4.000000e+00 : f32
      %ne3A_211 = vector.broadcast %ne3A_210 : f32 to vector<16xf32>
      %ne3A_212 = arith.cmpf one, %select_n3A_107, %ne3A_211 : vector<16xf32>
      %and3A_213 = arith.andi %eq3A_209, %ne3A_212 : vector<16xi1>
      %jit3A_214 = arith.constant 4.000000e+00 : f32
      %broadcast_in_dim3A_215 = vector.broadcast %jit3A_214 : f32 to vector<16xf32>
      %select_n3A_216 = arith.select %and3A_213, %broadcast_in_dim3A_215, %select_n3A_203 : vector<16xi1>, vector<16xf32>
      %get3A_217 = arith.constant 3 : i32
      %get3A_218 = arith.index_cast %get3A_217 : i32 to index
      %get3A_219 = arith.constant 0 : index
      %get3A_220 = tpu.vector_load %arg4[%get3A_218, %get3A_219] {strides = array<i32>} : memref<8x128xf32, #tpu.memory_space<vmem>>, vector<1x16xf32>,
      %get3A_221 = vector.shape_cast %get3A_220 : vector<1x16xf32> to vector<16xf32>
      %eq3A_222 = arith.cmpf oeq, %get3A_221, %max3A_177 : vector<16xf32>
      %ne3A_223 = arith.constant 3.000000e+00 : f32
      %ne3A_224 = vector.broadcast %ne3A_223 : f32 to vector<16xf32>
      %ne3A_225 = arith.cmpf one, %select_n3A_107, %ne3A_224 : vector<16xf32>
      %and3A_226 = arith.andi %eq3A_222, %ne3A_225 : vector<16xi1>
      %jit3A_227 = arith.constant 3.000000e+00 : f32
      %broadcast_in_dim3A_228 = vector.broadcast %jit3A_227 : f32 to vector<16xf32>
      %select_n3A_229 = arith.select %and3A_226, %broadcast_in_dim3A_228, %select_n3A_216 : vector<16xi1>, vector<16xf32>
      %get3A_230 = arith.constant 2 : i32
      %get3A_231 = arith.index_cast %get3A_230 : i32 to index
      %get3A_232 = arith.constant 0 : index
      %get3A_233 = tpu.vector_load %arg4[%get3A_231, %get3A_232] {strides = array<i32>} : memref<8x128xf32, #tpu.memory_space<vmem>>, vector<1x16xf32>,
      %get3A_234 = vector.shape_cast %get3A_233 : vector<1x16xf32> to vector<16xf32>
      %eq3A_235 = arith.cmpf oeq, %get3A_234, %max3A_177 : vector<16xf32>
      %ne3A_236 = arith.constant 2.000000e+00 : f32
      %ne3A_237 = vector.broadcast %ne3A_236 : f32 to vector<16xf32>
      %ne3A_238 = arith.cmpf one, %select_n3A_107, %ne3A_237 : vector<16xf32>
      %and3A_239 = arith.andi %eq3A_235, %ne3A_238 : vector<16xi1>
      %jit3A_240 = arith.constant 2.000000e+00 : f32
      %broadcast_in_dim3A_241 = vector.broadcast %jit3A_240 : f32 to vector<16xf32>
      %select_n3A_242 = arith.select %and3A_239, %broadcast_in_dim3A_241, %select_n3A_229 : vector<16xi1>, vector<16xf32>
      %get3A_243 = arith.constant 1 : i32
      %get3A_244 = arith.index_cast %get3A_243 : i32 to index
      %get3A_245 = arith.constant 0 : index
      %get3A_246 = tpu.vector_load %arg4[%get3A_244, %get3A_245] {strides = array<i32>} : memref<8x128xf32, #tpu.memory_space<vmem>>, vector<1x16xf32>,
      %get3A_247 = vector.shape_cast %get3A_246 : vector<1x16xf32> to vector<16xf32>
      %eq3A_248 = arith.cmpf oeq, %get3A_247, %max3A_177 : vector<16xf32>
      %ne3A_249 = arith.constant 1.000000e+00 : f32
      %ne3A_250 = vector.broadcast %ne3A_249 : f32 to vector<16xf32>
      %ne3A_251 = arith.cmpf one, %select_n3A_107, %ne3A_250 : vector<16xf32>
      %and3A_252 = arith.andi %eq3A_248, %ne3A_251 : vector<16xi1>
      %jit3A_253 = arith.constant 1.000000e+00 : f32
      %broadcast_in_dim3A_254 = vector.broadcast %jit3A_253 : f32 to vector<16xf32>
      %select_n3A_255 = arith.select %and3A_252, %broadcast_in_dim3A_254, %select_n3A_242 : vector<16xi1>, vector<16xf32>
      %get3A_256 = arith.constant 0 : i32
      %get3A_257 = arith.index_cast %get3A_256 : i32 to index
      %get3A_258 = arith.constant 0 : index
      %get3A_259 = tpu.vector_load %arg4[%get3A_257, %get3A_258] {strides = array<i32>} : memref<8x128xf32, #tpu.memory_space<vmem>>, vector<1x16xf32>,
      %get3A_260 = vector.shape_cast %get3A_259 : vector<1x16xf32> to vector<16xf32>
      %eq3A_261 = arith.cmpf oeq, %get3A_260, %max3A_177 : vector<16xf32>
      %ne3A_262 = arith.constant 0.000000e+00 : f32
      %ne3A_263 = vector.broadcast %ne3A_262 : f32 to vector<16xf32>
      %ne3A_264 = arith.cmpf one, %select_n3A_107, %ne3A_263 : vector<16xf32>
      %and3A_265 = arith.andi %eq3A_261, %ne3A_264 : vector<16xi1>
      %jit3A_266 = arith.constant 0.000000e+00 : f32
      %broadcast_in_dim3A_267 = vector.broadcast %jit3A_266 : f32 to vector<16xf32>
      %select_n3A_268 = arith.select %and3A_265, %broadcast_in_dim3A_267, %select_n3A_255 : vector<16xi1>, vector<16xf32>
      %sub3A = arith.subf %max3A_177, %max3A_45 : vector<16xf32>
      %exp3A = math.exp %sub3A : vector<16xf32>
      %add3A_269 = arith.constant 1.000000e+00 : f32
      %add3A_270 = vector.broadcast %add3A_269 : f32 to vector<16xf32>
      %add3A_271 = arith.addf %add3A_270, %exp3A : vector<16xf32>
      %div3A = arith.constant 1.000000e+00 : f32
      %div3A_272 = vector.broadcast %div3A : f32 to vector<16xf32>
      %div3A_273 = arith.divf %div3A_272, %add3A_271 : vector<16xf32>
      %div3A_274 = arith.divf %exp3A, %add3A_271 : vector<16xf32>
      %eq3A_275 = arith.constant -1.000000e+00 : f32
      %eq3A_276 = vector.broadcast %eq3A_275 : f32 to vector<16xf32>
      %eq3A_277 = arith.cmpf oeq, %select_n3A_107, %eq3A_276 : vector<16xf32>
      %jit3A_278 = arith.constant 0.000000e+00 : f32
      %broadcast_in_dim3A_279 = vector.broadcast %jit3A_278 : f32 to vector<16xf32>
      %select_n3A_280 = arith.select %eq3A_277, %div3A_273, %broadcast_in_dim3A_279 : vector<16xi1>, vector<16xf32>
      %eq3A_281 = arith.constant -1.000000e+00 : f32
      %eq3A_282 = vector.broadcast %eq3A_281 : f32 to vector<16xf32>
      %eq3A_283 = arith.cmpf oeq, %select_n3A_268, %eq3A_282 : vector<16xf32>
      %jit3A_284 = arith.constant 0.000000e+00 : f32
      %broadcast_in_dim3A_285 = vector.broadcast %jit3A_284 : f32 to vector<16xf32>
      %select_n3A_286 = arith.select %eq3A_283, %div3A_274, %broadcast_in_dim3A_285 : vector<16xi1>, vector<16xf32>
      %add3A_287 = arith.addf %select_n3A_280, %select_n3A_286 : vector<16xf32>
      %add3A_288 = arith.constant 1.000000e+00 : f32
      %add3A_289 = vector.broadcast %add3A_288 : f32 to vector<16xf32>
      %add3A_290 = arith.addf %add3A_287, %add3A_289 : vector<16xf32>
      %swap3A = arith.constant 0 : i32
      %swap3A_291 = arith.index_cast %swap3A : i32 to index
      %swap3A_292 = arith.constant 0 : index
      %swap3A_293 = tpu.vector_load %arg5[%swap3A_291, %swap3A_292] {strides = array<i32>} : memref<8x128xf32, #tpu.memory_space<vmem>>, vector<1x16xf32>,
      %swap3A_294 = vector.shape_cast %swap3A_293 : vector<1x16xf32> to vector<16xf32>
      %swap3A_295 = vector.shape_cast %add3A_290 : vector<16xf32> to vector<1x16xf32>
      tpu.vector_store %arg5[%swap3A_291, %swap3A_292], %swap3A_295 {strides = array<i32>} : memref<8x128xf32, #tpu.memory_space<vmem>>, vector<1x16xf32>,
      %eq3A_296 = arith.constant 0.000000e+00 : f32
      %eq3A_297 = vector.broadcast %eq3A_296 : f32 to vector<16xf32>
      %eq3A_298 = arith.cmpf oeq, %select_n3A_107, %eq3A_297 : vector<16xf32>
      %jit3A_299 = arith.constant 0.000000e+00 : f32
      %broadcast_in_dim3A_300 = vector.broadcast %jit3A_299 : f32 to vector<16xf32>
      %select_n3A_301 = arith.select %eq3A_298, %div3A_273, %broadcast_in_dim3A_300 : vector<16xi1>, vector<16xf32>
      %eq3A_302 = arith.constant 0.000000e+00 : f32
      %eq3A_303 = vector.broadcast %eq3A_302 : f32 to vector<16xf32>
      %eq3A_304 = arith.cmpf oeq, %select_n3A_268, %eq3A_303 : vector<16xf32>
      %jit3A_305 = arith.constant 0.000000e+00 : f32
      %broadcast_in_dim3A_306 = vector.broadcast %jit3A_305 : f32 to vector<16xf32>
      %select_n3A_307 = arith.select %eq3A_304, %div3A_274, %broadcast_in_dim3A_306 : vector<16xi1>, vector<16xf32>
      %add3A_308 = arith.addf %select_n3A_301, %select_n3A_307 : vector<16xf32>
      %swap3A_309 = arith.constant 1 : i32
      %swap3A_310 = arith.index_cast %swap3A_309 : i32 to index
      %swap3A_311 = arith.constant 0 : index
      %swap3A_312 = tpu.vector_load %arg5[%swap3A_310, %swap3A_311] {strides = array<i32>} : memref<8x128xf32, #tpu.memory_space<vmem>>, vector<1x16xf32>,
      %swap3A_313 = vector.shape_cast %swap3A_312 : vector<1x16xf32> to vector<16xf32>
      %swap3A_314 = vector.shape_cast %add3A_308 : vector<16xf32> to vector<1x16xf32>
      tpu.vector_store %arg5[%swap3A_310, %swap3A_311], %swap3A_314 {strides = array<i32>} : memref<8x128xf32, #tpu.memory_space<vmem>>, vector<1x16xf32>,
      %eq3A_315 = arith.constant 1.000000e+00 : f32
      %eq3A_316 = vector.broadcast %eq3A_315 : f32 to vector<16xf32>
      %eq3A_317 = arith.cmpf oeq, %select_n3A_107, %eq3A_316 : vector<16xf32>
      %jit3A_318 = arith.constant 0.000000e+00 : f32
      %broadcast_in_dim3A_319 = vector.broadcast %jit3A_318 : f32 to vector<16xf32>
      %select_n3A_320 = arith.select %eq3A_317, %div3A_273, %broadcast_in_dim3A_319 : vector<16xi1>, vector<16xf32>
      %eq3A_321 = arith.constant 1.000000e+00 : f32
      %eq3A_322 = vector.broadcast %eq3A_321 : f32 to vector<16xf32>
      %eq3A_323 = arith.cmpf oeq, %select_n3A_268, %eq3A_322 : vector<16xf32>
      %jit3A_324 = arith.constant 0.000000e+00 : f32
      %broadcast_in_dim3A_325 = vector.broadcast %jit3A_324 : f32 to vector<16xf32>
      %select_n3A_326 = arith.select %eq3A_323, %div3A_274, %broadcast_in_dim3A_325 : vector<16xi1>, vector<16xf32>
      %add3A_327 = arith.addf %select_n3A_320, %select_n3A_326 : vector<16xf32>
      %swap3A_328 = arith.constant 2 : i32
      %swap3A_329 = arith.index_cast %swap3A_328 : i32 to index
      %swap3A_330 = arith.constant 0 : index
      %swap3A_331 = tpu.vector_load %arg5[%swap3A_329, %swap3A_330] {strides = array<i32>} : memref<8x128xf32, #tpu.memory_space<vmem>>, vector<1x16xf32>,
      %swap3A_332 = vector.shape_cast %swap3A_331 : vector<1x16xf32> to vector<16xf32>
      %swap3A_333 = vector.shape_cast %add3A_327 : vector<16xf32> to vector<1x16xf32>
      tpu.vector_store %arg5[%swap3A_329, %swap3A_330], %swap3A_333 {strides = array<i32>} : memref<8x128xf32, #tpu.memory_space<vmem>>, vector<1x16xf32>,
      %eq3A_334 = arith.constant 2.000000e+00 : f32
      %eq3A_335 = vector.broadcast %eq3A_334 : f32 to vector<16xf32>
      %eq3A_336 = arith.cmpf oeq, %select_n3A_107, %eq3A_335 : vector<16xf32>
      %jit3A_337 = arith.constant 0.000000e+00 : f32
      %broadcast_in_dim3A_338 = vector.broadcast %jit3A_337 : f32 to vector<16xf32>
      %select_n3A_339 = arith.select %eq3A_336, %div3A_273, %broadcast_in_dim3A_338 : vector<16xi1>, vector<16xf32>
      %eq3A_340 = arith.constant 2.000000e+00 : f32
      %eq3A_341 = vector.broadcast %eq3A_340 : f32 to vector<16xf32>
      %eq3A_342 = arith.cmpf oeq, %select_n3A_268, %eq3A_341 : vector<16xf32>
      %jit3A_343 = arith.constant 0.000000e+00 : f32
      %broadcast_in_dim3A_344 = vector.broadcast %jit3A_343 : f32 to vector<16xf32>
      %select_n3A_345 = arith.select %eq3A_342, %div3A_274, %broadcast_in_dim3A_344 : vector<16xi1>, vector<16xf32>
      %add3A_346 = arith.addf %select_n3A_339, %select_n3A_345 : vector<16xf32>
      %swap3A_347 = arith.constant 3 : i32
      %swap3A_348 = arith.index_cast %swap3A_347 : i32 to index
      %swap3A_349 = arith.constant 0 : index
      %swap3A_350 = tpu.vector_load %arg5[%swap3A_348, %swap3A_349] {strides = array<i32>} : memref<8x128xf32, #tpu.memory_space<vmem>>, vector<1x16xf32>,
      %swap3A_351 = vector.shape_cast %swap3A_350 : vector<1x16xf32> to vector<16xf32>
      %swap3A_352 = vector.shape_cast %add3A_346 : vector<16xf32> to vector<1x16xf32>
      tpu.vector_store %arg5[%swap3A_348, %swap3A_349], %swap3A_352 {strides = array<i32>} : memref<8x128xf32, #tpu.memory_space<vmem>>, vector<1x16xf32>,
      %eq3A_353 = arith.constant 3.000000e+00 : f32
      %eq3A_354 = vector.broadcast %eq3A_353 : f32 to vector<16xf32>
      %eq3A_355 = arith.cmpf oeq, %select_n3A_107, %eq3A_354 : vector<16xf32>
      %jit3A_356 = arith.constant 0.000000e+00 : f32
      %broadcast_in_dim3A_357 = vector.broadcast %jit3A_356 : f32 to vector<16xf32>
      %select_n3A_358 = arith.select %eq3A_355, %div3A_273, %broadcast_in_dim3A_357 : vector<16xi1>, vector<16xf32>
      %eq3A_359 = arith.constant 3.000000e+00 : f32
      %eq3A_360 = vector.broadcast %eq3A_359 : f32 to vector<16xf32>
      %eq3A_361 = arith.cmpf oeq, %select_n3A_268, %eq3A_360 : vector<16xf32>
      %jit3A_362 = arith.constant 0.000000e+00 : f32
      %broadcast_in_dim3A_363 = vector.broadcast %jit3A_362 : f32 to vector<16xf32>
      %select_n3A_364 = arith.select %eq3A_361, %div3A_274, %broadcast_in_dim3A_363 : vector<16xi1>, vector<16xf32>
      %add3A_365 = arith.addf %select_n3A_358, %select_n3A_364 : vector<16xf32>
      %swap3A_366 = arith.constant 4 : i32
      %swap3A_367 = arith.index_cast %swap3A_366 : i32 to index
      %swap3A_368 = arith.constant 0 : index
      %swap3A_369 = tpu.vector_load %arg5[%swap3A_367, %swap3A_368] {strides = array<i32>} : memref<8x128xf32, #tpu.memory_space<vmem>>, vector<1x16xf32>,
      %swap3A_370 = vector.shape_cast %swap3A_369 : vector<1x16xf32> to vector<16xf32>
      %swap3A_371 = vector.shape_cast %add3A_365 : vector<16xf32> to vector<1x16xf32>
      tpu.vector_store %arg5[%swap3A_367, %swap3A_368], %swap3A_371 {strides = array<i32>} : memref<8x128xf32, #tpu.memory_space<vmem>>, vector<1x16xf32>,
      %eq3A_372 = arith.constant 4.000000e+00 : f32
      %eq3A_373 = vector.broadcast %eq3A_372 : f32 to vector<16xf32>
      %eq3A_374 = arith.cmpf oeq, %select_n3A_107, %eq3A_373 : vector<16xf32>
      %jit3A_375 = arith.constant 0.000000e+00 : f32
      %broadcast_in_dim3A_376 = vector.broadcast %jit3A_375 : f32 to vector<16xf32>
      %select_n3A_377 = arith.select %eq3A_374, %div3A_273, %broadcast_in_dim3A_376 : vector<16xi1>, vector<16xf32>
      %eq3A_378 = arith.constant 4.000000e+00 : f32
      %eq3A_379 = vector.broadcast %eq3A_378 : f32 to vector<16xf32>
      %eq3A_380 = arith.cmpf oeq, %select_n3A_268, %eq3A_379 : vector<16xf32>
      %jit3A_381 = arith.constant 0.000000e+00 : f32
      %broadcast_in_dim3A_382 = vector.broadcast %jit3A_381 : f32 to vector<16xf32>
      %select_n3A_383 = arith.select %eq3A_380, %div3A_274, %broadcast_in_dim3A_382 : vector<16xi1>, vector<16xf32>
      %add3A_384 = arith.addf %select_n3A_377, %select_n3A_383 : vector<16xf32>
      %swap3A_385 = arith.constant 5 : i32
      %swap3A_386 = arith.index_cast %swap3A_385 : i32 to index
      %swap3A_387 = arith.constant 0 : index
      %swap3A_388 = tpu.vector_load %arg5[%swap3A_386, %swap3A_387] {strides = array<i32>} : memref<8x128xf32, #tpu.memory_space<vmem>>, vector<1x16xf32>,
      %swap3A_389 = vector.shape_cast %swap3A_388 : vector<1x16xf32> to vector<16xf32>
      %swap3A_390 = vector.shape_cast %add3A_384 : vector<16xf32> to vector<1x16xf32>
      tpu.vector_store %arg5[%swap3A_386, %swap3A_387], %swap3A_390 {strides = array<i32>} : memref<8x128xf32, #tpu.memory_space<vmem>>, vector<1x16xf32>,
      %eq3A_391 = arith.constant 5.000000e+00 : f32
      %eq3A_392 = vector.broadcast %eq3A_391 : f32 to vector<16xf32>
      %eq3A_393 = arith.cmpf oeq, %select_n3A_107, %eq3A_392 : vector<16xf32>
      %jit3A_394 = arith.constant 0.000000e+00 : f32
      %broadcast_in_dim3A_395 = vector.broadcast %jit3A_394 : f32 to vector<16xf32>
      %select_n3A_396 = arith.select %eq3A_393, %div3A_273, %broadcast_in_dim3A_395 : vector<16xi1>, vector<16xf32>
      %eq3A_397 = arith.constant 5.000000e+00 : f32
      %eq3A_398 = vector.broadcast %eq3A_397 : f32 to vector<16xf32>
      %eq3A_399 = arith.cmpf oeq, %select_n3A_268, %eq3A_398 : vector<16xf32>
      %jit3A_400 = arith.constant 0.000000e+00 : f32
      %broadcast_in_dim3A_401 = vector.broadcast %jit3A_400 : f32 to vector<16xf32>
      %select_n3A_402 = arith.select %eq3A_399, %div3A_274, %broadcast_in_dim3A_401 : vector<16xi1>, vector<16xf32>
      %add3A_403 = arith.addf %select_n3A_396, %select_n3A_402 : vector<16xf32>
      %swap3A_404 = arith.constant 6 : i32
      %swap3A_405 = arith.index_cast %swap3A_404 : i32 to index
      %swap3A_406 = arith.constant 0 : index
      %swap3A_407 = tpu.vector_load %arg5[%swap3A_405, %swap3A_406] {strides = array<i32>} : memref<8x128xf32, #tpu.memory_space<vmem>>, vector<1x16xf32>,
      %swap3A_408 = vector.shape_cast %swap3A_407 : vector<1x16xf32> to vector<16xf32>
      %swap3A_409 = vector.shape_cast %add3A_403 : vector<16xf32> to vector<1x16xf32>
      tpu.vector_store %arg5[%swap3A_405, %swap3A_406], %swap3A_409 {strides = array<i32>} : memref<8x128xf32, #tpu.memory_space<vmem>>, vector<1x16xf32>,
      %eq3A_410 = arith.constant 6.000000e+00 : f32
      %eq3A_411 = vector.broadcast %eq3A_410 : f32 to vector<16xf32>
      %eq3A_412 = arith.cmpf oeq, %select_n3A_107, %eq3A_411 : vector<16xf32>
      %jit3A_413 = arith.constant 0.000000e+00 : f32
      %broadcast_in_dim3A_414 = vector.broadcast %jit3A_413 : f32 to vector<16xf32>
      %select_n3A_415 = arith.select %eq3A_412, %div3A_273, %broadcast_in_dim3A_414 : vector<16xi1>, vector<16xf32>
      %eq3A_416 = arith.constant 6.000000e+00 : f32
      %eq3A_417 = vector.broadcast %eq3A_416 : f32 to vector<16xf32>
      %eq3A_418 = arith.cmpf oeq, %select_n3A_268, %eq3A_417 : vector<16xf32>
      %jit3A_419 = arith.constant 0.000000e+00 : f32
      %broadcast_in_dim3A_420 = vector.broadcast %jit3A_419 : f32 to vector<16xf32>
      %select_n3A_421 = arith.select %eq3A_418, %div3A_274, %broadcast_in_dim3A_420 : vector<16xi1>, vector<16xf32>
      %add3A_422 = arith.addf %select_n3A_415, %select_n3A_421 : vector<16xf32>
      %swap3A_423 = arith.constant 7 : i32
      %swap3A_424 = arith.index_cast %swap3A_423 : i32 to index
      %swap3A_425 = arith.constant 0 : index
      %swap3A_426 = tpu.vector_load %arg5[%swap3A_424, %swap3A_425] {strides = array<i32>} : memref<8x128xf32, #tpu.memory_space<vmem>>, vector<1x16xf32>,
      %swap3A_427 = vector.shape_cast %swap3A_426 : vector<1x16xf32> to vector<16xf32>
      %swap3A_428 = vector.shape_cast %add3A_422 : vector<16xf32> to vector<1x16xf32>
      tpu.vector_store %arg5[%swap3A_424, %swap3A_425], %swap3A_428 {strides = array<i32>} : memref<8x128xf32, #tpu.memory_space<vmem>>, vector<1x16xf32>,
      %broadcast_in_dim3A_429 = arith.constant -1.000000e+30 : f32
      %broadcast_in_dim3A_430 = vector.broadcast %broadcast_in_dim3A_429 : f32 to vector<16xf32>
      %get3A_431 = arith.constant 0 : i32
      %get3A_432 = arith.index_cast %get3A_431 : i32 to index
      %get3A_433 = arith.constant 16 : index
      %get3A_434 = tpu.vector_load %arg4[%get3A_432, %get3A_433] {strides = array<i32>} : memref<8x128xf32, #tpu.memory_space<vmem>>, vector<1x16xf32>,
      %get3A_435 = vector.shape_cast %get3A_434 : vector<1x16xf32> to vector<16xf32>
      %max3A_436 = arith.maximumf %broadcast_in_dim3A_430, %get3A_435 : vector<16xf32>
      %get3A_437 = arith.constant 1 : i32
      %get3A_438 = arith.index_cast %get3A_437 : i32 to index
      %get3A_439 = arith.constant 16 : index
      %get3A_440 = tpu.vector_load %arg4[%get3A_438, %get3A_439] {strides = array<i32>} : memref<8x128xf32, #tpu.memory_space<vmem>>, vector<1x16xf32>,
      %get3A_441 = vector.shape_cast %get3A_440 : vector<1x16xf32> to vector<16xf32>
      %max3A_442 = arith.maximumf %max3A_436, %get3A_441 : vector<16xf32>
      %get3A_443 = arith.constant 2 : i32
      %get3A_444 = arith.index_cast %get3A_443 : i32 to index
      %get3A_445 = arith.constant 16 : index
      %get3A_446 = tpu.vector_load %arg4[%get3A_444, %get3A_445] {strides = array<i32>} : memref<8x128xf32, #tpu.memory_space<vmem>>, vector<1x16xf32>,
      %get3A_447 = vector.shape_cast %get3A_446 : vector<1x16xf32> to vector<16xf32>
      %max3A_448 = arith.maximumf %max3A_442, %get3A_447 : vector<16xf32>
      %get3A_449 = arith.constant 3 : i32
      %get3A_450 = arith.index_cast %get3A_449 : i32 to index
      %get3A_451 = arith.constant 16 : index
      %get3A_452 = tpu.vector_load %arg4[%get3A_450, %get3A_451] {strides = array<i32>} : memref<8x128xf32, #tpu.memory_space<vmem>>, vector<1x16xf32>,
      %get3A_453 = vector.shape_cast %get3A_452 : vector<1x16xf32> to vector<16xf32>
      %max3A_454 = arith.maximumf %max3A_448, %get3A_453 : vector<16xf32>
      %get3A_455 = arith.constant 4 : i32
      %get3A_456 = arith.index_cast %get3A_455 : i32 to index
      %get3A_457 = arith.constant 16 : index
      %get3A_458 = tpu.vector_load %arg4[%get3A_456, %get3A_457] {strides = array<i32>} : memref<8x128xf32, #tpu.memory_space<vmem>>, vector<1x16xf32>,
      %get3A_459 = vector.shape_cast %get3A_458 : vector<1x16xf32> to vector<16xf32>
      %max3A_460 = arith.maximumf %max3A_454, %get3A_459 : vector<16xf32>
      %get3A_461 = arith.constant 5 : i32
      %get3A_462 = arith.index_cast %get3A_461 : i32 to index
      %get3A_463 = arith.constant 16 : index
      %get3A_464 = tpu.vector_load %arg4[%get3A_462, %get3A_463] {strides = array<i32>} : memref<8x128xf32, #tpu.memory_space<vmem>>, vector<1x16xf32>,
      %get3A_465 = vector.shape_cast %get3A_464 : vector<1x16xf32> to vector<16xf32>
      %max3A_466 = arith.maximumf %max3A_460, %get3A_465 : vector<16xf32>
      %get3A_467 = arith.constant 6 : i32
      %get3A_468 = arith.index_cast %get3A_467 : i32 to index
      %get3A_469 = arith.constant 16 : index
      %get3A_470 = tpu.vector_load %arg4[%get3A_468, %get3A_469] {strides = array<i32>} : memref<8x128xf32, #tpu.memory_space<vmem>>, vector<1x16xf32>,
      %get3A_471 = vector.shape_cast %get3A_470 : vector<1x16xf32> to vector<16xf32>
      %max3A_472 = arith.maximumf %max3A_466, %get3A_471 : vector<16xf32>
      %broadcast_in_dim3A_473 = arith.constant 9.900000e+01 : f32
      %broadcast_in_dim3A_474 = vector.broadcast %broadcast_in_dim3A_473 : f32 to vector<16xf32>
      %get3A_475 = arith.constant 6 : i32
      %get3A_476 = arith.index_cast %get3A_475 : i32 to index
      %get3A_477 = arith.constant 16 : index
      %get3A_478 = tpu.vector_load %arg4[%get3A_476, %get3A_477] {strides = array<i32>} : memref<8x128xf32, #tpu.memory_space<vmem>>, vector<1x16xf32>,
      %get3A_479 = vector.shape_cast %get3A_478 : vector<1x16xf32> to vector<16xf32>
      %eq3A_480 = arith.cmpf oeq, %get3A_479, %max3A_472 : vector<16xf32>
      %jit3A_481 = arith.constant 6.000000e+00 : f32
      %broadcast_in_dim3A_482 = vector.broadcast %jit3A_481 : f32 to vector<16xf32>
      %select_n3A_483 = arith.select %eq3A_480, %broadcast_in_dim3A_482, %broadcast_in_dim3A_474 : vector<16xi1>, vector<16xf32>
      %get3A_484 = arith.constant 5 : i32
      %get3A_485 = arith.index_cast %get3A_484 : i32 to index
      %get3A_486 = arith.constant 16 : index
      %get3A_487 = tpu.vector_load %arg4[%get3A_485, %get3A_486] {strides = array<i32>} : memref<8x128xf32, #tpu.memory_space<vmem>>, vector<1x16xf32>,
      %get3A_488 = vector.shape_cast %get3A_487 : vector<1x16xf32> to vector<16xf32>
      %eq3A_489 = arith.cmpf oeq, %get3A_488, %max3A_472 : vector<16xf32>
      %jit3A_490 = arith.constant 5.000000e+00 : f32
      %broadcast_in_dim3A_491 = vector.broadcast %jit3A_490 : f32 to vector<16xf32>
      %select_n3A_492 = arith.select %eq3A_489, %broadcast_in_dim3A_491, %select_n3A_483 : vector<16xi1>, vector<16xf32>
      %get3A_493 = arith.constant 4 : i32
      %get3A_494 = arith.index_cast %get3A_493 : i32 to index
      %get3A_495 = arith.constant 16 : index
      %get3A_496 = tpu.vector_load %arg4[%get3A_494, %get3A_495] {strides = array<i32>} : memref<8x128xf32, #tpu.memory_space<vmem>>, vector<1x16xf32>,
      %get3A_497 = vector.shape_cast %get3A_496 : vector<1x16xf32> to vector<16xf32>
      %eq3A_498 = arith.cmpf oeq, %get3A_497, %max3A_472 : vector<16xf32>
      %jit3A_499 = arith.constant 4.000000e+00 : f32
      %broadcast_in_dim3A_500 = vector.broadcast %jit3A_499 : f32 to vector<16xf32>
      %select_n3A_501 = arith.select %eq3A_498, %broadcast_in_dim3A_500, %select_n3A_492 : vector<16xi1>, vector<16xf32>
      %get3A_502 = arith.constant 3 : i32
      %get3A_503 = arith.index_cast %get3A_502 : i32 to index
      %get3A_504 = arith.constant 16 : index
      %get3A_505 = tpu.vector_load %arg4[%get3A_503, %get3A_504] {strides = array<i32>} : memref<8x128xf32, #tpu.memory_space<vmem>>, vector<1x16xf32>,
      %get3A_506 = vector.shape_cast %get3A_505 : vector<1x16xf32> to vector<16xf32>
      %eq3A_507 = arith.cmpf oeq, %get3A_506, %max3A_472 : vector<16xf32>
      %jit3A_508 = arith.constant 3.000000e+00 : f32
      %broadcast_in_dim3A_509 = vector.broadcast %jit3A_508 : f32 to vector<16xf32>
      %select_n3A_510 = arith.select %eq3A_507, %broadcast_in_dim3A_509, %select_n3A_501 : vector<16xi1>, vector<16xf32>
      %get3A_511 = arith.constant 2 : i32
      %get3A_512 = arith.index_cast %get3A_511 : i32 to index
      %get3A_513 = arith.constant 16 : index
      %get3A_514 = tpu.vector_load %arg4[%get3A_512, %get3A_513] {strides = array<i32>} : memref<8x128xf32, #tpu.memory_space<vmem>>, vector<1x16xf32>,
      %get3A_515 = vector.shape_cast %get3A_514 : vector<1x16xf32> to vector<16xf32>
      %eq3A_516 = arith.cmpf oeq, %get3A_515, %max3A_472 : vector<16xf32>
      %jit3A_517 = arith.constant 2.000000e+00 : f32
      %broadcast_in_dim3A_518 = vector.broadcast %jit3A_517 : f32 to vector<16xf32>
      %select_n3A_519 = arith.select %eq3A_516, %broadcast_in_dim3A_518, %select_n3A_510 : vector<16xi1>, vector<16xf32>
      %get3A_520 = arith.constant 1 : i32
      %get3A_521 = arith.index_cast %get3A_520 : i32 to index
      %get3A_522 = arith.constant 16 : index
      %get3A_523 = tpu.vector_load %arg4[%get3A_521, %get3A_522] {strides = array<i32>} : memref<8x128xf32, #tpu.memory_space<vmem>>, vector<1x16xf32>,
      %get3A_524 = vector.shape_cast %get3A_523 : vector<1x16xf32> to vector<16xf32>
      %eq3A_525 = arith.cmpf oeq, %get3A_524, %max3A_472 : vector<16xf32>
      %jit3A_526 = arith.constant 1.000000e+00 : f32
      %broadcast_in_dim3A_527 = vector.broadcast %jit3A_526 : f32 to vector<16xf32>
      %select_n3A_528 = arith.select %eq3A_525, %broadcast_in_dim3A_527, %select_n3A_519 : vector<16xi1>, vector<16xf32>
      %get3A_529 = arith.constant 0 : i32
      %get3A_530 = arith.index_cast %get3A_529 : i32 to index
      %get3A_531 = arith.constant 16 : index
      %get3A_532 = tpu.vector_load %arg4[%get3A_530, %get3A_531] {strides = array<i32>} : memref<8x128xf32, #tpu.memory_space<vmem>>, vector<1x16xf32>,
      %get3A_533 = vector.shape_cast %get3A_532 : vector<1x16xf32> to vector<16xf32>
      %eq3A_534 = arith.cmpf oeq, %get3A_533, %max3A_472 : vector<16xf32>
      %jit3A_535 = arith.constant 0.000000e+00 : f32
      %broadcast_in_dim3A_536 = vector.broadcast %jit3A_535 : f32 to vector<16xf32>
      %select_n3A_537 = arith.select %eq3A_534, %broadcast_in_dim3A_536, %select_n3A_528 : vector<16xi1>, vector<16xf32>
      %get3A_538 = arith.constant 0 : i32
      %get3A_539 = arith.index_cast %get3A_538 : i32 to index
      %get3A_540 = arith.constant 16 : index
      %get3A_541 = tpu.vector_load %arg4[%get3A_539, %get3A_540] {strides = array<i32>} : memref<8x128xf32, #tpu.memory_space<vmem>>, vector<1x16xf32>,
      %get3A_542 = vector.shape_cast %get3A_541 : vector<1x16xf32> to vector<16xf32>
      %eq3A_543 = arith.constant 0.000000e+00 : f32
      %eq3A_544 = vector.broadcast %eq3A_543 : f32 to vector<16xf32>
      %eq3A_545 = arith.cmpf oeq, %select_n3A_537, %eq3A_544 : vector<16xf32>
      %select_n3A_546 = arith.select %eq3A_545, %broadcast_in_dim3A_430, %get3A_542 : vector<16xi1>, vector<16xf32>
      %max3A_547 = arith.maximumf %broadcast_in_dim3A_430, %select_n3A_546 : vector<16xf32>
      %get3A_548 = arith.constant 1 : i32
      %get3A_549 = arith.index_cast %get3A_548 : i32 to index
      %get3A_550 = arith.constant 16 : index
      %get3A_551 = tpu.vector_load %arg4[%get3A_549, %get3A_550] {strides = array<i32>} : memref<8x128xf32, #tpu.memory_space<vmem>>, vector<1x16xf32>,
      %get3A_552 = vector.shape_cast %get3A_551 : vector<1x16xf32> to vector<16xf32>
      %eq3A_553 = arith.constant 1.000000e+00 : f32
      %eq3A_554 = vector.broadcast %eq3A_553 : f32 to vector<16xf32>
      %eq3A_555 = arith.cmpf oeq, %select_n3A_537, %eq3A_554 : vector<16xf32>
      %select_n3A_556 = arith.select %eq3A_555, %broadcast_in_dim3A_430, %get3A_552 : vector<16xi1>, vector<16xf32>
      %max3A_557 = arith.maximumf %max3A_547, %select_n3A_556 : vector<16xf32>
      %get3A_558 = arith.constant 2 : i32
      %get3A_559 = arith.index_cast %get3A_558 : i32 to index
      %get3A_560 = arith.constant 16 : index
      %get3A_561 = tpu.vector_load %arg4[%get3A_559, %get3A_560] {strides = array<i32>} : memref<8x128xf32, #tpu.memory_space<vmem>>, vector<1x16xf32>,
      %get3A_562 = vector.shape_cast %get3A_561 : vector<1x16xf32> to vector<16xf32>
      %eq3A_563 = arith.constant 2.000000e+00 : f32
      %eq3A_564 = vector.broadcast %eq3A_563 : f32 to vector<16xf32>
      %eq3A_565 = arith.cmpf oeq, %select_n3A_537, %eq3A_564 : vector<16xf32>
      %select_n3A_566 = arith.select %eq3A_565, %broadcast_in_dim3A_430, %get3A_562 : vector<16xi1>, vector<16xf32>
      %max3A_567 = arith.maximumf %max3A_557, %select_n3A_566 : vector<16xf32>
      %get3A_568 = arith.constant 3 : i32
      %get3A_569 = arith.index_cast %get3A_568 : i32 to index
      %get3A_570 = arith.constant 16 : index
      %get3A_571 = tpu.vector_load %arg4[%get3A_569, %get3A_570] {strides = array<i32>} : memref<8x128xf32, #tpu.memory_space<vmem>>, vector<1x16xf32>,
      %get3A_572 = vector.shape_cast %get3A_571 : vector<1x16xf32> to vector<16xf32>
      %eq3A_573 = arith.constant 3.000000e+00 : f32
      %eq3A_574 = vector.broadcast %eq3A_573 : f32 to vector<16xf32>
      %eq3A_575 = arith.cmpf oeq, %select_n3A_537, %eq3A_574 : vector<16xf32>
      %select_n3A_576 = arith.select %eq3A_575, %broadcast_in_dim3A_430, %get3A_572 : vector<16xi1>, vector<16xf32>
      %max3A_577 = arith.maximumf %max3A_567, %select_n3A_576 : vector<16xf32>
      %get3A_578 = arith.constant 4 : i32
      %get3A_579 = arith.index_cast %get3A_578 : i32 to index
      %get3A_580 = arith.constant 16 : index
      %get3A_581 = tpu.vector_load %arg4[%get3A_579, %get3A_580] {strides = array<i32>} : memref<8x128xf32, #tpu.memory_space<vmem>>, vector<1x16xf32>,
      %get3A_582 = vector.shape_cast %get3A_581 : vector<1x16xf32> to vector<16xf32>
      %eq3A_583 = arith.constant 4.000000e+00 : f32
      %eq3A_584 = vector.broadcast %eq3A_583 : f32 to vector<16xf32>
      %eq3A_585 = arith.cmpf oeq, %select_n3A_537, %eq3A_584 : vector<16xf32>
      %select_n3A_586 = arith.select %eq3A_585, %broadcast_in_dim3A_430, %get3A_582 : vector<16xi1>, vector<16xf32>
      %max3A_587 = arith.maximumf %max3A_577, %select_n3A_586 : vector<16xf32>
      %get3A_588 = arith.constant 5 : i32
      %get3A_589 = arith.index_cast %get3A_588 : i32 to index
      %get3A_590 = arith.constant 16 : index
      %get3A_591 = tpu.vector_load %arg4[%get3A_589, %get3A_590] {strides = array<i32>} : memref<8x128xf32, #tpu.memory_space<vmem>>, vector<1x16xf32>,
      %get3A_592 = vector.shape_cast %get3A_591 : vector<1x16xf32> to vector<16xf32>
      %eq3A_593 = arith.constant 5.000000e+00 : f32
      %eq3A_594 = vector.broadcast %eq3A_593 : f32 to vector<16xf32>
      %eq3A_595 = arith.cmpf oeq, %select_n3A_537, %eq3A_594 : vector<16xf32>
      %select_n3A_596 = arith.select %eq3A_595, %broadcast_in_dim3A_430, %get3A_592 : vector<16xi1>, vector<16xf32>
      %max3A_597 = arith.maximumf %max3A_587, %select_n3A_596 : vector<16xf32>
      %get3A_598 = arith.constant 6 : i32
      %get3A_599 = arith.index_cast %get3A_598 : i32 to index
      %get3A_600 = arith.constant 16 : index
      %get3A_601 = tpu.vector_load %arg4[%get3A_599, %get3A_600] {strides = array<i32>} : memref<8x128xf32, #tpu.memory_space<vmem>>, vector<1x16xf32>,
      %get3A_602 = vector.shape_cast %get3A_601 : vector<1x16xf32> to vector<16xf32>
      %eq3A_603 = arith.constant 6.000000e+00 : f32
      %eq3A_604 = vector.broadcast %eq3A_603 : f32 to vector<16xf32>
      %eq3A_605 = arith.cmpf oeq, %select_n3A_537, %eq3A_604 : vector<16xf32>
      %select_n3A_606 = arith.select %eq3A_605, %broadcast_in_dim3A_430, %get3A_602 : vector<16xi1>, vector<16xf32>
      %max3A_607 = arith.maximumf %max3A_597, %select_n3A_606 : vector<16xf32>
      %broadcast_in_dim3A_608 = arith.constant 9.900000e+01 : f32
      %broadcast_in_dim3A_609 = vector.broadcast %broadcast_in_dim3A_608 : f32 to vector<16xf32>
      %get3A_610 = arith.constant 6 : i32
      %get3A_611 = arith.index_cast %get3A_610 : i32 to index
      %get3A_612 = arith.constant 16 : index
      %get3A_613 = tpu.vector_load %arg4[%get3A_611, %get3A_612] {strides = array<i32>} : memref<8x128xf32, #tpu.memory_space<vmem>>, vector<1x16xf32>,
      %get3A_614 = vector.shape_cast %get3A_613 : vector<1x16xf32> to vector<16xf32>
      %eq3A_615 = arith.cmpf oeq, %get3A_614, %max3A_607 : vector<16xf32>
      %ne3A_616 = arith.constant 6.000000e+00 : f32
      %ne3A_617 = vector.broadcast %ne3A_616 : f32 to vector<16xf32>
      %ne3A_618 = arith.cmpf one, %select_n3A_537, %ne3A_617 : vector<16xf32>
      %and3A_619 = arith.andi %eq3A_615, %ne3A_618 : vector<16xi1>
      %jit3A_620 = arith.constant 6.000000e+00 : f32
      %broadcast_in_dim3A_621 = vector.broadcast %jit3A_620 : f32 to vector<16xf32>
      %select_n3A_622 = arith.select %and3A_619, %broadcast_in_dim3A_621, %broadcast_in_dim3A_609 : vector<16xi1>, vector<16xf32>
      %get3A_623 = arith.constant 5 : i32
      %get3A_624 = arith.index_cast %get3A_623 : i32 to index
      %get3A_625 = arith.constant 16 : index
      %get3A_626 = tpu.vector_load %arg4[%get3A_624, %get3A_625] {strides = array<i32>} : memref<8x128xf32, #tpu.memory_space<vmem>>, vector<1x16xf32>,
      %get3A_627 = vector.shape_cast %get3A_626 : vector<1x16xf32> to vector<16xf32>
      %eq3A_628 = arith.cmpf oeq, %get3A_627, %max3A_607 : vector<16xf32>
      %ne3A_629 = arith.constant 5.000000e+00 : f32
      %ne3A_630 = vector.broadcast %ne3A_629 : f32 to vector<16xf32>
      %ne3A_631 = arith.cmpf one, %select_n3A_537, %ne3A_630 : vector<16xf32>
      %and3A_632 = arith.andi %eq3A_628, %ne3A_631 : vector<16xi1>
      %jit3A_633 = arith.constant 5.000000e+00 : f32
      %broadcast_in_dim3A_634 = vector.broadcast %jit3A_633 : f32 to vector<16xf32>
      %select_n3A_635 = arith.select %and3A_632, %broadcast_in_dim3A_634, %select_n3A_622 : vector<16xi1>, vector<16xf32>
      %get3A_636 = arith.constant 4 : i32
      %get3A_637 = arith.index_cast %get3A_636 : i32 to index
      %get3A_638 = arith.constant 16 : index
      %get3A_639 = tpu.vector_load %arg4[%get3A_637, %get3A_638] {strides = array<i32>} : memref<8x128xf32, #tpu.memory_space<vmem>>, vector<1x16xf32>,
      %get3A_640 = vector.shape_cast %get3A_639 : vector<1x16xf32> to vector<16xf32>
      %eq3A_641 = arith.cmpf oeq, %get3A_640, %max3A_607 : vector<16xf32>
      %ne3A_642 = arith.constant 4.000000e+00 : f32
      %ne3A_643 = vector.broadcast %ne3A_642 : f32 to vector<16xf32>
      %ne3A_644 = arith.cmpf one, %select_n3A_537, %ne3A_643 : vector<16xf32>
      %and3A_645 = arith.andi %eq3A_641, %ne3A_644 : vector<16xi1>
      %jit3A_646 = arith.constant 4.000000e+00 : f32
      %broadcast_in_dim3A_647 = vector.broadcast %jit3A_646 : f32 to vector<16xf32>
      %select_n3A_648 = arith.select %and3A_645, %broadcast_in_dim3A_647, %select_n3A_635 : vector<16xi1>, vector<16xf32>
      %get3A_649 = arith.constant 3 : i32
      %get3A_650 = arith.index_cast %get3A_649 : i32 to index
      %get3A_651 = arith.constant 16 : index
      %get3A_652 = tpu.vector_load %arg4[%get3A_650, %get3A_651] {strides = array<i32>} : memref<8x128xf32, #tpu.memory_space<vmem>>, vector<1x16xf32>,
      %get3A_653 = vector.shape_cast %get3A_652 : vector<1x16xf32> to vector<16xf32>
      %eq3A_654 = arith.cmpf oeq, %get3A_653, %max3A_607 : vector<16xf32>
      %ne3A_655 = arith.constant 3.000000e+00 : f32
      %ne3A_656 = vector.broadcast %ne3A_655 : f32 to vector<16xf32>
      %ne3A_657 = arith.cmpf one, %select_n3A_537, %ne3A_656 : vector<16xf32>
      %and3A_658 = arith.andi %eq3A_654, %ne3A_657 : vector<16xi1>
      %jit3A_659 = arith.constant 3.000000e+00 : f32
      %broadcast_in_dim3A_660 = vector.broadcast %jit3A_659 : f32 to vector<16xf32>
      %select_n3A_661 = arith.select %and3A_658, %broadcast_in_dim3A_660, %select_n3A_648 : vector<16xi1>, vector<16xf32>
      %get3A_662 = arith.constant 2 : i32
      %get3A_663 = arith.index_cast %get3A_662 : i32 to index
      %get3A_664 = arith.constant 16 : index
      %get3A_665 = tpu.vector_load %arg4[%get3A_663, %get3A_664] {strides = array<i32>} : memref<8x128xf32, #tpu.memory_space<vmem>>, vector<1x16xf32>,
      %get3A_666 = vector.shape_cast %get3A_665 : vector<1x16xf32> to vector<16xf32>
      %eq3A_667 = arith.cmpf oeq, %get3A_666, %max3A_607 : vector<16xf32>
      %ne3A_668 = arith.constant 2.000000e+00 : f32
      %ne3A_669 = vector.broadcast %ne3A_668 : f32 to vector<16xf32>
      %ne3A_670 = arith.cmpf one, %select_n3A_537, %ne3A_669 : vector<16xf32>
      %and3A_671 = arith.andi %eq3A_667, %ne3A_670 : vector<16xi1>
      %jit3A_672 = arith.constant 2.000000e+00 : f32
      %broadcast_in_dim3A_673 = vector.broadcast %jit3A_672 : f32 to vector<16xf32>
      %select_n3A_674 = arith.select %and3A_671, %broadcast_in_dim3A_673, %select_n3A_661 : vector<16xi1>, vector<16xf32>
      %get3A_675 = arith.constant 1 : i32
      %get3A_676 = arith.index_cast %get3A_675 : i32 to index
      %get3A_677 = arith.constant 16 : index
      %get3A_678 = tpu.vector_load %arg4[%get3A_676, %get3A_677] {strides = array<i32>} : memref<8x128xf32, #tpu.memory_space<vmem>>, vector<1x16xf32>,
      %get3A_679 = vector.shape_cast %get3A_678 : vector<1x16xf32> to vector<16xf32>
      %eq3A_680 = arith.cmpf oeq, %get3A_679, %max3A_607 : vector<16xf32>
      %ne3A_681 = arith.constant 1.000000e+00 : f32
      %ne3A_682 = vector.broadcast %ne3A_681 : f32 to vector<16xf32>
      %ne3A_683 = arith.cmpf one, %select_n3A_537, %ne3A_682 : vector<16xf32>
      %and3A_684 = arith.andi %eq3A_680, %ne3A_683 : vector<16xi1>
      %jit3A_685 = arith.constant 1.000000e+00 : f32
      %broadcast_in_dim3A_686 = vector.broadcast %jit3A_685 : f32 to vector<16xf32>
      %select_n3A_687 = arith.select %and3A_684, %broadcast_in_dim3A_686, %select_n3A_674 : vector<16xi1>, vector<16xf32>
      %get3A_688 = arith.constant 0 : i32
      %get3A_689 = arith.index_cast %get3A_688 : i32 to index
      %get3A_690 = arith.constant 16 : index
      %get3A_691 = tpu.vector_load %arg4[%get3A_689, %get3A_690] {strides = array<i32>} : memref<8x128xf32, #tpu.memory_space<vmem>>, vector<1x16xf32>,
      %get3A_692 = vector.shape_cast %get3A_691 : vector<1x16xf32> to vector<16xf32>
      %eq3A_693 = arith.cmpf oeq, %get3A_692, %max3A_607 : vector<16xf32>
      %ne3A_694 = arith.constant 0.000000e+00 : f32
      %ne3A_695 = vector.broadcast %ne3A_694 : f32 to vector<16xf32>
      %ne3A_696 = arith.cmpf one, %select_n3A_537, %ne3A_695 : vector<16xf32>
      %and3A_697 = arith.andi %eq3A_693, %ne3A_696 : vector<16xi1>
      %jit3A_698 = arith.constant 0.000000e+00 : f32
      %broadcast_in_dim3A_699 = vector.broadcast %jit3A_698 : f32 to vector<16xf32>
      %select_n3A_700 = arith.select %and3A_697, %broadcast_in_dim3A_699, %select_n3A_687 : vector<16xi1>, vector<16xf32>
      %sub3A_701 = arith.subf %max3A_607, %max3A_472 : vector<16xf32>
      %exp3A_702 = math.exp %sub3A_701 : vector<16xf32>
      %add3A_703 = arith.constant 1.000000e+00 : f32
      %add3A_704 = vector.broadcast %add3A_703 : f32 to vector<16xf32>
      %add3A_705 = arith.addf %add3A_704, %exp3A_702 : vector<16xf32>
      %div3A_706 = arith.constant 1.000000e+00 : f32
      %div3A_707 = vector.broadcast %div3A_706 : f32 to vector<16xf32>
      %div3A_708 = arith.divf %div3A_707, %add3A_705 : vector<16xf32>
      %div3A_709 = arith.divf %exp3A_702, %add3A_705 : vector<16xf32>
      %eq3A_710 = arith.constant -1.000000e+00 : f32
      %eq3A_711 = vector.broadcast %eq3A_710 : f32 to vector<16xf32>
      %eq3A_712 = arith.cmpf oeq, %select_n3A_537, %eq3A_711 : vector<16xf32>
      %jit3A_713 = arith.constant 0.000000e+00 : f32
      %broadcast_in_dim3A_714 = vector.broadcast %jit3A_713 : f32 to vector<16xf32>
      %select_n3A_715 = arith.select %eq3A_712, %div3A_708, %broadcast_in_dim3A_714 : vector<16xi1>, vector<16xf32>
      %eq3A_716 = arith.constant -1.000000e+00 : f32
      %eq3A_717 = vector.broadcast %eq3A_716 : f32 to vector<16xf32>
      %eq3A_718 = arith.cmpf oeq, %select_n3A_700, %eq3A_717 : vector<16xf32>
      %jit3A_719 = arith.constant 0.000000e+00 : f32
      %broadcast_in_dim3A_720 = vector.broadcast %jit3A_719 : f32 to vector<16xf32>
      %select_n3A_721 = arith.select %eq3A_718, %div3A_709, %broadcast_in_dim3A_720 : vector<16xi1>, vector<16xf32>
      %add3A_722 = arith.addf %select_n3A_715, %select_n3A_721 : vector<16xf32>
      %add3A_723 = arith.constant 1.000000e+00 : f32
      %add3A_724 = vector.broadcast %add3A_723 : f32 to vector<16xf32>
      %add3A_725 = arith.addf %add3A_722, %add3A_724 : vector<16xf32>
      %swap3A_726 = arith.constant 0 : i32
      %swap3A_727 = arith.index_cast %swap3A_726 : i32 to index
      %swap3A_728 = arith.constant 16 : index
      %swap3A_729 = tpu.vector_load %arg5[%swap3A_727, %swap3A_728] {strides = array<i32>} : memref<8x128xf32, #tpu.memory_space<vmem>>, vector<1x16xf32>,
      %swap3A_730 = vector.shape_cast %swap3A_729 : vector<1x16xf32> to vector<16xf32>
      %swap3A_731 = vector.shape_cast %add3A_725 : vector<16xf32> to vector<1x16xf32>
      tpu.vector_store %arg5[%swap3A_727, %swap3A_728], %swap3A_731 {strides = array<i32>} : memref<8x128xf32, #tpu.memory_space<vmem>>, vector<1x16xf32>,
      %eq3A_732 = arith.constant 0.000000e+00 : f32
      %eq3A_733 = vector.broadcast %eq3A_732 : f32 to vector<16xf32>
      %eq3A_734 = arith.cmpf oeq, %select_n3A_537, %eq3A_733 : vector<16xf32>
      %jit3A_735 = arith.constant 0.000000e+00 : f32
      %broadcast_in_dim3A_736 = vector.broadcast %jit3A_735 : f32 to vector<16xf32>
      %select_n3A_737 = arith.select %eq3A_734, %div3A_708, %broadcast_in_dim3A_736 : vector<16xi1>, vector<16xf32>
      %eq3A_738 = arith.constant 0.000000e+00 : f32
      %eq3A_739 = vector.broadcast %eq3A_738 : f32 to vector<16xf32>
      %eq3A_740 = arith.cmpf oeq, %select_n3A_700, %eq3A_739 : vector<16xf32>
      %jit3A_741 = arith.constant 0.000000e+00 : f32
      %broadcast_in_dim3A_742 = vector.broadcast %jit3A_741 : f32 to vector<16xf32>
      %select_n3A_743 = arith.select %eq3A_740, %div3A_709, %broadcast_in_dim3A_742 : vector<16xi1>, vector<16xf32>
      %add3A_744 = arith.addf %select_n3A_737, %select_n3A_743 : vector<16xf32>
      %swap3A_745 = arith.constant 1 : i32
      %swap3A_746 = arith.index_cast %swap3A_745 : i32 to index
      %swap3A_747 = arith.constant 16 : index
      %swap3A_748 = tpu.vector_load %arg5[%swap3A_746, %swap3A_747] {strides = array<i32>} : memref<8x128xf32, #tpu.memory_space<vmem>>, vector<1x16xf32>,
      %swap3A_749 = vector.shape_cast %swap3A_748 : vector<1x16xf32> to vector<16xf32>
      %swap3A_750 = vector.shape_cast %add3A_744 : vector<16xf32> to vector<1x16xf32>
      tpu.vector_store %arg5[%swap3A_746, %swap3A_747], %swap3A_750 {strides = array<i32>} : memref<8x128xf32, #tpu.memory_space<vmem>>, vector<1x16xf32>,
      %eq3A_751 = arith.constant 1.000000e+00 : f32
      %eq3A_752 = vector.broadcast %eq3A_751 : f32 to vector<16xf32>
      %eq3A_753 = arith.cmpf oeq, %select_n3A_537, %eq3A_752 : vector<16xf32>
      %jit3A_754 = arith.constant 0.000000e+00 : f32
      %broadcast_in_dim3A_755 = vector.broadcast %jit3A_754 : f32 to vector<16xf32>
      %select_n3A_756 = arith.select %eq3A_753, %div3A_708, %broadcast_in_dim3A_755 : vector<16xi1>, vector<16xf32>
      %eq3A_757 = arith.constant 1.000000e+00 : f32
      %eq3A_758 = vector.broadcast %eq3A_757 : f32 to vector<16xf32>
      %eq3A_759 = arith.cmpf oeq, %select_n3A_700, %eq3A_758 : vector<16xf32>
      %jit3A_760 = arith.constant 0.000000e+00 : f32
      %broadcast_in_dim3A_761 = vector.broadcast %jit3A_760 : f32 to vector<16xf32>
      %select_n3A_762 = arith.select %eq3A_759, %div3A_709, %broadcast_in_dim3A_761 : vector<16xi1>, vector<16xf32>
      %add3A_763 = arith.addf %select_n3A_756, %select_n3A_762 : vector<16xf32>
      %swap3A_764 = arith.constant 2 : i32
      %swap3A_765 = arith.index_cast %swap3A_764 : i32 to index
      %swap3A_766 = arith.constant 16 : index
      %swap3A_767 = tpu.vector_load %arg5[%swap3A_765, %swap3A_766] {strides = array<i32>} : memref<8x128xf32, #tpu.memory_space<vmem>>, vector<1x16xf32>,
      %swap3A_768 = vector.shape_cast %swap3A_767 : vector<1x16xf32> to vector<16xf32>
      %swap3A_769 = vector.shape_cast %add3A_763 : vector<16xf32> to vector<1x16xf32>
      tpu.vector_store %arg5[%swap3A_765, %swap3A_766], %swap3A_769 {strides = array<i32>} : memref<8x128xf32, #tpu.memory_space<vmem>>, vector<1x16xf32>,
      %eq3A_770 = arith.constant 2.000000e+00 : f32
      %eq3A_771 = vector.broadcast %eq3A_770 : f32 to vector<16xf32>
      %eq3A_772 = arith.cmpf oeq, %select_n3A_537, %eq3A_771 : vector<16xf32>
      %jit3A_773 = arith.constant 0.000000e+00 : f32
      %broadcast_in_dim3A_774 = vector.broadcast %jit3A_773 : f32 to vector<16xf32>
      %select_n3A_775 = arith.select %eq3A_772, %div3A_708, %broadcast_in_dim3A_774 : vector<16xi1>, vector<16xf32>
      %eq3A_776 = arith.constant 2.000000e+00 : f32
      %eq3A_777 = vector.broadcast %eq3A_776 : f32 to vector<16xf32>
      %eq3A_778 = arith.cmpf oeq, %select_n3A_700, %eq3A_777 : vector<16xf32>
      %jit3A_779 = arith.constant 0.000000e+00 : f32
      %broadcast_in_dim3A_780 = vector.broadcast %jit3A_779 : f32 to vector<16xf32>
      %select_n3A_781 = arith.select %eq3A_778, %div3A_709, %broadcast_in_dim3A_780 : vector<16xi1>, vector<16xf32>
      %add3A_782 = arith.addf %select_n3A_775, %select_n3A_781 : vector<16xf32>
      %swap3A_783 = arith.constant 3 : i32
      %swap3A_784 = arith.index_cast %swap3A_783 : i32 to index
      %swap3A_785 = arith.constant 16 : index
      %swap3A_786 = tpu.vector_load %arg5[%swap3A_784, %swap3A_785] {strides = array<i32>} : memref<8x128xf32, #tpu.memory_space<vmem>>, vector<1x16xf32>,
      %swap3A_787 = vector.shape_cast %swap3A_786 : vector<1x16xf32> to vector<16xf32>
      %swap3A_788 = vector.shape_cast %add3A_782 : vector<16xf32> to vector<1x16xf32>
      tpu.vector_store %arg5[%swap3A_784, %swap3A_785], %swap3A_788 {strides = array<i32>} : memref<8x128xf32, #tpu.memory_space<vmem>>, vector<1x16xf32>,
      %eq3A_789 = arith.constant 3.000000e+00 : f32
      %eq3A_790 = vector.broadcast %eq3A_789 : f32 to vector<16xf32>
      %eq3A_791 = arith.cmpf oeq, %select_n3A_537, %eq3A_790 : vector<16xf32>
      %jit3A_792 = arith.constant 0.000000e+00 : f32
      %broadcast_in_dim3A_793 = vector.broadcast %jit3A_792 : f32 to vector<16xf32>
      %select_n3A_794 = arith.select %eq3A_791, %div3A_708, %broadcast_in_dim3A_793 : vector<16xi1>, vector<16xf32>
      %eq3A_795 = arith.constant 3.000000e+00 : f32
      %eq3A_796 = vector.broadcast %eq3A_795 : f32 to vector<16xf32>
      %eq3A_797 = arith.cmpf oeq, %select_n3A_700, %eq3A_796 : vector<16xf32>
      %jit3A_798 = arith.constant 0.000000e+00 : f32
      %broadcast_in_dim3A_799 = vector.broadcast %jit3A_798 : f32 to vector<16xf32>
      %select_n3A_800 = arith.select %eq3A_797, %div3A_709, %broadcast_in_dim3A_799 : vector<16xi1>, vector<16xf32>
      %add3A_801 = arith.addf %select_n3A_794, %select_n3A_800 : vector<16xf32>
      %swap3A_802 = arith.constant 4 : i32
      %swap3A_803 = arith.index_cast %swap3A_802 : i32 to index
      %swap3A_804 = arith.constant 16 : index
      %swap3A_805 = tpu.vector_load %arg5[%swap3A_803, %swap3A_804] {strides = array<i32>} : memref<8x128xf32, #tpu.memory_space<vmem>>, vector<1x16xf32>,
      %swap3A_806 = vector.shape_cast %swap3A_805 : vector<1x16xf32> to vector<16xf32>
      %swap3A_807 = vector.shape_cast %add3A_801 : vector<16xf32> to vector<1x16xf32>
      tpu.vector_store %arg5[%swap3A_803, %swap3A_804], %swap3A_807 {strides = array<i32>} : memref<8x128xf32, #tpu.memory_space<vmem>>, vector<1x16xf32>,
      %eq3A_808 = arith.constant 4.000000e+00 : f32
      %eq3A_809 = vector.broadcast %eq3A_808 : f32 to vector<16xf32>
      %eq3A_810 = arith.cmpf oeq, %select_n3A_537, %eq3A_809 : vector<16xf32>
      %jit3A_811 = arith.constant 0.000000e+00 : f32
      %broadcast_in_dim3A_812 = vector.broadcast %jit3A_811 : f32 to vector<16xf32>
      %select_n3A_813 = arith.select %eq3A_810, %div3A_708, %broadcast_in_dim3A_812 : vector<16xi1>, vector<16xf32>
      %eq3A_814 = arith.constant 4.000000e+00 : f32
      %eq3A_815 = vector.broadcast %eq3A_814 : f32 to vector<16xf32>
      %eq3A_816 = arith.cmpf oeq, %select_n3A_700, %eq3A_815 : vector<16xf32>
      %jit3A_817 = arith.constant 0.000000e+00 : f32
      %broadcast_in_dim3A_818 = vector.broadcast %jit3A_817 : f32 to vector<16xf32>
      %select_n3A_819 = arith.select %eq3A_816, %div3A_709, %broadcast_in_dim3A_818 : vector<16xi1>, vector<16xf32>
      %add3A_820 = arith.addf %select_n3A_813, %select_n3A_819 : vector<16xf32>
      %swap3A_821 = arith.constant 5 : i32
      %swap3A_822 = arith.index_cast %swap3A_821 : i32 to index
      %swap3A_823 = arith.constant 16 : index
      %swap3A_824 = tpu.vector_load %arg5[%swap3A_822, %swap3A_823] {strides = array<i32>} : memref<8x128xf32, #tpu.memory_space<vmem>>, vector<1x16xf32>,
      %swap3A_825 = vector.shape_cast %swap3A_824 : vector<1x16xf32> to vector<16xf32>
      %swap3A_826 = vector.shape_cast %add3A_820 : vector<16xf32> to vector<1x16xf32>
      tpu.vector_store %arg5[%swap3A_822, %swap3A_823], %swap3A_826 {strides = array<i32>} : memref<8x128xf32, #tpu.memory_space<vmem>>, vector<1x16xf32>,
      %eq3A_827 = arith.constant 5.000000e+00 : f32
      %eq3A_828 = vector.broadcast %eq3A_827 : f32 to vector<16xf32>
      %eq3A_829 = arith.cmpf oeq, %select_n3A_537, %eq3A_828 : vector<16xf32>
      %jit3A_830 = arith.constant 0.000000e+00 : f32
      %broadcast_in_dim3A_831 = vector.broadcast %jit3A_830 : f32 to vector<16xf32>
      %select_n3A_832 = arith.select %eq3A_829, %div3A_708, %broadcast_in_dim3A_831 : vector<16xi1>, vector<16xf32>
      %eq3A_833 = arith.constant 5.000000e+00 : f32
      %eq3A_834 = vector.broadcast %eq3A_833 : f32 to vector<16xf32>
      %eq3A_835 = arith.cmpf oeq, %select_n3A_700, %eq3A_834 : vector<16xf32>
      %jit3A_836 = arith.constant 0.000000e+00 : f32
      %broadcast_in_dim3A_837 = vector.broadcast %jit3A_836 : f32 to vector<16xf32>
      %select_n3A_838 = arith.select %eq3A_835, %div3A_709, %broadcast_in_dim3A_837 : vector<16xi1>, vector<16xf32>
      %add3A_839 = arith.addf %select_n3A_832, %select_n3A_838 : vector<16xf32>
      %swap3A_840 = arith.constant 6 : i32
      %swap3A_841 = arith.index_cast %swap3A_840 : i32 to index
      %swap3A_842 = arith.constant 16 : index
      %swap3A_843 = tpu.vector_load %arg5[%swap3A_841, %swap3A_842] {strides = array<i32>} : memref<8x128xf32, #tpu.memory_space<vmem>>, vector<1x16xf32>,
      %swap3A_844 = vector.shape_cast %swap3A_843 : vector<1x16xf32> to vector<16xf32>
      %swap3A_845 = vector.shape_cast %add3A_839 : vector<16xf32> to vector<1x16xf32>
      tpu.vector_store %arg5[%swap3A_841, %swap3A_842], %swap3A_845 {strides = array<i32>} : memref<8x128xf32, #tpu.memory_space<vmem>>, vector<1x16xf32>,
      %eq3A_846 = arith.constant 6.000000e+00 : f32
      %eq3A_847 = vector.broadcast %eq3A_846 : f32 to vector<16xf32>
      %eq3A_848 = arith.cmpf oeq, %select_n3A_537, %eq3A_847 : vector<16xf32>
      %jit3A_849 = arith.constant 0.000000e+00 : f32
      %broadcast_in_dim3A_850 = vector.broadcast %jit3A_849 : f32 to vector<16xf32>
      %select_n3A_851 = arith.select %eq3A_848, %div3A_708, %broadcast_in_dim3A_850 : vector<16xi1>, vector<16xf32>
      %eq3A_852 = arith.constant 6.000000e+00 : f32
      %eq3A_853 = vector.broadcast %eq3A_852 : f32 to vector<16xf32>
      %eq3A_854 = arith.cmpf oeq, %select_n3A_700, %eq3A_853 : vector<16xf32>
      %jit3A_855 = arith.constant 0.000000e+00 : f32
      %broadcast_in_dim3A_856 = vector.broadcast %jit3A_855 : f32 to vector<16xf32>
      %select_n3A_857 = arith.select %eq3A_854, %div3A_709, %broadcast_in_dim3A_856 : vector<16xi1>, vector<16xf32>
      %add3A_858 = arith.addf %select_n3A_851, %select_n3A_857 : vector<16xf32>
      %swap3A_859 = arith.constant 7 : i32
      %swap3A_860 = arith.index_cast %swap3A_859 : i32 to index
      %swap3A_861 = arith.constant 16 : index
      %swap3A_862 = tpu.vector_load %arg5[%swap3A_860, %swap3A_861] {strides = array<i32>} : memref<8x128xf32, #tpu.memory_space<vmem>>, vector<1x16xf32>,
      %swap3A_863 = vector.shape_cast %swap3A_862 : vector<1x16xf32> to vector<16xf32>
      %swap3A_864 = vector.shape_cast %add3A_858 : vector<16xf32> to vector<1x16xf32>
      tpu.vector_store %arg5[%swap3A_860, %swap3A_861], %swap3A_864 {strides = array<i32>} : memref<8x128xf32, #tpu.memory_space<vmem>>, vector<1x16xf32>,
      %broadcast_in_dim3A_865 = arith.constant -1.000000e+30 : f32
      %broadcast_in_dim3A_866 = vector.broadcast %broadcast_in_dim3A_865 : f32 to vector<16xf32>
      %get3A_867 = arith.constant 0 : i32
      %get3A_868 = arith.index_cast %get3A_867 : i32 to index
      %get3A_869 = arith.constant 32 : index
      %get3A_870 = tpu.vector_load %arg4[%get3A_868, %get3A_869] {strides = array<i32>} : memref<8x128xf32, #tpu.memory_space<vmem>>, vector<1x16xf32>,
      %get3A_871 = vector.shape_cast %get3A_870 : vector<1x16xf32> to vector<16xf32>
      %max3A_872 = arith.maximumf %broadcast_in_dim3A_866, %get3A_871 : vector<16xf32>
      %get3A_873 = arith.constant 1 : i32
      %get3A_874 = arith.index_cast %get3A_873 : i32 to index
      %get3A_875 = arith.constant 32 : index
      %get3A_876 = tpu.vector_load %arg4[%get3A_874, %get3A_875] {strides = array<i32>} : memref<8x128xf32, #tpu.memory_space<vmem>>, vector<1x16xf32>,
      %get3A_877 = vector.shape_cast %get3A_876 : vector<1x16xf32> to vector<16xf32>
      %max3A_878 = arith.maximumf %max3A_872, %get3A_877 : vector<16xf32>
      %get3A_879 = arith.constant 2 : i32
      %get3A_880 = arith.index_cast %get3A_879 : i32 to index
      %get3A_881 = arith.constant 32 : index
      %get3A_882 = tpu.vector_load %arg4[%get3A_880, %get3A_881] {strides = array<i32>} : memref<8x128xf32, #tpu.memory_space<vmem>>, vector<1x16xf32>,
      %get3A_883 = vector.shape_cast %get3A_882 : vector<1x16xf32> to vector<16xf32>
      %max3A_884 = arith.maximumf %max3A_878, %get3A_883 : vector<16xf32>
      %get3A_885 = arith.constant 3 : i32
      %get3A_886 = arith.index_cast %get3A_885 : i32 to index
      %get3A_887 = arith.constant 32 : index
      %get3A_888 = tpu.vector_load %arg4[%get3A_886, %get3A_887] {strides = array<i32>} : memref<8x128xf32, #tpu.memory_space<vmem>>, vector<1x16xf32>,
      %get3A_889 = vector.shape_cast %get3A_888 : vector<1x16xf32> to vector<16xf32>
      %max3A_890 = arith.maximumf %max3A_884, %get3A_889 : vector<16xf32>
      %get3A_891 = arith.constant 4 : i32
      %get3A_892 = arith.index_cast %get3A_891 : i32 to index
      %get3A_893 = arith.constant 32 : index
      %get3A_894 = tpu.vector_load %arg4[%get3A_892, %get3A_893] {strides = array<i32>} : memref<8x128xf32, #tpu.memory_space<vmem>>, vector<1x16xf32>,
      %get3A_895 = vector.shape_cast %get3A_894 : vector<1x16xf32> to vector<16xf32>
      %max3A_896 = arith.maximumf %max3A_890, %get3A_895 : vector<16xf32>
      %get3A_897 = arith.constant 5 : i32
      %get3A_898 = arith.index_cast %get3A_897 : i32 to index
      %get3A_899 = arith.constant 32 : index
      %get3A_900 = tpu.vector_load %arg4[%get3A_898, %get3A_899] {strides = array<i32>} : memref<8x128xf32, #tpu.memory_space<vmem>>, vector<1x16xf32>,
      %get3A_901 = vector.shape_cast %get3A_900 : vector<1x16xf32> to vector<16xf32>
      %max3A_902 = arith.maximumf %max3A_896, %get3A_901 : vector<16xf32>
      %get3A_903 = arith.constant 6 : i32
      %get3A_904 = arith.index_cast %get3A_903 : i32 to index
      %get3A_905 = arith.constant 32 : index
      %get3A_906 = tpu.vector_load %arg4[%get3A_904, %get3A_905] {strides = array<i32>} : memref<8x128xf32, #tpu.memory_space<vmem>>, vector<1x16xf32>,
      %get3A_907 = vector.shape_cast %get3A_906 : vector<1x16xf32> to vector<16xf32>
      %max3A_908 = arith.maximumf %max3A_902, %get3A_907 : vector<16xf32>
      %broadcast_in_dim3A_909 = arith.constant 9.900000e+01 : f32
      %broadcast_in_dim3A_910 = vector.broadcast %broadcast_in_dim3A_909 : f32 to vector<16xf32>
      %get3A_911 = arith.constant 6 : i32
      %get3A_912 = arith.index_cast %get3A_911 : i32 to index
      %get3A_913 = arith.constant 32 : index
      %get3A_914 = tpu.vector_load %arg4[%get3A_912, %get3A_913] {strides = array<i32>} : memref<8x128xf32, #tpu.memory_space<vmem>>, vector<1x16xf32>,
      %get3A_915 = vector.shape_cast %get3A_914 : vector<1x16xf32> to vector<16xf32>
      %eq3A_916 = arith.cmpf oeq, %get3A_915, %max3A_908 : vector<16xf32>
      %jit3A_917 = arith.constant 6.000000e+00 : f32
      %broadcast_in_dim3A_918 = vector.broadcast %jit3A_917 : f32 to vector<16xf32>
      %select_n3A_919 = arith.select %eq3A_916, %broadcast_in_dim3A_918, %broadcast_in_dim3A_910 : vector<16xi1>, vector<16xf32>
      %get3A_920 = arith.constant 5 : i32
      %get3A_921 = arith.index_cast %get3A_920 : i32 to index
      %get3A_922 = arith.constant 32 : index
      %get3A_923 = tpu.vector_load %arg4[%get3A_921, %get3A_922] {strides = array<i32>} : memref<8x128xf32, #tpu.memory_space<vmem>>, vector<1x16xf32>,
      %get3A_924 = vector.shape_cast %get3A_923 : vector<1x16xf32> to vector<16xf32>
      %eq3A_925 = arith.cmpf oeq, %get3A_924, %max3A_908 : vector<16xf32>
      %jit3A_926 = arith.constant 5.000000e+00 : f32
      %broadcast_in_dim3A_927 = vector.broadcast %jit3A_926 : f32 to vector<16xf32>
      %select_n3A_928 = arith.select %eq3A_925, %broadcast_in_dim3A_927, %select_n3A_919 : vector<16xi1>, vector<16xf32>
      %get3A_929 = arith.constant 4 : i32
      %get3A_930 = arith.index_cast %get3A_929 : i32 to index
      %get3A_931 = arith.constant 32 : index
      %get3A_932 = tpu.vector_load %arg4[%get3A_930, %get3A_931] {strides = array<i32>} : memref<8x128xf32, #tpu.memory_space<vmem>>, vector<1x16xf32>,
      %get3A_933 = vector.shape_cast %get3A_932 : vector<1x16xf32> to vector<16xf32>
      %eq3A_934 = arith.cmpf oeq, %get3A_933, %max3A_908 : vector<16xf32>
      %jit3A_935 = arith.constant 4.000000e+00 : f32
      %broadcast_in_dim3A_936 = vector.broadcast %jit3A_935 : f32 to vector<16xf32>
      %select_n3A_937 = arith.select %eq3A_934, %broadcast_in_dim3A_936, %select_n3A_928 : vector<16xi1>, vector<16xf32>
      %get3A_938 = arith.constant 3 : i32
      %get3A_939 = arith.index_cast %get3A_938 : i32 to index
      %get3A_940 = arith.constant 32 : index
      %get3A_941 = tpu.vector_load %arg4[%get3A_939, %get3A_940] {strides = array<i32>} : memref<8x128xf32, #tpu.memory_space<vmem>>, vector<1x16xf32>,
      %get3A_942 = vector.shape_cast %get3A_941 : vector<1x16xf32> to vector<16xf32>
      %eq3A_943 = arith.cmpf oeq, %get3A_942, %max3A_908 : vector<16xf32>
      %jit3A_944 = arith.constant 3.000000e+00 : f32
      %broadcast_in_dim3A_945 = vector.broadcast %jit3A_944 : f32 to vector<16xf32>
      %select_n3A_946 = arith.select %eq3A_943, %broadcast_in_dim3A_945, %select_n3A_937 : vector<16xi1>, vector<16xf32>
      %get3A_947 = arith.constant 2 : i32
      %get3A_948 = arith.index_cast %get3A_947 : i32 to index
      %get3A_949 = arith.constant 32 : index
      %get3A_950 = tpu.vector_load %arg4[%get3A_948, %get3A_949] {strides = array<i32>} : memref<8x128xf32, #tpu.memory_space<vmem>>, vector<1x16xf32>,
      %get3A_951 = vector.shape_cast %get3A_950 : vector<1x16xf32> to vector<16xf32>
      %eq3A_952 = arith.cmpf oeq, %get3A_951, %max3A_908 : vector<16xf32>
      %jit3A_953 = arith.constant 2.000000e+00 : f32
      %broadcast_in_dim3A_954 = vector.broadcast %jit3A_953 : f32 to vector<16xf32>
      %select_n3A_955 = arith.select %eq3A_952, %broadcast_in_dim3A_954, %select_n3A_946 : vector<16xi1>, vector<16xf32>
      %get3A_956 = arith.constant 1 : i32
      %get3A_957 = arith.index_cast %get3A_956 : i32 to index
      %get3A_958 = arith.constant 32 : index
      %get3A_959 = tpu.vector_load %arg4[%get3A_957, %get3A_958] {strides = array<i32>} : memref<8x128xf32, #tpu.memory_space<vmem>>, vector<1x16xf32>,
      %get3A_960 = vector.shape_cast %get3A_959 : vector<1x16xf32> to vector<16xf32>
      %eq3A_961 = arith.cmpf oeq, %get3A_960, %max3A_908 : vector<16xf32>
      %jit3A_962 = arith.constant 1.000000e+00 : f32
      %broadcast_in_dim3A_963 = vector.broadcast %jit3A_962 : f32 to vector<16xf32>
      %select_n3A_964 = arith.select %eq3A_961, %broadcast_in_dim3A_963, %select_n3A_955 : vector<16xi1>, vector<16xf32>
      %get3A_965 = arith.constant 0 : i32
      %get3A_966 = arith.index_cast %get3A_965 : i32 to index
      %get3A_967 = arith.constant 32 : index
      %get3A_968 = tpu.vector_load %arg4[%get3A_966, %get3A_967] {strides = array<i32>} : memref<8x128xf32, #tpu.memory_space<vmem>>, vector<1x16xf32>,
      %get3A_969 = vector.shape_cast %get3A_968 : vector<1x16xf32> to vector<16xf32>
      %eq3A_970 = arith.cmpf oeq, %get3A_969, %max3A_908 : vector<16xf32>
      %jit3A_971 = arith.constant 0.000000e+00 : f32
      %broadcast_in_dim3A_972 = vector.broadcast %jit3A_971 : f32 to vector<16xf32>
      %select_n3A_973 = arith.select %eq3A_970, %broadcast_in_dim3A_972, %select_n3A_964 : vector<16xi1>, vector<16xf32>
      %get3A_974 = arith.constant 0 : i32
      %get3A_975 = arith.index_cast %get3A_974 : i32 to index
      %get3A_976 = arith.constant 32 : index
      %get3A_977 = tpu.vector_load %arg4[%get3A_975, %get3A_976] {strides = array<i32>} : memref<8x128xf32, #tpu.memory_space<vmem>>, vector<1x16xf32>,
      %get3A_978 = vector.shape_cast %get3A_977 : vector<1x16xf32> to vector<16xf32>
      %eq3A_979 = arith.constant 0.000000e+00 : f32
      %eq3A_980 = vector.broadcast %eq3A_979 : f32 to vector<16xf32>
      %eq3A_981 = arith.cmpf oeq, %select_n3A_973, %eq3A_980 : vector<16xf32>
      %select_n3A_982 = arith.select %eq3A_981, %broadcast_in_dim3A_866, %get3A_978 : vector<16xi1>, vector<16xf32>
      %max3A_983 = arith.maximumf %broadcast_in_dim3A_866, %select_n3A_982 : vector<16xf32>
      %get3A_984 = arith.constant 1 : i32
      %get3A_985 = arith.index_cast %get3A_984 : i32 to index
      %get3A_986 = arith.constant 32 : index
      %get3A_987 = tpu.vector_load %arg4[%get3A_985, %get3A_986] {strides = array<i32>} : memref<8x128xf32, #tpu.memory_space<vmem>>, vector<1x16xf32>,
      %get3A_988 = vector.shape_cast %get3A_987 : vector<1x16xf32> to vector<16xf32>
      %eq3A_989 = arith.constant 1.000000e+00 : f32
      %eq3A_990 = vector.broadcast %eq3A_989 : f32 to vector<16xf32>
      %eq3A_991 = arith.cmpf oeq, %select_n3A_973, %eq3A_990 : vector<16xf32>
      %select_n3A_992 = arith.select %eq3A_991, %broadcast_in_dim3A_866, %get3A_988 : vector<16xi1>, vector<16xf32>
      %max3A_993 = arith.maximumf %max3A_983, %select_n3A_992 : vector<16xf32>
      %get3A_994 = arith.constant 2 : i32
      %get3A_995 = arith.index_cast %get3A_994 : i32 to index
      %get3A_996 = arith.constant 32 : index
      %get3A_997 = tpu.vector_load %arg4[%get3A_995, %get3A_996] {strides = array<i32>} : memref<8x128xf32, #tpu.memory_space<vmem>>, vector<1x16xf32>,
      %get3A_998 = vector.shape_cast %get3A_997 : vector<1x16xf32> to vector<16xf32>
      %eq3A_999 = arith.constant 2.000000e+00 : f32
      %eq3A_1000 = vector.broadcast %eq3A_999 : f32 to vector<16xf32>
      %eq3A_1001 = arith.cmpf oeq, %select_n3A_973, %eq3A_1000 : vector<16xf32>
      %select_n3A_1002 = arith.select %eq3A_1001, %broadcast_in_dim3A_866, %get3A_998 : vector<16xi1>, vector<16xf32>
      %max3A_1003 = arith.maximumf %max3A_993, %select_n3A_1002 : vector<16xf32>
      %get3A_1004 = arith.constant 3 : i32
      %get3A_1005 = arith.index_cast %get3A_1004 : i32 to index
      %get3A_1006 = arith.constant 32 : index
      %get3A_1007 = tpu.vector_load %arg4[%get3A_1005, %get3A_1006] {strides = array<i32>} : memref<8x128xf32, #tpu.memory_space<vmem>>, vector<1x16xf32>,
      %get3A_1008 = vector.shape_cast %get3A_1007 : vector<1x16xf32> to vector<16xf32>
      %eq3A_1009 = arith.constant 3.000000e+00 : f32
      %eq3A_1010 = vector.broadcast %eq3A_1009 : f32 to vector<16xf32>
      %eq3A_1011 = arith.cmpf oeq, %select_n3A_973, %eq3A_1010 : vector<16xf32>
      %select_n3A_1012 = arith.select %eq3A_1011, %broadcast_in_dim3A_866, %get3A_1008 : vector<16xi1>, vector<16xf32>
      %max3A_1013 = arith.maximumf %max3A_1003, %select_n3A_1012 : vector<16xf32>
      %get3A_1014 = arith.constant 4 : i32
      %get3A_1015 = arith.index_cast %get3A_1014 : i32 to index
      %get3A_1016 = arith.constant 32 : index
      %get3A_1017 = tpu.vector_load %arg4[%get3A_1015, %get3A_1016] {strides = array<i32>} : memref<8x128xf32, #tpu.memory_space<vmem>>, vector<1x16xf32>,
      %get3A_1018 = vector.shape_cast %get3A_1017 : vector<1x16xf32> to vector<16xf32>
      %eq3A_1019 = arith.constant 4.000000e+00 : f32
      %eq3A_1020 = vector.broadcast %eq3A_1019 : f32 to vector<16xf32>
      %eq3A_1021 = arith.cmpf oeq, %select_n3A_973, %eq3A_1020 : vector<16xf32>
      %select_n3A_1022 = arith.select %eq3A_1021, %broadcast_in_dim3A_866, %get3A_1018 : vector<16xi1>, vector<16xf32>
      %max3A_1023 = arith.maximumf %max3A_1013, %select_n3A_1022 : vector<16xf32>
      %get3A_1024 = arith.constant 5 : i32
      %get3A_1025 = arith.index_cast %get3A_1024 : i32 to index
      %get3A_1026 = arith.constant 32 : index
      %get3A_1027 = tpu.vector_load %arg4[%get3A_1025, %get3A_1026] {strides = array<i32>} : memref<8x128xf32, #tpu.memory_space<vmem>>, vector<1x16xf32>,
      %get3A_1028 = vector.shape_cast %get3A_1027 : vector<1x16xf32> to vector<16xf32>
      %eq3A_1029 = arith.constant 5.000000e+00 : f32
      %eq3A_1030 = vector.broadcast %eq3A_1029 : f32 to vector<16xf32>
      %eq3A_1031 = arith.cmpf oeq, %select_n3A_973, %eq3A_1030 : vector<16xf32>
      %select_n3A_1032 = arith.select %eq3A_1031, %broadcast_in_dim3A_866, %get3A_1028 : vector<16xi1>, vector<16xf32>
      %max3A_1033 = arith.maximumf %max3A_1023, %select_n3A_1032 : vector<16xf32>
      %get3A_1034 = arith.constant 6 : i32
      %get3A_1035 = arith.index_cast %get3A_1034 : i32 to index
      %get3A_1036 = arith.constant 32 : index
      %get3A_1037 = tpu.vector_load %arg4[%get3A_1035, %get3A_1036] {strides = array<i32>} : memref<8x128xf32, #tpu.memory_space<vmem>>, vector<1x16xf32>,
      %get3A_1038 = vector.shape_cast %get3A_1037 : vector<1x16xf32> to vector<16xf32>
      %eq3A_1039 = arith.constant 6.000000e+00 : f32
      %eq3A_1040 = vector.broadcast %eq3A_1039 : f32 to vector<16xf32>
      %eq3A_1041 = arith.cmpf oeq, %select_n3A_973, %eq3A_1040 : vector<16xf32>
      %select_n3A_1042 = arith.select %eq3A_1041, %broadcast_in_dim3A_866, %get3A_1038 : vector<16xi1>, vector<16xf32>
      %max3A_1043 = arith.maximumf %max3A_1033, %select_n3A_1042 : vector<16xf32>
      %broadcast_in_dim3A_1044 = arith.constant 9.900000e+01 : f32
      %broadcast_in_dim3A_1045 = vector.broadcast %broadcast_in_dim3A_1044 : f32 to vector<16xf32>
      %get3A_1046 = arith.constant 6 : i32
      %get3A_1047 = arith.index_cast %get3A_1046 : i32 to index
      %get3A_1048 = arith.constant 32 : index
      %get3A_1049 = tpu.vector_load %arg4[%get3A_1047, %get3A_1048] {strides = array<i32>} : memref<8x128xf32, #tpu.memory_space<vmem>>, vector<1x16xf32>,
      %get3A_1050 = vector.shape_cast %get3A_1049 : vector<1x16xf32> to vector<16xf32>
      %eq3A_1051 = arith.cmpf oeq, %get3A_1050, %max3A_1043 : vector<16xf32>
      %ne3A_1052 = arith.constant 6.000000e+00 : f32
      %ne3A_1053 = vector.broadcast %ne3A_1052 : f32 to vector<16xf32>
      %ne3A_1054 = arith.cmpf one, %select_n3A_973, %ne3A_1053 : vector<16xf32>
      %and3A_1055 = arith.andi %eq3A_1051, %ne3A_1054 : vector<16xi1>
      %jit3A_1056 = arith.constant 6.000000e+00 : f32
      %broadcast_in_dim3A_1057 = vector.broadcast %jit3A_1056 : f32 to vector<16xf32>
      %select_n3A_1058 = arith.select %and3A_1055, %broadcast_in_dim3A_1057, %broadcast_in_dim3A_1045 : vector<16xi1>, vector<16xf32>
      %get3A_1059 = arith.constant 5 : i32
      %get3A_1060 = arith.index_cast %get3A_1059 : i32 to index
      %get3A_1061 = arith.constant 32 : index
      %get3A_1062 = tpu.vector_load %arg4[%get3A_1060, %get3A_1061] {strides = array<i32>} : memref<8x128xf32, #tpu.memory_space<vmem>>, vector<1x16xf32>,
      %get3A_1063 = vector.shape_cast %get3A_1062 : vector<1x16xf32> to vector<16xf32>
      %eq3A_1064 = arith.cmpf oeq, %get3A_1063, %max3A_1043 : vector<16xf32>
      %ne3A_1065 = arith.constant 5.000000e+00 : f32
      %ne3A_1066 = vector.broadcast %ne3A_1065 : f32 to vector<16xf32>
      %ne3A_1067 = arith.cmpf one, %select_n3A_973, %ne3A_1066 : vector<16xf32>
      %and3A_1068 = arith.andi %eq3A_1064, %ne3A_1067 : vector<16xi1>
      %jit3A_1069 = arith.constant 5.000000e+00 : f32
      %broadcast_in_dim3A_1070 = vector.broadcast %jit3A_1069 : f32 to vector<16xf32>
      %select_n3A_1071 = arith.select %and3A_1068, %broadcast_in_dim3A_1070, %select_n3A_1058 : vector<16xi1>, vector<16xf32>
      %get3A_1072 = arith.constant 4 : i32
      %get3A_1073 = arith.index_cast %get3A_1072 : i32 to index
      %get3A_1074 = arith.constant 32 : index
      %get3A_1075 = tpu.vector_load %arg4[%get3A_1073, %get3A_1074] {strides = array<i32>} : memref<8x128xf32, #tpu.memory_space<vmem>>, vector<1x16xf32>,
      %get3A_1076 = vector.shape_cast %get3A_1075 : vector<1x16xf32> to vector<16xf32>
      %eq3A_1077 = arith.cmpf oeq, %get3A_1076, %max3A_1043 : vector<16xf32>
      %ne3A_1078 = arith.constant 4.000000e+00 : f32
      %ne3A_1079 = vector.broadcast %ne3A_1078 : f32 to vector<16xf32>
      %ne3A_1080 = arith.cmpf one, %select_n3A_973, %ne3A_1079 : vector<16xf32>
      %and3A_1081 = arith.andi %eq3A_1077, %ne3A_1080 : vector<16xi1>
      %jit3A_1082 = arith.constant 4.000000e+00 : f32
      %broadcast_in_dim3A_1083 = vector.broadcast %jit3A_1082 : f32 to vector<16xf32>
      %select_n3A_1084 = arith.select %and3A_1081, %broadcast_in_dim3A_1083, %select_n3A_1071 : vector<16xi1>, vector<16xf32>
      %get3A_1085 = arith.constant 3 : i32
      %get3A_1086 = arith.index_cast %get3A_1085 : i32 to index
      %get3A_1087 = arith.constant 32 : index
      %get3A_1088 = tpu.vector_load %arg4[%get3A_1086, %get3A_1087] {strides = array<i32>} : memref<8x128xf32, #tpu.memory_space<vmem>>, vector<1x16xf32>,
      %get3A_1089 = vector.shape_cast %get3A_1088 : vector<1x16xf32> to vector<16xf32>
      %eq3A_1090 = arith.cmpf oeq, %get3A_1089, %max3A_1043 : vector<16xf32>
      %ne3A_1091 = arith.constant 3.000000e+00 : f32
      %ne3A_1092 = vector.broadcast %ne3A_1091 : f32 to vector<16xf32>
      %ne3A_1093 = arith.cmpf one, %select_n3A_973, %ne3A_1092 : vector<16xf32>
      %and3A_1094 = arith.andi %eq3A_1090, %ne3A_1093 : vector<16xi1>
      %jit3A_1095 = arith.constant 3.000000e+00 : f32
      %broadcast_in_dim3A_1096 = vector.broadcast %jit3A_1095 : f32 to vector<16xf32>
      %select_n3A_1097 = arith.select %and3A_1094, %broadcast_in_dim3A_1096, %select_n3A_1084 : vector<16xi1>, vector<16xf32>
      %get3A_1098 = arith.constant 2 : i32
      %get3A_1099 = arith.index_cast %get3A_1098 : i32 to index
      %get3A_1100 = arith.constant 32 : index
      %get3A_1101 = tpu.vector_load %arg4[%get3A_1099, %get3A_1100] {strides = array<i32>} : memref<8x128xf32, #tpu.memory_space<vmem>>, vector<1x16xf32>,
      %get3A_1102 = vector.shape_cast %get3A_1101 : vector<1x16xf32> to vector<16xf32>
      %eq3A_1103 = arith.cmpf oeq, %get3A_1102, %max3A_1043 : vector<16xf32>
      %ne3A_1104 = arith.constant 2.000000e+00 : f32
      %ne3A_1105 = vector.broadcast %ne3A_1104 : f32 to vector<16xf32>
      %ne3A_1106 = arith.cmpf one, %select_n3A_973, %ne3A_1105 : vector<16xf32>
      %and3A_1107 = arith.andi %eq3A_1103, %ne3A_1106 : vector<16xi1>
      %jit3A_1108 = arith.constant 2.000000e+00 : f32
      %broadcast_in_dim3A_1109 = vector.broadcast %jit3A_1108 : f32 to vector<16xf32>
      %select_n3A_1110 = arith.select %and3A_1107, %broadcast_in_dim3A_1109, %select_n3A_1097 : vector<16xi1>, vector<16xf32>
      %get3A_1111 = arith.constant 1 : i32
      %get3A_1112 = arith.index_cast %get3A_1111 : i32 to index
      %get3A_1113 = arith.constant 32 : index
      %get3A_1114 = tpu.vector_load %arg4[%get3A_1112, %get3A_1113] {strides = array<i32>} : memref<8x128xf32, #tpu.memory_space<vmem>>, vector<1x16xf32>,
      %get3A_1115 = vector.shape_cast %get3A_1114 : vector<1x16xf32> to vector<16xf32>
      %eq3A_1116 = arith.cmpf oeq, %get3A_1115, %max3A_1043 : vector<16xf32>
      %ne3A_1117 = arith.constant 1.000000e+00 : f32
      %ne3A_1118 = vector.broadcast %ne3A_1117 : f32 to vector<16xf32>
      %ne3A_1119 = arith.cmpf one, %select_n3A_973, %ne3A_1118 : vector<16xf32>
      %and3A_1120 = arith.andi %eq3A_1116, %ne3A_1119 : vector<16xi1>
      %jit3A_1121 = arith.constant 1.000000e+00 : f32
      %broadcast_in_dim3A_1122 = vector.broadcast %jit3A_1121 : f32 to vector<16xf32>
      %select_n3A_1123 = arith.select %and3A_1120, %broadcast_in_dim3A_1122, %select_n3A_1110 : vector<16xi1>, vector<16xf32>
      %get3A_1124 = arith.constant 0 : i32
      %get3A_1125 = arith.index_cast %get3A_1124 : i32 to index
      %get3A_1126 = arith.constant 32 : index
      %get3A_1127 = tpu.vector_load %arg4[%get3A_1125, %get3A_1126] {strides = array<i32>} : memref<8x128xf32, #tpu.memory_space<vmem>>, vector<1x16xf32>,
      %get3A_1128 = vector.shape_cast %get3A_1127 : vector<1x16xf32> to vector<16xf32>
      %eq3A_1129 = arith.cmpf oeq, %get3A_1128, %max3A_1043 : vector<16xf32>
      %ne3A_1130 = arith.constant 0.000000e+00 : f32
      %ne3A_1131 = vector.broadcast %ne3A_1130 : f32 to vector<16xf32>
      %ne3A_1132 = arith.cmpf one, %select_n3A_973, %ne3A_1131 : vector<16xf32>
      %and3A_1133 = arith.andi %eq3A_1129, %ne3A_1132 : vector<16xi1>
      %jit3A_1134 = arith.constant 0.000000e+00 : f32
      %broadcast_in_dim3A_1135 = vector.broadcast %jit3A_1134 : f32 to vector<16xf32>
      %select_n3A_1136 = arith.select %and3A_1133, %broadcast_in_dim3A_1135, %select_n3A_1123 : vector<16xi1>, vector<16xf32>
      %sub3A_1137 = arith.subf %max3A_1043, %max3A_908 : vector<16xf32>
      %exp3A_1138 = math.exp %sub3A_1137 : vector<16xf32>
      %add3A_1139 = arith.constant 1.000000e+00 : f32
      %add3A_1140 = vector.broadcast %add3A_1139 : f32 to vector<16xf32>
      %add3A_1141 = arith.addf %add3A_1140, %exp3A_1138 : vector<16xf32>
      %div3A_1142 = arith.constant 1.000000e+00 : f32
      %div3A_1143 = vector.broadcast %div3A_1142 : f32 to vector<16xf32>
      %div3A_1144 = arith.divf %div3A_1143, %add3A_1141 : vector<16xf32>
      %div3A_1145 = arith.divf %exp3A_1138, %add3A_1141 : vector<16xf32>
      %eq3A_1146 = arith.constant -1.000000e+00 : f32
      %eq3A_1147 = vector.broadcast %eq3A_1146 : f32 to vector<16xf32>
      %eq3A_1148 = arith.cmpf oeq, %select_n3A_973, %eq3A_1147 : vector<16xf32>
      %jit3A_1149 = arith.constant 0.000000e+00 : f32
      %broadcast_in_dim3A_1150 = vector.broadcast %jit3A_1149 : f32 to vector<16xf32>
      %select_n3A_1151 = arith.select %eq3A_1148, %div3A_1144, %broadcast_in_dim3A_1150 : vector<16xi1>, vector<16xf32>
      %eq3A_1152 = arith.constant -1.000000e+00 : f32
      %eq3A_1153 = vector.broadcast %eq3A_1152 : f32 to vector<16xf32>
      %eq3A_1154 = arith.cmpf oeq, %select_n3A_1136, %eq3A_1153 : vector<16xf32>
      %jit3A_1155 = arith.constant 0.000000e+00 : f32
      %broadcast_in_dim3A_1156 = vector.broadcast %jit3A_1155 : f32 to vector<16xf32>
      %select_n3A_1157 = arith.select %eq3A_1154, %div3A_1145, %broadcast_in_dim3A_1156 : vector<16xi1>, vector<16xf32>
      %add3A_1158 = arith.addf %select_n3A_1151, %select_n3A_1157 : vector<16xf32>
      %add3A_1159 = arith.constant 1.000000e+00 : f32
      %add3A_1160 = vector.broadcast %add3A_1159 : f32 to vector<16xf32>
      %add3A_1161 = arith.addf %add3A_1158, %add3A_1160 : vector<16xf32>
      %swap3A_1162 = arith.constant 0 : i32
      %swap3A_1163 = arith.index_cast %swap3A_1162 : i32 to index
      %swap3A_1164 = arith.constant 32 : index
      %swap3A_1165 = tpu.vector_load %arg5[%swap3A_1163, %swap3A_1164] {strides = array<i32>} : memref<8x128xf32, #tpu.memory_space<vmem>>, vector<1x16xf32>,
      %swap3A_1166 = vector.shape_cast %swap3A_1165 : vector<1x16xf32> to vector<16xf32>
      %swap3A_1167 = vector.shape_cast %add3A_1161 : vector<16xf32> to vector<1x16xf32>
      tpu.vector_store %arg5[%swap3A_1163, %swap3A_1164], %swap3A_1167 {strides = array<i32>} : memref<8x128xf32, #tpu.memory_space<vmem>>, vector<1x16xf32>,
      %eq3A_1168 = arith.constant 0.000000e+00 : f32
      %eq3A_1169 = vector.broadcast %eq3A_1168 : f32 to vector<16xf32>
      %eq3A_1170 = arith.cmpf oeq, %select_n3A_973, %eq3A_1169 : vector<16xf32>
      %jit3A_1171 = arith.constant 0.000000e+00 : f32
      %broadcast_in_dim3A_1172 = vector.broadcast %jit3A_1171 : f32 to vector<16xf32>
      %select_n3A_1173 = arith.select %eq3A_1170, %div3A_1144, %broadcast_in_dim3A_1172 : vector<16xi1>, vector<16xf32>
      %eq3A_1174 = arith.constant 0.000000e+00 : f32
      %eq3A_1175 = vector.broadcast %eq3A_1174 : f32 to vector<16xf32>
      %eq3A_1176 = arith.cmpf oeq, %select_n3A_1136, %eq3A_1175 : vector<16xf32>
      %jit3A_1177 = arith.constant 0.000000e+00 : f32
      %broadcast_in_dim3A_1178 = vector.broadcast %jit3A_1177 : f32 to vector<16xf32>
      %select_n3A_1179 = arith.select %eq3A_1176, %div3A_1145, %broadcast_in_dim3A_1178 : vector<16xi1>, vector<16xf32>
      %add3A_1180 = arith.addf %select_n3A_1173, %select_n3A_1179 : vector<16xf32>
      %swap3A_1181 = arith.constant 1 : i32
      %swap3A_1182 = arith.index_cast %swap3A_1181 : i32 to index
      %swap3A_1183 = arith.constant 32 : index
      %swap3A_1184 = tpu.vector_load %arg5[%swap3A_1182, %swap3A_1183] {strides = array<i32>} : memref<8x128xf32, #tpu.memory_space<vmem>>, vector<1x16xf32>,
      %swap3A_1185 = vector.shape_cast %swap3A_1184 : vector<1x16xf32> to vector<16xf32>
      %swap3A_1186 = vector.shape_cast %add3A_1180 : vector<16xf32> to vector<1x16xf32>
      tpu.vector_store %arg5[%swap3A_1182, %swap3A_1183], %swap3A_1186 {strides = array<i32>} : memref<8x128xf32, #tpu.memory_space<vmem>>, vector<1x16xf32>,
      %eq3A_1187 = arith.constant 1.000000e+00 : f32
      %eq3A_1188 = vector.broadcast %eq3A_1187 : f32 to vector<16xf32>
      %eq3A_1189 = arith.cmpf oeq, %select_n3A_973, %eq3A_1188 : vector<16xf32>
      %jit3A_1190 = arith.constant 0.000000e+00 : f32
      %broadcast_in_dim3A_1191 = vector.broadcast %jit3A_1190 : f32 to vector<16xf32>
      %select_n3A_1192 = arith.select %eq3A_1189, %div3A_1144, %broadcast_in_dim3A_1191 : vector<16xi1>, vector<16xf32>
      %eq3A_1193 = arith.constant 1.000000e+00 : f32
      %eq3A_1194 = vector.broadcast %eq3A_1193 : f32 to vector<16xf32>
      %eq3A_1195 = arith.cmpf oeq, %select_n3A_1136, %eq3A_1194 : vector<16xf32>
      %jit3A_1196 = arith.constant 0.000000e+00 : f32
      %broadcast_in_dim3A_1197 = vector.broadcast %jit3A_1196 : f32 to vector<16xf32>
      %select_n3A_1198 = arith.select %eq3A_1195, %div3A_1145, %broadcast_in_dim3A_1197 : vector<16xi1>, vector<16xf32>
      %add3A_1199 = arith.addf %select_n3A_1192, %select_n3A_1198 : vector<16xf32>
      %swap3A_1200 = arith.constant 2 : i32
      %swap3A_1201 = arith.index_cast %swap3A_1200 : i32 to index
      %swap3A_1202 = arith.constant 32 : index
      %swap3A_1203 = tpu.vector_load %arg5[%swap3A_1201, %swap3A_1202] {strides = array<i32>} : memref<8x128xf32, #tpu.memory_space<vmem>>, vector<1x16xf32>,
      %swap3A_1204 = vector.shape_cast %swap3A_1203 : vector<1x16xf32> to vector<16xf32>
      %swap3A_1205 = vector.shape_cast %add3A_1199 : vector<16xf32> to vector<1x16xf32>
      tpu.vector_store %arg5[%swap3A_1201, %swap3A_1202], %swap3A_1205 {strides = array<i32>} : memref<8x128xf32, #tpu.memory_space<vmem>>, vector<1x16xf32>,
      %eq3A_1206 = arith.constant 2.000000e+00 : f32
      %eq3A_1207 = vector.broadcast %eq3A_1206 : f32 to vector<16xf32>
      %eq3A_1208 = arith.cmpf oeq, %select_n3A_973, %eq3A_1207 : vector<16xf32>
      %jit3A_1209 = arith.constant 0.000000e+00 : f32
      %broadcast_in_dim3A_1210 = vector.broadcast %jit3A_1209 : f32 to vector<16xf32>
      %select_n3A_1211 = arith.select %eq3A_1208, %div3A_1144, %broadcast_in_dim3A_1210 : vector<16xi1>, vector<16xf32>
      %eq3A_1212 = arith.constant 2.000000e+00 : f32
      %eq3A_1213 = vector.broadcast %eq3A_1212 : f32 to vector<16xf32>
      %eq3A_1214 = arith.cmpf oeq, %select_n3A_1136, %eq3A_1213 : vector<16xf32>
      %jit3A_1215 = arith.constant 0.000000e+00 : f32
      %broadcast_in_dim3A_1216 = vector.broadcast %jit3A_1215 : f32 to vector<16xf32>
      %select_n3A_1217 = arith.select %eq3A_1214, %div3A_1145, %broadcast_in_dim3A_1216 : vector<16xi1>, vector<16xf32>
      %add3A_1218 = arith.addf %select_n3A_1211, %select_n3A_1217 : vector<16xf32>
      %swap3A_1219 = arith.constant 3 : i32
      %swap3A_1220 = arith.index_cast %swap3A_1219 : i32 to index
      %swap3A_1221 = arith.constant 32 : index
      %swap3A_1222 = tpu.vector_load %arg5[%swap3A_1220, %swap3A_1221] {strides = array<i32>} : memref<8x128xf32, #tpu.memory_space<vmem>>, vector<1x16xf32>,
      %swap3A_1223 = vector.shape_cast %swap3A_1222 : vector<1x16xf32> to vector<16xf32>
      %swap3A_1224 = vector.shape_cast %add3A_1218 : vector<16xf32> to vector<1x16xf32>
      tpu.vector_store %arg5[%swap3A_1220, %swap3A_1221], %swap3A_1224 {strides = array<i32>} : memref<8x128xf32, #tpu.memory_space<vmem>>, vector<1x16xf32>,
      %eq3A_1225 = arith.constant 3.000000e+00 : f32
      %eq3A_1226 = vector.broadcast %eq3A_1225 : f32 to vector<16xf32>
      %eq3A_1227 = arith.cmpf oeq, %select_n3A_973, %eq3A_1226 : vector<16xf32>
      %jit3A_1228 = arith.constant 0.000000e+00 : f32
      %broadcast_in_dim3A_1229 = vector.broadcast %jit3A_1228 : f32 to vector<16xf32>
      %select_n3A_1230 = arith.select %eq3A_1227, %div3A_1144, %broadcast_in_dim3A_1229 : vector<16xi1>, vector<16xf32>
      %eq3A_1231 = arith.constant 3.000000e+00 : f32
      %eq3A_1232 = vector.broadcast %eq3A_1231 : f32 to vector<16xf32>
      %eq3A_1233 = arith.cmpf oeq, %select_n3A_1136, %eq3A_1232 : vector<16xf32>
      %jit3A_1234 = arith.constant 0.000000e+00 : f32
      %broadcast_in_dim3A_1235 = vector.broadcast %jit3A_1234 : f32 to vector<16xf32>
      %select_n3A_1236 = arith.select %eq3A_1233, %div3A_1145, %broadcast_in_dim3A_1235 : vector<16xi1>, vector<16xf32>
      %add3A_1237 = arith.addf %select_n3A_1230, %select_n3A_1236 : vector<16xf32>
      %swap3A_1238 = arith.constant 4 : i32
      %swap3A_1239 = arith.index_cast %swap3A_1238 : i32 to index
      %swap3A_1240 = arith.constant 32 : index
      %swap3A_1241 = tpu.vector_load %arg5[%swap3A_1239, %swap3A_1240] {strides = array<i32>} : memref<8x128xf32, #tpu.memory_space<vmem>>, vector<1x16xf32>,
      %swap3A_1242 = vector.shape_cast %swap3A_1241 : vector<1x16xf32> to vector<16xf32>
      %swap3A_1243 = vector.shape_cast %add3A_1237 : vector<16xf32> to vector<1x16xf32>
      tpu.vector_store %arg5[%swap3A_1239, %swap3A_1240], %swap3A_1243 {strides = array<i32>} : memref<8x128xf32, #tpu.memory_space<vmem>>, vector<1x16xf32>,
      %eq3A_1244 = arith.constant 4.000000e+00 : f32
      %eq3A_1245 = vector.broadcast %eq3A_1244 : f32 to vector<16xf32>
      %eq3A_1246 = arith.cmpf oeq, %select_n3A_973, %eq3A_1245 : vector<16xf32>
      %jit3A_1247 = arith.constant 0.000000e+00 : f32
      %broadcast_in_dim3A_1248 = vector.broadcast %jit3A_1247 : f32 to vector<16xf32>
      %select_n3A_1249 = arith.select %eq3A_1246, %div3A_1144, %broadcast_in_dim3A_1248 : vector<16xi1>, vector<16xf32>
      %eq3A_1250 = arith.constant 4.000000e+00 : f32
      %eq3A_1251 = vector.broadcast %eq3A_1250 : f32 to vector<16xf32>
      %eq3A_1252 = arith.cmpf oeq, %select_n3A_1136, %eq3A_1251 : vector<16xf32>
      %jit3A_1253 = arith.constant 0.000000e+00 : f32
      %broadcast_in_dim3A_1254 = vector.broadcast %jit3A_1253 : f32 to vector<16xf32>
      %select_n3A_1255 = arith.select %eq3A_1252, %div3A_1145, %broadcast_in_dim3A_1254 : vector<16xi1>, vector<16xf32>
      %add3A_1256 = arith.addf %select_n3A_1249, %select_n3A_1255 : vector<16xf32>
      %swap3A_1257 = arith.constant 5 : i32
      %swap3A_1258 = arith.index_cast %swap3A_1257 : i32 to index
      %swap3A_1259 = arith.constant 32 : index
      %swap3A_1260 = tpu.vector_load %arg5[%swap3A_1258, %swap3A_1259] {strides = array<i32>} : memref<8x128xf32, #tpu.memory_space<vmem>>, vector<1x16xf32>,
      %swap3A_1261 = vector.shape_cast %swap3A_1260 : vector<1x16xf32> to vector<16xf32>
      %swap3A_1262 = vector.shape_cast %add3A_1256 : vector<16xf32> to vector<1x16xf32>
      tpu.vector_store %arg5[%swap3A_1258, %swap3A_1259], %swap3A_1262 {strides = array<i32>} : memref<8x128xf32, #tpu.memory_space<vmem>>, vector<1x16xf32>,
      %eq3A_1263 = arith.constant 5.000000e+00 : f32
      %eq3A_1264 = vector.broadcast %eq3A_1263 : f32 to vector<16xf32>
      %eq3A_1265 = arith.cmpf oeq, %select_n3A_973, %eq3A_1264 : vector<16xf32>
      %jit3A_1266 = arith.constant 0.000000e+00 : f32
      %broadcast_in_dim3A_1267 = vector.broadcast %jit3A_1266 : f32 to vector<16xf32>
      %select_n3A_1268 = arith.select %eq3A_1265, %div3A_1144, %broadcast_in_dim3A_1267 : vector<16xi1>, vector<16xf32>
      %eq3A_1269 = arith.constant 5.000000e+00 : f32
      %eq3A_1270 = vector.broadcast %eq3A_1269 : f32 to vector<16xf32>
      %eq3A_1271 = arith.cmpf oeq, %select_n3A_1136, %eq3A_1270 : vector<16xf32>
      %jit3A_1272 = arith.constant 0.000000e+00 : f32
      %broadcast_in_dim3A_1273 = vector.broadcast %jit3A_1272 : f32 to vector<16xf32>
      %select_n3A_1274 = arith.select %eq3A_1271, %div3A_1145, %broadcast_in_dim3A_1273 : vector<16xi1>, vector<16xf32>
      %add3A_1275 = arith.addf %select_n3A_1268, %select_n3A_1274 : vector<16xf32>
      %swap3A_1276 = arith.constant 6 : i32
      %swap3A_1277 = arith.index_cast %swap3A_1276 : i32 to index
      %swap3A_1278 = arith.constant 32 : index
      %swap3A_1279 = tpu.vector_load %arg5[%swap3A_1277, %swap3A_1278] {strides = array<i32>} : memref<8x128xf32, #tpu.memory_space<vmem>>, vector<1x16xf32>,
      %swap3A_1280 = vector.shape_cast %swap3A_1279 : vector<1x16xf32> to vector<16xf32>
      %swap3A_1281 = vector.shape_cast %add3A_1275 : vector<16xf32> to vector<1x16xf32>
      tpu.vector_store %arg5[%swap3A_1277, %swap3A_1278], %swap3A_1281 {strides = array<i32>} : memref<8x128xf32, #tpu.memory_space<vmem>>, vector<1x16xf32>,
      %eq3A_1282 = arith.constant 6.000000e+00 : f32
      %eq3A_1283 = vector.broadcast %eq3A_1282 : f32 to vector<16xf32>
      %eq3A_1284 = arith.cmpf oeq, %select_n3A_973, %eq3A_1283 : vector<16xf32>
      %jit3A_1285 = arith.constant 0.000000e+00 : f32
      %broadcast_in_dim3A_1286 = vector.broadcast %jit3A_1285 : f32 to vector<16xf32>
      %select_n3A_1287 = arith.select %eq3A_1284, %div3A_1144, %broadcast_in_dim3A_1286 : vector<16xi1>, vector<16xf32>
      %eq3A_1288 = arith.constant 6.000000e+00 : f32
      %eq3A_1289 = vector.broadcast %eq3A_1288 : f32 to vector<16xf32>
      %eq3A_1290 = arith.cmpf oeq, %select_n3A_1136, %eq3A_1289 : vector<16xf32>
      %jit3A_1291 = arith.constant 0.000000e+00 : f32
      %broadcast_in_dim3A_1292 = vector.broadcast %jit3A_1291 : f32 to vector<16xf32>
      %select_n3A_1293 = arith.select %eq3A_1290, %div3A_1145, %broadcast_in_dim3A_1292 : vector<16xi1>, vector<16xf32>
      %add3A_1294 = arith.addf %select_n3A_1287, %select_n3A_1293 : vector<16xf32>
      %swap3A_1295 = arith.constant 7 : i32
      %swap3A_1296 = arith.index_cast %swap3A_1295 : i32 to index
      %swap3A_1297 = arith.constant 32 : index
      %swap3A_1298 = tpu.vector_load %arg5[%swap3A_1296, %swap3A_1297] {strides = array<i32>} : memref<8x128xf32, #tpu.memory_space<vmem>>, vector<1x16xf32>,
      %swap3A_1299 = vector.shape_cast %swap3A_1298 : vector<1x16xf32> to vector<16xf32>
      %swap3A_1300 = vector.shape_cast %add3A_1294 : vector<16xf32> to vector<1x16xf32>
      tpu.vector_store %arg5[%swap3A_1296, %swap3A_1297], %swap3A_1300 {strides = array<i32>} : memref<8x128xf32, #tpu.memory_space<vmem>>, vector<1x16xf32>,
      %broadcast_in_dim3A_1301 = arith.constant -1.000000e+30 : f32
      %broadcast_in_dim3A_1302 = vector.broadcast %broadcast_in_dim3A_1301 : f32 to vector<16xf32>
      %get3A_1303 = arith.constant 0 : i32
      %get3A_1304 = arith.index_cast %get3A_1303 : i32 to index
      %get3A_1305 = arith.constant 48 : index
      %get3A_1306 = tpu.vector_load %arg4[%get3A_1304, %get3A_1305] {strides = array<i32>} : memref<8x128xf32, #tpu.memory_space<vmem>>, vector<1x16xf32>,
      %get3A_1307 = vector.shape_cast %get3A_1306 : vector<1x16xf32> to vector<16xf32>
      %max3A_1308 = arith.maximumf %broadcast_in_dim3A_1302, %get3A_1307 : vector<16xf32>
      %get3A_1309 = arith.constant 1 : i32
      %get3A_1310 = arith.index_cast %get3A_1309 : i32 to index
      %get3A_1311 = arith.constant 48 : index
      %get3A_1312 = tpu.vector_load %arg4[%get3A_1310, %get3A_1311] {strides = array<i32>} : memref<8x128xf32, #tpu.memory_space<vmem>>, vector<1x16xf32>,
      %get3A_1313 = vector.shape_cast %get3A_1312 : vector<1x16xf32> to vector<16xf32>
      %max3A_1314 = arith.maximumf %max3A_1308, %get3A_1313 : vector<16xf32>
      %get3A_1315 = arith.constant 2 : i32
      %get3A_1316 = arith.index_cast %get3A_1315 : i32 to index
      %get3A_1317 = arith.constant 48 : index
      %get3A_1318 = tpu.vector_load %arg4[%get3A_1316, %get3A_1317] {strides = array<i32>} : memref<8x128xf32, #tpu.memory_space<vmem>>, vector<1x16xf32>,
      %get3A_1319 = vector.shape_cast %get3A_1318 : vector<1x16xf32> to vector<16xf32>
      %max3A_1320 = arith.maximumf %max3A_1314, %get3A_1319 : vector<16xf32>
      %get3A_1321 = arith.constant 3 : i32
      %get3A_1322 = arith.index_cast %get3A_1321 : i32 to index
      %get3A_1323 = arith.constant 48 : index
      %get3A_1324 = tpu.vector_load %arg4[%get3A_1322, %get3A_1323] {strides = array<i32>} : memref<8x128xf32, #tpu.memory_space<vmem>>, vector<1x16xf32>,
      %get3A_1325 = vector.shape_cast %get3A_1324 : vector<1x16xf32> to vector<16xf32>
      %max3A_1326 = arith.maximumf %max3A_1320, %get3A_1325 : vector<16xf32>
      %get3A_1327 = arith.constant 4 : i32
      %get3A_1328 = arith.index_cast %get3A_1327 : i32 to index
      %get3A_1329 = arith.constant 48 : index
      %get3A_1330 = tpu.vector_load %arg4[%get3A_1328, %get3A_1329] {strides = array<i32>} : memref<8x128xf32, #tpu.memory_space<vmem>>, vector<1x16xf32>,
      %get3A_1331 = vector.shape_cast %get3A_1330 : vector<1x16xf32> to vector<16xf32>
      %max3A_1332 = arith.maximumf %max3A_1326, %get3A_1331 : vector<16xf32>
      %get3A_1333 = arith.constant 5 : i32
      %get3A_1334 = arith.index_cast %get3A_1333 : i32 to index
      %get3A_1335 = arith.constant 48 : index
      %get3A_1336 = tpu.vector_load %arg4[%get3A_1334, %get3A_1335] {strides = array<i32>} : memref<8x128xf32, #tpu.memory_space<vmem>>, vector<1x16xf32>,
      %get3A_1337 = vector.shape_cast %get3A_1336 : vector<1x16xf32> to vector<16xf32>
      %max3A_1338 = arith.maximumf %max3A_1332, %get3A_1337 : vector<16xf32>
      %get3A_1339 = arith.constant 6 : i32
      %get3A_1340 = arith.index_cast %get3A_1339 : i32 to index
      %get3A_1341 = arith.constant 48 : index
      %get3A_1342 = tpu.vector_load %arg4[%get3A_1340, %get3A_1341] {strides = array<i32>} : memref<8x128xf32, #tpu.memory_space<vmem>>, vector<1x16xf32>,
      %get3A_1343 = vector.shape_cast %get3A_1342 : vector<1x16xf32> to vector<16xf32>
      %max3A_1344 = arith.maximumf %max3A_1338, %get3A_1343 : vector<16xf32>
      %broadcast_in_dim3A_1345 = arith.constant 9.900000e+01 : f32
      %broadcast_in_dim3A_1346 = vector.broadcast %broadcast_in_dim3A_1345 : f32 to vector<16xf32>
      %get3A_1347 = arith.constant 6 : i32
      %get3A_1348 = arith.index_cast %get3A_1347 : i32 to index
      %get3A_1349 = arith.constant 48 : index
      %get3A_1350 = tpu.vector_load %arg4[%get3A_1348, %get3A_1349] {strides = array<i32>} : memref<8x128xf32, #tpu.memory_space<vmem>>, vector<1x16xf32>,
      %get3A_1351 = vector.shape_cast %get3A_1350 : vector<1x16xf32> to vector<16xf32>
      %eq3A_1352 = arith.cmpf oeq, %get3A_1351, %max3A_1344 : vector<16xf32>
      %jit3A_1353 = arith.constant 6.000000e+00 : f32
      %broadcast_in_dim3A_1354 = vector.broadcast %jit3A_1353 : f32 to vector<16xf32>
      %select_n3A_1355 = arith.select %eq3A_1352, %broadcast_in_dim3A_1354, %broadcast_in_dim3A_1346 : vector<16xi1>, vector<16xf32>
      %get3A_1356 = arith.constant 5 : i32
      %get3A_1357 = arith.index_cast %get3A_1356 : i32 to index
      %get3A_1358 = arith.constant 48 : index
      %get3A_1359 = tpu.vector_load %arg4[%get3A_1357, %get3A_1358] {strides = array<i32>} : memref<8x128xf32, #tpu.memory_space<vmem>>, vector<1x16xf32>,
      %get3A_1360 = vector.shape_cast %get3A_1359 : vector<1x16xf32> to vector<16xf32>
      %eq3A_1361 = arith.cmpf oeq, %get3A_1360, %max3A_1344 : vector<16xf32>
      %jit3A_1362 = arith.constant 5.000000e+00 : f32
      %broadcast_in_dim3A_1363 = vector.broadcast %jit3A_1362 : f32 to vector<16xf32>
      %select_n3A_1364 = arith.select %eq3A_1361, %broadcast_in_dim3A_1363, %select_n3A_1355 : vector<16xi1>, vector<16xf32>
      %get3A_1365 = arith.constant 4 : i32
      %get3A_1366 = arith.index_cast %get3A_1365 : i32 to index
      %get3A_1367 = arith.constant 48 : index
      %get3A_1368 = tpu.vector_load %arg4[%get3A_1366, %get3A_1367] {strides = array<i32>} : memref<8x128xf32, #tpu.memory_space<vmem>>, vector<1x16xf32>,
      %get3A_1369 = vector.shape_cast %get3A_1368 : vector<1x16xf32> to vector<16xf32>
      %eq3A_1370 = arith.cmpf oeq, %get3A_1369, %max3A_1344 : vector<16xf32>
      %jit3A_1371 = arith.constant 4.000000e+00 : f32
      %broadcast_in_dim3A_1372 = vector.broadcast %jit3A_1371 : f32 to vector<16xf32>
      %select_n3A_1373 = arith.select %eq3A_1370, %broadcast_in_dim3A_1372, %select_n3A_1364 : vector<16xi1>, vector<16xf32>
      %get3A_1374 = arith.constant 3 : i32
      %get3A_1375 = arith.index_cast %get3A_1374 : i32 to index
      %get3A_1376 = arith.constant 48 : index
      %get3A_1377 = tpu.vector_load %arg4[%get3A_1375, %get3A_1376] {strides = array<i32>} : memref<8x128xf32, #tpu.memory_space<vmem>>, vector<1x16xf32>,
      %get3A_1378 = vector.shape_cast %get3A_1377 : vector<1x16xf32> to vector<16xf32>
      %eq3A_1379 = arith.cmpf oeq, %get3A_1378, %max3A_1344 : vector<16xf32>
      %jit3A_1380 = arith.constant 3.000000e+00 : f32
      %broadcast_in_dim3A_1381 = vector.broadcast %jit3A_1380 : f32 to vector<16xf32>
      %select_n3A_1382 = arith.select %eq3A_1379, %broadcast_in_dim3A_1381, %select_n3A_1373 : vector<16xi1>, vector<16xf32>
      %get3A_1383 = arith.constant 2 : i32
      %get3A_1384 = arith.index_cast %get3A_1383 : i32 to index
      %get3A_1385 = arith.constant 48 : index
      %get3A_1386 = tpu.vector_load %arg4[%get3A_1384, %get3A_1385] {strides = array<i32>} : memref<8x128xf32, #tpu.memory_space<vmem>>, vector<1x16xf32>,
      %get3A_1387 = vector.shape_cast %get3A_1386 : vector<1x16xf32> to vector<16xf32>
      %eq3A_1388 = arith.cmpf oeq, %get3A_1387, %max3A_1344 : vector<16xf32>
      %jit3A_1389 = arith.constant 2.000000e+00 : f32
      %broadcast_in_dim3A_1390 = vector.broadcast %jit3A_1389 : f32 to vector<16xf32>
      %select_n3A_1391 = arith.select %eq3A_1388, %broadcast_in_dim3A_1390, %select_n3A_1382 : vector<16xi1>, vector<16xf32>
      %get3A_1392 = arith.constant 1 : i32
      %get3A_1393 = arith.index_cast %get3A_1392 : i32 to index
      %get3A_1394 = arith.constant 48 : index
      %get3A_1395 = tpu.vector_load %arg4[%get3A_1393, %get3A_1394] {strides = array<i32>} : memref<8x128xf32, #tpu.memory_space<vmem>>, vector<1x16xf32>,
      %get3A_1396 = vector.shape_cast %get3A_1395 : vector<1x16xf32> to vector<16xf32>
      %eq3A_1397 = arith.cmpf oeq, %get3A_1396, %max3A_1344 : vector<16xf32>
      %jit3A_1398 = arith.constant 1.000000e+00 : f32
      %broadcast_in_dim3A_1399 = vector.broadcast %jit3A_1398 : f32 to vector<16xf32>
      %select_n3A_1400 = arith.select %eq3A_1397, %broadcast_in_dim3A_1399, %select_n3A_1391 : vector<16xi1>, vector<16xf32>
      %get3A_1401 = arith.constant 0 : i32
      %get3A_1402 = arith.index_cast %get3A_1401 : i32 to index
      %get3A_1403 = arith.constant 48 : index
      %get3A_1404 = tpu.vector_load %arg4[%get3A_1402, %get3A_1403] {strides = array<i32>} : memref<8x128xf32, #tpu.memory_space<vmem>>, vector<1x16xf32>,
      %get3A_1405 = vector.shape_cast %get3A_1404 : vector<1x16xf32> to vector<16xf32>
      %eq3A_1406 = arith.cmpf oeq, %get3A_1405, %max3A_1344 : vector<16xf32>
      %jit3A_1407 = arith.constant 0.000000e+00 : f32
      %broadcast_in_dim3A_1408 = vector.broadcast %jit3A_1407 : f32 to vector<16xf32>
      %select_n3A_1409 = arith.select %eq3A_1406, %broadcast_in_dim3A_1408, %select_n3A_1400 : vector<16xi1>, vector<16xf32>
      %get3A_1410 = arith.constant 0 : i32
      %get3A_1411 = arith.index_cast %get3A_1410 : i32 to index
      %get3A_1412 = arith.constant 48 : index
      %get3A_1413 = tpu.vector_load %arg4[%get3A_1411, %get3A_1412] {strides = array<i32>} : memref<8x128xf32, #tpu.memory_space<vmem>>, vector<1x16xf32>,
      %get3A_1414 = vector.shape_cast %get3A_1413 : vector<1x16xf32> to vector<16xf32>
      %eq3A_1415 = arith.constant 0.000000e+00 : f32
      %eq3A_1416 = vector.broadcast %eq3A_1415 : f32 to vector<16xf32>
      %eq3A_1417 = arith.cmpf oeq, %select_n3A_1409, %eq3A_1416 : vector<16xf32>
      %select_n3A_1418 = arith.select %eq3A_1417, %broadcast_in_dim3A_1302, %get3A_1414 : vector<16xi1>, vector<16xf32>
      %max3A_1419 = arith.maximumf %broadcast_in_dim3A_1302, %select_n3A_1418 : vector<16xf32>
      %get3A_1420 = arith.constant 1 : i32
      %get3A_1421 = arith.index_cast %get3A_1420 : i32 to index
      %get3A_1422 = arith.constant 48 : index
      %get3A_1423 = tpu.vector_load %arg4[%get3A_1421, %get3A_1422] {strides = array<i32>} : memref<8x128xf32, #tpu.memory_space<vmem>>, vector<1x16xf32>,
      %get3A_1424 = vector.shape_cast %get3A_1423 : vector<1x16xf32> to vector<16xf32>
      %eq3A_1425 = arith.constant 1.000000e+00 : f32
      %eq3A_1426 = vector.broadcast %eq3A_1425 : f32 to vector<16xf32>
      %eq3A_1427 = arith.cmpf oeq, %select_n3A_1409, %eq3A_1426 : vector<16xf32>
      %select_n3A_1428 = arith.select %eq3A_1427, %broadcast_in_dim3A_1302, %get3A_1424 : vector<16xi1>, vector<16xf32>
      %max3A_1429 = arith.maximumf %max3A_1419, %select_n3A_1428 : vector<16xf32>
      %get3A_1430 = arith.constant 2 : i32
      %get3A_1431 = arith.index_cast %get3A_1430 : i32 to index
      %get3A_1432 = arith.constant 48 : index
      %get3A_1433 = tpu.vector_load %arg4[%get3A_1431, %get3A_1432] {strides = array<i32>} : memref<8x128xf32, #tpu.memory_space<vmem>>, vector<1x16xf32>,
      %get3A_1434 = vector.shape_cast %get3A_1433 : vector<1x16xf32> to vector<16xf32>
      %eq3A_1435 = arith.constant 2.000000e+00 : f32
      %eq3A_1436 = vector.broadcast %eq3A_1435 : f32 to vector<16xf32>
      %eq3A_1437 = arith.cmpf oeq, %select_n3A_1409, %eq3A_1436 : vector<16xf32>
      %select_n3A_1438 = arith.select %eq3A_1437, %broadcast_in_dim3A_1302, %get3A_1434 : vector<16xi1>, vector<16xf32>
      %max3A_1439 = arith.maximumf %max3A_1429, %select_n3A_1438 : vector<16xf32>
      %get3A_1440 = arith.constant 3 : i32
      %get3A_1441 = arith.index_cast %get3A_1440 : i32 to index
      %get3A_1442 = arith.constant 48 : index
      %get3A_1443 = tpu.vector_load %arg4[%get3A_1441, %get3A_1442] {strides = array<i32>} : memref<8x128xf32, #tpu.memory_space<vmem>>, vector<1x16xf32>,
      %get3A_1444 = vector.shape_cast %get3A_1443 : vector<1x16xf32> to vector<16xf32>
      %eq3A_1445 = arith.constant 3.000000e+00 : f32
      %eq3A_1446 = vector.broadcast %eq3A_1445 : f32 to vector<16xf32>
      %eq3A_1447 = arith.cmpf oeq, %select_n3A_1409, %eq3A_1446 : vector<16xf32>
      %select_n3A_1448 = arith.select %eq3A_1447, %broadcast_in_dim3A_1302, %get3A_1444 : vector<16xi1>, vector<16xf32>
      %max3A_1449 = arith.maximumf %max3A_1439, %select_n3A_1448 : vector<16xf32>
      %get3A_1450 = arith.constant 4 : i32
      %get3A_1451 = arith.index_cast %get3A_1450 : i32 to index
      %get3A_1452 = arith.constant 48 : index
      %get3A_1453 = tpu.vector_load %arg4[%get3A_1451, %get3A_1452] {strides = array<i32>} : memref<8x128xf32, #tpu.memory_space<vmem>>, vector<1x16xf32>,
      %get3A_1454 = vector.shape_cast %get3A_1453 : vector<1x16xf32> to vector<16xf32>
      %eq3A_1455 = arith.constant 4.000000e+00 : f32
      %eq3A_1456 = vector.broadcast %eq3A_1455 : f32 to vector<16xf32>
      %eq3A_1457 = arith.cmpf oeq, %select_n3A_1409, %eq3A_1456 : vector<16xf32>
      %select_n3A_1458 = arith.select %eq3A_1457, %broadcast_in_dim3A_1302, %get3A_1454 : vector<16xi1>, vector<16xf32>
      %max3A_1459 = arith.maximumf %max3A_1449, %select_n3A_1458 : vector<16xf32>
      %get3A_1460 = arith.constant 5 : i32
      %get3A_1461 = arith.index_cast %get3A_1460 : i32 to index
      %get3A_1462 = arith.constant 48 : index
      %get3A_1463 = tpu.vector_load %arg4[%get3A_1461, %get3A_1462] {strides = array<i32>} : memref<8x128xf32, #tpu.memory_space<vmem>>, vector<1x16xf32>,
      %get3A_1464 = vector.shape_cast %get3A_1463 : vector<1x16xf32> to vector<16xf32>
      %eq3A_1465 = arith.constant 5.000000e+00 : f32
      %eq3A_1466 = vector.broadcast %eq3A_1465 : f32 to vector<16xf32>
      %eq3A_1467 = arith.cmpf oeq, %select_n3A_1409, %eq3A_1466 : vector<16xf32>
      %select_n3A_1468 = arith.select %eq3A_1467, %broadcast_in_dim3A_1302, %get3A_1464 : vector<16xi1>, vector<16xf32>
      %max3A_1469 = arith.maximumf %max3A_1459, %select_n3A_1468 : vector<16xf32>
      %get3A_1470 = arith.constant 6 : i32
      %get3A_1471 = arith.index_cast %get3A_1470 : i32 to index
      %get3A_1472 = arith.constant 48 : index
      %get3A_1473 = tpu.vector_load %arg4[%get3A_1471, %get3A_1472] {strides = array<i32>} : memref<8x128xf32, #tpu.memory_space<vmem>>, vector<1x16xf32>,
      %get3A_1474 = vector.shape_cast %get3A_1473 : vector<1x16xf32> to vector<16xf32>
      %eq3A_1475 = arith.constant 6.000000e+00 : f32
      %eq3A_1476 = vector.broadcast %eq3A_1475 : f32 to vector<16xf32>
      %eq3A_1477 = arith.cmpf oeq, %select_n3A_1409, %eq3A_1476 : vector<16xf32>
      %select_n3A_1478 = arith.select %eq3A_1477, %broadcast_in_dim3A_1302, %get3A_1474 : vector<16xi1>, vector<16xf32>
      %max3A_1479 = arith.maximumf %max3A_1469, %select_n3A_1478 : vector<16xf32>
      %broadcast_in_dim3A_1480 = arith.constant 9.900000e+01 : f32
      %broadcast_in_dim3A_1481 = vector.broadcast %broadcast_in_dim3A_1480 : f32 to vector<16xf32>
      %get3A_1482 = arith.constant 6 : i32
      %get3A_1483 = arith.index_cast %get3A_1482 : i32 to index
      %get3A_1484 = arith.constant 48 : index
      %get3A_1485 = tpu.vector_load %arg4[%get3A_1483, %get3A_1484] {strides = array<i32>} : memref<8x128xf32, #tpu.memory_space<vmem>>, vector<1x16xf32>,
      %get3A_1486 = vector.shape_cast %get3A_1485 : vector<1x16xf32> to vector<16xf32>
      %eq3A_1487 = arith.cmpf oeq, %get3A_1486, %max3A_1479 : vector<16xf32>
      %ne3A_1488 = arith.constant 6.000000e+00 : f32
      %ne3A_1489 = vector.broadcast %ne3A_1488 : f32 to vector<16xf32>
      %ne3A_1490 = arith.cmpf one, %select_n3A_1409, %ne3A_1489 : vector<16xf32>
      %and3A_1491 = arith.andi %eq3A_1487, %ne3A_1490 : vector<16xi1>
      %jit3A_1492 = arith.constant 6.000000e+00 : f32
      %broadcast_in_dim3A_1493 = vector.broadcast %jit3A_1492 : f32 to vector<16xf32>
      %select_n3A_1494 = arith.select %and3A_1491, %broadcast_in_dim3A_1493, %broadcast_in_dim3A_1481 : vector<16xi1>, vector<16xf32>
      %get3A_1495 = arith.constant 5 : i32
      %get3A_1496 = arith.index_cast %get3A_1495 : i32 to index
      %get3A_1497 = arith.constant 48 : index
      %get3A_1498 = tpu.vector_load %arg4[%get3A_1496, %get3A_1497] {strides = array<i32>} : memref<8x128xf32, #tpu.memory_space<vmem>>, vector<1x16xf32>,
      %get3A_1499 = vector.shape_cast %get3A_1498 : vector<1x16xf32> to vector<16xf32>
      %eq3A_1500 = arith.cmpf oeq, %get3A_1499, %max3A_1479 : vector<16xf32>
      %ne3A_1501 = arith.constant 5.000000e+00 : f32
      %ne3A_1502 = vector.broadcast %ne3A_1501 : f32 to vector<16xf32>
      %ne3A_1503 = arith.cmpf one, %select_n3A_1409, %ne3A_1502 : vector<16xf32>
      %and3A_1504 = arith.andi %eq3A_1500, %ne3A_1503 : vector<16xi1>
      %jit3A_1505 = arith.constant 5.000000e+00 : f32
      %broadcast_in_dim3A_1506 = vector.broadcast %jit3A_1505 : f32 to vector<16xf32>
      %select_n3A_1507 = arith.select %and3A_1504, %broadcast_in_dim3A_1506, %select_n3A_1494 : vector<16xi1>, vector<16xf32>
      %get3A_1508 = arith.constant 4 : i32
      %get3A_1509 = arith.index_cast %get3A_1508 : i32 to index
      %get3A_1510 = arith.constant 48 : index
      %get3A_1511 = tpu.vector_load %arg4[%get3A_1509, %get3A_1510] {strides = array<i32>} : memref<8x128xf32, #tpu.memory_space<vmem>>, vector<1x16xf32>,
      %get3A_1512 = vector.shape_cast %get3A_1511 : vector<1x16xf32> to vector<16xf32>
      %eq3A_1513 = arith.cmpf oeq, %get3A_1512, %max3A_1479 : vector<16xf32>
      %ne3A_1514 = arith.constant 4.000000e+00 : f32
      %ne3A_1515 = vector.broadcast %ne3A_1514 : f32 to vector<16xf32>
      %ne3A_1516 = arith.cmpf one, %select_n3A_1409, %ne3A_1515 : vector<16xf32>
      %and3A_1517 = arith.andi %eq3A_1513, %ne3A_1516 : vector<16xi1>
      %jit3A_1518 = arith.constant 4.000000e+00 : f32
      %broadcast_in_dim3A_1519 = vector.broadcast %jit3A_1518 : f32 to vector<16xf32>
      %select_n3A_1520 = arith.select %and3A_1517, %broadcast_in_dim3A_1519, %select_n3A_1507 : vector<16xi1>, vector<16xf32>
      %get3A_1521 = arith.constant 3 : i32
      %get3A_1522 = arith.index_cast %get3A_1521 : i32 to index
      %get3A_1523 = arith.constant 48 : index
      %get3A_1524 = tpu.vector_load %arg4[%get3A_1522, %get3A_1523] {strides = array<i32>} : memref<8x128xf32, #tpu.memory_space<vmem>>, vector<1x16xf32>,
      %get3A_1525 = vector.shape_cast %get3A_1524 : vector<1x16xf32> to vector<16xf32>
      %eq3A_1526 = arith.cmpf oeq, %get3A_1525, %max3A_1479 : vector<16xf32>
      %ne3A_1527 = arith.constant 3.000000e+00 : f32
      %ne3A_1528 = vector.broadcast %ne3A_1527 : f32 to vector<16xf32>
      %ne3A_1529 = arith.cmpf one, %select_n3A_1409, %ne3A_1528 : vector<16xf32>
      %and3A_1530 = arith.andi %eq3A_1526, %ne3A_1529 : vector<16xi1>
      %jit3A_1531 = arith.constant 3.000000e+00 : f32
      %broadcast_in_dim3A_1532 = vector.broadcast %jit3A_1531 : f32 to vector<16xf32>
      %select_n3A_1533 = arith.select %and3A_1530, %broadcast_in_dim3A_1532, %select_n3A_1520 : vector<16xi1>, vector<16xf32>
      %get3A_1534 = arith.constant 2 : i32
      %get3A_1535 = arith.index_cast %get3A_1534 : i32 to index
      %get3A_1536 = arith.constant 48 : index
      %get3A_1537 = tpu.vector_load %arg4[%get3A_1535, %get3A_1536] {strides = array<i32>} : memref<8x128xf32, #tpu.memory_space<vmem>>, vector<1x16xf32>,
      %get3A_1538 = vector.shape_cast %get3A_1537 : vector<1x16xf32> to vector<16xf32>
      %eq3A_1539 = arith.cmpf oeq, %get3A_1538, %max3A_1479 : vector<16xf32>
      %ne3A_1540 = arith.constant 2.000000e+00 : f32
      %ne3A_1541 = vector.broadcast %ne3A_1540 : f32 to vector<16xf32>
      %ne3A_1542 = arith.cmpf one, %select_n3A_1409, %ne3A_1541 : vector<16xf32>
      %and3A_1543 = arith.andi %eq3A_1539, %ne3A_1542 : vector<16xi1>
      %jit3A_1544 = arith.constant 2.000000e+00 : f32
      %broadcast_in_dim3A_1545 = vector.broadcast %jit3A_1544 : f32 to vector<16xf32>
      %select_n3A_1546 = arith.select %and3A_1543, %broadcast_in_dim3A_1545, %select_n3A_1533 : vector<16xi1>, vector<16xf32>
      %get3A_1547 = arith.constant 1 : i32
      %get3A_1548 = arith.index_cast %get3A_1547 : i32 to index
      %get3A_1549 = arith.constant 48 : index
      %get3A_1550 = tpu.vector_load %arg4[%get3A_1548, %get3A_1549] {strides = array<i32>} : memref<8x128xf32, #tpu.memory_space<vmem>>, vector<1x16xf32>,
      %get3A_1551 = vector.shape_cast %get3A_1550 : vector<1x16xf32> to vector<16xf32>
      %eq3A_1552 = arith.cmpf oeq, %get3A_1551, %max3A_1479 : vector<16xf32>
      %ne3A_1553 = arith.constant 1.000000e+00 : f32
      %ne3A_1554 = vector.broadcast %ne3A_1553 : f32 to vector<16xf32>
      %ne3A_1555 = arith.cmpf one, %select_n3A_1409, %ne3A_1554 : vector<16xf32>
      %and3A_1556 = arith.andi %eq3A_1552, %ne3A_1555 : vector<16xi1>
      %jit3A_1557 = arith.constant 1.000000e+00 : f32
      %broadcast_in_dim3A_1558 = vector.broadcast %jit3A_1557 : f32 to vector<16xf32>
      %select_n3A_1559 = arith.select %and3A_1556, %broadcast_in_dim3A_1558, %select_n3A_1546 : vector<16xi1>, vector<16xf32>
      %get3A_1560 = arith.constant 0 : i32
      %get3A_1561 = arith.index_cast %get3A_1560 : i32 to index
      %get3A_1562 = arith.constant 48 : index
      %get3A_1563 = tpu.vector_load %arg4[%get3A_1561, %get3A_1562] {strides = array<i32>} : memref<8x128xf32, #tpu.memory_space<vmem>>, vector<1x16xf32>,
      %get3A_1564 = vector.shape_cast %get3A_1563 : vector<1x16xf32> to vector<16xf32>
      %eq3A_1565 = arith.cmpf oeq, %get3A_1564, %max3A_1479 : vector<16xf32>
      %ne3A_1566 = arith.constant 0.000000e+00 : f32
      %ne3A_1567 = vector.broadcast %ne3A_1566 : f32 to vector<16xf32>
      %ne3A_1568 = arith.cmpf one, %select_n3A_1409, %ne3A_1567 : vector<16xf32>
      %and3A_1569 = arith.andi %eq3A_1565, %ne3A_1568 : vector<16xi1>
      %jit3A_1570 = arith.constant 0.000000e+00 : f32
      %broadcast_in_dim3A_1571 = vector.broadcast %jit3A_1570 : f32 to vector<16xf32>
      %select_n3A_1572 = arith.select %and3A_1569, %broadcast_in_dim3A_1571, %select_n3A_1559 : vector<16xi1>, vector<16xf32>
      %sub3A_1573 = arith.subf %max3A_1479, %max3A_1344 : vector<16xf32>
      %exp3A_1574 = math.exp %sub3A_1573 : vector<16xf32>
      %add3A_1575 = arith.constant 1.000000e+00 : f32
      %add3A_1576 = vector.broadcast %add3A_1575 : f32 to vector<16xf32>
      %add3A_1577 = arith.addf %add3A_1576, %exp3A_1574 : vector<16xf32>
      %div3A_1578 = arith.constant 1.000000e+00 : f32
      %div3A_1579 = vector.broadcast %div3A_1578 : f32 to vector<16xf32>
      %div3A_1580 = arith.divf %div3A_1579, %add3A_1577 : vector<16xf32>
      %div3A_1581 = arith.divf %exp3A_1574, %add3A_1577 : vector<16xf32>
      %eq3A_1582 = arith.constant -1.000000e+00 : f32
      %eq3A_1583 = vector.broadcast %eq3A_1582 : f32 to vector<16xf32>
      %eq3A_1584 = arith.cmpf oeq, %select_n3A_1409, %eq3A_1583 : vector<16xf32>
      %jit3A_1585 = arith.constant 0.000000e+00 : f32
      %broadcast_in_dim3A_1586 = vector.broadcast %jit3A_1585 : f32 to vector<16xf32>
      %select_n3A_1587 = arith.select %eq3A_1584, %div3A_1580, %broadcast_in_dim3A_1586 : vector<16xi1>, vector<16xf32>
      %eq3A_1588 = arith.constant -1.000000e+00 : f32
      %eq3A_1589 = vector.broadcast %eq3A_1588 : f32 to vector<16xf32>
      %eq3A_1590 = arith.cmpf oeq, %select_n3A_1572, %eq3A_1589 : vector<16xf32>
      %jit3A_1591 = arith.constant 0.000000e+00 : f32
      %broadcast_in_dim3A_1592 = vector.broadcast %jit3A_1591 : f32 to vector<16xf32>
      %select_n3A_1593 = arith.select %eq3A_1590, %div3A_1581, %broadcast_in_dim3A_1592 : vector<16xi1>, vector<16xf32>
      %add3A_1594 = arith.addf %select_n3A_1587, %select_n3A_1593 : vector<16xf32>
      %add3A_1595 = arith.constant 1.000000e+00 : f32
      %add3A_1596 = vector.broadcast %add3A_1595 : f32 to vector<16xf32>
      %add3A_1597 = arith.addf %add3A_1594, %add3A_1596 : vector<16xf32>
      %swap3A_1598 = arith.constant 0 : i32
      %swap3A_1599 = arith.index_cast %swap3A_1598 : i32 to index
      %swap3A_1600 = arith.constant 48 : index
      %swap3A_1601 = tpu.vector_load %arg5[%swap3A_1599, %swap3A_1600] {strides = array<i32>} : memref<8x128xf32, #tpu.memory_space<vmem>>, vector<1x16xf32>,
      %swap3A_1602 = vector.shape_cast %swap3A_1601 : vector<1x16xf32> to vector<16xf32>
      %swap3A_1603 = vector.shape_cast %add3A_1597 : vector<16xf32> to vector<1x16xf32>
      tpu.vector_store %arg5[%swap3A_1599, %swap3A_1600], %swap3A_1603 {strides = array<i32>} : memref<8x128xf32, #tpu.memory_space<vmem>>, vector<1x16xf32>,
      %eq3A_1604 = arith.constant 0.000000e+00 : f32
      %eq3A_1605 = vector.broadcast %eq3A_1604 : f32 to vector<16xf32>
      %eq3A_1606 = arith.cmpf oeq, %select_n3A_1409, %eq3A_1605 : vector<16xf32>
      %jit3A_1607 = arith.constant 0.000000e+00 : f32
      %broadcast_in_dim3A_1608 = vector.broadcast %jit3A_1607 : f32 to vector<16xf32>
      %select_n3A_1609 = arith.select %eq3A_1606, %div3A_1580, %broadcast_in_dim3A_1608 : vector<16xi1>, vector<16xf32>
      %eq3A_1610 = arith.constant 0.000000e+00 : f32
      %eq3A_1611 = vector.broadcast %eq3A_1610 : f32 to vector<16xf32>
      %eq3A_1612 = arith.cmpf oeq, %select_n3A_1572, %eq3A_1611 : vector<16xf32>
      %jit3A_1613 = arith.constant 0.000000e+00 : f32
      %broadcast_in_dim3A_1614 = vector.broadcast %jit3A_1613 : f32 to vector<16xf32>
      %select_n3A_1615 = arith.select %eq3A_1612, %div3A_1581, %broadcast_in_dim3A_1614 : vector<16xi1>, vector<16xf32>
      %add3A_1616 = arith.addf %select_n3A_1609, %select_n3A_1615 : vector<16xf32>
      %swap3A_1617 = arith.constant 1 : i32
      %swap3A_1618 = arith.index_cast %swap3A_1617 : i32 to index
      %swap3A_1619 = arith.constant 48 : index
      %swap3A_1620 = tpu.vector_load %arg5[%swap3A_1618, %swap3A_1619] {strides = array<i32>} : memref<8x128xf32, #tpu.memory_space<vmem>>, vector<1x16xf32>,
      %swap3A_1621 = vector.shape_cast %swap3A_1620 : vector<1x16xf32> to vector<16xf32>
      %swap3A_1622 = vector.shape_cast %add3A_1616 : vector<16xf32> to vector<1x16xf32>
      tpu.vector_store %arg5[%swap3A_1618, %swap3A_1619], %swap3A_1622 {strides = array<i32>} : memref<8x128xf32, #tpu.memory_space<vmem>>, vector<1x16xf32>,
      %eq3A_1623 = arith.constant 1.000000e+00 : f32
      %eq3A_1624 = vector.broadcast %eq3A_1623 : f32 to vector<16xf32>
      %eq3A_1625 = arith.cmpf oeq, %select_n3A_1409, %eq3A_1624 : vector<16xf32>
      %jit3A_1626 = arith.constant 0.000000e+00 : f32
      %broadcast_in_dim3A_1627 = vector.broadcast %jit3A_1626 : f32 to vector<16xf32>
      %select_n3A_1628 = arith.select %eq3A_1625, %div3A_1580, %broadcast_in_dim3A_1627 : vector<16xi1>, vector<16xf32>
      %eq3A_1629 = arith.constant 1.000000e+00 : f32
      %eq3A_1630 = vector.broadcast %eq3A_1629 : f32 to vector<16xf32>
      %eq3A_1631 = arith.cmpf oeq, %select_n3A_1572, %eq3A_1630 : vector<16xf32>
      %jit3A_1632 = arith.constant 0.000000e+00 : f32
      %broadcast_in_dim3A_1633 = vector.broadcast %jit3A_1632 : f32 to vector<16xf32>
      %select_n3A_1634 = arith.select %eq3A_1631, %div3A_1581, %broadcast_in_dim3A_1633 : vector<16xi1>, vector<16xf32>
      %add3A_1635 = arith.addf %select_n3A_1628, %select_n3A_1634 : vector<16xf32>
      %swap3A_1636 = arith.constant 2 : i32
      %swap3A_1637 = arith.index_cast %swap3A_1636 : i32 to index
      %swap3A_1638 = arith.constant 48 : index
      %swap3A_1639 = tpu.vector_load %arg5[%swap3A_1637, %swap3A_1638] {strides = array<i32>} : memref<8x128xf32, #tpu.memory_space<vmem>>, vector<1x16xf32>,
      %swap3A_1640 = vector.shape_cast %swap3A_1639 : vector<1x16xf32> to vector<16xf32>
      %swap3A_1641 = vector.shape_cast %add3A_1635 : vector<16xf32> to vector<1x16xf32>
      tpu.vector_store %arg5[%swap3A_1637, %swap3A_1638], %swap3A_1641 {strides = array<i32>} : memref<8x128xf32, #tpu.memory_space<vmem>>, vector<1x16xf32>,
      %eq3A_1642 = arith.constant 2.000000e+00 : f32
      %eq3A_1643 = vector.broadcast %eq3A_1642 : f32 to vector<16xf32>
      %eq3A_1644 = arith.cmpf oeq, %select_n3A_1409, %eq3A_1643 : vector<16xf32>
      %jit3A_1645 = arith.constant 0.000000e+00 : f32
      %broadcast_in_dim3A_1646 = vector.broadcast %jit3A_1645 : f32 to vector<16xf32>
      %select_n3A_1647 = arith.select %eq3A_1644, %div3A_1580, %broadcast_in_dim3A_1646 : vector<16xi1>, vector<16xf32>
      %eq3A_1648 = arith.constant 2.000000e+00 : f32
      %eq3A_1649 = vector.broadcast %eq3A_1648 : f32 to vector<16xf32>
      %eq3A_1650 = arith.cmpf oeq, %select_n3A_1572, %eq3A_1649 : vector<16xf32>
      %jit3A_1651 = arith.constant 0.000000e+00 : f32
      %broadcast_in_dim3A_1652 = vector.broadcast %jit3A_1651 : f32 to vector<16xf32>
      %select_n3A_1653 = arith.select %eq3A_1650, %div3A_1581, %broadcast_in_dim3A_1652 : vector<16xi1>, vector<16xf32>
      %add3A_1654 = arith.addf %select_n3A_1647, %select_n3A_1653 : vector<16xf32>
      %swap3A_1655 = arith.constant 3 : i32
      %swap3A_1656 = arith.index_cast %swap3A_1655 : i32 to index
      %swap3A_1657 = arith.constant 48 : index
      %swap3A_1658 = tpu.vector_load %arg5[%swap3A_1656, %swap3A_1657] {strides = array<i32>} : memref<8x128xf32, #tpu.memory_space<vmem>>, vector<1x16xf32>,
      %swap3A_1659 = vector.shape_cast %swap3A_1658 : vector<1x16xf32> to vector<16xf32>
      %swap3A_1660 = vector.shape_cast %add3A_1654 : vector<16xf32> to vector<1x16xf32>
      tpu.vector_store %arg5[%swap3A_1656, %swap3A_1657], %swap3A_1660 {strides = array<i32>} : memref<8x128xf32, #tpu.memory_space<vmem>>, vector<1x16xf32>,
      %eq3A_1661 = arith.constant 3.000000e+00 : f32
      %eq3A_1662 = vector.broadcast %eq3A_1661 : f32 to vector<16xf32>
      %eq3A_1663 = arith.cmpf oeq, %select_n3A_1409, %eq3A_1662 : vector<16xf32>
      %jit3A_1664 = arith.constant 0.000000e+00 : f32
      %broadcast_in_dim3A_1665 = vector.broadcast %jit3A_1664 : f32 to vector<16xf32>
      %select_n3A_1666 = arith.select %eq3A_1663, %div3A_1580, %broadcast_in_dim3A_1665 : vector<16xi1>, vector<16xf32>
      %eq3A_1667 = arith.constant 3.000000e+00 : f32
      %eq3A_1668 = vector.broadcast %eq3A_1667 : f32 to vector<16xf32>
      %eq3A_1669 = arith.cmpf oeq, %select_n3A_1572, %eq3A_1668 : vector<16xf32>
      %jit3A_1670 = arith.constant 0.000000e+00 : f32
      %broadcast_in_dim3A_1671 = vector.broadcast %jit3A_1670 : f32 to vector<16xf32>
      %select_n3A_1672 = arith.select %eq3A_1669, %div3A_1581, %broadcast_in_dim3A_1671 : vector<16xi1>, vector<16xf32>
      %add3A_1673 = arith.addf %select_n3A_1666, %select_n3A_1672 : vector<16xf32>
      %swap3A_1674 = arith.constant 4 : i32
      %swap3A_1675 = arith.index_cast %swap3A_1674 : i32 to index
      %swap3A_1676 = arith.constant 48 : index
      %swap3A_1677 = tpu.vector_load %arg5[%swap3A_1675, %swap3A_1676] {strides = array<i32>} : memref<8x128xf32, #tpu.memory_space<vmem>>, vector<1x16xf32>,
      %swap3A_1678 = vector.shape_cast %swap3A_1677 : vector<1x16xf32> to vector<16xf32>
      %swap3A_1679 = vector.shape_cast %add3A_1673 : vector<16xf32> to vector<1x16xf32>
      tpu.vector_store %arg5[%swap3A_1675, %swap3A_1676], %swap3A_1679 {strides = array<i32>} : memref<8x128xf32, #tpu.memory_space<vmem>>, vector<1x16xf32>,
      %eq3A_1680 = arith.constant 4.000000e+00 : f32
      %eq3A_1681 = vector.broadcast %eq3A_1680 : f32 to vector<16xf32>
      %eq3A_1682 = arith.cmpf oeq, %select_n3A_1409, %eq3A_1681 : vector<16xf32>
      %jit3A_1683 = arith.constant 0.000000e+00 : f32
      %broadcast_in_dim3A_1684 = vector.broadcast %jit3A_1683 : f32 to vector<16xf32>
      %select_n3A_1685 = arith.select %eq3A_1682, %div3A_1580, %broadcast_in_dim3A_1684 : vector<16xi1>, vector<16xf32>
      %eq3A_1686 = arith.constant 4.000000e+00 : f32
      %eq3A_1687 = vector.broadcast %eq3A_1686 : f32 to vector<16xf32>
      %eq3A_1688 = arith.cmpf oeq, %select_n3A_1572, %eq3A_1687 : vector<16xf32>
      %jit3A_1689 = arith.constant 0.000000e+00 : f32
      %broadcast_in_dim3A_1690 = vector.broadcast %jit3A_1689 : f32 to vector<16xf32>
      %select_n3A_1691 = arith.select %eq3A_1688, %div3A_1581, %broadcast_in_dim3A_1690 : vector<16xi1>, vector<16xf32>
      %add3A_1692 = arith.addf %select_n3A_1685, %select_n3A_1691 : vector<16xf32>
      %swap3A_1693 = arith.constant 5 : i32
      %swap3A_1694 = arith.index_cast %swap3A_1693 : i32 to index
      %swap3A_1695 = arith.constant 48 : index
      %swap3A_1696 = tpu.vector_load %arg5[%swap3A_1694, %swap3A_1695] {strides = array<i32>} : memref<8x128xf32, #tpu.memory_space<vmem>>, vector<1x16xf32>,
      %swap3A_1697 = vector.shape_cast %swap3A_1696 : vector<1x16xf32> to vector<16xf32>
      %swap3A_1698 = vector.shape_cast %add3A_1692 : vector<16xf32> to vector<1x16xf32>
      tpu.vector_store %arg5[%swap3A_1694, %swap3A_1695], %swap3A_1698 {strides = array<i32>} : memref<8x128xf32, #tpu.memory_space<vmem>>, vector<1x16xf32>,
      %eq3A_1699 = arith.constant 5.000000e+00 : f32
      %eq3A_1700 = vector.broadcast %eq3A_1699 : f32 to vector<16xf32>
      %eq3A_1701 = arith.cmpf oeq, %select_n3A_1409, %eq3A_1700 : vector<16xf32>
      %jit3A_1702 = arith.constant 0.000000e+00 : f32
      %broadcast_in_dim3A_1703 = vector.broadcast %jit3A_1702 : f32 to vector<16xf32>
      %select_n3A_1704 = arith.select %eq3A_1701, %div3A_1580, %broadcast_in_dim3A_1703 : vector<16xi1>, vector<16xf32>
      %eq3A_1705 = arith.constant 5.000000e+00 : f32
      %eq3A_1706 = vector.broadcast %eq3A_1705 : f32 to vector<16xf32>
      %eq3A_1707 = arith.cmpf oeq, %select_n3A_1572, %eq3A_1706 : vector<16xf32>
      %jit3A_1708 = arith.constant 0.000000e+00 : f32
      %broadcast_in_dim3A_1709 = vector.broadcast %jit3A_1708 : f32 to vector<16xf32>
      %select_n3A_1710 = arith.select %eq3A_1707, %div3A_1581, %broadcast_in_dim3A_1709 : vector<16xi1>, vector<16xf32>
      %add3A_1711 = arith.addf %select_n3A_1704, %select_n3A_1710 : vector<16xf32>
      %swap3A_1712 = arith.constant 6 : i32
      %swap3A_1713 = arith.index_cast %swap3A_1712 : i32 to index
      %swap3A_1714 = arith.constant 48 : index
      %swap3A_1715 = tpu.vector_load %arg5[%swap3A_1713, %swap3A_1714] {strides = array<i32>} : memref<8x128xf32, #tpu.memory_space<vmem>>, vector<1x16xf32>,
      %swap3A_1716 = vector.shape_cast %swap3A_1715 : vector<1x16xf32> to vector<16xf32>
      %swap3A_1717 = vector.shape_cast %add3A_1711 : vector<16xf32> to vector<1x16xf32>
      tpu.vector_store %arg5[%swap3A_1713, %swap3A_1714], %swap3A_1717 {strides = array<i32>} : memref<8x128xf32, #tpu.memory_space<vmem>>, vector<1x16xf32>,
      %eq3A_1718 = arith.constant 6.000000e+00 : f32
      %eq3A_1719 = vector.broadcast %eq3A_1718 : f32 to vector<16xf32>
      %eq3A_1720 = arith.cmpf oeq, %select_n3A_1409, %eq3A_1719 : vector<16xf32>
      %jit3A_1721 = arith.constant 0.000000e+00 : f32
      %broadcast_in_dim3A_1722 = vector.broadcast %jit3A_1721 : f32 to vector<16xf32>
      %select_n3A_1723 = arith.select %eq3A_1720, %div3A_1580, %broadcast_in_dim3A_1722 : vector<16xi1>, vector<16xf32>
      %eq3A_1724 = arith.constant 6.000000e+00 : f32
      %eq3A_1725 = vector.broadcast %eq3A_1724 : f32 to vector<16xf32>
      %eq3A_1726 = arith.cmpf oeq, %select_n3A_1572, %eq3A_1725 : vector<16xf32>
      %jit3A_1727 = arith.constant 0.000000e+00 : f32
      %broadcast_in_dim3A_1728 = vector.broadcast %jit3A_1727 : f32 to vector<16xf32>
      %select_n3A_1729 = arith.select %eq3A_1726, %div3A_1581, %broadcast_in_dim3A_1728 : vector<16xi1>, vector<16xf32>
      %add3A_1730 = arith.addf %select_n3A_1723, %select_n3A_1729 : vector<16xf32>
      %swap3A_1731 = arith.constant 7 : i32
      %swap3A_1732 = arith.index_cast %swap3A_1731 : i32 to index
      %swap3A_1733 = arith.constant 48 : index
      %swap3A_1734 = tpu.vector_load %arg5[%swap3A_1732, %swap3A_1733] {strides = array<i32>} : memref<8x128xf32, #tpu.memory_space<vmem>>, vector<1x16xf32>,
      %swap3A_1735 = vector.shape_cast %swap3A_1734 : vector<1x16xf32> to vector<16xf32>
      %swap3A_1736 = vector.shape_cast %add3A_1730 : vector<16xf32> to vector<1x16xf32>
      tpu.vector_store %arg5[%swap3A_1732, %swap3A_1733], %swap3A_1736 {strides = array<i32>} : memref<8x128xf32, #tpu.memory_space<vmem>>, vector<1x16xf32>,
      %broadcast_in_dim3A_1737 = arith.constant -1.000000e+30 : f32
      %broadcast_in_dim3A_1738 = vector.broadcast %broadcast_in_dim3A_1737 : f32 to vector<16xf32>
      %get3A_1739 = arith.constant 0 : i32
      %get3A_1740 = arith.index_cast %get3A_1739 : i32 to index
      %get3A_1741 = arith.constant 64 : index
      %get3A_1742 = tpu.vector_load %arg4[%get3A_1740, %get3A_1741] {strides = array<i32>} : memref<8x128xf32, #tpu.memory_space<vmem>>, vector<1x16xf32>,
      %get3A_1743 = vector.shape_cast %get3A_1742 : vector<1x16xf32> to vector<16xf32>
      %max3A_1744 = arith.maximumf %broadcast_in_dim3A_1738, %get3A_1743 : vector<16xf32>
      %get3A_1745 = arith.constant 1 : i32
      %get3A_1746 = arith.index_cast %get3A_1745 : i32 to index
      %get3A_1747 = arith.constant 64 : index
      %get3A_1748 = tpu.vector_load %arg4[%get3A_1746, %get3A_1747] {strides = array<i32>} : memref<8x128xf32, #tpu.memory_space<vmem>>, vector<1x16xf32>,
      %get3A_1749 = vector.shape_cast %get3A_1748 : vector<1x16xf32> to vector<16xf32>
      %max3A_1750 = arith.maximumf %max3A_1744, %get3A_1749 : vector<16xf32>
      %get3A_1751 = arith.constant 2 : i32
      %get3A_1752 = arith.index_cast %get3A_1751 : i32 to index
      %get3A_1753 = arith.constant 64 : index
      %get3A_1754 = tpu.vector_load %arg4[%get3A_1752, %get3A_1753] {strides = array<i32>} : memref<8x128xf32, #tpu.memory_space<vmem>>, vector<1x16xf32>,
      %get3A_1755 = vector.shape_cast %get3A_1754 : vector<1x16xf32> to vector<16xf32>
      %max3A_1756 = arith.maximumf %max3A_1750, %get3A_1755 : vector<16xf32>
      %get3A_1757 = arith.constant 3 : i32
      %get3A_1758 = arith.index_cast %get3A_1757 : i32 to index
      %get3A_1759 = arith.constant 64 : index
      %get3A_1760 = tpu.vector_load %arg4[%get3A_1758, %get3A_1759] {strides = array<i32>} : memref<8x128xf32, #tpu.memory_space<vmem>>, vector<1x16xf32>,
      %get3A_1761 = vector.shape_cast %get3A_1760 : vector<1x16xf32> to vector<16xf32>
      %max3A_1762 = arith.maximumf %max3A_1756, %get3A_1761 : vector<16xf32>
      %get3A_1763 = arith.constant 4 : i32
      %get3A_1764 = arith.index_cast %get3A_1763 : i32 to index
      %get3A_1765 = arith.constant 64 : index
      %get3A_1766 = tpu.vector_load %arg4[%get3A_1764, %get3A_1765] {strides = array<i32>} : memref<8x128xf32, #tpu.memory_space<vmem>>, vector<1x16xf32>,
      %get3A_1767 = vector.shape_cast %get3A_1766 : vector<1x16xf32> to vector<16xf32>
      %max3A_1768 = arith.maximumf %max3A_1762, %get3A_1767 : vector<16xf32>
      %get3A_1769 = arith.constant 5 : i32
      %get3A_1770 = arith.index_cast %get3A_1769 : i32 to index
      %get3A_1771 = arith.constant 64 : index
      %get3A_1772 = tpu.vector_load %arg4[%get3A_1770, %get3A_1771] {strides = array<i32>} : memref<8x128xf32, #tpu.memory_space<vmem>>, vector<1x16xf32>,
      %get3A_1773 = vector.shape_cast %get3A_1772 : vector<1x16xf32> to vector<16xf32>
      %max3A_1774 = arith.maximumf %max3A_1768, %get3A_1773 : vector<16xf32>
      %get3A_1775 = arith.constant 6 : i32
      %get3A_1776 = arith.index_cast %get3A_1775 : i32 to index
      %get3A_1777 = arith.constant 64 : index
      %get3A_1778 = tpu.vector_load %arg4[%get3A_1776, %get3A_1777] {strides = array<i32>} : memref<8x128xf32, #tpu.memory_space<vmem>>, vector<1x16xf32>,
      %get3A_1779 = vector.shape_cast %get3A_1778 : vector<1x16xf32> to vector<16xf32>
      %max3A_1780 = arith.maximumf %max3A_1774, %get3A_1779 : vector<16xf32>
      %broadcast_in_dim3A_1781 = arith.constant 9.900000e+01 : f32
      %broadcast_in_dim3A_1782 = vector.broadcast %broadcast_in_dim3A_1781 : f32 to vector<16xf32>
      %get3A_1783 = arith.constant 6 : i32
      %get3A_1784 = arith.index_cast %get3A_1783 : i32 to index
      %get3A_1785 = arith.constant 64 : index
      %get3A_1786 = tpu.vector_load %arg4[%get3A_1784, %get3A_1785] {strides = array<i32>} : memref<8x128xf32, #tpu.memory_space<vmem>>, vector<1x16xf32>,
      %get3A_1787 = vector.shape_cast %get3A_1786 : vector<1x16xf32> to vector<16xf32>
      %eq3A_1788 = arith.cmpf oeq, %get3A_1787, %max3A_1780 : vector<16xf32>
      %jit3A_1789 = arith.constant 6.000000e+00 : f32
      %broadcast_in_dim3A_1790 = vector.broadcast %jit3A_1789 : f32 to vector<16xf32>
      %select_n3A_1791 = arith.select %eq3A_1788, %broadcast_in_dim3A_1790, %broadcast_in_dim3A_1782 : vector<16xi1>, vector<16xf32>
      %get3A_1792 = arith.constant 5 : i32
      %get3A_1793 = arith.index_cast %get3A_1792 : i32 to index
      %get3A_1794 = arith.constant 64 : index
      %get3A_1795 = tpu.vector_load %arg4[%get3A_1793, %get3A_1794] {strides = array<i32>} : memref<8x128xf32, #tpu.memory_space<vmem>>, vector<1x16xf32>,
      %get3A_1796 = vector.shape_cast %get3A_1795 : vector<1x16xf32> to vector<16xf32>
      %eq3A_1797 = arith.cmpf oeq, %get3A_1796, %max3A_1780 : vector<16xf32>
      %jit3A_1798 = arith.constant 5.000000e+00 : f32
      %broadcast_in_dim3A_1799 = vector.broadcast %jit3A_1798 : f32 to vector<16xf32>
      %select_n3A_1800 = arith.select %eq3A_1797, %broadcast_in_dim3A_1799, %select_n3A_1791 : vector<16xi1>, vector<16xf32>
      %get3A_1801 = arith.constant 4 : i32
      %get3A_1802 = arith.index_cast %get3A_1801 : i32 to index
      %get3A_1803 = arith.constant 64 : index
      %get3A_1804 = tpu.vector_load %arg4[%get3A_1802, %get3A_1803] {strides = array<i32>} : memref<8x128xf32, #tpu.memory_space<vmem>>, vector<1x16xf32>,
      %get3A_1805 = vector.shape_cast %get3A_1804 : vector<1x16xf32> to vector<16xf32>
      %eq3A_1806 = arith.cmpf oeq, %get3A_1805, %max3A_1780 : vector<16xf32>
      %jit3A_1807 = arith.constant 4.000000e+00 : f32
      %broadcast_in_dim3A_1808 = vector.broadcast %jit3A_1807 : f32 to vector<16xf32>
      %select_n3A_1809 = arith.select %eq3A_1806, %broadcast_in_dim3A_1808, %select_n3A_1800 : vector<16xi1>, vector<16xf32>
      %get3A_1810 = arith.constant 3 : i32
      %get3A_1811 = arith.index_cast %get3A_1810 : i32 to index
      %get3A_1812 = arith.constant 64 : index
      %get3A_1813 = tpu.vector_load %arg4[%get3A_1811, %get3A_1812] {strides = array<i32>} : memref<8x128xf32, #tpu.memory_space<vmem>>, vector<1x16xf32>,
      %get3A_1814 = vector.shape_cast %get3A_1813 : vector<1x16xf32> to vector<16xf32>
      %eq3A_1815 = arith.cmpf oeq, %get3A_1814, %max3A_1780 : vector<16xf32>
      %jit3A_1816 = arith.constant 3.000000e+00 : f32
      %broadcast_in_dim3A_1817 = vector.broadcast %jit3A_1816 : f32 to vector<16xf32>
      %select_n3A_1818 = arith.select %eq3A_1815, %broadcast_in_dim3A_1817, %select_n3A_1809 : vector<16xi1>, vector<16xf32>
      %get3A_1819 = arith.constant 2 : i32
      %get3A_1820 = arith.index_cast %get3A_1819 : i32 to index
      %get3A_1821 = arith.constant 64 : index
      %get3A_1822 = tpu.vector_load %arg4[%get3A_1820, %get3A_1821] {strides = array<i32>} : memref<8x128xf32, #tpu.memory_space<vmem>>, vector<1x16xf32>,
      %get3A_1823 = vector.shape_cast %get3A_1822 : vector<1x16xf32> to vector<16xf32>
      %eq3A_1824 = arith.cmpf oeq, %get3A_1823, %max3A_1780 : vector<16xf32>
      %jit3A_1825 = arith.constant 2.000000e+00 : f32
      %broadcast_in_dim3A_1826 = vector.broadcast %jit3A_1825 : f32 to vector<16xf32>
      %select_n3A_1827 = arith.select %eq3A_1824, %broadcast_in_dim3A_1826, %select_n3A_1818 : vector<16xi1>, vector<16xf32>
      %get3A_1828 = arith.constant 1 : i32
      %get3A_1829 = arith.index_cast %get3A_1828 : i32 to index
      %get3A_1830 = arith.constant 64 : index
      %get3A_1831 = tpu.vector_load %arg4[%get3A_1829, %get3A_1830] {strides = array<i32>} : memref<8x128xf32, #tpu.memory_space<vmem>>, vector<1x16xf32>,
      %get3A_1832 = vector.shape_cast %get3A_1831 : vector<1x16xf32> to vector<16xf32>
      %eq3A_1833 = arith.cmpf oeq, %get3A_1832, %max3A_1780 : vector<16xf32>
      %jit3A_1834 = arith.constant 1.000000e+00 : f32
      %broadcast_in_dim3A_1835 = vector.broadcast %jit3A_1834 : f32 to vector<16xf32>
      %select_n3A_1836 = arith.select %eq3A_1833, %broadcast_in_dim3A_1835, %select_n3A_1827 : vector<16xi1>, vector<16xf32>
      %get3A_1837 = arith.constant 0 : i32
      %get3A_1838 = arith.index_cast %get3A_1837 : i32 to index
      %get3A_1839 = arith.constant 64 : index
      %get3A_1840 = tpu.vector_load %arg4[%get3A_1838, %get3A_1839] {strides = array<i32>} : memref<8x128xf32, #tpu.memory_space<vmem>>, vector<1x16xf32>,
      %get3A_1841 = vector.shape_cast %get3A_1840 : vector<1x16xf32> to vector<16xf32>
      %eq3A_1842 = arith.cmpf oeq, %get3A_1841, %max3A_1780 : vector<16xf32>
      %jit3A_1843 = arith.constant 0.000000e+00 : f32
      %broadcast_in_dim3A_1844 = vector.broadcast %jit3A_1843 : f32 to vector<16xf32>
      %select_n3A_1845 = arith.select %eq3A_1842, %broadcast_in_dim3A_1844, %select_n3A_1836 : vector<16xi1>, vector<16xf32>
      %get3A_1846 = arith.constant 0 : i32
      %get3A_1847 = arith.index_cast %get3A_1846 : i32 to index
      %get3A_1848 = arith.constant 64 : index
      %get3A_1849 = tpu.vector_load %arg4[%get3A_1847, %get3A_1848] {strides = array<i32>} : memref<8x128xf32, #tpu.memory_space<vmem>>, vector<1x16xf32>,
      %get3A_1850 = vector.shape_cast %get3A_1849 : vector<1x16xf32> to vector<16xf32>
      %eq3A_1851 = arith.constant 0.000000e+00 : f32
      %eq3A_1852 = vector.broadcast %eq3A_1851 : f32 to vector<16xf32>
      %eq3A_1853 = arith.cmpf oeq, %select_n3A_1845, %eq3A_1852 : vector<16xf32>
      %select_n3A_1854 = arith.select %eq3A_1853, %broadcast_in_dim3A_1738, %get3A_1850 : vector<16xi1>, vector<16xf32>
      %max3A_1855 = arith.maximumf %broadcast_in_dim3A_1738, %select_n3A_1854 : vector<16xf32>
      %get3A_1856 = arith.constant 1 : i32
      %get3A_1857 = arith.index_cast %get3A_1856 : i32 to index
      %get3A_1858 = arith.constant 64 : index
      %get3A_1859 = tpu.vector_load %arg4[%get3A_1857, %get3A_1858] {strides = array<i32>} : memref<8x128xf32, #tpu.memory_space<vmem>>, vector<1x16xf32>,
      %get3A_1860 = vector.shape_cast %get3A_1859 : vector<1x16xf32> to vector<16xf32>
      %eq3A_1861 = arith.constant 1.000000e+00 : f32
      %eq3A_1862 = vector.broadcast %eq3A_1861 : f32 to vector<16xf32>
      %eq3A_1863 = arith.cmpf oeq, %select_n3A_1845, %eq3A_1862 : vector<16xf32>
      %select_n3A_1864 = arith.select %eq3A_1863, %broadcast_in_dim3A_1738, %get3A_1860 : vector<16xi1>, vector<16xf32>
      %max3A_1865 = arith.maximumf %max3A_1855, %select_n3A_1864 : vector<16xf32>
      %get3A_1866 = arith.constant 2 : i32
      %get3A_1867 = arith.index_cast %get3A_1866 : i32 to index
      %get3A_1868 = arith.constant 64 : index
      %get3A_1869 = tpu.vector_load %arg4[%get3A_1867, %get3A_1868] {strides = array<i32>} : memref<8x128xf32, #tpu.memory_space<vmem>>, vector<1x16xf32>,
      %get3A_1870 = vector.shape_cast %get3A_1869 : vector<1x16xf32> to vector<16xf32>
      %eq3A_1871 = arith.constant 2.000000e+00 : f32
      %eq3A_1872 = vector.broadcast %eq3A_1871 : f32 to vector<16xf32>
      %eq3A_1873 = arith.cmpf oeq, %select_n3A_1845, %eq3A_1872 : vector<16xf32>
      %select_n3A_1874 = arith.select %eq3A_1873, %broadcast_in_dim3A_1738, %get3A_1870 : vector<16xi1>, vector<16xf32>
      %max3A_1875 = arith.maximumf %max3A_1865, %select_n3A_1874 : vector<16xf32>
      %get3A_1876 = arith.constant 3 : i32
      %get3A_1877 = arith.index_cast %get3A_1876 : i32 to index
      %get3A_1878 = arith.constant 64 : index
      %get3A_1879 = tpu.vector_load %arg4[%get3A_1877, %get3A_1878] {strides = array<i32>} : memref<8x128xf32, #tpu.memory_space<vmem>>, vector<1x16xf32>,
      %get3A_1880 = vector.shape_cast %get3A_1879 : vector<1x16xf32> to vector<16xf32>
      %eq3A_1881 = arith.constant 3.000000e+00 : f32
      %eq3A_1882 = vector.broadcast %eq3A_1881 : f32 to vector<16xf32>
      %eq3A_1883 = arith.cmpf oeq, %select_n3A_1845, %eq3A_1882 : vector<16xf32>
      %select_n3A_1884 = arith.select %eq3A_1883, %broadcast_in_dim3A_1738, %get3A_1880 : vector<16xi1>, vector<16xf32>
      %max3A_1885 = arith.maximumf %max3A_1875, %select_n3A_1884 : vector<16xf32>
      %get3A_1886 = arith.constant 4 : i32
      %get3A_1887 = arith.index_cast %get3A_1886 : i32 to index
      %get3A_1888 = arith.constant 64 : index
      %get3A_1889 = tpu.vector_load %arg4[%get3A_1887, %get3A_1888] {strides = array<i32>} : memref<8x128xf32, #tpu.memory_space<vmem>>, vector<1x16xf32>,
      %get3A_1890 = vector.shape_cast %get3A_1889 : vector<1x16xf32> to vector<16xf32>
      %eq3A_1891 = arith.constant 4.000000e+00 : f32
      %eq3A_1892 = vector.broadcast %eq3A_1891 : f32 to vector<16xf32>
      %eq3A_1893 = arith.cmpf oeq, %select_n3A_1845, %eq3A_1892 : vector<16xf32>
      %select_n3A_1894 = arith.select %eq3A_1893, %broadcast_in_dim3A_1738, %get3A_1890 : vector<16xi1>, vector<16xf32>
      %max3A_1895 = arith.maximumf %max3A_1885, %select_n3A_1894 : vector<16xf32>
      %get3A_1896 = arith.constant 5 : i32
      %get3A_1897 = arith.index_cast %get3A_1896 : i32 to index
      %get3A_1898 = arith.constant 64 : index
      %get3A_1899 = tpu.vector_load %arg4[%get3A_1897, %get3A_1898] {strides = array<i32>} : memref<8x128xf32, #tpu.memory_space<vmem>>, vector<1x16xf32>,
      %get3A_1900 = vector.shape_cast %get3A_1899 : vector<1x16xf32> to vector<16xf32>
      %eq3A_1901 = arith.constant 5.000000e+00 : f32
      %eq3A_1902 = vector.broadcast %eq3A_1901 : f32 to vector<16xf32>
      %eq3A_1903 = arith.cmpf oeq, %select_n3A_1845, %eq3A_1902 : vector<16xf32>
      %select_n3A_1904 = arith.select %eq3A_1903, %broadcast_in_dim3A_1738, %get3A_1900 : vector<16xi1>, vector<16xf32>
      %max3A_1905 = arith.maximumf %max3A_1895, %select_n3A_1904 : vector<16xf32>
      %get3A_1906 = arith.constant 6 : i32
      %get3A_1907 = arith.index_cast %get3A_1906 : i32 to index
      %get3A_1908 = arith.constant 64 : index
      %get3A_1909 = tpu.vector_load %arg4[%get3A_1907, %get3A_1908] {strides = array<i32>} : memref<8x128xf32, #tpu.memory_space<vmem>>, vector<1x16xf32>,
      %get3A_1910 = vector.shape_cast %get3A_1909 : vector<1x16xf32> to vector<16xf32>
      %eq3A_1911 = arith.constant 6.000000e+00 : f32
      %eq3A_1912 = vector.broadcast %eq3A_1911 : f32 to vector<16xf32>
      %eq3A_1913 = arith.cmpf oeq, %select_n3A_1845, %eq3A_1912 : vector<16xf32>
      %select_n3A_1914 = arith.select %eq3A_1913, %broadcast_in_dim3A_1738, %get3A_1910 : vector<16xi1>, vector<16xf32>
      %max3A_1915 = arith.maximumf %max3A_1905, %select_n3A_1914 : vector<16xf32>
      %broadcast_in_dim3A_1916 = arith.constant 9.900000e+01 : f32
      %broadcast_in_dim3A_1917 = vector.broadcast %broadcast_in_dim3A_1916 : f32 to vector<16xf32>
      %get3A_1918 = arith.constant 6 : i32
      %get3A_1919 = arith.index_cast %get3A_1918 : i32 to index
      %get3A_1920 = arith.constant 64 : index
      %get3A_1921 = tpu.vector_load %arg4[%get3A_1919, %get3A_1920] {strides = array<i32>} : memref<8x128xf32, #tpu.memory_space<vmem>>, vector<1x16xf32>,
      %get3A_1922 = vector.shape_cast %get3A_1921 : vector<1x16xf32> to vector<16xf32>
      %eq3A_1923 = arith.cmpf oeq, %get3A_1922, %max3A_1915 : vector<16xf32>
      %ne3A_1924 = arith.constant 6.000000e+00 : f32
      %ne3A_1925 = vector.broadcast %ne3A_1924 : f32 to vector<16xf32>
      %ne3A_1926 = arith.cmpf one, %select_n3A_1845, %ne3A_1925 : vector<16xf32>
      %and3A_1927 = arith.andi %eq3A_1923, %ne3A_1926 : vector<16xi1>
      %jit3A_1928 = arith.constant 6.000000e+00 : f32
      %broadcast_in_dim3A_1929 = vector.broadcast %jit3A_1928 : f32 to vector<16xf32>
      %select_n3A_1930 = arith.select %and3A_1927, %broadcast_in_dim3A_1929, %broadcast_in_dim3A_1917 : vector<16xi1>, vector<16xf32>
      %get3A_1931 = arith.constant 5 : i32
      %get3A_1932 = arith.index_cast %get3A_1931 : i32 to index
      %get3A_1933 = arith.constant 64 : index
      %get3A_1934 = tpu.vector_load %arg4[%get3A_1932, %get3A_1933] {strides = array<i32>} : memref<8x128xf32, #tpu.memory_space<vmem>>, vector<1x16xf32>,
      %get3A_1935 = vector.shape_cast %get3A_1934 : vector<1x16xf32> to vector<16xf32>
      %eq3A_1936 = arith.cmpf oeq, %get3A_1935, %max3A_1915 : vector<16xf32>
      %ne3A_1937 = arith.constant 5.000000e+00 : f32
      %ne3A_1938 = vector.broadcast %ne3A_1937 : f32 to vector<16xf32>
      %ne3A_1939 = arith.cmpf one, %select_n3A_1845, %ne3A_1938 : vector<16xf32>
      %and3A_1940 = arith.andi %eq3A_1936, %ne3A_1939 : vector<16xi1>
      %jit3A_1941 = arith.constant 5.000000e+00 : f32
      %broadcast_in_dim3A_1942 = vector.broadcast %jit3A_1941 : f32 to vector<16xf32>
      %select_n3A_1943 = arith.select %and3A_1940, %broadcast_in_dim3A_1942, %select_n3A_1930 : vector<16xi1>, vector<16xf32>
      %get3A_1944 = arith.constant 4 : i32
      %get3A_1945 = arith.index_cast %get3A_1944 : i32 to index
      %get3A_1946 = arith.constant 64 : index
      %get3A_1947 = tpu.vector_load %arg4[%get3A_1945, %get3A_1946] {strides = array<i32>} : memref<8x128xf32, #tpu.memory_space<vmem>>, vector<1x16xf32>,
      %get3A_1948 = vector.shape_cast %get3A_1947 : vector<1x16xf32> to vector<16xf32>
      %eq3A_1949 = arith.cmpf oeq, %get3A_1948, %max3A_1915 : vector<16xf32>
      %ne3A_1950 = arith.constant 4.000000e+00 : f32
      %ne3A_1951 = vector.broadcast %ne3A_1950 : f32 to vector<16xf32>
      %ne3A_1952 = arith.cmpf one, %select_n3A_1845, %ne3A_1951 : vector<16xf32>
      %and3A_1953 = arith.andi %eq3A_1949, %ne3A_1952 : vector<16xi1>
      %jit3A_1954 = arith.constant 4.000000e+00 : f32
      %broadcast_in_dim3A_1955 = vector.broadcast %jit3A_1954 : f32 to vector<16xf32>
      %select_n3A_1956 = arith.select %and3A_1953, %broadcast_in_dim3A_1955, %select_n3A_1943 : vector<16xi1>, vector<16xf32>
      %get3A_1957 = arith.constant 3 : i32
      %get3A_1958 = arith.index_cast %get3A_1957 : i32 to index
      %get3A_1959 = arith.constant 64 : index
      %get3A_1960 = tpu.vector_load %arg4[%get3A_1958, %get3A_1959] {strides = array<i32>} : memref<8x128xf32, #tpu.memory_space<vmem>>, vector<1x16xf32>,
      %get3A_1961 = vector.shape_cast %get3A_1960 : vector<1x16xf32> to vector<16xf32>
      %eq3A_1962 = arith.cmpf oeq, %get3A_1961, %max3A_1915 : vector<16xf32>
      %ne3A_1963 = arith.constant 3.000000e+00 : f32
      %ne3A_1964 = vector.broadcast %ne3A_1963 : f32 to vector<16xf32>
      %ne3A_1965 = arith.cmpf one, %select_n3A_1845, %ne3A_1964 : vector<16xf32>
      %and3A_1966 = arith.andi %eq3A_1962, %ne3A_1965 : vector<16xi1>
      %jit3A_1967 = arith.constant 3.000000e+00 : f32
      %broadcast_in_dim3A_1968 = vector.broadcast %jit3A_1967 : f32 to vector<16xf32>
      %select_n3A_1969 = arith.select %and3A_1966, %broadcast_in_dim3A_1968, %select_n3A_1956 : vector<16xi1>, vector<16xf32>
      %get3A_1970 = arith.constant 2 : i32
      %get3A_1971 = arith.index_cast %get3A_1970 : i32 to index
      %get3A_1972 = arith.constant 64 : index
      %get3A_1973 = tpu.vector_load %arg4[%get3A_1971, %get3A_1972] {strides = array<i32>} : memref<8x128xf32, #tpu.memory_space<vmem>>, vector<1x16xf32>,
      %get3A_1974 = vector.shape_cast %get3A_1973 : vector<1x16xf32> to vector<16xf32>
      %eq3A_1975 = arith.cmpf oeq, %get3A_1974, %max3A_1915 : vector<16xf32>
      %ne3A_1976 = arith.constant 2.000000e+00 : f32
      %ne3A_1977 = vector.broadcast %ne3A_1976 : f32 to vector<16xf32>
      %ne3A_1978 = arith.cmpf one, %select_n3A_1845, %ne3A_1977 : vector<16xf32>
      %and3A_1979 = arith.andi %eq3A_1975, %ne3A_1978 : vector<16xi1>
      %jit3A_1980 = arith.constant 2.000000e+00 : f32
      %broadcast_in_dim3A_1981 = vector.broadcast %jit3A_1980 : f32 to vector<16xf32>
      %select_n3A_1982 = arith.select %and3A_1979, %broadcast_in_dim3A_1981, %select_n3A_1969 : vector<16xi1>, vector<16xf32>
      %get3A_1983 = arith.constant 1 : i32
      %get3A_1984 = arith.index_cast %get3A_1983 : i32 to index
      %get3A_1985 = arith.constant 64 : index
      %get3A_1986 = tpu.vector_load %arg4[%get3A_1984, %get3A_1985] {strides = array<i32>} : memref<8x128xf32, #tpu.memory_space<vmem>>, vector<1x16xf32>,
      %get3A_1987 = vector.shape_cast %get3A_1986 : vector<1x16xf32> to vector<16xf32>
      %eq3A_1988 = arith.cmpf oeq, %get3A_1987, %max3A_1915 : vector<16xf32>
      %ne3A_1989 = arith.constant 1.000000e+00 : f32
      %ne3A_1990 = vector.broadcast %ne3A_1989 : f32 to vector<16xf32>
      %ne3A_1991 = arith.cmpf one, %select_n3A_1845, %ne3A_1990 : vector<16xf32>
      %and3A_1992 = arith.andi %eq3A_1988, %ne3A_1991 : vector<16xi1>
      %jit3A_1993 = arith.constant 1.000000e+00 : f32
      %broadcast_in_dim3A_1994 = vector.broadcast %jit3A_1993 : f32 to vector<16xf32>
      %select_n3A_1995 = arith.select %and3A_1992, %broadcast_in_dim3A_1994, %select_n3A_1982 : vector<16xi1>, vector<16xf32>
      %get3A_1996 = arith.constant 0 : i32
      %get3A_1997 = arith.index_cast %get3A_1996 : i32 to index
      %get3A_1998 = arith.constant 64 : index
      %get3A_1999 = tpu.vector_load %arg4[%get3A_1997, %get3A_1998] {strides = array<i32>} : memref<8x128xf32, #tpu.memory_space<vmem>>, vector<1x16xf32>,
      %get3A_2000 = vector.shape_cast %get3A_1999 : vector<1x16xf32> to vector<16xf32>
      %eq3A_2001 = arith.cmpf oeq, %get3A_2000, %max3A_1915 : vector<16xf32>
      %ne3A_2002 = arith.constant 0.000000e+00 : f32
      %ne3A_2003 = vector.broadcast %ne3A_2002 : f32 to vector<16xf32>
      %ne3A_2004 = arith.cmpf one, %select_n3A_1845, %ne3A_2003 : vector<16xf32>
      %and3A_2005 = arith.andi %eq3A_2001, %ne3A_2004 : vector<16xi1>
      %jit3A_2006 = arith.constant 0.000000e+00 : f32
      %broadcast_in_dim3A_2007 = vector.broadcast %jit3A_2006 : f32 to vector<16xf32>
      %select_n3A_2008 = arith.select %and3A_2005, %broadcast_in_dim3A_2007, %select_n3A_1995 : vector<16xi1>, vector<16xf32>
      %sub3A_2009 = arith.subf %max3A_1915, %max3A_1780 : vector<16xf32>
      %exp3A_2010 = math.exp %sub3A_2009 : vector<16xf32>
      %add3A_2011 = arith.constant 1.000000e+00 : f32
      %add3A_2012 = vector.broadcast %add3A_2011 : f32 to vector<16xf32>
      %add3A_2013 = arith.addf %add3A_2012, %exp3A_2010 : vector<16xf32>
      %div3A_2014 = arith.constant 1.000000e+00 : f32
      %div3A_2015 = vector.broadcast %div3A_2014 : f32 to vector<16xf32>
      %div3A_2016 = arith.divf %div3A_2015, %add3A_2013 : vector<16xf32>
      %div3A_2017 = arith.divf %exp3A_2010, %add3A_2013 : vector<16xf32>
      %eq3A_2018 = arith.constant -1.000000e+00 : f32
      %eq3A_2019 = vector.broadcast %eq3A_2018 : f32 to vector<16xf32>
      %eq3A_2020 = arith.cmpf oeq, %select_n3A_1845, %eq3A_2019 : vector<16xf32>
      %jit3A_2021 = arith.constant 0.000000e+00 : f32
      %broadcast_in_dim3A_2022 = vector.broadcast %jit3A_2021 : f32 to vector<16xf32>
      %select_n3A_2023 = arith.select %eq3A_2020, %div3A_2016, %broadcast_in_dim3A_2022 : vector<16xi1>, vector<16xf32>
      %eq3A_2024 = arith.constant -1.000000e+00 : f32
      %eq3A_2025 = vector.broadcast %eq3A_2024 : f32 to vector<16xf32>
      %eq3A_2026 = arith.cmpf oeq, %select_n3A_2008, %eq3A_2025 : vector<16xf32>
      %jit3A_2027 = arith.constant 0.000000e+00 : f32
      %broadcast_in_dim3A_2028 = vector.broadcast %jit3A_2027 : f32 to vector<16xf32>
      %select_n3A_2029 = arith.select %eq3A_2026, %div3A_2017, %broadcast_in_dim3A_2028 : vector<16xi1>, vector<16xf32>
      %add3A_2030 = arith.addf %select_n3A_2023, %select_n3A_2029 : vector<16xf32>
      %add3A_2031 = arith.constant 1.000000e+00 : f32
      %add3A_2032 = vector.broadcast %add3A_2031 : f32 to vector<16xf32>
      %add3A_2033 = arith.addf %add3A_2030, %add3A_2032 : vector<16xf32>
      %swap3A_2034 = arith.constant 0 : i32
      %swap3A_2035 = arith.index_cast %swap3A_2034 : i32 to index
      %swap3A_2036 = arith.constant 64 : index
      %swap3A_2037 = tpu.vector_load %arg5[%swap3A_2035, %swap3A_2036] {strides = array<i32>} : memref<8x128xf32, #tpu.memory_space<vmem>>, vector<1x16xf32>,
      %swap3A_2038 = vector.shape_cast %swap3A_2037 : vector<1x16xf32> to vector<16xf32>
      %swap3A_2039 = vector.shape_cast %add3A_2033 : vector<16xf32> to vector<1x16xf32>
      tpu.vector_store %arg5[%swap3A_2035, %swap3A_2036], %swap3A_2039 {strides = array<i32>} : memref<8x128xf32, #tpu.memory_space<vmem>>, vector<1x16xf32>,
      %eq3A_2040 = arith.constant 0.000000e+00 : f32
      %eq3A_2041 = vector.broadcast %eq3A_2040 : f32 to vector<16xf32>
      %eq3A_2042 = arith.cmpf oeq, %select_n3A_1845, %eq3A_2041 : vector<16xf32>
      %jit3A_2043 = arith.constant 0.000000e+00 : f32
      %broadcast_in_dim3A_2044 = vector.broadcast %jit3A_2043 : f32 to vector<16xf32>
      %select_n3A_2045 = arith.select %eq3A_2042, %div3A_2016, %broadcast_in_dim3A_2044 : vector<16xi1>, vector<16xf32>
      %eq3A_2046 = arith.constant 0.000000e+00 : f32
      %eq3A_2047 = vector.broadcast %eq3A_2046 : f32 to vector<16xf32>
      %eq3A_2048 = arith.cmpf oeq, %select_n3A_2008, %eq3A_2047 : vector<16xf32>
      %jit3A_2049 = arith.constant 0.000000e+00 : f32
      %broadcast_in_dim3A_2050 = vector.broadcast %jit3A_2049 : f32 to vector<16xf32>
      %select_n3A_2051 = arith.select %eq3A_2048, %div3A_2017, %broadcast_in_dim3A_2050 : vector<16xi1>, vector<16xf32>
      %add3A_2052 = arith.addf %select_n3A_2045, %select_n3A_2051 : vector<16xf32>
      %swap3A_2053 = arith.constant 1 : i32
      %swap3A_2054 = arith.index_cast %swap3A_2053 : i32 to index
      %swap3A_2055 = arith.constant 64 : index
      %swap3A_2056 = tpu.vector_load %arg5[%swap3A_2054, %swap3A_2055] {strides = array<i32>} : memref<8x128xf32, #tpu.memory_space<vmem>>, vector<1x16xf32>,
      %swap3A_2057 = vector.shape_cast %swap3A_2056 : vector<1x16xf32> to vector<16xf32>
      %swap3A_2058 = vector.shape_cast %add3A_2052 : vector<16xf32> to vector<1x16xf32>
      tpu.vector_store %arg5[%swap3A_2054, %swap3A_2055], %swap3A_2058 {strides = array<i32>} : memref<8x128xf32, #tpu.memory_space<vmem>>, vector<1x16xf32>,
      %eq3A_2059 = arith.constant 1.000000e+00 : f32
      %eq3A_2060 = vector.broadcast %eq3A_2059 : f32 to vector<16xf32>
      %eq3A_2061 = arith.cmpf oeq, %select_n3A_1845, %eq3A_2060 : vector<16xf32>
      %jit3A_2062 = arith.constant 0.000000e+00 : f32
      %broadcast_in_dim3A_2063 = vector.broadcast %jit3A_2062 : f32 to vector<16xf32>
      %select_n3A_2064 = arith.select %eq3A_2061, %div3A_2016, %broadcast_in_dim3A_2063 : vector<16xi1>, vector<16xf32>
      %eq3A_2065 = arith.constant 1.000000e+00 : f32
      %eq3A_2066 = vector.broadcast %eq3A_2065 : f32 to vector<16xf32>
      %eq3A_2067 = arith.cmpf oeq, %select_n3A_2008, %eq3A_2066 : vector<16xf32>
      %jit3A_2068 = arith.constant 0.000000e+00 : f32
      %broadcast_in_dim3A_2069 = vector.broadcast %jit3A_2068 : f32 to vector<16xf32>
      %select_n3A_2070 = arith.select %eq3A_2067, %div3A_2017, %broadcast_in_dim3A_2069 : vector<16xi1>, vector<16xf32>
      %add3A_2071 = arith.addf %select_n3A_2064, %select_n3A_2070 : vector<16xf32>
      %swap3A_2072 = arith.constant 2 : i32
      %swap3A_2073 = arith.index_cast %swap3A_2072 : i32 to index
      %swap3A_2074 = arith.constant 64 : index
      %swap3A_2075 = tpu.vector_load %arg5[%swap3A_2073, %swap3A_2074] {strides = array<i32>} : memref<8x128xf32, #tpu.memory_space<vmem>>, vector<1x16xf32>,
      %swap3A_2076 = vector.shape_cast %swap3A_2075 : vector<1x16xf32> to vector<16xf32>
      %swap3A_2077 = vector.shape_cast %add3A_2071 : vector<16xf32> to vector<1x16xf32>
      tpu.vector_store %arg5[%swap3A_2073, %swap3A_2074], %swap3A_2077 {strides = array<i32>} : memref<8x128xf32, #tpu.memory_space<vmem>>, vector<1x16xf32>,
      %eq3A_2078 = arith.constant 2.000000e+00 : f32
      %eq3A_2079 = vector.broadcast %eq3A_2078 : f32 to vector<16xf32>
      %eq3A_2080 = arith.cmpf oeq, %select_n3A_1845, %eq3A_2079 : vector<16xf32>
      %jit3A_2081 = arith.constant 0.000000e+00 : f32
      %broadcast_in_dim3A_2082 = vector.broadcast %jit3A_2081 : f32 to vector<16xf32>
      %select_n3A_2083 = arith.select %eq3A_2080, %div3A_2016, %broadcast_in_dim3A_2082 : vector<16xi1>, vector<16xf32>
      %eq3A_2084 = arith.constant 2.000000e+00 : f32
      %eq3A_2085 = vector.broadcast %eq3A_2084 : f32 to vector<16xf32>
      %eq3A_2086 = arith.cmpf oeq, %select_n3A_2008, %eq3A_2085 : vector<16xf32>
      %jit3A_2087 = arith.constant 0.000000e+00 : f32
      %broadcast_in_dim3A_2088 = vector.broadcast %jit3A_2087 : f32 to vector<16xf32>
      %select_n3A_2089 = arith.select %eq3A_2086, %div3A_2017, %broadcast_in_dim3A_2088 : vector<16xi1>, vector<16xf32>
      %add3A_2090 = arith.addf %select_n3A_2083, %select_n3A_2089 : vector<16xf32>
      %swap3A_2091 = arith.constant 3 : i32
      %swap3A_2092 = arith.index_cast %swap3A_2091 : i32 to index
      %swap3A_2093 = arith.constant 64 : index
      %swap3A_2094 = tpu.vector_load %arg5[%swap3A_2092, %swap3A_2093] {strides = array<i32>} : memref<8x128xf32, #tpu.memory_space<vmem>>, vector<1x16xf32>,
      %swap3A_2095 = vector.shape_cast %swap3A_2094 : vector<1x16xf32> to vector<16xf32>
      %swap3A_2096 = vector.shape_cast %add3A_2090 : vector<16xf32> to vector<1x16xf32>
      tpu.vector_store %arg5[%swap3A_2092, %swap3A_2093], %swap3A_2096 {strides = array<i32>} : memref<8x128xf32, #tpu.memory_space<vmem>>, vector<1x16xf32>,
      %eq3A_2097 = arith.constant 3.000000e+00 : f32
      %eq3A_2098 = vector.broadcast %eq3A_2097 : f32 to vector<16xf32>
      %eq3A_2099 = arith.cmpf oeq, %select_n3A_1845, %eq3A_2098 : vector<16xf32>
      %jit3A_2100 = arith.constant 0.000000e+00 : f32
      %broadcast_in_dim3A_2101 = vector.broadcast %jit3A_2100 : f32 to vector<16xf32>
      %select_n3A_2102 = arith.select %eq3A_2099, %div3A_2016, %broadcast_in_dim3A_2101 : vector<16xi1>, vector<16xf32>
      %eq3A_2103 = arith.constant 3.000000e+00 : f32
      %eq3A_2104 = vector.broadcast %eq3A_2103 : f32 to vector<16xf32>
      %eq3A_2105 = arith.cmpf oeq, %select_n3A_2008, %eq3A_2104 : vector<16xf32>
      %jit3A_2106 = arith.constant 0.000000e+00 : f32
      %broadcast_in_dim3A_2107 = vector.broadcast %jit3A_2106 : f32 to vector<16xf32>
      %select_n3A_2108 = arith.select %eq3A_2105, %div3A_2017, %broadcast_in_dim3A_2107 : vector<16xi1>, vector<16xf32>
      %add3A_2109 = arith.addf %select_n3A_2102, %select_n3A_2108 : vector<16xf32>
      %swap3A_2110 = arith.constant 4 : i32
      %swap3A_2111 = arith.index_cast %swap3A_2110 : i32 to index
      %swap3A_2112 = arith.constant 64 : index
      %swap3A_2113 = tpu.vector_load %arg5[%swap3A_2111, %swap3A_2112] {strides = array<i32>} : memref<8x128xf32, #tpu.memory_space<vmem>>, vector<1x16xf32>,
      %swap3A_2114 = vector.shape_cast %swap3A_2113 : vector<1x16xf32> to vector<16xf32>
      %swap3A_2115 = vector.shape_cast %add3A_2109 : vector<16xf32> to vector<1x16xf32>
      tpu.vector_store %arg5[%swap3A_2111, %swap3A_2112], %swap3A_2115 {strides = array<i32>} : memref<8x128xf32, #tpu.memory_space<vmem>>, vector<1x16xf32>,
      %eq3A_2116 = arith.constant 4.000000e+00 : f32
      %eq3A_2117 = vector.broadcast %eq3A_2116 : f32 to vector<16xf32>
      %eq3A_2118 = arith.cmpf oeq, %select_n3A_1845, %eq3A_2117 : vector<16xf32>
      %jit3A_2119 = arith.constant 0.000000e+00 : f32
      %broadcast_in_dim3A_2120 = vector.broadcast %jit3A_2119 : f32 to vector<16xf32>
      %select_n3A_2121 = arith.select %eq3A_2118, %div3A_2016, %broadcast_in_dim3A_2120 : vector<16xi1>, vector<16xf32>
      %eq3A_2122 = arith.constant 4.000000e+00 : f32
      %eq3A_2123 = vector.broadcast %eq3A_2122 : f32 to vector<16xf32>
      %eq3A_2124 = arith.cmpf oeq, %select_n3A_2008, %eq3A_2123 : vector<16xf32>
      %jit3A_2125 = arith.constant 0.000000e+00 : f32
      %broadcast_in_dim3A_2126 = vector.broadcast %jit3A_2125 : f32 to vector<16xf32>
      %select_n3A_2127 = arith.select %eq3A_2124, %div3A_2017, %broadcast_in_dim3A_2126 : vector<16xi1>, vector<16xf32>
      %add3A_2128 = arith.addf %select_n3A_2121, %select_n3A_2127 : vector<16xf32>
      %swap3A_2129 = arith.constant 5 : i32
      %swap3A_2130 = arith.index_cast %swap3A_2129 : i32 to index
      %swap3A_2131 = arith.constant 64 : index
      %swap3A_2132 = tpu.vector_load %arg5[%swap3A_2130, %swap3A_2131] {strides = array<i32>} : memref<8x128xf32, #tpu.memory_space<vmem>>, vector<1x16xf32>,
      %swap3A_2133 = vector.shape_cast %swap3A_2132 : vector<1x16xf32> to vector<16xf32>
      %swap3A_2134 = vector.shape_cast %add3A_2128 : vector<16xf32> to vector<1x16xf32>
      tpu.vector_store %arg5[%swap3A_2130, %swap3A_2131], %swap3A_2134 {strides = array<i32>} : memref<8x128xf32, #tpu.memory_space<vmem>>, vector<1x16xf32>,
      %eq3A_2135 = arith.constant 5.000000e+00 : f32
      %eq3A_2136 = vector.broadcast %eq3A_2135 : f32 to vector<16xf32>
      %eq3A_2137 = arith.cmpf oeq, %select_n3A_1845, %eq3A_2136 : vector<16xf32>
      %jit3A_2138 = arith.constant 0.000000e+00 : f32
      %broadcast_in_dim3A_2139 = vector.broadcast %jit3A_2138 : f32 to vector<16xf32>
      %select_n3A_2140 = arith.select %eq3A_2137, %div3A_2016, %broadcast_in_dim3A_2139 : vector<16xi1>, vector<16xf32>
      %eq3A_2141 = arith.constant 5.000000e+00 : f32
      %eq3A_2142 = vector.broadcast %eq3A_2141 : f32 to vector<16xf32>
      %eq3A_2143 = arith.cmpf oeq, %select_n3A_2008, %eq3A_2142 : vector<16xf32>
      %jit3A_2144 = arith.constant 0.000000e+00 : f32
      %broadcast_in_dim3A_2145 = vector.broadcast %jit3A_2144 : f32 to vector<16xf32>
      %select_n3A_2146 = arith.select %eq3A_2143, %div3A_2017, %broadcast_in_dim3A_2145 : vector<16xi1>, vector<16xf32>
      %add3A_2147 = arith.addf %select_n3A_2140, %select_n3A_2146 : vector<16xf32>
      %swap3A_2148 = arith.constant 6 : i32
      %swap3A_2149 = arith.index_cast %swap3A_2148 : i32 to index
      %swap3A_2150 = arith.constant 64 : index
      %swap3A_2151 = tpu.vector_load %arg5[%swap3A_2149, %swap3A_2150] {strides = array<i32>} : memref<8x128xf32, #tpu.memory_space<vmem>>, vector<1x16xf32>,
      %swap3A_2152 = vector.shape_cast %swap3A_2151 : vector<1x16xf32> to vector<16xf32>
      %swap3A_2153 = vector.shape_cast %add3A_2147 : vector<16xf32> to vector<1x16xf32>
      tpu.vector_store %arg5[%swap3A_2149, %swap3A_2150], %swap3A_2153 {strides = array<i32>} : memref<8x128xf32, #tpu.memory_space<vmem>>, vector<1x16xf32>,
      %eq3A_2154 = arith.constant 6.000000e+00 : f32
      %eq3A_2155 = vector.broadcast %eq3A_2154 : f32 to vector<16xf32>
      %eq3A_2156 = arith.cmpf oeq, %select_n3A_1845, %eq3A_2155 : vector<16xf32>
      %jit3A_2157 = arith.constant 0.000000e+00 : f32
      %broadcast_in_dim3A_2158 = vector.broadcast %jit3A_2157 : f32 to vector<16xf32>
      %select_n3A_2159 = arith.select %eq3A_2156, %div3A_2016, %broadcast_in_dim3A_2158 : vector<16xi1>, vector<16xf32>
      %eq3A_2160 = arith.constant 6.000000e+00 : f32
      %eq3A_2161 = vector.broadcast %eq3A_2160 : f32 to vector<16xf32>
      %eq3A_2162 = arith.cmpf oeq, %select_n3A_2008, %eq3A_2161 : vector<16xf32>
      %jit3A_2163 = arith.constant 0.000000e+00 : f32
      %broadcast_in_dim3A_2164 = vector.broadcast %jit3A_2163 : f32 to vector<16xf32>
      %select_n3A_2165 = arith.select %eq3A_2162, %div3A_2017, %broadcast_in_dim3A_2164 : vector<16xi1>, vector<16xf32>
      %add3A_2166 = arith.addf %select_n3A_2159, %select_n3A_2165 : vector<16xf32>
      %swap3A_2167 = arith.constant 7 : i32
      %swap3A_2168 = arith.index_cast %swap3A_2167 : i32 to index
      %swap3A_2169 = arith.constant 64 : index
      %swap3A_2170 = tpu.vector_load %arg5[%swap3A_2168, %swap3A_2169] {strides = array<i32>} : memref<8x128xf32, #tpu.memory_space<vmem>>, vector<1x16xf32>,
      %swap3A_2171 = vector.shape_cast %swap3A_2170 : vector<1x16xf32> to vector<16xf32>
      %swap3A_2172 = vector.shape_cast %add3A_2166 : vector<16xf32> to vector<1x16xf32>
      tpu.vector_store %arg5[%swap3A_2168, %swap3A_2169], %swap3A_2172 {strides = array<i32>} : memref<8x128xf32, #tpu.memory_space<vmem>>, vector<1x16xf32>,
      %broadcast_in_dim3A_2173 = arith.constant -1.000000e+30 : f32
      %broadcast_in_dim3A_2174 = vector.broadcast %broadcast_in_dim3A_2173 : f32 to vector<16xf32>
      %get3A_2175 = arith.constant 0 : i32
      %get3A_2176 = arith.index_cast %get3A_2175 : i32 to index
      %get3A_2177 = arith.constant 80 : index
      %get3A_2178 = tpu.vector_load %arg4[%get3A_2176, %get3A_2177] {strides = array<i32>} : memref<8x128xf32, #tpu.memory_space<vmem>>, vector<1x16xf32>,
      %get3A_2179 = vector.shape_cast %get3A_2178 : vector<1x16xf32> to vector<16xf32>
      %max3A_2180 = arith.maximumf %broadcast_in_dim3A_2174, %get3A_2179 : vector<16xf32>
      %get3A_2181 = arith.constant 1 : i32
      %get3A_2182 = arith.index_cast %get3A_2181 : i32 to index
      %get3A_2183 = arith.constant 80 : index
      %get3A_2184 = tpu.vector_load %arg4[%get3A_2182, %get3A_2183] {strides = array<i32>} : memref<8x128xf32, #tpu.memory_space<vmem>>, vector<1x16xf32>,
      %get3A_2185 = vector.shape_cast %get3A_2184 : vector<1x16xf32> to vector<16xf32>
      %max3A_2186 = arith.maximumf %max3A_2180, %get3A_2185 : vector<16xf32>
      %get3A_2187 = arith.constant 2 : i32
      %get3A_2188 = arith.index_cast %get3A_2187 : i32 to index
      %get3A_2189 = arith.constant 80 : index
      %get3A_2190 = tpu.vector_load %arg4[%get3A_2188, %get3A_2189] {strides = array<i32>} : memref<8x128xf32, #tpu.memory_space<vmem>>, vector<1x16xf32>,
      %get3A_2191 = vector.shape_cast %get3A_2190 : vector<1x16xf32> to vector<16xf32>
      %max3A_2192 = arith.maximumf %max3A_2186, %get3A_2191 : vector<16xf32>
      %get3A_2193 = arith.constant 3 : i32
      %get3A_2194 = arith.index_cast %get3A_2193 : i32 to index
      %get3A_2195 = arith.constant 80 : index
      %get3A_2196 = tpu.vector_load %arg4[%get3A_2194, %get3A_2195] {strides = array<i32>} : memref<8x128xf32, #tpu.memory_space<vmem>>, vector<1x16xf32>,
      %get3A_2197 = vector.shape_cast %get3A_2196 : vector<1x16xf32> to vector<16xf32>
      %max3A_2198 = arith.maximumf %max3A_2192, %get3A_2197 : vector<16xf32>
      %get3A_2199 = arith.constant 4 : i32
      %get3A_2200 = arith.index_cast %get3A_2199 : i32 to index
      %get3A_2201 = arith.constant 80 : index
      %get3A_2202 = tpu.vector_load %arg4[%get3A_2200, %get3A_2201] {strides = array<i32>} : memref<8x128xf32, #tpu.memory_space<vmem>>, vector<1x16xf32>,
      %get3A_2203 = vector.shape_cast %get3A_2202 : vector<1x16xf32> to vector<16xf32>
      %max3A_2204 = arith.maximumf %max3A_2198, %get3A_2203 : vector<16xf32>
      %get3A_2205 = arith.constant 5 : i32
      %get3A_2206 = arith.index_cast %get3A_2205 : i32 to index
      %get3A_2207 = arith.constant 80 : index
      %get3A_2208 = tpu.vector_load %arg4[%get3A_2206, %get3A_2207] {strides = array<i32>} : memref<8x128xf32, #tpu.memory_space<vmem>>, vector<1x16xf32>,
      %get3A_2209 = vector.shape_cast %get3A_2208 : vector<1x16xf32> to vector<16xf32>
      %max3A_2210 = arith.maximumf %max3A_2204, %get3A_2209 : vector<16xf32>
      %get3A_2211 = arith.constant 6 : i32
      %get3A_2212 = arith.index_cast %get3A_2211 : i32 to index
      %get3A_2213 = arith.constant 80 : index
      %get3A_2214 = tpu.vector_load %arg4[%get3A_2212, %get3A_2213] {strides = array<i32>} : memref<8x128xf32, #tpu.memory_space<vmem>>, vector<1x16xf32>,
      %get3A_2215 = vector.shape_cast %get3A_2214 : vector<1x16xf32> to vector<16xf32>
      %max3A_2216 = arith.maximumf %max3A_2210, %get3A_2215 : vector<16xf32>
      %broadcast_in_dim3A_2217 = arith.constant 9.900000e+01 : f32
      %broadcast_in_dim3A_2218 = vector.broadcast %broadcast_in_dim3A_2217 : f32 to vector<16xf32>
      %get3A_2219 = arith.constant 6 : i32
      %get3A_2220 = arith.index_cast %get3A_2219 : i32 to index
      %get3A_2221 = arith.constant 80 : index
      %get3A_2222 = tpu.vector_load %arg4[%get3A_2220, %get3A_2221] {strides = array<i32>} : memref<8x128xf32, #tpu.memory_space<vmem>>, vector<1x16xf32>,
      %get3A_2223 = vector.shape_cast %get3A_2222 : vector<1x16xf32> to vector<16xf32>
      %eq3A_2224 = arith.cmpf oeq, %get3A_2223, %max3A_2216 : vector<16xf32>
      %jit3A_2225 = arith.constant 6.000000e+00 : f32
      %broadcast_in_dim3A_2226 = vector.broadcast %jit3A_2225 : f32 to vector<16xf32>
      %select_n3A_2227 = arith.select %eq3A_2224, %broadcast_in_dim3A_2226, %broadcast_in_dim3A_2218 : vector<16xi1>, vector<16xf32>
      %get3A_2228 = arith.constant 5 : i32
      %get3A_2229 = arith.index_cast %get3A_2228 : i32 to index
      %get3A_2230 = arith.constant 80 : index
      %get3A_2231 = tpu.vector_load %arg4[%get3A_2229, %get3A_2230] {strides = array<i32>} : memref<8x128xf32, #tpu.memory_space<vmem>>, vector<1x16xf32>,
      %get3A_2232 = vector.shape_cast %get3A_2231 : vector<1x16xf32> to vector<16xf32>
      %eq3A_2233 = arith.cmpf oeq, %get3A_2232, %max3A_2216 : vector<16xf32>
      %jit3A_2234 = arith.constant 5.000000e+00 : f32
      %broadcast_in_dim3A_2235 = vector.broadcast %jit3A_2234 : f32 to vector<16xf32>
      %select_n3A_2236 = arith.select %eq3A_2233, %broadcast_in_dim3A_2235, %select_n3A_2227 : vector<16xi1>, vector<16xf32>
      %get3A_2237 = arith.constant 4 : i32
      %get3A_2238 = arith.index_cast %get3A_2237 : i32 to index
      %get3A_2239 = arith.constant 80 : index
      %get3A_2240 = tpu.vector_load %arg4[%get3A_2238, %get3A_2239] {strides = array<i32>} : memref<8x128xf32, #tpu.memory_space<vmem>>, vector<1x16xf32>,
      %get3A_2241 = vector.shape_cast %get3A_2240 : vector<1x16xf32> to vector<16xf32>
      %eq3A_2242 = arith.cmpf oeq, %get3A_2241, %max3A_2216 : vector<16xf32>
      %jit3A_2243 = arith.constant 4.000000e+00 : f32
      %broadcast_in_dim3A_2244 = vector.broadcast %jit3A_2243 : f32 to vector<16xf32>
      %select_n3A_2245 = arith.select %eq3A_2242, %broadcast_in_dim3A_2244, %select_n3A_2236 : vector<16xi1>, vector<16xf32>
      %get3A_2246 = arith.constant 3 : i32
      %get3A_2247 = arith.index_cast %get3A_2246 : i32 to index
      %get3A_2248 = arith.constant 80 : index
      %get3A_2249 = tpu.vector_load %arg4[%get3A_2247, %get3A_2248] {strides = array<i32>} : memref<8x128xf32, #tpu.memory_space<vmem>>, vector<1x16xf32>,
      %get3A_2250 = vector.shape_cast %get3A_2249 : vector<1x16xf32> to vector<16xf32>
      %eq3A_2251 = arith.cmpf oeq, %get3A_2250, %max3A_2216 : vector<16xf32>
      %jit3A_2252 = arith.constant 3.000000e+00 : f32
      %broadcast_in_dim3A_2253 = vector.broadcast %jit3A_2252 : f32 to vector<16xf32>
      %select_n3A_2254 = arith.select %eq3A_2251, %broadcast_in_dim3A_2253, %select_n3A_2245 : vector<16xi1>, vector<16xf32>
      %get3A_2255 = arith.constant 2 : i32
      %get3A_2256 = arith.index_cast %get3A_2255 : i32 to index
      %get3A_2257 = arith.constant 80 : index
      %get3A_2258 = tpu.vector_load %arg4[%get3A_2256, %get3A_2257] {strides = array<i32>} : memref<8x128xf32, #tpu.memory_space<vmem>>, vector<1x16xf32>,
      %get3A_2259 = vector.shape_cast %get3A_2258 : vector<1x16xf32> to vector<16xf32>
      %eq3A_2260 = arith.cmpf oeq, %get3A_2259, %max3A_2216 : vector<16xf32>
      %jit3A_2261 = arith.constant 2.000000e+00 : f32
      %broadcast_in_dim3A_2262 = vector.broadcast %jit3A_2261 : f32 to vector<16xf32>
      %select_n3A_2263 = arith.select %eq3A_2260, %broadcast_in_dim3A_2262, %select_n3A_2254 : vector<16xi1>, vector<16xf32>
      %get3A_2264 = arith.constant 1 : i32
      %get3A_2265 = arith.index_cast %get3A_2264 : i32 to index
      %get3A_2266 = arith.constant 80 : index
      %get3A_2267 = tpu.vector_load %arg4[%get3A_2265, %get3A_2266] {strides = array<i32>} : memref<8x128xf32, #tpu.memory_space<vmem>>, vector<1x16xf32>,
      %get3A_2268 = vector.shape_cast %get3A_2267 : vector<1x16xf32> to vector<16xf32>
      %eq3A_2269 = arith.cmpf oeq, %get3A_2268, %max3A_2216 : vector<16xf32>
      %jit3A_2270 = arith.constant 1.000000e+00 : f32
      %broadcast_in_dim3A_2271 = vector.broadcast %jit3A_2270 : f32 to vector<16xf32>
      %select_n3A_2272 = arith.select %eq3A_2269, %broadcast_in_dim3A_2271, %select_n3A_2263 : vector<16xi1>, vector<16xf32>
      %get3A_2273 = arith.constant 0 : i32
      %get3A_2274 = arith.index_cast %get3A_2273 : i32 to index
      %get3A_2275 = arith.constant 80 : index
      %get3A_2276 = tpu.vector_load %arg4[%get3A_2274, %get3A_2275] {strides = array<i32>} : memref<8x128xf32, #tpu.memory_space<vmem>>, vector<1x16xf32>,
      %get3A_2277 = vector.shape_cast %get3A_2276 : vector<1x16xf32> to vector<16xf32>
      %eq3A_2278 = arith.cmpf oeq, %get3A_2277, %max3A_2216 : vector<16xf32>
      %jit3A_2279 = arith.constant 0.000000e+00 : f32
      %broadcast_in_dim3A_2280 = vector.broadcast %jit3A_2279 : f32 to vector<16xf32>
      %select_n3A_2281 = arith.select %eq3A_2278, %broadcast_in_dim3A_2280, %select_n3A_2272 : vector<16xi1>, vector<16xf32>
      %get3A_2282 = arith.constant 0 : i32
      %get3A_2283 = arith.index_cast %get3A_2282 : i32 to index
      %get3A_2284 = arith.constant 80 : index
      %get3A_2285 = tpu.vector_load %arg4[%get3A_2283, %get3A_2284] {strides = array<i32>} : memref<8x128xf32, #tpu.memory_space<vmem>>, vector<1x16xf32>,
      %get3A_2286 = vector.shape_cast %get3A_2285 : vector<1x16xf32> to vector<16xf32>
      %eq3A_2287 = arith.constant 0.000000e+00 : f32
      %eq3A_2288 = vector.broadcast %eq3A_2287 : f32 to vector<16xf32>
      %eq3A_2289 = arith.cmpf oeq, %select_n3A_2281, %eq3A_2288 : vector<16xf32>
      %select_n3A_2290 = arith.select %eq3A_2289, %broadcast_in_dim3A_2174, %get3A_2286 : vector<16xi1>, vector<16xf32>
      %max3A_2291 = arith.maximumf %broadcast_in_dim3A_2174, %select_n3A_2290 : vector<16xf32>
      %get3A_2292 = arith.constant 1 : i32
      %get3A_2293 = arith.index_cast %get3A_2292 : i32 to index
      %get3A_2294 = arith.constant 80 : index
      %get3A_2295 = tpu.vector_load %arg4[%get3A_2293, %get3A_2294] {strides = array<i32>} : memref<8x128xf32, #tpu.memory_space<vmem>>, vector<1x16xf32>,
      %get3A_2296 = vector.shape_cast %get3A_2295 : vector<1x16xf32> to vector<16xf32>
      %eq3A_2297 = arith.constant 1.000000e+00 : f32
      %eq3A_2298 = vector.broadcast %eq3A_2297 : f32 to vector<16xf32>
      %eq3A_2299 = arith.cmpf oeq, %select_n3A_2281, %eq3A_2298 : vector<16xf32>
      %select_n3A_2300 = arith.select %eq3A_2299, %broadcast_in_dim3A_2174, %get3A_2296 : vector<16xi1>, vector<16xf32>
      %max3A_2301 = arith.maximumf %max3A_2291, %select_n3A_2300 : vector<16xf32>
      %get3A_2302 = arith.constant 2 : i32
      %get3A_2303 = arith.index_cast %get3A_2302 : i32 to index
      %get3A_2304 = arith.constant 80 : index
      %get3A_2305 = tpu.vector_load %arg4[%get3A_2303, %get3A_2304] {strides = array<i32>} : memref<8x128xf32, #tpu.memory_space<vmem>>, vector<1x16xf32>,
      %get3A_2306 = vector.shape_cast %get3A_2305 : vector<1x16xf32> to vector<16xf32>
      %eq3A_2307 = arith.constant 2.000000e+00 : f32
      %eq3A_2308 = vector.broadcast %eq3A_2307 : f32 to vector<16xf32>
      %eq3A_2309 = arith.cmpf oeq, %select_n3A_2281, %eq3A_2308 : vector<16xf32>
      %select_n3A_2310 = arith.select %eq3A_2309, %broadcast_in_dim3A_2174, %get3A_2306 : vector<16xi1>, vector<16xf32>
      %max3A_2311 = arith.maximumf %max3A_2301, %select_n3A_2310 : vector<16xf32>
      %get3A_2312 = arith.constant 3 : i32
      %get3A_2313 = arith.index_cast %get3A_2312 : i32 to index
      %get3A_2314 = arith.constant 80 : index
      %get3A_2315 = tpu.vector_load %arg4[%get3A_2313, %get3A_2314] {strides = array<i32>} : memref<8x128xf32, #tpu.memory_space<vmem>>, vector<1x16xf32>,
      %get3A_2316 = vector.shape_cast %get3A_2315 : vector<1x16xf32> to vector<16xf32>
      %eq3A_2317 = arith.constant 3.000000e+00 : f32
      %eq3A_2318 = vector.broadcast %eq3A_2317 : f32 to vector<16xf32>
      %eq3A_2319 = arith.cmpf oeq, %select_n3A_2281, %eq3A_2318 : vector<16xf32>
      %select_n3A_2320 = arith.select %eq3A_2319, %broadcast_in_dim3A_2174, %get3A_2316 : vector<16xi1>, vector<16xf32>
      %max3A_2321 = arith.maximumf %max3A_2311, %select_n3A_2320 : vector<16xf32>
      %get3A_2322 = arith.constant 4 : i32
      %get3A_2323 = arith.index_cast %get3A_2322 : i32 to index
      %get3A_2324 = arith.constant 80 : index
      %get3A_2325 = tpu.vector_load %arg4[%get3A_2323, %get3A_2324] {strides = array<i32>} : memref<8x128xf32, #tpu.memory_space<vmem>>, vector<1x16xf32>,
      %get3A_2326 = vector.shape_cast %get3A_2325 : vector<1x16xf32> to vector<16xf32>
      %eq3A_2327 = arith.constant 4.000000e+00 : f32
      %eq3A_2328 = vector.broadcast %eq3A_2327 : f32 to vector<16xf32>
      %eq3A_2329 = arith.cmpf oeq, %select_n3A_2281, %eq3A_2328 : vector<16xf32>
      %select_n3A_2330 = arith.select %eq3A_2329, %broadcast_in_dim3A_2174, %get3A_2326 : vector<16xi1>, vector<16xf32>
      %max3A_2331 = arith.maximumf %max3A_2321, %select_n3A_2330 : vector<16xf32>
      %get3A_2332 = arith.constant 5 : i32
      %get3A_2333 = arith.index_cast %get3A_2332 : i32 to index
      %get3A_2334 = arith.constant 80 : index
      %get3A_2335 = tpu.vector_load %arg4[%get3A_2333, %get3A_2334] {strides = array<i32>} : memref<8x128xf32, #tpu.memory_space<vmem>>, vector<1x16xf32>,
      %get3A_2336 = vector.shape_cast %get3A_2335 : vector<1x16xf32> to vector<16xf32>
      %eq3A_2337 = arith.constant 5.000000e+00 : f32
      %eq3A_2338 = vector.broadcast %eq3A_2337 : f32 to vector<16xf32>
      %eq3A_2339 = arith.cmpf oeq, %select_n3A_2281, %eq3A_2338 : vector<16xf32>
      %select_n3A_2340 = arith.select %eq3A_2339, %broadcast_in_dim3A_2174, %get3A_2336 : vector<16xi1>, vector<16xf32>
      %max3A_2341 = arith.maximumf %max3A_2331, %select_n3A_2340 : vector<16xf32>
      %get3A_2342 = arith.constant 6 : i32
      %get3A_2343 = arith.index_cast %get3A_2342 : i32 to index
      %get3A_2344 = arith.constant 80 : index
      %get3A_2345 = tpu.vector_load %arg4[%get3A_2343, %get3A_2344] {strides = array<i32>} : memref<8x128xf32, #tpu.memory_space<vmem>>, vector<1x16xf32>,
      %get3A_2346 = vector.shape_cast %get3A_2345 : vector<1x16xf32> to vector<16xf32>
      %eq3A_2347 = arith.constant 6.000000e+00 : f32
      %eq3A_2348 = vector.broadcast %eq3A_2347 : f32 to vector<16xf32>
      %eq3A_2349 = arith.cmpf oeq, %select_n3A_2281, %eq3A_2348 : vector<16xf32>
      %select_n3A_2350 = arith.select %eq3A_2349, %broadcast_in_dim3A_2174, %get3A_2346 : vector<16xi1>, vector<16xf32>
      %max3A_2351 = arith.maximumf %max3A_2341, %select_n3A_2350 : vector<16xf32>
      %broadcast_in_dim3A_2352 = arith.constant 9.900000e+01 : f32
      %broadcast_in_dim3A_2353 = vector.broadcast %broadcast_in_dim3A_2352 : f32 to vector<16xf32>
      %get3A_2354 = arith.constant 6 : i32
      %get3A_2355 = arith.index_cast %get3A_2354 : i32 to index
      %get3A_2356 = arith.constant 80 : index
      %get3A_2357 = tpu.vector_load %arg4[%get3A_2355, %get3A_2356] {strides = array<i32>} : memref<8x128xf32, #tpu.memory_space<vmem>>, vector<1x16xf32>,
      %get3A_2358 = vector.shape_cast %get3A_2357 : vector<1x16xf32> to vector<16xf32>
      %eq3A_2359 = arith.cmpf oeq, %get3A_2358, %max3A_2351 : vector<16xf32>
      %ne3A_2360 = arith.constant 6.000000e+00 : f32
      %ne3A_2361 = vector.broadcast %ne3A_2360 : f32 to vector<16xf32>
      %ne3A_2362 = arith.cmpf one, %select_n3A_2281, %ne3A_2361 : vector<16xf32>
      %and3A_2363 = arith.andi %eq3A_2359, %ne3A_2362 : vector<16xi1>
      %jit3A_2364 = arith.constant 6.000000e+00 : f32
      %broadcast_in_dim3A_2365 = vector.broadcast %jit3A_2364 : f32 to vector<16xf32>
      %select_n3A_2366 = arith.select %and3A_2363, %broadcast_in_dim3A_2365, %broadcast_in_dim3A_2353 : vector<16xi1>, vector<16xf32>
      %get3A_2367 = arith.constant 5 : i32
      %get3A_2368 = arith.index_cast %get3A_2367 : i32 to index
      %get3A_2369 = arith.constant 80 : index
      %get3A_2370 = tpu.vector_load %arg4[%get3A_2368, %get3A_2369] {strides = array<i32>} : memref<8x128xf32, #tpu.memory_space<vmem>>, vector<1x16xf32>,
      %get3A_2371 = vector.shape_cast %get3A_2370 : vector<1x16xf32> to vector<16xf32>
      %eq3A_2372 = arith.cmpf oeq, %get3A_2371, %max3A_2351 : vector<16xf32>
      %ne3A_2373 = arith.constant 5.000000e+00 : f32
      %ne3A_2374 = vector.broadcast %ne3A_2373 : f32 to vector<16xf32>
      %ne3A_2375 = arith.cmpf one, %select_n3A_2281, %ne3A_2374 : vector<16xf32>
      %and3A_2376 = arith.andi %eq3A_2372, %ne3A_2375 : vector<16xi1>
      %jit3A_2377 = arith.constant 5.000000e+00 : f32
      %broadcast_in_dim3A_2378 = vector.broadcast %jit3A_2377 : f32 to vector<16xf32>
      %select_n3A_2379 = arith.select %and3A_2376, %broadcast_in_dim3A_2378, %select_n3A_2366 : vector<16xi1>, vector<16xf32>
      %get3A_2380 = arith.constant 4 : i32
      %get3A_2381 = arith.index_cast %get3A_2380 : i32 to index
      %get3A_2382 = arith.constant 80 : index
      %get3A_2383 = tpu.vector_load %arg4[%get3A_2381, %get3A_2382] {strides = array<i32>} : memref<8x128xf32, #tpu.memory_space<vmem>>, vector<1x16xf32>,
      %get3A_2384 = vector.shape_cast %get3A_2383 : vector<1x16xf32> to vector<16xf32>
      %eq3A_2385 = arith.cmpf oeq, %get3A_2384, %max3A_2351 : vector<16xf32>
      %ne3A_2386 = arith.constant 4.000000e+00 : f32
      %ne3A_2387 = vector.broadcast %ne3A_2386 : f32 to vector<16xf32>
      %ne3A_2388 = arith.cmpf one, %select_n3A_2281, %ne3A_2387 : vector<16xf32>
      %and3A_2389 = arith.andi %eq3A_2385, %ne3A_2388 : vector<16xi1>
      %jit3A_2390 = arith.constant 4.000000e+00 : f32
      %broadcast_in_dim3A_2391 = vector.broadcast %jit3A_2390 : f32 to vector<16xf32>
      %select_n3A_2392 = arith.select %and3A_2389, %broadcast_in_dim3A_2391, %select_n3A_2379 : vector<16xi1>, vector<16xf32>
      %get3A_2393 = arith.constant 3 : i32
      %get3A_2394 = arith.index_cast %get3A_2393 : i32 to index
      %get3A_2395 = arith.constant 80 : index
      %get3A_2396 = tpu.vector_load %arg4[%get3A_2394, %get3A_2395] {strides = array<i32>} : memref<8x128xf32, #tpu.memory_space<vmem>>, vector<1x16xf32>,
      %get3A_2397 = vector.shape_cast %get3A_2396 : vector<1x16xf32> to vector<16xf32>
      %eq3A_2398 = arith.cmpf oeq, %get3A_2397, %max3A_2351 : vector<16xf32>
      %ne3A_2399 = arith.constant 3.000000e+00 : f32
      %ne3A_2400 = vector.broadcast %ne3A_2399 : f32 to vector<16xf32>
      %ne3A_2401 = arith.cmpf one, %select_n3A_2281, %ne3A_2400 : vector<16xf32>
      %and3A_2402 = arith.andi %eq3A_2398, %ne3A_2401 : vector<16xi1>
      %jit3A_2403 = arith.constant 3.000000e+00 : f32
      %broadcast_in_dim3A_2404 = vector.broadcast %jit3A_2403 : f32 to vector<16xf32>
      %select_n3A_2405 = arith.select %and3A_2402, %broadcast_in_dim3A_2404, %select_n3A_2392 : vector<16xi1>, vector<16xf32>
      %get3A_2406 = arith.constant 2 : i32
      %get3A_2407 = arith.index_cast %get3A_2406 : i32 to index
      %get3A_2408 = arith.constant 80 : index
      %get3A_2409 = tpu.vector_load %arg4[%get3A_2407, %get3A_2408] {strides = array<i32>} : memref<8x128xf32, #tpu.memory_space<vmem>>, vector<1x16xf32>,
      %get3A_2410 = vector.shape_cast %get3A_2409 : vector<1x16xf32> to vector<16xf32>
      %eq3A_2411 = arith.cmpf oeq, %get3A_2410, %max3A_2351 : vector<16xf32>
      %ne3A_2412 = arith.constant 2.000000e+00 : f32
      %ne3A_2413 = vector.broadcast %ne3A_2412 : f32 to vector<16xf32>
      %ne3A_2414 = arith.cmpf one, %select_n3A_2281, %ne3A_2413 : vector<16xf32>
      %and3A_2415 = arith.andi %eq3A_2411, %ne3A_2414 : vector<16xi1>
      %jit3A_2416 = arith.constant 2.000000e+00 : f32
      %broadcast_in_dim3A_2417 = vector.broadcast %jit3A_2416 : f32 to vector<16xf32>
      %select_n3A_2418 = arith.select %and3A_2415, %broadcast_in_dim3A_2417, %select_n3A_2405 : vector<16xi1>, vector<16xf32>
      %get3A_2419 = arith.constant 1 : i32
      %get3A_2420 = arith.index_cast %get3A_2419 : i32 to index
      %get3A_2421 = arith.constant 80 : index
      %get3A_2422 = tpu.vector_load %arg4[%get3A_2420, %get3A_2421] {strides = array<i32>} : memref<8x128xf32, #tpu.memory_space<vmem>>, vector<1x16xf32>,
      %get3A_2423 = vector.shape_cast %get3A_2422 : vector<1x16xf32> to vector<16xf32>
      %eq3A_2424 = arith.cmpf oeq, %get3A_2423, %max3A_2351 : vector<16xf32>
      %ne3A_2425 = arith.constant 1.000000e+00 : f32
      %ne3A_2426 = vector.broadcast %ne3A_2425 : f32 to vector<16xf32>
      %ne3A_2427 = arith.cmpf one, %select_n3A_2281, %ne3A_2426 : vector<16xf32>
      %and3A_2428 = arith.andi %eq3A_2424, %ne3A_2427 : vector<16xi1>
      %jit3A_2429 = arith.constant 1.000000e+00 : f32
      %broadcast_in_dim3A_2430 = vector.broadcast %jit3A_2429 : f32 to vector<16xf32>
      %select_n3A_2431 = arith.select %and3A_2428, %broadcast_in_dim3A_2430, %select_n3A_2418 : vector<16xi1>, vector<16xf32>
      %get3A_2432 = arith.constant 0 : i32
      %get3A_2433 = arith.index_cast %get3A_2432 : i32 to index
      %get3A_2434 = arith.constant 80 : index
      %get3A_2435 = tpu.vector_load %arg4[%get3A_2433, %get3A_2434] {strides = array<i32>} : memref<8x128xf32, #tpu.memory_space<vmem>>, vector<1x16xf32>,
      %get3A_2436 = vector.shape_cast %get3A_2435 : vector<1x16xf32> to vector<16xf32>
      %eq3A_2437 = arith.cmpf oeq, %get3A_2436, %max3A_2351 : vector<16xf32>
      %ne3A_2438 = arith.constant 0.000000e+00 : f32
      %ne3A_2439 = vector.broadcast %ne3A_2438 : f32 to vector<16xf32>
      %ne3A_2440 = arith.cmpf one, %select_n3A_2281, %ne3A_2439 : vector<16xf32>
      %and3A_2441 = arith.andi %eq3A_2437, %ne3A_2440 : vector<16xi1>
      %jit3A_2442 = arith.constant 0.000000e+00 : f32
      %broadcast_in_dim3A_2443 = vector.broadcast %jit3A_2442 : f32 to vector<16xf32>
      %select_n3A_2444 = arith.select %and3A_2441, %broadcast_in_dim3A_2443, %select_n3A_2431 : vector<16xi1>, vector<16xf32>
      %sub3A_2445 = arith.subf %max3A_2351, %max3A_2216 : vector<16xf32>
      %exp3A_2446 = math.exp %sub3A_2445 : vector<16xf32>
      %add3A_2447 = arith.constant 1.000000e+00 : f32
      %add3A_2448 = vector.broadcast %add3A_2447 : f32 to vector<16xf32>
      %add3A_2449 = arith.addf %add3A_2448, %exp3A_2446 : vector<16xf32>
      %div3A_2450 = arith.constant 1.000000e+00 : f32
      %div3A_2451 = vector.broadcast %div3A_2450 : f32 to vector<16xf32>
      %div3A_2452 = arith.divf %div3A_2451, %add3A_2449 : vector<16xf32>
      %div3A_2453 = arith.divf %exp3A_2446, %add3A_2449 : vector<16xf32>
      %eq3A_2454 = arith.constant -1.000000e+00 : f32
      %eq3A_2455 = vector.broadcast %eq3A_2454 : f32 to vector<16xf32>
      %eq3A_2456 = arith.cmpf oeq, %select_n3A_2281, %eq3A_2455 : vector<16xf32>
      %jit3A_2457 = arith.constant 0.000000e+00 : f32
      %broadcast_in_dim3A_2458 = vector.broadcast %jit3A_2457 : f32 to vector<16xf32>
      %select_n3A_2459 = arith.select %eq3A_2456, %div3A_2452, %broadcast_in_dim3A_2458 : vector<16xi1>, vector<16xf32>
      %eq3A_2460 = arith.constant -1.000000e+00 : f32
      %eq3A_2461 = vector.broadcast %eq3A_2460 : f32 to vector<16xf32>
      %eq3A_2462 = arith.cmpf oeq, %select_n3A_2444, %eq3A_2461 : vector<16xf32>
      %jit3A_2463 = arith.constant 0.000000e+00 : f32
      %broadcast_in_dim3A_2464 = vector.broadcast %jit3A_2463 : f32 to vector<16xf32>
      %select_n3A_2465 = arith.select %eq3A_2462, %div3A_2453, %broadcast_in_dim3A_2464 : vector<16xi1>, vector<16xf32>
      %add3A_2466 = arith.addf %select_n3A_2459, %select_n3A_2465 : vector<16xf32>
      %add3A_2467 = arith.constant 1.000000e+00 : f32
      %add3A_2468 = vector.broadcast %add3A_2467 : f32 to vector<16xf32>
      %add3A_2469 = arith.addf %add3A_2466, %add3A_2468 : vector<16xf32>
      %swap3A_2470 = arith.constant 0 : i32
      %swap3A_2471 = arith.index_cast %swap3A_2470 : i32 to index
      %swap3A_2472 = arith.constant 80 : index
      %swap3A_2473 = tpu.vector_load %arg5[%swap3A_2471, %swap3A_2472] {strides = array<i32>} : memref<8x128xf32, #tpu.memory_space<vmem>>, vector<1x16xf32>,
      %swap3A_2474 = vector.shape_cast %swap3A_2473 : vector<1x16xf32> to vector<16xf32>
      %swap3A_2475 = vector.shape_cast %add3A_2469 : vector<16xf32> to vector<1x16xf32>
      tpu.vector_store %arg5[%swap3A_2471, %swap3A_2472], %swap3A_2475 {strides = array<i32>} : memref<8x128xf32, #tpu.memory_space<vmem>>, vector<1x16xf32>,
      %eq3A_2476 = arith.constant 0.000000e+00 : f32
      %eq3A_2477 = vector.broadcast %eq3A_2476 : f32 to vector<16xf32>
      %eq3A_2478 = arith.cmpf oeq, %select_n3A_2281, %eq3A_2477 : vector<16xf32>
      %jit3A_2479 = arith.constant 0.000000e+00 : f32
      %broadcast_in_dim3A_2480 = vector.broadcast %jit3A_2479 : f32 to vector<16xf32>
      %select_n3A_2481 = arith.select %eq3A_2478, %div3A_2452, %broadcast_in_dim3A_2480 : vector<16xi1>, vector<16xf32>
      %eq3A_2482 = arith.constant 0.000000e+00 : f32
      %eq3A_2483 = vector.broadcast %eq3A_2482 : f32 to vector<16xf32>
      %eq3A_2484 = arith.cmpf oeq, %select_n3A_2444, %eq3A_2483 : vector<16xf32>
      %jit3A_2485 = arith.constant 0.000000e+00 : f32
      %broadcast_in_dim3A_2486 = vector.broadcast %jit3A_2485 : f32 to vector<16xf32>
      %select_n3A_2487 = arith.select %eq3A_2484, %div3A_2453, %broadcast_in_dim3A_2486 : vector<16xi1>, vector<16xf32>
      %add3A_2488 = arith.addf %select_n3A_2481, %select_n3A_2487 : vector<16xf32>
      %swap3A_2489 = arith.constant 1 : i32
      %swap3A_2490 = arith.index_cast %swap3A_2489 : i32 to index
      %swap3A_2491 = arith.constant 80 : index
      %swap3A_2492 = tpu.vector_load %arg5[%swap3A_2490, %swap3A_2491] {strides = array<i32>} : memref<8x128xf32, #tpu.memory_space<vmem>>, vector<1x16xf32>,
      %swap3A_2493 = vector.shape_cast %swap3A_2492 : vector<1x16xf32> to vector<16xf32>
      %swap3A_2494 = vector.shape_cast %add3A_2488 : vector<16xf32> to vector<1x16xf32>
      tpu.vector_store %arg5[%swap3A_2490, %swap3A_2491], %swap3A_2494 {strides = array<i32>} : memref<8x128xf32, #tpu.memory_space<vmem>>, vector<1x16xf32>,
      %eq3A_2495 = arith.constant 1.000000e+00 : f32
      %eq3A_2496 = vector.broadcast %eq3A_2495 : f32 to vector<16xf32>
      %eq3A_2497 = arith.cmpf oeq, %select_n3A_2281, %eq3A_2496 : vector<16xf32>
      %jit3A_2498 = arith.constant 0.000000e+00 : f32
      %broadcast_in_dim3A_2499 = vector.broadcast %jit3A_2498 : f32 to vector<16xf32>
      %select_n3A_2500 = arith.select %eq3A_2497, %div3A_2452, %broadcast_in_dim3A_2499 : vector<16xi1>, vector<16xf32>
      %eq3A_2501 = arith.constant 1.000000e+00 : f32
      %eq3A_2502 = vector.broadcast %eq3A_2501 : f32 to vector<16xf32>
      %eq3A_2503 = arith.cmpf oeq, %select_n3A_2444, %eq3A_2502 : vector<16xf32>
      %jit3A_2504 = arith.constant 0.000000e+00 : f32
      %broadcast_in_dim3A_2505 = vector.broadcast %jit3A_2504 : f32 to vector<16xf32>
      %select_n3A_2506 = arith.select %eq3A_2503, %div3A_2453, %broadcast_in_dim3A_2505 : vector<16xi1>, vector<16xf32>
      %add3A_2507 = arith.addf %select_n3A_2500, %select_n3A_2506 : vector<16xf32>
      %swap3A_2508 = arith.constant 2 : i32
      %swap3A_2509 = arith.index_cast %swap3A_2508 : i32 to index
      %swap3A_2510 = arith.constant 80 : index
      %swap3A_2511 = tpu.vector_load %arg5[%swap3A_2509, %swap3A_2510] {strides = array<i32>} : memref<8x128xf32, #tpu.memory_space<vmem>>, vector<1x16xf32>,
      %swap3A_2512 = vector.shape_cast %swap3A_2511 : vector<1x16xf32> to vector<16xf32>
      %swap3A_2513 = vector.shape_cast %add3A_2507 : vector<16xf32> to vector<1x16xf32>
      tpu.vector_store %arg5[%swap3A_2509, %swap3A_2510], %swap3A_2513 {strides = array<i32>} : memref<8x128xf32, #tpu.memory_space<vmem>>, vector<1x16xf32>,
      %eq3A_2514 = arith.constant 2.000000e+00 : f32
      %eq3A_2515 = vector.broadcast %eq3A_2514 : f32 to vector<16xf32>
      %eq3A_2516 = arith.cmpf oeq, %select_n3A_2281, %eq3A_2515 : vector<16xf32>
      %jit3A_2517 = arith.constant 0.000000e+00 : f32
      %broadcast_in_dim3A_2518 = vector.broadcast %jit3A_2517 : f32 to vector<16xf32>
      %select_n3A_2519 = arith.select %eq3A_2516, %div3A_2452, %broadcast_in_dim3A_2518 : vector<16xi1>, vector<16xf32>
      %eq3A_2520 = arith.constant 2.000000e+00 : f32
      %eq3A_2521 = vector.broadcast %eq3A_2520 : f32 to vector<16xf32>
      %eq3A_2522 = arith.cmpf oeq, %select_n3A_2444, %eq3A_2521 : vector<16xf32>
      %jit3A_2523 = arith.constant 0.000000e+00 : f32
      %broadcast_in_dim3A_2524 = vector.broadcast %jit3A_2523 : f32 to vector<16xf32>
      %select_n3A_2525 = arith.select %eq3A_2522, %div3A_2453, %broadcast_in_dim3A_2524 : vector<16xi1>, vector<16xf32>
      %add3A_2526 = arith.addf %select_n3A_2519, %select_n3A_2525 : vector<16xf32>
      %swap3A_2527 = arith.constant 3 : i32
      %swap3A_2528 = arith.index_cast %swap3A_2527 : i32 to index
      %swap3A_2529 = arith.constant 80 : index
      %swap3A_2530 = tpu.vector_load %arg5[%swap3A_2528, %swap3A_2529] {strides = array<i32>} : memref<8x128xf32, #tpu.memory_space<vmem>>, vector<1x16xf32>,
      %swap3A_2531 = vector.shape_cast %swap3A_2530 : vector<1x16xf32> to vector<16xf32>
      %swap3A_2532 = vector.shape_cast %add3A_2526 : vector<16xf32> to vector<1x16xf32>
      tpu.vector_store %arg5[%swap3A_2528, %swap3A_2529], %swap3A_2532 {strides = array<i32>} : memref<8x128xf32, #tpu.memory_space<vmem>>, vector<1x16xf32>,
      %eq3A_2533 = arith.constant 3.000000e+00 : f32
      %eq3A_2534 = vector.broadcast %eq3A_2533 : f32 to vector<16xf32>
      %eq3A_2535 = arith.cmpf oeq, %select_n3A_2281, %eq3A_2534 : vector<16xf32>
      %jit3A_2536 = arith.constant 0.000000e+00 : f32
      %broadcast_in_dim3A_2537 = vector.broadcast %jit3A_2536 : f32 to vector<16xf32>
      %select_n3A_2538 = arith.select %eq3A_2535, %div3A_2452, %broadcast_in_dim3A_2537 : vector<16xi1>, vector<16xf32>
      %eq3A_2539 = arith.constant 3.000000e+00 : f32
      %eq3A_2540 = vector.broadcast %eq3A_2539 : f32 to vector<16xf32>
      %eq3A_2541 = arith.cmpf oeq, %select_n3A_2444, %eq3A_2540 : vector<16xf32>
      %jit3A_2542 = arith.constant 0.000000e+00 : f32
      %broadcast_in_dim3A_2543 = vector.broadcast %jit3A_2542 : f32 to vector<16xf32>
      %select_n3A_2544 = arith.select %eq3A_2541, %div3A_2453, %broadcast_in_dim3A_2543 : vector<16xi1>, vector<16xf32>
      %add3A_2545 = arith.addf %select_n3A_2538, %select_n3A_2544 : vector<16xf32>
      %swap3A_2546 = arith.constant 4 : i32
      %swap3A_2547 = arith.index_cast %swap3A_2546 : i32 to index
      %swap3A_2548 = arith.constant 80 : index
      %swap3A_2549 = tpu.vector_load %arg5[%swap3A_2547, %swap3A_2548] {strides = array<i32>} : memref<8x128xf32, #tpu.memory_space<vmem>>, vector<1x16xf32>,
      %swap3A_2550 = vector.shape_cast %swap3A_2549 : vector<1x16xf32> to vector<16xf32>
      %swap3A_2551 = vector.shape_cast %add3A_2545 : vector<16xf32> to vector<1x16xf32>
      tpu.vector_store %arg5[%swap3A_2547, %swap3A_2548], %swap3A_2551 {strides = array<i32>} : memref<8x128xf32, #tpu.memory_space<vmem>>, vector<1x16xf32>,
      %eq3A_2552 = arith.constant 4.000000e+00 : f32
      %eq3A_2553 = vector.broadcast %eq3A_2552 : f32 to vector<16xf32>
      %eq3A_2554 = arith.cmpf oeq, %select_n3A_2281, %eq3A_2553 : vector<16xf32>
      %jit3A_2555 = arith.constant 0.000000e+00 : f32
      %broadcast_in_dim3A_2556 = vector.broadcast %jit3A_2555 : f32 to vector<16xf32>
      %select_n3A_2557 = arith.select %eq3A_2554, %div3A_2452, %broadcast_in_dim3A_2556 : vector<16xi1>, vector<16xf32>
      %eq3A_2558 = arith.constant 4.000000e+00 : f32
      %eq3A_2559 = vector.broadcast %eq3A_2558 : f32 to vector<16xf32>
      %eq3A_2560 = arith.cmpf oeq, %select_n3A_2444, %eq3A_2559 : vector<16xf32>
      %jit3A_2561 = arith.constant 0.000000e+00 : f32
      %broadcast_in_dim3A_2562 = vector.broadcast %jit3A_2561 : f32 to vector<16xf32>
      %select_n3A_2563 = arith.select %eq3A_2560, %div3A_2453, %broadcast_in_dim3A_2562 : vector<16xi1>, vector<16xf32>
      %add3A_2564 = arith.addf %select_n3A_2557, %select_n3A_2563 : vector<16xf32>
      %swap3A_2565 = arith.constant 5 : i32
      %swap3A_2566 = arith.index_cast %swap3A_2565 : i32 to index
      %swap3A_2567 = arith.constant 80 : index
      %swap3A_2568 = tpu.vector_load %arg5[%swap3A_2566, %swap3A_2567] {strides = array<i32>} : memref<8x128xf32, #tpu.memory_space<vmem>>, vector<1x16xf32>,
      %swap3A_2569 = vector.shape_cast %swap3A_2568 : vector<1x16xf32> to vector<16xf32>
      %swap3A_2570 = vector.shape_cast %add3A_2564 : vector<16xf32> to vector<1x16xf32>
      tpu.vector_store %arg5[%swap3A_2566, %swap3A_2567], %swap3A_2570 {strides = array<i32>} : memref<8x128xf32, #tpu.memory_space<vmem>>, vector<1x16xf32>,
      %eq3A_2571 = arith.constant 5.000000e+00 : f32
      %eq3A_2572 = vector.broadcast %eq3A_2571 : f32 to vector<16xf32>
      %eq3A_2573 = arith.cmpf oeq, %select_n3A_2281, %eq3A_2572 : vector<16xf32>
      %jit3A_2574 = arith.constant 0.000000e+00 : f32
      %broadcast_in_dim3A_2575 = vector.broadcast %jit3A_2574 : f32 to vector<16xf32>
      %select_n3A_2576 = arith.select %eq3A_2573, %div3A_2452, %broadcast_in_dim3A_2575 : vector<16xi1>, vector<16xf32>
      %eq3A_2577 = arith.constant 5.000000e+00 : f32
      %eq3A_2578 = vector.broadcast %eq3A_2577 : f32 to vector<16xf32>
      %eq3A_2579 = arith.cmpf oeq, %select_n3A_2444, %eq3A_2578 : vector<16xf32>
      %jit3A_2580 = arith.constant 0.000000e+00 : f32
      %broadcast_in_dim3A_2581 = vector.broadcast %jit3A_2580 : f32 to vector<16xf32>
      %select_n3A_2582 = arith.select %eq3A_2579, %div3A_2453, %broadcast_in_dim3A_2581 : vector<16xi1>, vector<16xf32>
      %add3A_2583 = arith.addf %select_n3A_2576, %select_n3A_2582 : vector<16xf32>
      %swap3A_2584 = arith.constant 6 : i32
      %swap3A_2585 = arith.index_cast %swap3A_2584 : i32 to index
      %swap3A_2586 = arith.constant 80 : index
      %swap3A_2587 = tpu.vector_load %arg5[%swap3A_2585, %swap3A_2586] {strides = array<i32>} : memref<8x128xf32, #tpu.memory_space<vmem>>, vector<1x16xf32>,
      %swap3A_2588 = vector.shape_cast %swap3A_2587 : vector<1x16xf32> to vector<16xf32>
      %swap3A_2589 = vector.shape_cast %add3A_2583 : vector<16xf32> to vector<1x16xf32>
      tpu.vector_store %arg5[%swap3A_2585, %swap3A_2586], %swap3A_2589 {strides = array<i32>} : memref<8x128xf32, #tpu.memory_space<vmem>>, vector<1x16xf32>,
      %eq3A_2590 = arith.constant 6.000000e+00 : f32
      %eq3A_2591 = vector.broadcast %eq3A_2590 : f32 to vector<16xf32>
      %eq3A_2592 = arith.cmpf oeq, %select_n3A_2281, %eq3A_2591 : vector<16xf32>
      %jit3A_2593 = arith.constant 0.000000e+00 : f32
      %broadcast_in_dim3A_2594 = vector.broadcast %jit3A_2593 : f32 to vector<16xf32>
      %select_n3A_2595 = arith.select %eq3A_2592, %div3A_2452, %broadcast_in_dim3A_2594 : vector<16xi1>, vector<16xf32>
      %eq3A_2596 = arith.constant 6.000000e+00 : f32
      %eq3A_2597 = vector.broadcast %eq3A_2596 : f32 to vector<16xf32>
      %eq3A_2598 = arith.cmpf oeq, %select_n3A_2444, %eq3A_2597 : vector<16xf32>
      %jit3A_2599 = arith.constant 0.000000e+00 : f32
      %broadcast_in_dim3A_2600 = vector.broadcast %jit3A_2599 : f32 to vector<16xf32>
      %select_n3A_2601 = arith.select %eq3A_2598, %div3A_2453, %broadcast_in_dim3A_2600 : vector<16xi1>, vector<16xf32>
      %add3A_2602 = arith.addf %select_n3A_2595, %select_n3A_2601 : vector<16xf32>
      %swap3A_2603 = arith.constant 7 : i32
      %swap3A_2604 = arith.index_cast %swap3A_2603 : i32 to index
      %swap3A_2605 = arith.constant 80 : index
      %swap3A_2606 = tpu.vector_load %arg5[%swap3A_2604, %swap3A_2605] {strides = array<i32>} : memref<8x128xf32, #tpu.memory_space<vmem>>, vector<1x16xf32>,
      %swap3A_2607 = vector.shape_cast %swap3A_2606 : vector<1x16xf32> to vector<16xf32>
      %swap3A_2608 = vector.shape_cast %add3A_2602 : vector<16xf32> to vector<1x16xf32>
      tpu.vector_store %arg5[%swap3A_2604, %swap3A_2605], %swap3A_2608 {strides = array<i32>} : memref<8x128xf32, #tpu.memory_space<vmem>>, vector<1x16xf32>,
      %broadcast_in_dim3A_2609 = arith.constant -1.000000e+30 : f32
      %broadcast_in_dim3A_2610 = vector.broadcast %broadcast_in_dim3A_2609 : f32 to vector<16xf32>
      %get3A_2611 = arith.constant 0 : i32
      %get3A_2612 = arith.index_cast %get3A_2611 : i32 to index
      %get3A_2613 = arith.constant 96 : index
      %get3A_2614 = tpu.vector_load %arg4[%get3A_2612, %get3A_2613] {strides = array<i32>} : memref<8x128xf32, #tpu.memory_space<vmem>>, vector<1x16xf32>,
      %get3A_2615 = vector.shape_cast %get3A_2614 : vector<1x16xf32> to vector<16xf32>
      %max3A_2616 = arith.maximumf %broadcast_in_dim3A_2610, %get3A_2615 : vector<16xf32>
      %get3A_2617 = arith.constant 1 : i32
      %get3A_2618 = arith.index_cast %get3A_2617 : i32 to index
      %get3A_2619 = arith.constant 96 : index
      %get3A_2620 = tpu.vector_load %arg4[%get3A_2618, %get3A_2619] {strides = array<i32>} : memref<8x128xf32, #tpu.memory_space<vmem>>, vector<1x16xf32>,
      %get3A_2621 = vector.shape_cast %get3A_2620 : vector<1x16xf32> to vector<16xf32>
      %max3A_2622 = arith.maximumf %max3A_2616, %get3A_2621 : vector<16xf32>
      %get3A_2623 = arith.constant 2 : i32
      %get3A_2624 = arith.index_cast %get3A_2623 : i32 to index
      %get3A_2625 = arith.constant 96 : index
      %get3A_2626 = tpu.vector_load %arg4[%get3A_2624, %get3A_2625] {strides = array<i32>} : memref<8x128xf32, #tpu.memory_space<vmem>>, vector<1x16xf32>,
      %get3A_2627 = vector.shape_cast %get3A_2626 : vector<1x16xf32> to vector<16xf32>
      %max3A_2628 = arith.maximumf %max3A_2622, %get3A_2627 : vector<16xf32>
      %get3A_2629 = arith.constant 3 : i32
      %get3A_2630 = arith.index_cast %get3A_2629 : i32 to index
      %get3A_2631 = arith.constant 96 : index
      %get3A_2632 = tpu.vector_load %arg4[%get3A_2630, %get3A_2631] {strides = array<i32>} : memref<8x128xf32, #tpu.memory_space<vmem>>, vector<1x16xf32>,
      %get3A_2633 = vector.shape_cast %get3A_2632 : vector<1x16xf32> to vector<16xf32>
      %max3A_2634 = arith.maximumf %max3A_2628, %get3A_2633 : vector<16xf32>
      %get3A_2635 = arith.constant 4 : i32
      %get3A_2636 = arith.index_cast %get3A_2635 : i32 to index
      %get3A_2637 = arith.constant 96 : index
      %get3A_2638 = tpu.vector_load %arg4[%get3A_2636, %get3A_2637] {strides = array<i32>} : memref<8x128xf32, #tpu.memory_space<vmem>>, vector<1x16xf32>,
      %get3A_2639 = vector.shape_cast %get3A_2638 : vector<1x16xf32> to vector<16xf32>
      %max3A_2640 = arith.maximumf %max3A_2634, %get3A_2639 : vector<16xf32>
      %get3A_2641 = arith.constant 5 : i32
      %get3A_2642 = arith.index_cast %get3A_2641 : i32 to index
      %get3A_2643 = arith.constant 96 : index
      %get3A_2644 = tpu.vector_load %arg4[%get3A_2642, %get3A_2643] {strides = array<i32>} : memref<8x128xf32, #tpu.memory_space<vmem>>, vector<1x16xf32>,
      %get3A_2645 = vector.shape_cast %get3A_2644 : vector<1x16xf32> to vector<16xf32>
      %max3A_2646 = arith.maximumf %max3A_2640, %get3A_2645 : vector<16xf32>
      %get3A_2647 = arith.constant 6 : i32
      %get3A_2648 = arith.index_cast %get3A_2647 : i32 to index
      %get3A_2649 = arith.constant 96 : index
      %get3A_2650 = tpu.vector_load %arg4[%get3A_2648, %get3A_2649] {strides = array<i32>} : memref<8x128xf32, #tpu.memory_space<vmem>>, vector<1x16xf32>,
      %get3A_2651 = vector.shape_cast %get3A_2650 : vector<1x16xf32> to vector<16xf32>
      %max3A_2652 = arith.maximumf %max3A_2646, %get3A_2651 : vector<16xf32>
      %broadcast_in_dim3A_2653 = arith.constant 9.900000e+01 : f32
      %broadcast_in_dim3A_2654 = vector.broadcast %broadcast_in_dim3A_2653 : f32 to vector<16xf32>
      %get3A_2655 = arith.constant 6 : i32
      %get3A_2656 = arith.index_cast %get3A_2655 : i32 to index
      %get3A_2657 = arith.constant 96 : index
      %get3A_2658 = tpu.vector_load %arg4[%get3A_2656, %get3A_2657] {strides = array<i32>} : memref<8x128xf32, #tpu.memory_space<vmem>>, vector<1x16xf32>,
      %get3A_2659 = vector.shape_cast %get3A_2658 : vector<1x16xf32> to vector<16xf32>
      %eq3A_2660 = arith.cmpf oeq, %get3A_2659, %max3A_2652 : vector<16xf32>
      %jit3A_2661 = arith.constant 6.000000e+00 : f32
      %broadcast_in_dim3A_2662 = vector.broadcast %jit3A_2661 : f32 to vector<16xf32>
      %select_n3A_2663 = arith.select %eq3A_2660, %broadcast_in_dim3A_2662, %broadcast_in_dim3A_2654 : vector<16xi1>, vector<16xf32>
      %get3A_2664 = arith.constant 5 : i32
      %get3A_2665 = arith.index_cast %get3A_2664 : i32 to index
      %get3A_2666 = arith.constant 96 : index
      %get3A_2667 = tpu.vector_load %arg4[%get3A_2665, %get3A_2666] {strides = array<i32>} : memref<8x128xf32, #tpu.memory_space<vmem>>, vector<1x16xf32>,
      %get3A_2668 = vector.shape_cast %get3A_2667 : vector<1x16xf32> to vector<16xf32>
      %eq3A_2669 = arith.cmpf oeq, %get3A_2668, %max3A_2652 : vector<16xf32>
      %jit3A_2670 = arith.constant 5.000000e+00 : f32
      %broadcast_in_dim3A_2671 = vector.broadcast %jit3A_2670 : f32 to vector<16xf32>
      %select_n3A_2672 = arith.select %eq3A_2669, %broadcast_in_dim3A_2671, %select_n3A_2663 : vector<16xi1>, vector<16xf32>
      %get3A_2673 = arith.constant 4 : i32
      %get3A_2674 = arith.index_cast %get3A_2673 : i32 to index
      %get3A_2675 = arith.constant 96 : index
      %get3A_2676 = tpu.vector_load %arg4[%get3A_2674, %get3A_2675] {strides = array<i32>} : memref<8x128xf32, #tpu.memory_space<vmem>>, vector<1x16xf32>,
      %get3A_2677 = vector.shape_cast %get3A_2676 : vector<1x16xf32> to vector<16xf32>
      %eq3A_2678 = arith.cmpf oeq, %get3A_2677, %max3A_2652 : vector<16xf32>
      %jit3A_2679 = arith.constant 4.000000e+00 : f32
      %broadcast_in_dim3A_2680 = vector.broadcast %jit3A_2679 : f32 to vector<16xf32>
      %select_n3A_2681 = arith.select %eq3A_2678, %broadcast_in_dim3A_2680, %select_n3A_2672 : vector<16xi1>, vector<16xf32>
      %get3A_2682 = arith.constant 3 : i32
      %get3A_2683 = arith.index_cast %get3A_2682 : i32 to index
      %get3A_2684 = arith.constant 96 : index
      %get3A_2685 = tpu.vector_load %arg4[%get3A_2683, %get3A_2684] {strides = array<i32>} : memref<8x128xf32, #tpu.memory_space<vmem>>, vector<1x16xf32>,
      %get3A_2686 = vector.shape_cast %get3A_2685 : vector<1x16xf32> to vector<16xf32>
      %eq3A_2687 = arith.cmpf oeq, %get3A_2686, %max3A_2652 : vector<16xf32>
      %jit3A_2688 = arith.constant 3.000000e+00 : f32
      %broadcast_in_dim3A_2689 = vector.broadcast %jit3A_2688 : f32 to vector<16xf32>
      %select_n3A_2690 = arith.select %eq3A_2687, %broadcast_in_dim3A_2689, %select_n3A_2681 : vector<16xi1>, vector<16xf32>
      %get3A_2691 = arith.constant 2 : i32
      %get3A_2692 = arith.index_cast %get3A_2691 : i32 to index
      %get3A_2693 = arith.constant 96 : index
      %get3A_2694 = tpu.vector_load %arg4[%get3A_2692, %get3A_2693] {strides = array<i32>} : memref<8x128xf32, #tpu.memory_space<vmem>>, vector<1x16xf32>,
      %get3A_2695 = vector.shape_cast %get3A_2694 : vector<1x16xf32> to vector<16xf32>
      %eq3A_2696 = arith.cmpf oeq, %get3A_2695, %max3A_2652 : vector<16xf32>
      %jit3A_2697 = arith.constant 2.000000e+00 : f32
      %broadcast_in_dim3A_2698 = vector.broadcast %jit3A_2697 : f32 to vector<16xf32>
      %select_n3A_2699 = arith.select %eq3A_2696, %broadcast_in_dim3A_2698, %select_n3A_2690 : vector<16xi1>, vector<16xf32>
      %get3A_2700 = arith.constant 1 : i32
      %get3A_2701 = arith.index_cast %get3A_2700 : i32 to index
      %get3A_2702 = arith.constant 96 : index
      %get3A_2703 = tpu.vector_load %arg4[%get3A_2701, %get3A_2702] {strides = array<i32>} : memref<8x128xf32, #tpu.memory_space<vmem>>, vector<1x16xf32>,
      %get3A_2704 = vector.shape_cast %get3A_2703 : vector<1x16xf32> to vector<16xf32>
      %eq3A_2705 = arith.cmpf oeq, %get3A_2704, %max3A_2652 : vector<16xf32>
      %jit3A_2706 = arith.constant 1.000000e+00 : f32
      %broadcast_in_dim3A_2707 = vector.broadcast %jit3A_2706 : f32 to vector<16xf32>
      %select_n3A_2708 = arith.select %eq3A_2705, %broadcast_in_dim3A_2707, %select_n3A_2699 : vector<16xi1>, vector<16xf32>
      %get3A_2709 = arith.constant 0 : i32
      %get3A_2710 = arith.index_cast %get3A_2709 : i32 to index
      %get3A_2711 = arith.constant 96 : index
      %get3A_2712 = tpu.vector_load %arg4[%get3A_2710, %get3A_2711] {strides = array<i32>} : memref<8x128xf32, #tpu.memory_space<vmem>>, vector<1x16xf32>,
      %get3A_2713 = vector.shape_cast %get3A_2712 : vector<1x16xf32> to vector<16xf32>
      %eq3A_2714 = arith.cmpf oeq, %get3A_2713, %max3A_2652 : vector<16xf32>
      %jit3A_2715 = arith.constant 0.000000e+00 : f32
      %broadcast_in_dim3A_2716 = vector.broadcast %jit3A_2715 : f32 to vector<16xf32>
      %select_n3A_2717 = arith.select %eq3A_2714, %broadcast_in_dim3A_2716, %select_n3A_2708 : vector<16xi1>, vector<16xf32>
      %get3A_2718 = arith.constant 0 : i32
      %get3A_2719 = arith.index_cast %get3A_2718 : i32 to index
      %get3A_2720 = arith.constant 96 : index
      %get3A_2721 = tpu.vector_load %arg4[%get3A_2719, %get3A_2720] {strides = array<i32>} : memref<8x128xf32, #tpu.memory_space<vmem>>, vector<1x16xf32>,
      %get3A_2722 = vector.shape_cast %get3A_2721 : vector<1x16xf32> to vector<16xf32>
      %eq3A_2723 = arith.constant 0.000000e+00 : f32
      %eq3A_2724 = vector.broadcast %eq3A_2723 : f32 to vector<16xf32>
      %eq3A_2725 = arith.cmpf oeq, %select_n3A_2717, %eq3A_2724 : vector<16xf32>
      %select_n3A_2726 = arith.select %eq3A_2725, %broadcast_in_dim3A_2610, %get3A_2722 : vector<16xi1>, vector<16xf32>
      %max3A_2727 = arith.maximumf %broadcast_in_dim3A_2610, %select_n3A_2726 : vector<16xf32>
      %get3A_2728 = arith.constant 1 : i32
      %get3A_2729 = arith.index_cast %get3A_2728 : i32 to index
      %get3A_2730 = arith.constant 96 : index
      %get3A_2731 = tpu.vector_load %arg4[%get3A_2729, %get3A_2730] {strides = array<i32>} : memref<8x128xf32, #tpu.memory_space<vmem>>, vector<1x16xf32>,
      %get3A_2732 = vector.shape_cast %get3A_2731 : vector<1x16xf32> to vector<16xf32>
      %eq3A_2733 = arith.constant 1.000000e+00 : f32
      %eq3A_2734 = vector.broadcast %eq3A_2733 : f32 to vector<16xf32>
      %eq3A_2735 = arith.cmpf oeq, %select_n3A_2717, %eq3A_2734 : vector<16xf32>
      %select_n3A_2736 = arith.select %eq3A_2735, %broadcast_in_dim3A_2610, %get3A_2732 : vector<16xi1>, vector<16xf32>
      %max3A_2737 = arith.maximumf %max3A_2727, %select_n3A_2736 : vector<16xf32>
      %get3A_2738 = arith.constant 2 : i32
      %get3A_2739 = arith.index_cast %get3A_2738 : i32 to index
      %get3A_2740 = arith.constant 96 : index
      %get3A_2741 = tpu.vector_load %arg4[%get3A_2739, %get3A_2740] {strides = array<i32>} : memref<8x128xf32, #tpu.memory_space<vmem>>, vector<1x16xf32>,
      %get3A_2742 = vector.shape_cast %get3A_2741 : vector<1x16xf32> to vector<16xf32>
      %eq3A_2743 = arith.constant 2.000000e+00 : f32
      %eq3A_2744 = vector.broadcast %eq3A_2743 : f32 to vector<16xf32>
      %eq3A_2745 = arith.cmpf oeq, %select_n3A_2717, %eq3A_2744 : vector<16xf32>
      %select_n3A_2746 = arith.select %eq3A_2745, %broadcast_in_dim3A_2610, %get3A_2742 : vector<16xi1>, vector<16xf32>
      %max3A_2747 = arith.maximumf %max3A_2737, %select_n3A_2746 : vector<16xf32>
      %get3A_2748 = arith.constant 3 : i32
      %get3A_2749 = arith.index_cast %get3A_2748 : i32 to index
      %get3A_2750 = arith.constant 96 : index
      %get3A_2751 = tpu.vector_load %arg4[%get3A_2749, %get3A_2750] {strides = array<i32>} : memref<8x128xf32, #tpu.memory_space<vmem>>, vector<1x16xf32>,
      %get3A_2752 = vector.shape_cast %get3A_2751 : vector<1x16xf32> to vector<16xf32>
      %eq3A_2753 = arith.constant 3.000000e+00 : f32
      %eq3A_2754 = vector.broadcast %eq3A_2753 : f32 to vector<16xf32>
      %eq3A_2755 = arith.cmpf oeq, %select_n3A_2717, %eq3A_2754 : vector<16xf32>
      %select_n3A_2756 = arith.select %eq3A_2755, %broadcast_in_dim3A_2610, %get3A_2752 : vector<16xi1>, vector<16xf32>
      %max3A_2757 = arith.maximumf %max3A_2747, %select_n3A_2756 : vector<16xf32>
      %get3A_2758 = arith.constant 4 : i32
      %get3A_2759 = arith.index_cast %get3A_2758 : i32 to index
      %get3A_2760 = arith.constant 96 : index
      %get3A_2761 = tpu.vector_load %arg4[%get3A_2759, %get3A_2760] {strides = array<i32>} : memref<8x128xf32, #tpu.memory_space<vmem>>, vector<1x16xf32>,
      %get3A_2762 = vector.shape_cast %get3A_2761 : vector<1x16xf32> to vector<16xf32>
      %eq3A_2763 = arith.constant 4.000000e+00 : f32
      %eq3A_2764 = vector.broadcast %eq3A_2763 : f32 to vector<16xf32>
      %eq3A_2765 = arith.cmpf oeq, %select_n3A_2717, %eq3A_2764 : vector<16xf32>
      %select_n3A_2766 = arith.select %eq3A_2765, %broadcast_in_dim3A_2610, %get3A_2762 : vector<16xi1>, vector<16xf32>
      %max3A_2767 = arith.maximumf %max3A_2757, %select_n3A_2766 : vector<16xf32>
      %get3A_2768 = arith.constant 5 : i32
      %get3A_2769 = arith.index_cast %get3A_2768 : i32 to index
      %get3A_2770 = arith.constant 96 : index
      %get3A_2771 = tpu.vector_load %arg4[%get3A_2769, %get3A_2770] {strides = array<i32>} : memref<8x128xf32, #tpu.memory_space<vmem>>, vector<1x16xf32>,
      %get3A_2772 = vector.shape_cast %get3A_2771 : vector<1x16xf32> to vector<16xf32>
      %eq3A_2773 = arith.constant 5.000000e+00 : f32
      %eq3A_2774 = vector.broadcast %eq3A_2773 : f32 to vector<16xf32>
      %eq3A_2775 = arith.cmpf oeq, %select_n3A_2717, %eq3A_2774 : vector<16xf32>
      %select_n3A_2776 = arith.select %eq3A_2775, %broadcast_in_dim3A_2610, %get3A_2772 : vector<16xi1>, vector<16xf32>
      %max3A_2777 = arith.maximumf %max3A_2767, %select_n3A_2776 : vector<16xf32>
      %get3A_2778 = arith.constant 6 : i32
      %get3A_2779 = arith.index_cast %get3A_2778 : i32 to index
      %get3A_2780 = arith.constant 96 : index
      %get3A_2781 = tpu.vector_load %arg4[%get3A_2779, %get3A_2780] {strides = array<i32>} : memref<8x128xf32, #tpu.memory_space<vmem>>, vector<1x16xf32>,
      %get3A_2782 = vector.shape_cast %get3A_2781 : vector<1x16xf32> to vector<16xf32>
      %eq3A_2783 = arith.constant 6.000000e+00 : f32
      %eq3A_2784 = vector.broadcast %eq3A_2783 : f32 to vector<16xf32>
      %eq3A_2785 = arith.cmpf oeq, %select_n3A_2717, %eq3A_2784 : vector<16xf32>
      %select_n3A_2786 = arith.select %eq3A_2785, %broadcast_in_dim3A_2610, %get3A_2782 : vector<16xi1>, vector<16xf32>
      %max3A_2787 = arith.maximumf %max3A_2777, %select_n3A_2786 : vector<16xf32>
      %broadcast_in_dim3A_2788 = arith.constant 9.900000e+01 : f32
      %broadcast_in_dim3A_2789 = vector.broadcast %broadcast_in_dim3A_2788 : f32 to vector<16xf32>
      %get3A_2790 = arith.constant 6 : i32
      %get3A_2791 = arith.index_cast %get3A_2790 : i32 to index
      %get3A_2792 = arith.constant 96 : index
      %get3A_2793 = tpu.vector_load %arg4[%get3A_2791, %get3A_2792] {strides = array<i32>} : memref<8x128xf32, #tpu.memory_space<vmem>>, vector<1x16xf32>,
      %get3A_2794 = vector.shape_cast %get3A_2793 : vector<1x16xf32> to vector<16xf32>
      %eq3A_2795 = arith.cmpf oeq, %get3A_2794, %max3A_2787 : vector<16xf32>
      %ne3A_2796 = arith.constant 6.000000e+00 : f32
      %ne3A_2797 = vector.broadcast %ne3A_2796 : f32 to vector<16xf32>
      %ne3A_2798 = arith.cmpf one, %select_n3A_2717, %ne3A_2797 : vector<16xf32>
      %and3A_2799 = arith.andi %eq3A_2795, %ne3A_2798 : vector<16xi1>
      %jit3A_2800 = arith.constant 6.000000e+00 : f32
      %broadcast_in_dim3A_2801 = vector.broadcast %jit3A_2800 : f32 to vector<16xf32>
      %select_n3A_2802 = arith.select %and3A_2799, %broadcast_in_dim3A_2801, %broadcast_in_dim3A_2789 : vector<16xi1>, vector<16xf32>
      %get3A_2803 = arith.constant 5 : i32
      %get3A_2804 = arith.index_cast %get3A_2803 : i32 to index
      %get3A_2805 = arith.constant 96 : index
      %get3A_2806 = tpu.vector_load %arg4[%get3A_2804, %get3A_2805] {strides = array<i32>} : memref<8x128xf32, #tpu.memory_space<vmem>>, vector<1x16xf32>,
      %get3A_2807 = vector.shape_cast %get3A_2806 : vector<1x16xf32> to vector<16xf32>
      %eq3A_2808 = arith.cmpf oeq, %get3A_2807, %max3A_2787 : vector<16xf32>
      %ne3A_2809 = arith.constant 5.000000e+00 : f32
      %ne3A_2810 = vector.broadcast %ne3A_2809 : f32 to vector<16xf32>
      %ne3A_2811 = arith.cmpf one, %select_n3A_2717, %ne3A_2810 : vector<16xf32>
      %and3A_2812 = arith.andi %eq3A_2808, %ne3A_2811 : vector<16xi1>
      %jit3A_2813 = arith.constant 5.000000e+00 : f32
      %broadcast_in_dim3A_2814 = vector.broadcast %jit3A_2813 : f32 to vector<16xf32>
      %select_n3A_2815 = arith.select %and3A_2812, %broadcast_in_dim3A_2814, %select_n3A_2802 : vector<16xi1>, vector<16xf32>
      %get3A_2816 = arith.constant 4 : i32
      %get3A_2817 = arith.index_cast %get3A_2816 : i32 to index
      %get3A_2818 = arith.constant 96 : index
      %get3A_2819 = tpu.vector_load %arg4[%get3A_2817, %get3A_2818] {strides = array<i32>} : memref<8x128xf32, #tpu.memory_space<vmem>>, vector<1x16xf32>,
      %get3A_2820 = vector.shape_cast %get3A_2819 : vector<1x16xf32> to vector<16xf32>
      %eq3A_2821 = arith.cmpf oeq, %get3A_2820, %max3A_2787 : vector<16xf32>
      %ne3A_2822 = arith.constant 4.000000e+00 : f32
      %ne3A_2823 = vector.broadcast %ne3A_2822 : f32 to vector<16xf32>
      %ne3A_2824 = arith.cmpf one, %select_n3A_2717, %ne3A_2823 : vector<16xf32>
      %and3A_2825 = arith.andi %eq3A_2821, %ne3A_2824 : vector<16xi1>
      %jit3A_2826 = arith.constant 4.000000e+00 : f32
      %broadcast_in_dim3A_2827 = vector.broadcast %jit3A_2826 : f32 to vector<16xf32>
      %select_n3A_2828 = arith.select %and3A_2825, %broadcast_in_dim3A_2827, %select_n3A_2815 : vector<16xi1>, vector<16xf32>
      %get3A_2829 = arith.constant 3 : i32
      %get3A_2830 = arith.index_cast %get3A_2829 : i32 to index
      %get3A_2831 = arith.constant 96 : index
      %get3A_2832 = tpu.vector_load %arg4[%get3A_2830, %get3A_2831] {strides = array<i32>} : memref<8x128xf32, #tpu.memory_space<vmem>>, vector<1x16xf32>,
      %get3A_2833 = vector.shape_cast %get3A_2832 : vector<1x16xf32> to vector<16xf32>
      %eq3A_2834 = arith.cmpf oeq, %get3A_2833, %max3A_2787 : vector<16xf32>
      %ne3A_2835 = arith.constant 3.000000e+00 : f32
      %ne3A_2836 = vector.broadcast %ne3A_2835 : f32 to vector<16xf32>
      %ne3A_2837 = arith.cmpf one, %select_n3A_2717, %ne3A_2836 : vector<16xf32>
      %and3A_2838 = arith.andi %eq3A_2834, %ne3A_2837 : vector<16xi1>
      %jit3A_2839 = arith.constant 3.000000e+00 : f32
      %broadcast_in_dim3A_2840 = vector.broadcast %jit3A_2839 : f32 to vector<16xf32>
      %select_n3A_2841 = arith.select %and3A_2838, %broadcast_in_dim3A_2840, %select_n3A_2828 : vector<16xi1>, vector<16xf32>
      %get3A_2842 = arith.constant 2 : i32
      %get3A_2843 = arith.index_cast %get3A_2842 : i32 to index
      %get3A_2844 = arith.constant 96 : index
      %get3A_2845 = tpu.vector_load %arg4[%get3A_2843, %get3A_2844] {strides = array<i32>} : memref<8x128xf32, #tpu.memory_space<vmem>>, vector<1x16xf32>,
      %get3A_2846 = vector.shape_cast %get3A_2845 : vector<1x16xf32> to vector<16xf32>
      %eq3A_2847 = arith.cmpf oeq, %get3A_2846, %max3A_2787 : vector<16xf32>
      %ne3A_2848 = arith.constant 2.000000e+00 : f32
      %ne3A_2849 = vector.broadcast %ne3A_2848 : f32 to vector<16xf32>
      %ne3A_2850 = arith.cmpf one, %select_n3A_2717, %ne3A_2849 : vector<16xf32>
      %and3A_2851 = arith.andi %eq3A_2847, %ne3A_2850 : vector<16xi1>
      %jit3A_2852 = arith.constant 2.000000e+00 : f32
      %broadcast_in_dim3A_2853 = vector.broadcast %jit3A_2852 : f32 to vector<16xf32>
      %select_n3A_2854 = arith.select %and3A_2851, %broadcast_in_dim3A_2853, %select_n3A_2841 : vector<16xi1>, vector<16xf32>
      %get3A_2855 = arith.constant 1 : i32
      %get3A_2856 = arith.index_cast %get3A_2855 : i32 to index
      %get3A_2857 = arith.constant 96 : index
      %get3A_2858 = tpu.vector_load %arg4[%get3A_2856, %get3A_2857] {strides = array<i32>} : memref<8x128xf32, #tpu.memory_space<vmem>>, vector<1x16xf32>,
      %get3A_2859 = vector.shape_cast %get3A_2858 : vector<1x16xf32> to vector<16xf32>
      %eq3A_2860 = arith.cmpf oeq, %get3A_2859, %max3A_2787 : vector<16xf32>
      %ne3A_2861 = arith.constant 1.000000e+00 : f32
      %ne3A_2862 = vector.broadcast %ne3A_2861 : f32 to vector<16xf32>
      %ne3A_2863 = arith.cmpf one, %select_n3A_2717, %ne3A_2862 : vector<16xf32>
      %and3A_2864 = arith.andi %eq3A_2860, %ne3A_2863 : vector<16xi1>
      %jit3A_2865 = arith.constant 1.000000e+00 : f32
      %broadcast_in_dim3A_2866 = vector.broadcast %jit3A_2865 : f32 to vector<16xf32>
      %select_n3A_2867 = arith.select %and3A_2864, %broadcast_in_dim3A_2866, %select_n3A_2854 : vector<16xi1>, vector<16xf32>
      %get3A_2868 = arith.constant 0 : i32
      %get3A_2869 = arith.index_cast %get3A_2868 : i32 to index
      %get3A_2870 = arith.constant 96 : index
      %get3A_2871 = tpu.vector_load %arg4[%get3A_2869, %get3A_2870] {strides = array<i32>} : memref<8x128xf32, #tpu.memory_space<vmem>>, vector<1x16xf32>,
      %get3A_2872 = vector.shape_cast %get3A_2871 : vector<1x16xf32> to vector<16xf32>
      %eq3A_2873 = arith.cmpf oeq, %get3A_2872, %max3A_2787 : vector<16xf32>
      %ne3A_2874 = arith.constant 0.000000e+00 : f32
      %ne3A_2875 = vector.broadcast %ne3A_2874 : f32 to vector<16xf32>
      %ne3A_2876 = arith.cmpf one, %select_n3A_2717, %ne3A_2875 : vector<16xf32>
      %and3A_2877 = arith.andi %eq3A_2873, %ne3A_2876 : vector<16xi1>
      %jit3A_2878 = arith.constant 0.000000e+00 : f32
      %broadcast_in_dim3A_2879 = vector.broadcast %jit3A_2878 : f32 to vector<16xf32>
      %select_n3A_2880 = arith.select %and3A_2877, %broadcast_in_dim3A_2879, %select_n3A_2867 : vector<16xi1>, vector<16xf32>
      %sub3A_2881 = arith.subf %max3A_2787, %max3A_2652 : vector<16xf32>
      %exp3A_2882 = math.exp %sub3A_2881 : vector<16xf32>
      %add3A_2883 = arith.constant 1.000000e+00 : f32
      %add3A_2884 = vector.broadcast %add3A_2883 : f32 to vector<16xf32>
      %add3A_2885 = arith.addf %add3A_2884, %exp3A_2882 : vector<16xf32>
      %div3A_2886 = arith.constant 1.000000e+00 : f32
      %div3A_2887 = vector.broadcast %div3A_2886 : f32 to vector<16xf32>
      %div3A_2888 = arith.divf %div3A_2887, %add3A_2885 : vector<16xf32>
      %div3A_2889 = arith.divf %exp3A_2882, %add3A_2885 : vector<16xf32>
      %eq3A_2890 = arith.constant -1.000000e+00 : f32
      %eq3A_2891 = vector.broadcast %eq3A_2890 : f32 to vector<16xf32>
      %eq3A_2892 = arith.cmpf oeq, %select_n3A_2717, %eq3A_2891 : vector<16xf32>
      %jit3A_2893 = arith.constant 0.000000e+00 : f32
      %broadcast_in_dim3A_2894 = vector.broadcast %jit3A_2893 : f32 to vector<16xf32>
      %select_n3A_2895 = arith.select %eq3A_2892, %div3A_2888, %broadcast_in_dim3A_2894 : vector<16xi1>, vector<16xf32>
      %eq3A_2896 = arith.constant -1.000000e+00 : f32
      %eq3A_2897 = vector.broadcast %eq3A_2896 : f32 to vector<16xf32>
      %eq3A_2898 = arith.cmpf oeq, %select_n3A_2880, %eq3A_2897 : vector<16xf32>
      %jit3A_2899 = arith.constant 0.000000e+00 : f32
      %broadcast_in_dim3A_2900 = vector.broadcast %jit3A_2899 : f32 to vector<16xf32>
      %select_n3A_2901 = arith.select %eq3A_2898, %div3A_2889, %broadcast_in_dim3A_2900 : vector<16xi1>, vector<16xf32>
      %add3A_2902 = arith.addf %select_n3A_2895, %select_n3A_2901 : vector<16xf32>
      %add3A_2903 = arith.constant 1.000000e+00 : f32
      %add3A_2904 = vector.broadcast %add3A_2903 : f32 to vector<16xf32>
      %add3A_2905 = arith.addf %add3A_2902, %add3A_2904 : vector<16xf32>
      %swap3A_2906 = arith.constant 0 : i32
      %swap3A_2907 = arith.index_cast %swap3A_2906 : i32 to index
      %swap3A_2908 = arith.constant 96 : index
      %swap3A_2909 = tpu.vector_load %arg5[%swap3A_2907, %swap3A_2908] {strides = array<i32>} : memref<8x128xf32, #tpu.memory_space<vmem>>, vector<1x16xf32>,
      %swap3A_2910 = vector.shape_cast %swap3A_2909 : vector<1x16xf32> to vector<16xf32>
      %swap3A_2911 = vector.shape_cast %add3A_2905 : vector<16xf32> to vector<1x16xf32>
      tpu.vector_store %arg5[%swap3A_2907, %swap3A_2908], %swap3A_2911 {strides = array<i32>} : memref<8x128xf32, #tpu.memory_space<vmem>>, vector<1x16xf32>,
      %eq3A_2912 = arith.constant 0.000000e+00 : f32
      %eq3A_2913 = vector.broadcast %eq3A_2912 : f32 to vector<16xf32>
      %eq3A_2914 = arith.cmpf oeq, %select_n3A_2717, %eq3A_2913 : vector<16xf32>
      %jit3A_2915 = arith.constant 0.000000e+00 : f32
      %broadcast_in_dim3A_2916 = vector.broadcast %jit3A_2915 : f32 to vector<16xf32>
      %select_n3A_2917 = arith.select %eq3A_2914, %div3A_2888, %broadcast_in_dim3A_2916 : vector<16xi1>, vector<16xf32>
      %eq3A_2918 = arith.constant 0.000000e+00 : f32
      %eq3A_2919 = vector.broadcast %eq3A_2918 : f32 to vector<16xf32>
      %eq3A_2920 = arith.cmpf oeq, %select_n3A_2880, %eq3A_2919 : vector<16xf32>
      %jit3A_2921 = arith.constant 0.000000e+00 : f32
      %broadcast_in_dim3A_2922 = vector.broadcast %jit3A_2921 : f32 to vector<16xf32>
      %select_n3A_2923 = arith.select %eq3A_2920, %div3A_2889, %broadcast_in_dim3A_2922 : vector<16xi1>, vector<16xf32>
      %add3A_2924 = arith.addf %select_n3A_2917, %select_n3A_2923 : vector<16xf32>
      %swap3A_2925 = arith.constant 1 : i32
      %swap3A_2926 = arith.index_cast %swap3A_2925 : i32 to index
      %swap3A_2927 = arith.constant 96 : index
      %swap3A_2928 = tpu.vector_load %arg5[%swap3A_2926, %swap3A_2927] {strides = array<i32>} : memref<8x128xf32, #tpu.memory_space<vmem>>, vector<1x16xf32>,
      %swap3A_2929 = vector.shape_cast %swap3A_2928 : vector<1x16xf32> to vector<16xf32>
      %swap3A_2930 = vector.shape_cast %add3A_2924 : vector<16xf32> to vector<1x16xf32>
      tpu.vector_store %arg5[%swap3A_2926, %swap3A_2927], %swap3A_2930 {strides = array<i32>} : memref<8x128xf32, #tpu.memory_space<vmem>>, vector<1x16xf32>,
      %eq3A_2931 = arith.constant 1.000000e+00 : f32
      %eq3A_2932 = vector.broadcast %eq3A_2931 : f32 to vector<16xf32>
      %eq3A_2933 = arith.cmpf oeq, %select_n3A_2717, %eq3A_2932 : vector<16xf32>
      %jit3A_2934 = arith.constant 0.000000e+00 : f32
      %broadcast_in_dim3A_2935 = vector.broadcast %jit3A_2934 : f32 to vector<16xf32>
      %select_n3A_2936 = arith.select %eq3A_2933, %div3A_2888, %broadcast_in_dim3A_2935 : vector<16xi1>, vector<16xf32>
      %eq3A_2937 = arith.constant 1.000000e+00 : f32
      %eq3A_2938 = vector.broadcast %eq3A_2937 : f32 to vector<16xf32>
      %eq3A_2939 = arith.cmpf oeq, %select_n3A_2880, %eq3A_2938 : vector<16xf32>
      %jit3A_2940 = arith.constant 0.000000e+00 : f32
      %broadcast_in_dim3A_2941 = vector.broadcast %jit3A_2940 : f32 to vector<16xf32>
      %select_n3A_2942 = arith.select %eq3A_2939, %div3A_2889, %broadcast_in_dim3A_2941 : vector<16xi1>, vector<16xf32>
      %add3A_2943 = arith.addf %select_n3A_2936, %select_n3A_2942 : vector<16xf32>
      %swap3A_2944 = arith.constant 2 : i32
      %swap3A_2945 = arith.index_cast %swap3A_2944 : i32 to index
      %swap3A_2946 = arith.constant 96 : index
      %swap3A_2947 = tpu.vector_load %arg5[%swap3A_2945, %swap3A_2946] {strides = array<i32>} : memref<8x128xf32, #tpu.memory_space<vmem>>, vector<1x16xf32>,
      %swap3A_2948 = vector.shape_cast %swap3A_2947 : vector<1x16xf32> to vector<16xf32>
      %swap3A_2949 = vector.shape_cast %add3A_2943 : vector<16xf32> to vector<1x16xf32>
      tpu.vector_store %arg5[%swap3A_2945, %swap3A_2946], %swap3A_2949 {strides = array<i32>} : memref<8x128xf32, #tpu.memory_space<vmem>>, vector<1x16xf32>,
      %eq3A_2950 = arith.constant 2.000000e+00 : f32
      %eq3A_2951 = vector.broadcast %eq3A_2950 : f32 to vector<16xf32>
      %eq3A_2952 = arith.cmpf oeq, %select_n3A_2717, %eq3A_2951 : vector<16xf32>
      %jit3A_2953 = arith.constant 0.000000e+00 : f32
      %broadcast_in_dim3A_2954 = vector.broadcast %jit3A_2953 : f32 to vector<16xf32>
      %select_n3A_2955 = arith.select %eq3A_2952, %div3A_2888, %broadcast_in_dim3A_2954 : vector<16xi1>, vector<16xf32>
      %eq3A_2956 = arith.constant 2.000000e+00 : f32
      %eq3A_2957 = vector.broadcast %eq3A_2956 : f32 to vector<16xf32>
      %eq3A_2958 = arith.cmpf oeq, %select_n3A_2880, %eq3A_2957 : vector<16xf32>
      %jit3A_2959 = arith.constant 0.000000e+00 : f32
      %broadcast_in_dim3A_2960 = vector.broadcast %jit3A_2959 : f32 to vector<16xf32>
      %select_n3A_2961 = arith.select %eq3A_2958, %div3A_2889, %broadcast_in_dim3A_2960 : vector<16xi1>, vector<16xf32>
      %add3A_2962 = arith.addf %select_n3A_2955, %select_n3A_2961 : vector<16xf32>
      %swap3A_2963 = arith.constant 3 : i32
      %swap3A_2964 = arith.index_cast %swap3A_2963 : i32 to index
      %swap3A_2965 = arith.constant 96 : index
      %swap3A_2966 = tpu.vector_load %arg5[%swap3A_2964, %swap3A_2965] {strides = array<i32>} : memref<8x128xf32, #tpu.memory_space<vmem>>, vector<1x16xf32>,
      %swap3A_2967 = vector.shape_cast %swap3A_2966 : vector<1x16xf32> to vector<16xf32>
      %swap3A_2968 = vector.shape_cast %add3A_2962 : vector<16xf32> to vector<1x16xf32>
      tpu.vector_store %arg5[%swap3A_2964, %swap3A_2965], %swap3A_2968 {strides = array<i32>} : memref<8x128xf32, #tpu.memory_space<vmem>>, vector<1x16xf32>,
      %eq3A_2969 = arith.constant 3.000000e+00 : f32
      %eq3A_2970 = vector.broadcast %eq3A_2969 : f32 to vector<16xf32>
      %eq3A_2971 = arith.cmpf oeq, %select_n3A_2717, %eq3A_2970 : vector<16xf32>
      %jit3A_2972 = arith.constant 0.000000e+00 : f32
      %broadcast_in_dim3A_2973 = vector.broadcast %jit3A_2972 : f32 to vector<16xf32>
      %select_n3A_2974 = arith.select %eq3A_2971, %div3A_2888, %broadcast_in_dim3A_2973 : vector<16xi1>, vector<16xf32>
      %eq3A_2975 = arith.constant 3.000000e+00 : f32
      %eq3A_2976 = vector.broadcast %eq3A_2975 : f32 to vector<16xf32>
      %eq3A_2977 = arith.cmpf oeq, %select_n3A_2880, %eq3A_2976 : vector<16xf32>
      %jit3A_2978 = arith.constant 0.000000e+00 : f32
      %broadcast_in_dim3A_2979 = vector.broadcast %jit3A_2978 : f32 to vector<16xf32>
      %select_n3A_2980 = arith.select %eq3A_2977, %div3A_2889, %broadcast_in_dim3A_2979 : vector<16xi1>, vector<16xf32>
      %add3A_2981 = arith.addf %select_n3A_2974, %select_n3A_2980 : vector<16xf32>
      %swap3A_2982 = arith.constant 4 : i32
      %swap3A_2983 = arith.index_cast %swap3A_2982 : i32 to index
      %swap3A_2984 = arith.constant 96 : index
      %swap3A_2985 = tpu.vector_load %arg5[%swap3A_2983, %swap3A_2984] {strides = array<i32>} : memref<8x128xf32, #tpu.memory_space<vmem>>, vector<1x16xf32>,
      %swap3A_2986 = vector.shape_cast %swap3A_2985 : vector<1x16xf32> to vector<16xf32>
      %swap3A_2987 = vector.shape_cast %add3A_2981 : vector<16xf32> to vector<1x16xf32>
      tpu.vector_store %arg5[%swap3A_2983, %swap3A_2984], %swap3A_2987 {strides = array<i32>} : memref<8x128xf32, #tpu.memory_space<vmem>>, vector<1x16xf32>,
      %eq3A_2988 = arith.constant 4.000000e+00 : f32
      %eq3A_2989 = vector.broadcast %eq3A_2988 : f32 to vector<16xf32>
      %eq3A_2990 = arith.cmpf oeq, %select_n3A_2717, %eq3A_2989 : vector<16xf32>
      %jit3A_2991 = arith.constant 0.000000e+00 : f32
      %broadcast_in_dim3A_2992 = vector.broadcast %jit3A_2991 : f32 to vector<16xf32>
      %select_n3A_2993 = arith.select %eq3A_2990, %div3A_2888, %broadcast_in_dim3A_2992 : vector<16xi1>, vector<16xf32>
      %eq3A_2994 = arith.constant 4.000000e+00 : f32
      %eq3A_2995 = vector.broadcast %eq3A_2994 : f32 to vector<16xf32>
      %eq3A_2996 = arith.cmpf oeq, %select_n3A_2880, %eq3A_2995 : vector<16xf32>
      %jit3A_2997 = arith.constant 0.000000e+00 : f32
      %broadcast_in_dim3A_2998 = vector.broadcast %jit3A_2997 : f32 to vector<16xf32>
      %select_n3A_2999 = arith.select %eq3A_2996, %div3A_2889, %broadcast_in_dim3A_2998 : vector<16xi1>, vector<16xf32>
      %add3A_3000 = arith.addf %select_n3A_2993, %select_n3A_2999 : vector<16xf32>
      %swap3A_3001 = arith.constant 5 : i32
      %swap3A_3002 = arith.index_cast %swap3A_3001 : i32 to index
      %swap3A_3003 = arith.constant 96 : index
      %swap3A_3004 = tpu.vector_load %arg5[%swap3A_3002, %swap3A_3003] {strides = array<i32>} : memref<8x128xf32, #tpu.memory_space<vmem>>, vector<1x16xf32>,
      %swap3A_3005 = vector.shape_cast %swap3A_3004 : vector<1x16xf32> to vector<16xf32>
      %swap3A_3006 = vector.shape_cast %add3A_3000 : vector<16xf32> to vector<1x16xf32>
      tpu.vector_store %arg5[%swap3A_3002, %swap3A_3003], %swap3A_3006 {strides = array<i32>} : memref<8x128xf32, #tpu.memory_space<vmem>>, vector<1x16xf32>,
      %eq3A_3007 = arith.constant 5.000000e+00 : f32
      %eq3A_3008 = vector.broadcast %eq3A_3007 : f32 to vector<16xf32>
      %eq3A_3009 = arith.cmpf oeq, %select_n3A_2717, %eq3A_3008 : vector<16xf32>
      %jit3A_3010 = arith.constant 0.000000e+00 : f32
      %broadcast_in_dim3A_3011 = vector.broadcast %jit3A_3010 : f32 to vector<16xf32>
      %select_n3A_3012 = arith.select %eq3A_3009, %div3A_2888, %broadcast_in_dim3A_3011 : vector<16xi1>, vector<16xf32>
      %eq3A_3013 = arith.constant 5.000000e+00 : f32
      %eq3A_3014 = vector.broadcast %eq3A_3013 : f32 to vector<16xf32>
      %eq3A_3015 = arith.cmpf oeq, %select_n3A_2880, %eq3A_3014 : vector<16xf32>
      %jit3A_3016 = arith.constant 0.000000e+00 : f32
      %broadcast_in_dim3A_3017 = vector.broadcast %jit3A_3016 : f32 to vector<16xf32>
      %select_n3A_3018 = arith.select %eq3A_3015, %div3A_2889, %broadcast_in_dim3A_3017 : vector<16xi1>, vector<16xf32>
      %add3A_3019 = arith.addf %select_n3A_3012, %select_n3A_3018 : vector<16xf32>
      %swap3A_3020 = arith.constant 6 : i32
      %swap3A_3021 = arith.index_cast %swap3A_3020 : i32 to index
      %swap3A_3022 = arith.constant 96 : index
      %swap3A_3023 = tpu.vector_load %arg5[%swap3A_3021, %swap3A_3022] {strides = array<i32>} : memref<8x128xf32, #tpu.memory_space<vmem>>, vector<1x16xf32>,
      %swap3A_3024 = vector.shape_cast %swap3A_3023 : vector<1x16xf32> to vector<16xf32>
      %swap3A_3025 = vector.shape_cast %add3A_3019 : vector<16xf32> to vector<1x16xf32>
      tpu.vector_store %arg5[%swap3A_3021, %swap3A_3022], %swap3A_3025 {strides = array<i32>} : memref<8x128xf32, #tpu.memory_space<vmem>>, vector<1x16xf32>,
      %eq3A_3026 = arith.constant 6.000000e+00 : f32
      %eq3A_3027 = vector.broadcast %eq3A_3026 : f32 to vector<16xf32>
      %eq3A_3028 = arith.cmpf oeq, %select_n3A_2717, %eq3A_3027 : vector<16xf32>
      %jit3A_3029 = arith.constant 0.000000e+00 : f32
      %broadcast_in_dim3A_3030 = vector.broadcast %jit3A_3029 : f32 to vector<16xf32>
      %select_n3A_3031 = arith.select %eq3A_3028, %div3A_2888, %broadcast_in_dim3A_3030 : vector<16xi1>, vector<16xf32>
      %eq3A_3032 = arith.constant 6.000000e+00 : f32
      %eq3A_3033 = vector.broadcast %eq3A_3032 : f32 to vector<16xf32>
      %eq3A_3034 = arith.cmpf oeq, %select_n3A_2880, %eq3A_3033 : vector<16xf32>
      %jit3A_3035 = arith.constant 0.000000e+00 : f32
      %broadcast_in_dim3A_3036 = vector.broadcast %jit3A_3035 : f32 to vector<16xf32>
      %select_n3A_3037 = arith.select %eq3A_3034, %div3A_2889, %broadcast_in_dim3A_3036 : vector<16xi1>, vector<16xf32>
      %add3A_3038 = arith.addf %select_n3A_3031, %select_n3A_3037 : vector<16xf32>
      %swap3A_3039 = arith.constant 7 : i32
      %swap3A_3040 = arith.index_cast %swap3A_3039 : i32 to index
      %swap3A_3041 = arith.constant 96 : index
      %swap3A_3042 = tpu.vector_load %arg5[%swap3A_3040, %swap3A_3041] {strides = array<i32>} : memref<8x128xf32, #tpu.memory_space<vmem>>, vector<1x16xf32>,
      %swap3A_3043 = vector.shape_cast %swap3A_3042 : vector<1x16xf32> to vector<16xf32>
      %swap3A_3044 = vector.shape_cast %add3A_3038 : vector<16xf32> to vector<1x16xf32>
      tpu.vector_store %arg5[%swap3A_3040, %swap3A_3041], %swap3A_3044 {strides = array<i32>} : memref<8x128xf32, #tpu.memory_space<vmem>>, vector<1x16xf32>,
      %broadcast_in_dim3A_3045 = arith.constant -1.000000e+30 : f32
      %broadcast_in_dim3A_3046 = vector.broadcast %broadcast_in_dim3A_3045 : f32 to vector<16xf32>
      %get3A_3047 = arith.constant 0 : i32
      %get3A_3048 = arith.index_cast %get3A_3047 : i32 to index
      %get3A_3049 = arith.constant 112 : index
      %get3A_3050 = tpu.vector_load %arg4[%get3A_3048, %get3A_3049] {strides = array<i32>} : memref<8x128xf32, #tpu.memory_space<vmem>>, vector<1x16xf32>,
      %get3A_3051 = vector.shape_cast %get3A_3050 : vector<1x16xf32> to vector<16xf32>
      %max3A_3052 = arith.maximumf %broadcast_in_dim3A_3046, %get3A_3051 : vector<16xf32>
      %get3A_3053 = arith.constant 1 : i32
      %get3A_3054 = arith.index_cast %get3A_3053 : i32 to index
      %get3A_3055 = arith.constant 112 : index
      %get3A_3056 = tpu.vector_load %arg4[%get3A_3054, %get3A_3055] {strides = array<i32>} : memref<8x128xf32, #tpu.memory_space<vmem>>, vector<1x16xf32>,
      %get3A_3057 = vector.shape_cast %get3A_3056 : vector<1x16xf32> to vector<16xf32>
      %max3A_3058 = arith.maximumf %max3A_3052, %get3A_3057 : vector<16xf32>
      %get3A_3059 = arith.constant 2 : i32
      %get3A_3060 = arith.index_cast %get3A_3059 : i32 to index
      %get3A_3061 = arith.constant 112 : index
      %get3A_3062 = tpu.vector_load %arg4[%get3A_3060, %get3A_3061] {strides = array<i32>} : memref<8x128xf32, #tpu.memory_space<vmem>>, vector<1x16xf32>,
      %get3A_3063 = vector.shape_cast %get3A_3062 : vector<1x16xf32> to vector<16xf32>
      %max3A_3064 = arith.maximumf %max3A_3058, %get3A_3063 : vector<16xf32>
      %get3A_3065 = arith.constant 3 : i32
      %get3A_3066 = arith.index_cast %get3A_3065 : i32 to index
      %get3A_3067 = arith.constant 112 : index
      %get3A_3068 = tpu.vector_load %arg4[%get3A_3066, %get3A_3067] {strides = array<i32>} : memref<8x128xf32, #tpu.memory_space<vmem>>, vector<1x16xf32>,
      %get3A_3069 = vector.shape_cast %get3A_3068 : vector<1x16xf32> to vector<16xf32>
      %max3A_3070 = arith.maximumf %max3A_3064, %get3A_3069 : vector<16xf32>
      %get3A_3071 = arith.constant 4 : i32
      %get3A_3072 = arith.index_cast %get3A_3071 : i32 to index
      %get3A_3073 = arith.constant 112 : index
      %get3A_3074 = tpu.vector_load %arg4[%get3A_3072, %get3A_3073] {strides = array<i32>} : memref<8x128xf32, #tpu.memory_space<vmem>>, vector<1x16xf32>,
      %get3A_3075 = vector.shape_cast %get3A_3074 : vector<1x16xf32> to vector<16xf32>
      %max3A_3076 = arith.maximumf %max3A_3070, %get3A_3075 : vector<16xf32>
      %get3A_3077 = arith.constant 5 : i32
      %get3A_3078 = arith.index_cast %get3A_3077 : i32 to index
      %get3A_3079 = arith.constant 112 : index
      %get3A_3080 = tpu.vector_load %arg4[%get3A_3078, %get3A_3079] {strides = array<i32>} : memref<8x128xf32, #tpu.memory_space<vmem>>, vector<1x16xf32>,
      %get3A_3081 = vector.shape_cast %get3A_3080 : vector<1x16xf32> to vector<16xf32>
      %max3A_3082 = arith.maximumf %max3A_3076, %get3A_3081 : vector<16xf32>
      %get3A_3083 = arith.constant 6 : i32
      %get3A_3084 = arith.index_cast %get3A_3083 : i32 to index
      %get3A_3085 = arith.constant 112 : index
      %get3A_3086 = tpu.vector_load %arg4[%get3A_3084, %get3A_3085] {strides = array<i32>} : memref<8x128xf32, #tpu.memory_space<vmem>>, vector<1x16xf32>,
      %get3A_3087 = vector.shape_cast %get3A_3086 : vector<1x16xf32> to vector<16xf32>
      %max3A_3088 = arith.maximumf %max3A_3082, %get3A_3087 : vector<16xf32>
      %broadcast_in_dim3A_3089 = arith.constant 9.900000e+01 : f32
      %broadcast_in_dim3A_3090 = vector.broadcast %broadcast_in_dim3A_3089 : f32 to vector<16xf32>
      %get3A_3091 = arith.constant 6 : i32
      %get3A_3092 = arith.index_cast %get3A_3091 : i32 to index
      %get3A_3093 = arith.constant 112 : index
      %get3A_3094 = tpu.vector_load %arg4[%get3A_3092, %get3A_3093] {strides = array<i32>} : memref<8x128xf32, #tpu.memory_space<vmem>>, vector<1x16xf32>,
      %get3A_3095 = vector.shape_cast %get3A_3094 : vector<1x16xf32> to vector<16xf32>
      %eq3A_3096 = arith.cmpf oeq, %get3A_3095, %max3A_3088 : vector<16xf32>
      %jit3A_3097 = arith.constant 6.000000e+00 : f32
      %broadcast_in_dim3A_3098 = vector.broadcast %jit3A_3097 : f32 to vector<16xf32>
      %select_n3A_3099 = arith.select %eq3A_3096, %broadcast_in_dim3A_3098, %broadcast_in_dim3A_3090 : vector<16xi1>, vector<16xf32>
      %get3A_3100 = arith.constant 5 : i32
      %get3A_3101 = arith.index_cast %get3A_3100 : i32 to index
      %get3A_3102 = arith.constant 112 : index
      %get3A_3103 = tpu.vector_load %arg4[%get3A_3101, %get3A_3102] {strides = array<i32>} : memref<8x128xf32, #tpu.memory_space<vmem>>, vector<1x16xf32>,
      %get3A_3104 = vector.shape_cast %get3A_3103 : vector<1x16xf32> to vector<16xf32>
      %eq3A_3105 = arith.cmpf oeq, %get3A_3104, %max3A_3088 : vector<16xf32>
      %jit3A_3106 = arith.constant 5.000000e+00 : f32
      %broadcast_in_dim3A_3107 = vector.broadcast %jit3A_3106 : f32 to vector<16xf32>
      %select_n3A_3108 = arith.select %eq3A_3105, %broadcast_in_dim3A_3107, %select_n3A_3099 : vector<16xi1>, vector<16xf32>
      %get3A_3109 = arith.constant 4 : i32
      %get3A_3110 = arith.index_cast %get3A_3109 : i32 to index
      %get3A_3111 = arith.constant 112 : index
      %get3A_3112 = tpu.vector_load %arg4[%get3A_3110, %get3A_3111] {strides = array<i32>} : memref<8x128xf32, #tpu.memory_space<vmem>>, vector<1x16xf32>,
      %get3A_3113 = vector.shape_cast %get3A_3112 : vector<1x16xf32> to vector<16xf32>
      %eq3A_3114 = arith.cmpf oeq, %get3A_3113, %max3A_3088 : vector<16xf32>
      %jit3A_3115 = arith.constant 4.000000e+00 : f32
      %broadcast_in_dim3A_3116 = vector.broadcast %jit3A_3115 : f32 to vector<16xf32>
      %select_n3A_3117 = arith.select %eq3A_3114, %broadcast_in_dim3A_3116, %select_n3A_3108 : vector<16xi1>, vector<16xf32>
      %get3A_3118 = arith.constant 3 : i32
      %get3A_3119 = arith.index_cast %get3A_3118 : i32 to index
      %get3A_3120 = arith.constant 112 : index
      %get3A_3121 = tpu.vector_load %arg4[%get3A_3119, %get3A_3120] {strides = array<i32>} : memref<8x128xf32, #tpu.memory_space<vmem>>, vector<1x16xf32>,
      %get3A_3122 = vector.shape_cast %get3A_3121 : vector<1x16xf32> to vector<16xf32>
      %eq3A_3123 = arith.cmpf oeq, %get3A_3122, %max3A_3088 : vector<16xf32>
      %jit3A_3124 = arith.constant 3.000000e+00 : f32
      %broadcast_in_dim3A_3125 = vector.broadcast %jit3A_3124 : f32 to vector<16xf32>
      %select_n3A_3126 = arith.select %eq3A_3123, %broadcast_in_dim3A_3125, %select_n3A_3117 : vector<16xi1>, vector<16xf32>
      %get3A_3127 = arith.constant 2 : i32
      %get3A_3128 = arith.index_cast %get3A_3127 : i32 to index
      %get3A_3129 = arith.constant 112 : index
      %get3A_3130 = tpu.vector_load %arg4[%get3A_3128, %get3A_3129] {strides = array<i32>} : memref<8x128xf32, #tpu.memory_space<vmem>>, vector<1x16xf32>,
      %get3A_3131 = vector.shape_cast %get3A_3130 : vector<1x16xf32> to vector<16xf32>
      %eq3A_3132 = arith.cmpf oeq, %get3A_3131, %max3A_3088 : vector<16xf32>
      %jit3A_3133 = arith.constant 2.000000e+00 : f32
      %broadcast_in_dim3A_3134 = vector.broadcast %jit3A_3133 : f32 to vector<16xf32>
      %select_n3A_3135 = arith.select %eq3A_3132, %broadcast_in_dim3A_3134, %select_n3A_3126 : vector<16xi1>, vector<16xf32>
      %get3A_3136 = arith.constant 1 : i32
      %get3A_3137 = arith.index_cast %get3A_3136 : i32 to index
      %get3A_3138 = arith.constant 112 : index
      %get3A_3139 = tpu.vector_load %arg4[%get3A_3137, %get3A_3138] {strides = array<i32>} : memref<8x128xf32, #tpu.memory_space<vmem>>, vector<1x16xf32>,
      %get3A_3140 = vector.shape_cast %get3A_3139 : vector<1x16xf32> to vector<16xf32>
      %eq3A_3141 = arith.cmpf oeq, %get3A_3140, %max3A_3088 : vector<16xf32>
      %jit3A_3142 = arith.constant 1.000000e+00 : f32
      %broadcast_in_dim3A_3143 = vector.broadcast %jit3A_3142 : f32 to vector<16xf32>
      %select_n3A_3144 = arith.select %eq3A_3141, %broadcast_in_dim3A_3143, %select_n3A_3135 : vector<16xi1>, vector<16xf32>
      %get3A_3145 = arith.constant 0 : i32
      %get3A_3146 = arith.index_cast %get3A_3145 : i32 to index
      %get3A_3147 = arith.constant 112 : index
      %get3A_3148 = tpu.vector_load %arg4[%get3A_3146, %get3A_3147] {strides = array<i32>} : memref<8x128xf32, #tpu.memory_space<vmem>>, vector<1x16xf32>,
      %get3A_3149 = vector.shape_cast %get3A_3148 : vector<1x16xf32> to vector<16xf32>
      %eq3A_3150 = arith.cmpf oeq, %get3A_3149, %max3A_3088 : vector<16xf32>
      %jit3A_3151 = arith.constant 0.000000e+00 : f32
      %broadcast_in_dim3A_3152 = vector.broadcast %jit3A_3151 : f32 to vector<16xf32>
      %select_n3A_3153 = arith.select %eq3A_3150, %broadcast_in_dim3A_3152, %select_n3A_3144 : vector<16xi1>, vector<16xf32>
      %get3A_3154 = arith.constant 0 : i32
      %get3A_3155 = arith.index_cast %get3A_3154 : i32 to index
      %get3A_3156 = arith.constant 112 : index
      %get3A_3157 = tpu.vector_load %arg4[%get3A_3155, %get3A_3156] {strides = array<i32>} : memref<8x128xf32, #tpu.memory_space<vmem>>, vector<1x16xf32>,
      %get3A_3158 = vector.shape_cast %get3A_3157 : vector<1x16xf32> to vector<16xf32>
      %eq3A_3159 = arith.constant 0.000000e+00 : f32
      %eq3A_3160 = vector.broadcast %eq3A_3159 : f32 to vector<16xf32>
      %eq3A_3161 = arith.cmpf oeq, %select_n3A_3153, %eq3A_3160 : vector<16xf32>
      %select_n3A_3162 = arith.select %eq3A_3161, %broadcast_in_dim3A_3046, %get3A_3158 : vector<16xi1>, vector<16xf32>
      %max3A_3163 = arith.maximumf %broadcast_in_dim3A_3046, %select_n3A_3162 : vector<16xf32>
      %get3A_3164 = arith.constant 1 : i32
      %get3A_3165 = arith.index_cast %get3A_3164 : i32 to index
      %get3A_3166 = arith.constant 112 : index
      %get3A_3167 = tpu.vector_load %arg4[%get3A_3165, %get3A_3166] {strides = array<i32>} : memref<8x128xf32, #tpu.memory_space<vmem>>, vector<1x16xf32>,
      %get3A_3168 = vector.shape_cast %get3A_3167 : vector<1x16xf32> to vector<16xf32>
      %eq3A_3169 = arith.constant 1.000000e+00 : f32
      %eq3A_3170 = vector.broadcast %eq3A_3169 : f32 to vector<16xf32>
      %eq3A_3171 = arith.cmpf oeq, %select_n3A_3153, %eq3A_3170 : vector<16xf32>
      %select_n3A_3172 = arith.select %eq3A_3171, %broadcast_in_dim3A_3046, %get3A_3168 : vector<16xi1>, vector<16xf32>
      %max3A_3173 = arith.maximumf %max3A_3163, %select_n3A_3172 : vector<16xf32>
      %get3A_3174 = arith.constant 2 : i32
      %get3A_3175 = arith.index_cast %get3A_3174 : i32 to index
      %get3A_3176 = arith.constant 112 : index
      %get3A_3177 = tpu.vector_load %arg4[%get3A_3175, %get3A_3176] {strides = array<i32>} : memref<8x128xf32, #tpu.memory_space<vmem>>, vector<1x16xf32>,
      %get3A_3178 = vector.shape_cast %get3A_3177 : vector<1x16xf32> to vector<16xf32>
      %eq3A_3179 = arith.constant 2.000000e+00 : f32
      %eq3A_3180 = vector.broadcast %eq3A_3179 : f32 to vector<16xf32>
      %eq3A_3181 = arith.cmpf oeq, %select_n3A_3153, %eq3A_3180 : vector<16xf32>
      %select_n3A_3182 = arith.select %eq3A_3181, %broadcast_in_dim3A_3046, %get3A_3178 : vector<16xi1>, vector<16xf32>
      %max3A_3183 = arith.maximumf %max3A_3173, %select_n3A_3182 : vector<16xf32>
      %get3A_3184 = arith.constant 3 : i32
      %get3A_3185 = arith.index_cast %get3A_3184 : i32 to index
      %get3A_3186 = arith.constant 112 : index
      %get3A_3187 = tpu.vector_load %arg4[%get3A_3185, %get3A_3186] {strides = array<i32>} : memref<8x128xf32, #tpu.memory_space<vmem>>, vector<1x16xf32>,
      %get3A_3188 = vector.shape_cast %get3A_3187 : vector<1x16xf32> to vector<16xf32>
      %eq3A_3189 = arith.constant 3.000000e+00 : f32
      %eq3A_3190 = vector.broadcast %eq3A_3189 : f32 to vector<16xf32>
      %eq3A_3191 = arith.cmpf oeq, %select_n3A_3153, %eq3A_3190 : vector<16xf32>
      %select_n3A_3192 = arith.select %eq3A_3191, %broadcast_in_dim3A_3046, %get3A_3188 : vector<16xi1>, vector<16xf32>
      %max3A_3193 = arith.maximumf %max3A_3183, %select_n3A_3192 : vector<16xf32>
      %get3A_3194 = arith.constant 4 : i32
      %get3A_3195 = arith.index_cast %get3A_3194 : i32 to index
      %get3A_3196 = arith.constant 112 : index
      %get3A_3197 = tpu.vector_load %arg4[%get3A_3195, %get3A_3196] {strides = array<i32>} : memref<8x128xf32, #tpu.memory_space<vmem>>, vector<1x16xf32>,
      %get3A_3198 = vector.shape_cast %get3A_3197 : vector<1x16xf32> to vector<16xf32>
      %eq3A_3199 = arith.constant 4.000000e+00 : f32
      %eq3A_3200 = vector.broadcast %eq3A_3199 : f32 to vector<16xf32>
      %eq3A_3201 = arith.cmpf oeq, %select_n3A_3153, %eq3A_3200 : vector<16xf32>
      %select_n3A_3202 = arith.select %eq3A_3201, %broadcast_in_dim3A_3046, %get3A_3198 : vector<16xi1>, vector<16xf32>
      %max3A_3203 = arith.maximumf %max3A_3193, %select_n3A_3202 : vector<16xf32>
      %get3A_3204 = arith.constant 5 : i32
      %get3A_3205 = arith.index_cast %get3A_3204 : i32 to index
      %get3A_3206 = arith.constant 112 : index
      %get3A_3207 = tpu.vector_load %arg4[%get3A_3205, %get3A_3206] {strides = array<i32>} : memref<8x128xf32, #tpu.memory_space<vmem>>, vector<1x16xf32>,
      %get3A_3208 = vector.shape_cast %get3A_3207 : vector<1x16xf32> to vector<16xf32>
      %eq3A_3209 = arith.constant 5.000000e+00 : f32
      %eq3A_3210 = vector.broadcast %eq3A_3209 : f32 to vector<16xf32>
      %eq3A_3211 = arith.cmpf oeq, %select_n3A_3153, %eq3A_3210 : vector<16xf32>
      %select_n3A_3212 = arith.select %eq3A_3211, %broadcast_in_dim3A_3046, %get3A_3208 : vector<16xi1>, vector<16xf32>
      %max3A_3213 = arith.maximumf %max3A_3203, %select_n3A_3212 : vector<16xf32>
      %get3A_3214 = arith.constant 6 : i32
      %get3A_3215 = arith.index_cast %get3A_3214 : i32 to index
      %get3A_3216 = arith.constant 112 : index
      %get3A_3217 = tpu.vector_load %arg4[%get3A_3215, %get3A_3216] {strides = array<i32>} : memref<8x128xf32, #tpu.memory_space<vmem>>, vector<1x16xf32>,
      %get3A_3218 = vector.shape_cast %get3A_3217 : vector<1x16xf32> to vector<16xf32>
      %eq3A_3219 = arith.constant 6.000000e+00 : f32
      %eq3A_3220 = vector.broadcast %eq3A_3219 : f32 to vector<16xf32>
      %eq3A_3221 = arith.cmpf oeq, %select_n3A_3153, %eq3A_3220 : vector<16xf32>
      %select_n3A_3222 = arith.select %eq3A_3221, %broadcast_in_dim3A_3046, %get3A_3218 : vector<16xi1>, vector<16xf32>
      %max3A_3223 = arith.maximumf %max3A_3213, %select_n3A_3222 : vector<16xf32>
      %broadcast_in_dim3A_3224 = arith.constant 9.900000e+01 : f32
      %broadcast_in_dim3A_3225 = vector.broadcast %broadcast_in_dim3A_3224 : f32 to vector<16xf32>
      %get3A_3226 = arith.constant 6 : i32
      %get3A_3227 = arith.index_cast %get3A_3226 : i32 to index
      %get3A_3228 = arith.constant 112 : index
      %get3A_3229 = tpu.vector_load %arg4[%get3A_3227, %get3A_3228] {strides = array<i32>} : memref<8x128xf32, #tpu.memory_space<vmem>>, vector<1x16xf32>,
      %get3A_3230 = vector.shape_cast %get3A_3229 : vector<1x16xf32> to vector<16xf32>
      %eq3A_3231 = arith.cmpf oeq, %get3A_3230, %max3A_3223 : vector<16xf32>
      %ne3A_3232 = arith.constant 6.000000e+00 : f32
      %ne3A_3233 = vector.broadcast %ne3A_3232 : f32 to vector<16xf32>
      %ne3A_3234 = arith.cmpf one, %select_n3A_3153, %ne3A_3233 : vector<16xf32>
      %and3A_3235 = arith.andi %eq3A_3231, %ne3A_3234 : vector<16xi1>
      %jit3A_3236 = arith.constant 6.000000e+00 : f32
      %broadcast_in_dim3A_3237 = vector.broadcast %jit3A_3236 : f32 to vector<16xf32>
      %select_n3A_3238 = arith.select %and3A_3235, %broadcast_in_dim3A_3237, %broadcast_in_dim3A_3225 : vector<16xi1>, vector<16xf32>
      %get3A_3239 = arith.constant 5 : i32
      %get3A_3240 = arith.index_cast %get3A_3239 : i32 to index
      %get3A_3241 = arith.constant 112 : index
      %get3A_3242 = tpu.vector_load %arg4[%get3A_3240, %get3A_3241] {strides = array<i32>} : memref<8x128xf32, #tpu.memory_space<vmem>>, vector<1x16xf32>,
      %get3A_3243 = vector.shape_cast %get3A_3242 : vector<1x16xf32> to vector<16xf32>
      %eq3A_3244 = arith.cmpf oeq, %get3A_3243, %max3A_3223 : vector<16xf32>
      %ne3A_3245 = arith.constant 5.000000e+00 : f32
      %ne3A_3246 = vector.broadcast %ne3A_3245 : f32 to vector<16xf32>
      %ne3A_3247 = arith.cmpf one, %select_n3A_3153, %ne3A_3246 : vector<16xf32>
      %and3A_3248 = arith.andi %eq3A_3244, %ne3A_3247 : vector<16xi1>
      %jit3A_3249 = arith.constant 5.000000e+00 : f32
      %broadcast_in_dim3A_3250 = vector.broadcast %jit3A_3249 : f32 to vector<16xf32>
      %select_n3A_3251 = arith.select %and3A_3248, %broadcast_in_dim3A_3250, %select_n3A_3238 : vector<16xi1>, vector<16xf32>
      %get3A_3252 = arith.constant 4 : i32
      %get3A_3253 = arith.index_cast %get3A_3252 : i32 to index
      %get3A_3254 = arith.constant 112 : index
      %get3A_3255 = tpu.vector_load %arg4[%get3A_3253, %get3A_3254] {strides = array<i32>} : memref<8x128xf32, #tpu.memory_space<vmem>>, vector<1x16xf32>,
      %get3A_3256 = vector.shape_cast %get3A_3255 : vector<1x16xf32> to vector<16xf32>
      %eq3A_3257 = arith.cmpf oeq, %get3A_3256, %max3A_3223 : vector<16xf32>
      %ne3A_3258 = arith.constant 4.000000e+00 : f32
      %ne3A_3259 = vector.broadcast %ne3A_3258 : f32 to vector<16xf32>
      %ne3A_3260 = arith.cmpf one, %select_n3A_3153, %ne3A_3259 : vector<16xf32>
      %and3A_3261 = arith.andi %eq3A_3257, %ne3A_3260 : vector<16xi1>
      %jit3A_3262 = arith.constant 4.000000e+00 : f32
      %broadcast_in_dim3A_3263 = vector.broadcast %jit3A_3262 : f32 to vector<16xf32>
      %select_n3A_3264 = arith.select %and3A_3261, %broadcast_in_dim3A_3263, %select_n3A_3251 : vector<16xi1>, vector<16xf32>
      %get3A_3265 = arith.constant 3 : i32
      %get3A_3266 = arith.index_cast %get3A_3265 : i32 to index
      %get3A_3267 = arith.constant 112 : index
      %get3A_3268 = tpu.vector_load %arg4[%get3A_3266, %get3A_3267] {strides = array<i32>} : memref<8x128xf32, #tpu.memory_space<vmem>>, vector<1x16xf32>,
      %get3A_3269 = vector.shape_cast %get3A_3268 : vector<1x16xf32> to vector<16xf32>
      %eq3A_3270 = arith.cmpf oeq, %get3A_3269, %max3A_3223 : vector<16xf32>
      %ne3A_3271 = arith.constant 3.000000e+00 : f32
      %ne3A_3272 = vector.broadcast %ne3A_3271 : f32 to vector<16xf32>
      %ne3A_3273 = arith.cmpf one, %select_n3A_3153, %ne3A_3272 : vector<16xf32>
      %and3A_3274 = arith.andi %eq3A_3270, %ne3A_3273 : vector<16xi1>
      %jit3A_3275 = arith.constant 3.000000e+00 : f32
      %broadcast_in_dim3A_3276 = vector.broadcast %jit3A_3275 : f32 to vector<16xf32>
      %select_n3A_3277 = arith.select %and3A_3274, %broadcast_in_dim3A_3276, %select_n3A_3264 : vector<16xi1>, vector<16xf32>
      %get3A_3278 = arith.constant 2 : i32
      %get3A_3279 = arith.index_cast %get3A_3278 : i32 to index
      %get3A_3280 = arith.constant 112 : index
      %get3A_3281 = tpu.vector_load %arg4[%get3A_3279, %get3A_3280] {strides = array<i32>} : memref<8x128xf32, #tpu.memory_space<vmem>>, vector<1x16xf32>,
      %get3A_3282 = vector.shape_cast %get3A_3281 : vector<1x16xf32> to vector<16xf32>
      %eq3A_3283 = arith.cmpf oeq, %get3A_3282, %max3A_3223 : vector<16xf32>
      %ne3A_3284 = arith.constant 2.000000e+00 : f32
      %ne3A_3285 = vector.broadcast %ne3A_3284 : f32 to vector<16xf32>
      %ne3A_3286 = arith.cmpf one, %select_n3A_3153, %ne3A_3285 : vector<16xf32>
      %and3A_3287 = arith.andi %eq3A_3283, %ne3A_3286 : vector<16xi1>
      %jit3A_3288 = arith.constant 2.000000e+00 : f32
      %broadcast_in_dim3A_3289 = vector.broadcast %jit3A_3288 : f32 to vector<16xf32>
      %select_n3A_3290 = arith.select %and3A_3287, %broadcast_in_dim3A_3289, %select_n3A_3277 : vector<16xi1>, vector<16xf32>
      %get3A_3291 = arith.constant 1 : i32
      %get3A_3292 = arith.index_cast %get3A_3291 : i32 to index
      %get3A_3293 = arith.constant 112 : index
      %get3A_3294 = tpu.vector_load %arg4[%get3A_3292, %get3A_3293] {strides = array<i32>} : memref<8x128xf32, #tpu.memory_space<vmem>>, vector<1x16xf32>,
      %get3A_3295 = vector.shape_cast %get3A_3294 : vector<1x16xf32> to vector<16xf32>
      %eq3A_3296 = arith.cmpf oeq, %get3A_3295, %max3A_3223 : vector<16xf32>
      %ne3A_3297 = arith.constant 1.000000e+00 : f32
      %ne3A_3298 = vector.broadcast %ne3A_3297 : f32 to vector<16xf32>
      %ne3A_3299 = arith.cmpf one, %select_n3A_3153, %ne3A_3298 : vector<16xf32>
      %and3A_3300 = arith.andi %eq3A_3296, %ne3A_3299 : vector<16xi1>
      %jit3A_3301 = arith.constant 1.000000e+00 : f32
      %broadcast_in_dim3A_3302 = vector.broadcast %jit3A_3301 : f32 to vector<16xf32>
      %select_n3A_3303 = arith.select %and3A_3300, %broadcast_in_dim3A_3302, %select_n3A_3290 : vector<16xi1>, vector<16xf32>
      %get3A_3304 = arith.constant 0 : i32
      %get3A_3305 = arith.index_cast %get3A_3304 : i32 to index
      %get3A_3306 = arith.constant 112 : index
      %get3A_3307 = tpu.vector_load %arg4[%get3A_3305, %get3A_3306] {strides = array<i32>} : memref<8x128xf32, #tpu.memory_space<vmem>>, vector<1x16xf32>,
      %get3A_3308 = vector.shape_cast %get3A_3307 : vector<1x16xf32> to vector<16xf32>
      %eq3A_3309 = arith.cmpf oeq, %get3A_3308, %max3A_3223 : vector<16xf32>
      %ne3A_3310 = arith.constant 0.000000e+00 : f32
      %ne3A_3311 = vector.broadcast %ne3A_3310 : f32 to vector<16xf32>
      %ne3A_3312 = arith.cmpf one, %select_n3A_3153, %ne3A_3311 : vector<16xf32>
      %and3A_3313 = arith.andi %eq3A_3309, %ne3A_3312 : vector<16xi1>
      %jit3A_3314 = arith.constant 0.000000e+00 : f32
      %broadcast_in_dim3A_3315 = vector.broadcast %jit3A_3314 : f32 to vector<16xf32>
      %select_n3A_3316 = arith.select %and3A_3313, %broadcast_in_dim3A_3315, %select_n3A_3303 : vector<16xi1>, vector<16xf32>
      %sub3A_3317 = arith.subf %max3A_3223, %max3A_3088 : vector<16xf32>
      %exp3A_3318 = math.exp %sub3A_3317 : vector<16xf32>
      %add3A_3319 = arith.constant 1.000000e+00 : f32
      %add3A_3320 = vector.broadcast %add3A_3319 : f32 to vector<16xf32>
      %add3A_3321 = arith.addf %add3A_3320, %exp3A_3318 : vector<16xf32>
      %div3A_3322 = arith.constant 1.000000e+00 : f32
      %div3A_3323 = vector.broadcast %div3A_3322 : f32 to vector<16xf32>
      %div3A_3324 = arith.divf %div3A_3323, %add3A_3321 : vector<16xf32>
      %div3A_3325 = arith.divf %exp3A_3318, %add3A_3321 : vector<16xf32>
      %eq3A_3326 = arith.constant -1.000000e+00 : f32
      %eq3A_3327 = vector.broadcast %eq3A_3326 : f32 to vector<16xf32>
      %eq3A_3328 = arith.cmpf oeq, %select_n3A_3153, %eq3A_3327 : vector<16xf32>
      %jit3A_3329 = arith.constant 0.000000e+00 : f32
      %broadcast_in_dim3A_3330 = vector.broadcast %jit3A_3329 : f32 to vector<16xf32>
      %select_n3A_3331 = arith.select %eq3A_3328, %div3A_3324, %broadcast_in_dim3A_3330 : vector<16xi1>, vector<16xf32>
      %eq3A_3332 = arith.constant -1.000000e+00 : f32
      %eq3A_3333 = vector.broadcast %eq3A_3332 : f32 to vector<16xf32>
      %eq3A_3334 = arith.cmpf oeq, %select_n3A_3316, %eq3A_3333 : vector<16xf32>
      %jit3A_3335 = arith.constant 0.000000e+00 : f32
      %broadcast_in_dim3A_3336 = vector.broadcast %jit3A_3335 : f32 to vector<16xf32>
      %select_n3A_3337 = arith.select %eq3A_3334, %div3A_3325, %broadcast_in_dim3A_3336 : vector<16xi1>, vector<16xf32>
      %add3A_3338 = arith.addf %select_n3A_3331, %select_n3A_3337 : vector<16xf32>
      %add3A_3339 = arith.constant 1.000000e+00 : f32
      %add3A_3340 = vector.broadcast %add3A_3339 : f32 to vector<16xf32>
      %add3A_3341 = arith.addf %add3A_3338, %add3A_3340 : vector<16xf32>
      %swap3A_3342 = arith.constant 0 : i32
      %swap3A_3343 = arith.index_cast %swap3A_3342 : i32 to index
      %swap3A_3344 = arith.constant 112 : index
      %swap3A_3345 = tpu.vector_load %arg5[%swap3A_3343, %swap3A_3344] {strides = array<i32>} : memref<8x128xf32, #tpu.memory_space<vmem>>, vector<1x16xf32>,
      %swap3A_3346 = vector.shape_cast %swap3A_3345 : vector<1x16xf32> to vector<16xf32>
      %swap3A_3347 = vector.shape_cast %add3A_3341 : vector<16xf32> to vector<1x16xf32>
      tpu.vector_store %arg5[%swap3A_3343, %swap3A_3344], %swap3A_3347 {strides = array<i32>} : memref<8x128xf32, #tpu.memory_space<vmem>>, vector<1x16xf32>,
      %eq3A_3348 = arith.constant 0.000000e+00 : f32
      %eq3A_3349 = vector.broadcast %eq3A_3348 : f32 to vector<16xf32>
      %eq3A_3350 = arith.cmpf oeq, %select_n3A_3153, %eq3A_3349 : vector<16xf32>
      %jit3A_3351 = arith.constant 0.000000e+00 : f32
      %broadcast_in_dim3A_3352 = vector.broadcast %jit3A_3351 : f32 to vector<16xf32>
      %select_n3A_3353 = arith.select %eq3A_3350, %div3A_3324, %broadcast_in_dim3A_3352 : vector<16xi1>, vector<16xf32>
      %eq3A_3354 = arith.constant 0.000000e+00 : f32
      %eq3A_3355 = vector.broadcast %eq3A_3354 : f32 to vector<16xf32>
      %eq3A_3356 = arith.cmpf oeq, %select_n3A_3316, %eq3A_3355 : vector<16xf32>
      %jit3A_3357 = arith.constant 0.000000e+00 : f32
      %broadcast_in_dim3A_3358 = vector.broadcast %jit3A_3357 : f32 to vector<16xf32>
      %select_n3A_3359 = arith.select %eq3A_3356, %div3A_3325, %broadcast_in_dim3A_3358 : vector<16xi1>, vector<16xf32>
      %add3A_3360 = arith.addf %select_n3A_3353, %select_n3A_3359 : vector<16xf32>
      %swap3A_3361 = arith.constant 1 : i32
      %swap3A_3362 = arith.index_cast %swap3A_3361 : i32 to index
      %swap3A_3363 = arith.constant 112 : index
      %swap3A_3364 = tpu.vector_load %arg5[%swap3A_3362, %swap3A_3363] {strides = array<i32>} : memref<8x128xf32, #tpu.memory_space<vmem>>, vector<1x16xf32>,
      %swap3A_3365 = vector.shape_cast %swap3A_3364 : vector<1x16xf32> to vector<16xf32>
      %swap3A_3366 = vector.shape_cast %add3A_3360 : vector<16xf32> to vector<1x16xf32>
      tpu.vector_store %arg5[%swap3A_3362, %swap3A_3363], %swap3A_3366 {strides = array<i32>} : memref<8x128xf32, #tpu.memory_space<vmem>>, vector<1x16xf32>,
      %eq3A_3367 = arith.constant 1.000000e+00 : f32
      %eq3A_3368 = vector.broadcast %eq3A_3367 : f32 to vector<16xf32>
      %eq3A_3369 = arith.cmpf oeq, %select_n3A_3153, %eq3A_3368 : vector<16xf32>
      %jit3A_3370 = arith.constant 0.000000e+00 : f32
      %broadcast_in_dim3A_3371 = vector.broadcast %jit3A_3370 : f32 to vector<16xf32>
      %select_n3A_3372 = arith.select %eq3A_3369, %div3A_3324, %broadcast_in_dim3A_3371 : vector<16xi1>, vector<16xf32>
      %eq3A_3373 = arith.constant 1.000000e+00 : f32
      %eq3A_3374 = vector.broadcast %eq3A_3373 : f32 to vector<16xf32>
      %eq3A_3375 = arith.cmpf oeq, %select_n3A_3316, %eq3A_3374 : vector<16xf32>
      %jit3A_3376 = arith.constant 0.000000e+00 : f32
      %broadcast_in_dim3A_3377 = vector.broadcast %jit3A_3376 : f32 to vector<16xf32>
      %select_n3A_3378 = arith.select %eq3A_3375, %div3A_3325, %broadcast_in_dim3A_3377 : vector<16xi1>, vector<16xf32>
      %add3A_3379 = arith.addf %select_n3A_3372, %select_n3A_3378 : vector<16xf32>
      %swap3A_3380 = arith.constant 2 : i32
      %swap3A_3381 = arith.index_cast %swap3A_3380 : i32 to index
      %swap3A_3382 = arith.constant 112 : index
      %swap3A_3383 = tpu.vector_load %arg5[%swap3A_3381, %swap3A_3382] {strides = array<i32>} : memref<8x128xf32, #tpu.memory_space<vmem>>, vector<1x16xf32>,
      %swap3A_3384 = vector.shape_cast %swap3A_3383 : vector<1x16xf32> to vector<16xf32>
      %swap3A_3385 = vector.shape_cast %add3A_3379 : vector<16xf32> to vector<1x16xf32>
      tpu.vector_store %arg5[%swap3A_3381, %swap3A_3382], %swap3A_3385 {strides = array<i32>} : memref<8x128xf32, #tpu.memory_space<vmem>>, vector<1x16xf32>,
      %eq3A_3386 = arith.constant 2.000000e+00 : f32
      %eq3A_3387 = vector.broadcast %eq3A_3386 : f32 to vector<16xf32>
      %eq3A_3388 = arith.cmpf oeq, %select_n3A_3153, %eq3A_3387 : vector<16xf32>
      %jit3A_3389 = arith.constant 0.000000e+00 : f32
      %broadcast_in_dim3A_3390 = vector.broadcast %jit3A_3389 : f32 to vector<16xf32>
      %select_n3A_3391 = arith.select %eq3A_3388, %div3A_3324, %broadcast_in_dim3A_3390 : vector<16xi1>, vector<16xf32>
      %eq3A_3392 = arith.constant 2.000000e+00 : f32
      %eq3A_3393 = vector.broadcast %eq3A_3392 : f32 to vector<16xf32>
      %eq3A_3394 = arith.cmpf oeq, %select_n3A_3316, %eq3A_3393 : vector<16xf32>
      %jit3A_3395 = arith.constant 0.000000e+00 : f32
      %broadcast_in_dim3A_3396 = vector.broadcast %jit3A_3395 : f32 to vector<16xf32>
      %select_n3A_3397 = arith.select %eq3A_3394, %div3A_3325, %broadcast_in_dim3A_3396 : vector<16xi1>, vector<16xf32>
      %add3A_3398 = arith.addf %select_n3A_3391, %select_n3A_3397 : vector<16xf32>
      %swap3A_3399 = arith.constant 3 : i32
      %swap3A_3400 = arith.index_cast %swap3A_3399 : i32 to index
      %swap3A_3401 = arith.constant 112 : index
      %swap3A_3402 = tpu.vector_load %arg5[%swap3A_3400, %swap3A_3401] {strides = array<i32>} : memref<8x128xf32, #tpu.memory_space<vmem>>, vector<1x16xf32>,
      %swap3A_3403 = vector.shape_cast %swap3A_3402 : vector<1x16xf32> to vector<16xf32>
      %swap3A_3404 = vector.shape_cast %add3A_3398 : vector<16xf32> to vector<1x16xf32>
      tpu.vector_store %arg5[%swap3A_3400, %swap3A_3401], %swap3A_3404 {strides = array<i32>} : memref<8x128xf32, #tpu.memory_space<vmem>>, vector<1x16xf32>,
      %eq3A_3405 = arith.constant 3.000000e+00 : f32
      %eq3A_3406 = vector.broadcast %eq3A_3405 : f32 to vector<16xf32>
      %eq3A_3407 = arith.cmpf oeq, %select_n3A_3153, %eq3A_3406 : vector<16xf32>
      %jit3A_3408 = arith.constant 0.000000e+00 : f32
      %broadcast_in_dim3A_3409 = vector.broadcast %jit3A_3408 : f32 to vector<16xf32>
      %select_n3A_3410 = arith.select %eq3A_3407, %div3A_3324, %broadcast_in_dim3A_3409 : vector<16xi1>, vector<16xf32>
      %eq3A_3411 = arith.constant 3.000000e+00 : f32
      %eq3A_3412 = vector.broadcast %eq3A_3411 : f32 to vector<16xf32>
      %eq3A_3413 = arith.cmpf oeq, %select_n3A_3316, %eq3A_3412 : vector<16xf32>
      %jit3A_3414 = arith.constant 0.000000e+00 : f32
      %broadcast_in_dim3A_3415 = vector.broadcast %jit3A_3414 : f32 to vector<16xf32>
      %select_n3A_3416 = arith.select %eq3A_3413, %div3A_3325, %broadcast_in_dim3A_3415 : vector<16xi1>, vector<16xf32>
      %add3A_3417 = arith.addf %select_n3A_3410, %select_n3A_3416 : vector<16xf32>
      %swap3A_3418 = arith.constant 4 : i32
      %swap3A_3419 = arith.index_cast %swap3A_3418 : i32 to index
      %swap3A_3420 = arith.constant 112 : index
      %swap3A_3421 = tpu.vector_load %arg5[%swap3A_3419, %swap3A_3420] {strides = array<i32>} : memref<8x128xf32, #tpu.memory_space<vmem>>, vector<1x16xf32>,
      %swap3A_3422 = vector.shape_cast %swap3A_3421 : vector<1x16xf32> to vector<16xf32>
      %swap3A_3423 = vector.shape_cast %add3A_3417 : vector<16xf32> to vector<1x16xf32>
      tpu.vector_store %arg5[%swap3A_3419, %swap3A_3420], %swap3A_3423 {strides = array<i32>} : memref<8x128xf32, #tpu.memory_space<vmem>>, vector<1x16xf32>,
      %eq3A_3424 = arith.constant 4.000000e+00 : f32
      %eq3A_3425 = vector.broadcast %eq3A_3424 : f32 to vector<16xf32>
      %eq3A_3426 = arith.cmpf oeq, %select_n3A_3153, %eq3A_3425 : vector<16xf32>
      %jit3A_3427 = arith.constant 0.000000e+00 : f32
      %broadcast_in_dim3A_3428 = vector.broadcast %jit3A_3427 : f32 to vector<16xf32>
      %select_n3A_3429 = arith.select %eq3A_3426, %div3A_3324, %broadcast_in_dim3A_3428 : vector<16xi1>, vector<16xf32>
      %eq3A_3430 = arith.constant 4.000000e+00 : f32
      %eq3A_3431 = vector.broadcast %eq3A_3430 : f32 to vector<16xf32>
      %eq3A_3432 = arith.cmpf oeq, %select_n3A_3316, %eq3A_3431 : vector<16xf32>
      %jit3A_3433 = arith.constant 0.000000e+00 : f32
      %broadcast_in_dim3A_3434 = vector.broadcast %jit3A_3433 : f32 to vector<16xf32>
      %select_n3A_3435 = arith.select %eq3A_3432, %div3A_3325, %broadcast_in_dim3A_3434 : vector<16xi1>, vector<16xf32>
      %add3A_3436 = arith.addf %select_n3A_3429, %select_n3A_3435 : vector<16xf32>
      %swap3A_3437 = arith.constant 5 : i32
      %swap3A_3438 = arith.index_cast %swap3A_3437 : i32 to index
      %swap3A_3439 = arith.constant 112 : index
      %swap3A_3440 = tpu.vector_load %arg5[%swap3A_3438, %swap3A_3439] {strides = array<i32>} : memref<8x128xf32, #tpu.memory_space<vmem>>, vector<1x16xf32>,
      %swap3A_3441 = vector.shape_cast %swap3A_3440 : vector<1x16xf32> to vector<16xf32>
      %swap3A_3442 = vector.shape_cast %add3A_3436 : vector<16xf32> to vector<1x16xf32>
      tpu.vector_store %arg5[%swap3A_3438, %swap3A_3439], %swap3A_3442 {strides = array<i32>} : memref<8x128xf32, #tpu.memory_space<vmem>>, vector<1x16xf32>,
      %eq3A_3443 = arith.constant 5.000000e+00 : f32
      %eq3A_3444 = vector.broadcast %eq3A_3443 : f32 to vector<16xf32>
      %eq3A_3445 = arith.cmpf oeq, %select_n3A_3153, %eq3A_3444 : vector<16xf32>
      %jit3A_3446 = arith.constant 0.000000e+00 : f32
      %broadcast_in_dim3A_3447 = vector.broadcast %jit3A_3446 : f32 to vector<16xf32>
      %select_n3A_3448 = arith.select %eq3A_3445, %div3A_3324, %broadcast_in_dim3A_3447 : vector<16xi1>, vector<16xf32>
      %eq3A_3449 = arith.constant 5.000000e+00 : f32
      %eq3A_3450 = vector.broadcast %eq3A_3449 : f32 to vector<16xf32>
      %eq3A_3451 = arith.cmpf oeq, %select_n3A_3316, %eq3A_3450 : vector<16xf32>
      %jit3A_3452 = arith.constant 0.000000e+00 : f32
      %broadcast_in_dim3A_3453 = vector.broadcast %jit3A_3452 : f32 to vector<16xf32>
      %select_n3A_3454 = arith.select %eq3A_3451, %div3A_3325, %broadcast_in_dim3A_3453 : vector<16xi1>, vector<16xf32>
      %add3A_3455 = arith.addf %select_n3A_3448, %select_n3A_3454 : vector<16xf32>
      %swap3A_3456 = arith.constant 6 : i32
      %swap3A_3457 = arith.index_cast %swap3A_3456 : i32 to index
      %swap3A_3458 = arith.constant 112 : index
      %swap3A_3459 = tpu.vector_load %arg5[%swap3A_3457, %swap3A_3458] {strides = array<i32>} : memref<8x128xf32, #tpu.memory_space<vmem>>, vector<1x16xf32>,
      %swap3A_3460 = vector.shape_cast %swap3A_3459 : vector<1x16xf32> to vector<16xf32>
      %swap3A_3461 = vector.shape_cast %add3A_3455 : vector<16xf32> to vector<1x16xf32>
      tpu.vector_store %arg5[%swap3A_3457, %swap3A_3458], %swap3A_3461 {strides = array<i32>} : memref<8x128xf32, #tpu.memory_space<vmem>>, vector<1x16xf32>,
      %eq3A_3462 = arith.constant 6.000000e+00 : f32
      %eq3A_3463 = vector.broadcast %eq3A_3462 : f32 to vector<16xf32>
      %eq3A_3464 = arith.cmpf oeq, %select_n3A_3153, %eq3A_3463 : vector<16xf32>
      %jit3A_3465 = arith.constant 0.000000e+00 : f32
      %broadcast_in_dim3A_3466 = vector.broadcast %jit3A_3465 : f32 to vector<16xf32>
      %select_n3A_3467 = arith.select %eq3A_3464, %div3A_3324, %broadcast_in_dim3A_3466 : vector<16xi1>, vector<16xf32>
      %eq3A_3468 = arith.constant 6.000000e+00 : f32
      %eq3A_3469 = vector.broadcast %eq3A_3468 : f32 to vector<16xf32>
      %eq3A_3470 = arith.cmpf oeq, %select_n3A_3316, %eq3A_3469 : vector<16xf32>
      %jit3A_3471 = arith.constant 0.000000e+00 : f32
      %broadcast_in_dim3A_3472 = vector.broadcast %jit3A_3471 : f32 to vector<16xf32>
      %select_n3A_3473 = arith.select %eq3A_3470, %div3A_3325, %broadcast_in_dim3A_3472 : vector<16xi1>, vector<16xf32>
      %add3A_3474 = arith.addf %select_n3A_3467, %select_n3A_3473 : vector<16xf32>
      %swap3A_3475 = arith.constant 7 : i32
      %swap3A_3476 = arith.index_cast %swap3A_3475 : i32 to index
      %swap3A_3477 = arith.constant 112 : index
      %swap3A_3478 = tpu.vector_load %arg5[%swap3A_3476, %swap3A_3477] {strides = array<i32>} : memref<8x128xf32, #tpu.memory_space<vmem>>, vector<1x16xf32>,
      %swap3A_3479 = vector.shape_cast %swap3A_3478 : vector<1x16xf32> to vector<16xf32>
      %swap3A_3480 = vector.shape_cast %add3A_3474 : vector<16xf32> to vector<1x16xf32>
      tpu.vector_store %arg5[%swap3A_3476, %swap3A_3477], %swap3A_3480 {strides = array<i32>} : memref<8x128xf32, #tpu.memory_space<vmem>>, vector<1x16xf32>,
      "tpu.region"() ({
        %run_scoped3A = tpu.sem_alloc : memref<!tpu.dma_semaphore, #tpu.memory_space<semaphore_mem>>
        %dma_start3A = arith.constant 0 : i32
        %dma_start3A_3481 = tpu.memref_slice %arg3[%dma_start3A, %mul3A_4] : memref<8x2048xf32, #tpu.memory_space<hbm>> -> memref<8x128xf32, #tpu.memory_space<hbm>>
        %dma_start3A_3482 = arith.constant 0 : i32
        %dma_start3A_3483 = tpu.memref_slice %arg3[%dma_start3A_3482, %mul3A_4] : memref<8x2048xf32, #tpu.memory_space<hbm>> -> memref<8x128xf32, #tpu.memory_space<hbm>>
        tpu.enqueue_dma source(%arg5 : memref<8x128xf32, #tpu.memory_space<vmem>>) target(%dma_start3A_3483 : memref<8x128xf32, #tpu.memory_space<hbm>>) target_semaphore(%run_scoped3A : memref<!tpu.dma_semaphore, #tpu.memory_space<semaphore_mem>>)
        %dma_wait3A = arith.constant 0 : i32
        %dma_wait3A_3484 = tpu.memref_slice %arg3[%dma_wait3A, %mul3A_4] : memref<8x2048xf32, #tpu.memory_space<hbm>> -> memref<8x128xf32, #tpu.memory_space<hbm>>
        %dma_wait3A_3485 = arith.constant 0 : i32
        %dma_wait3A_3486 = tpu.memref_slice %arg3[%dma_wait3A_3485, %mul3A_4] : memref<8x2048xf32, #tpu.memory_space<hbm>> -> memref<8x128xf32, #tpu.memory_space<hbm>>
        tpu.wait_dma2 semaphore(%run_scoped3A : memref<!tpu.dma_semaphore, #tpu.memory_space<semaphore_mem>>) src(%arg5 : memref<8x128xf32, #tpu.memory_space<vmem>>) dst(%dma_wait3A_3486 : memref<8x128xf32, #tpu.memory_space<hbm>>)
        tpu.yield
      }) : () -> ()
    } else {
    }
    return
  }
}

module attributes {stable_mosaic.version = 14 : i64} {
  func.func @_logits_kernel(%arg0: i32, %arg1: memref<2048x768xf32, #tpu.memory_space<vmem>>, %arg2: memref<768x8xf32, #tpu.memory_space<vmem>>, %arg3: memref<8x2048xf32, #tpu.memory_space<vmem>>) attributes {dimension_semantics = [#tpu.dimension_semantics<arbitrary>], iteration_bounds = array<i64: 1>, scalar_prefetch = 0 : i64, scratch_operands = 0 : i64, tpu.core_type = #tpu.core_type<tc>, window_params = [{pipeline_mode = #tpu.pipeline_mode<synchronous>, transform_indices = @transform_0, window_bounds = array<i64: 2048, 768>}, {pipeline_mode = #tpu.pipeline_mode<synchronous>, transform_indices = @transform_1, window_bounds = array<i64: 768, 8>}, {pipeline_mode = #tpu.pipeline_mode<synchronous>, transform_indices = @transform_2, window_bounds = array<i64: 8, 2048>}]} {
    %get3A = arith.constant 0 : index
    %get3A_0 = arith.constant 0 : index
    %get3A_1 = vector.load %arg1[%get3A, %get3A_0] : memref<2048x768xf32, #tpu.memory_space<vmem>>, vector<2048x768xf32>
    %iota3A = tpu.iota {dimensions = array<i32: 1>} : vector<2048x8xi32>
    %get3A_2 = arith.constant 0 : index
    %get3A_3 = arith.constant 0 : index
    %get3A_4 = vector.load %arg2[%get3A_2, %get3A_3] : memref<768x8xf32, #tpu.memory_space<vmem>>, vector<768x8xf32>
    %dot_general3A = arith.constant dense<0.000000e+00> : vector<2048x8xf32>
    %dot_general3A_5 = tpu.matmul %get3A_1, %get3A_4, %dot_general3A {dimension_numbers = #tpu.dot_dimension_numbers<[1], [0], [0], [1], [0, 0, 1, 1], [], []>, transpose_lhs_hint = false} : vector<2048x768xf32>, vector<768x8xf32>, vector<2048x8xf32> -> vector<2048x8xf32>
    %lt3A = arith.constant 7 : i32
    %lt3A_6 = vector.broadcast %lt3A : i32 to vector<2048x8xi32>
    %lt3A_7 = arith.cmpi slt, %iota3A, %lt3A_6 : vector<2048x8xi32>
    %jit3A = arith.constant -1.000000e+30 : f32
    %broadcast_in_dim3A = vector.broadcast %jit3A : f32 to vector<2048x8xf32>
    %select_n3A = arith.select %lt3A_7, %dot_general3A_5, %broadcast_in_dim3A : vector<2048x8xi1>, vector<2048x8xf32>
    %transpose3A = tpu.transpose %select_n3A, [1, 0] : vector<2048x8xf32> -> vector<8x2048xf32>
    %swap3A = arith.constant 0 : index
    %swap3A_8 = arith.constant 0 : index
    %swap3A_9 = vector.load %arg3[%swap3A, %swap3A_8] : memref<8x2048xf32, #tpu.memory_space<vmem>>, vector<8x2048xf32>
    tpu.vector_store %arg3[%swap3A, %swap3A_8], %transpose3A {strides = array<i32>} : memref<8x2048xf32, #tpu.memory_space<vmem>>, vector<8x2048xf32>,
    return
  }
  func.func @transform_0(%arg0: i32) -> (i32, i32) {
    %c0_i32 = arith.constant 0 : i32
    %c0_i32_0 = arith.constant 0 : i32
    %c0_i32_1 = arith.constant 0 : i32
    return %c0_i32, %c0_i32_0 : i32, i32
  }
  func.func @transform_1(%arg0: i32) -> (i32, i32) {
    %c0_i32 = arith.constant 0 : i32
    %c0_i32_0 = arith.constant 0 : i32
    %c0_i32_1 = arith.constant 0 : i32
    return %c0_i32, %c0_i32_0 : i32, i32
  }
  func.func @transform_2(%arg0: i32) -> (i32, i32) {
    %c0_i32 = arith.constant 0 : i32
    %c0_i32_0 = arith.constant 0 : i32
    %c0_i32_1 = arith.constant 0 : i32
    return %c0_i32, %c0_i32_0 : i32, i32
  }
}

module attributes {stable_mosaic.version = 14 : i64} {
  func.func @_moe_dense_kernel(%arg0: i32, %arg1: memref<2048x768xf32, #tpu.memory_space<vmem>>, %arg2: memref<1x768x1024xf32, #tpu.memory_space<vmem>>, %arg3: memref<1x1024x768xf32, #tpu.memory_space<vmem>>, %arg4: memref<8x2048xf32, #tpu.memory_space<vmem>>, %arg5: memref<2048x768xf32, #tpu.memory_space<vmem>>) attributes {dimension_semantics = [#tpu.dimension_semantics<arbitrary>], iteration_bounds = array<i64: 8>, scalar_prefetch = 0 : i64, scratch_operands = 0 : i64, tpu.core_type = #tpu.core_type<tc>, window_params = [{pipeline_mode = #tpu.pipeline_mode<synchronous>, transform_indices = @transform_0, window_bounds = array<i64: 2048, 768>}, {transform_indices = @transform_1, window_bounds = array<i64: 1, 768, 1024>}, {transform_indices = @transform_2, window_bounds = array<i64: 1, 1024, 768>}, {pipeline_mode = #tpu.pipeline_mode<synchronous>, transform_indices = @transform_3, window_bounds = array<i64: 8, 2048>}, {pipeline_mode = #tpu.pipeline_mode<synchronous>, transform_indices = @transform_4, window_bounds = array<i64: 2048, 768>}]} {
    %get3A = arith.constant 0 : index
    %get3A_0 = arith.constant 0 : index
    %get3A_1 = vector.load %arg1[%get3A, %get3A_0] : memref<2048x768xf32, #tpu.memory_space<vmem>>, vector<2048x768xf32>
    %get3A_2 = arith.constant 0 : index
    %get3A_3 = arith.constant 0 : index
    %get3A_4 = arith.constant 0 : index
    %get3A_5 = vector.load %arg2[%get3A_2, %get3A_3, %get3A_4] : memref<1x768x1024xf32, #tpu.memory_space<vmem>>, vector<1x768x1024xf32>
    %get3A_6 = vector.shape_cast %get3A_5 : vector<1x768x1024xf32> to vector<768x1024xf32>
    %dot_general3A = arith.constant dense<0.000000e+00> : vector<2048x1024xf32>
    %dot_general3A_7 = tpu.matmul %get3A_1, %get3A_6, %dot_general3A {dimension_numbers = #tpu.dot_dimension_numbers<[1], [0], [0], [1], [0, 0, 1, 1], [], []>, transpose_lhs_hint = false} : vector<2048x768xf32>, vector<768x1024xf32>, vector<2048x1024xf32> -> vector<2048x1024xf32>
    %logistic3A = arith.negf %dot_general3A_7 : vector<2048x1024xf32>
    %logistic3A_8 = math.exp %logistic3A : vector<2048x1024xf32>
    %logistic3A_9 = arith.constant 1.000000e+00 : f32
    %logistic3A_10 = vector.broadcast %logistic3A_9 : f32 to vector<2048x1024xf32>
    %logistic3A_11 = arith.addf %logistic3A_10, %logistic3A_8 : vector<2048x1024xf32>
    %logistic3A_12 = arith.divf %logistic3A_10, %logistic3A_11 : vector<2048x1024xf32>
    %mul3A = arith.mulf %dot_general3A_7, %logistic3A_12 : vector<2048x1024xf32>
    %get3A_13 = arith.constant 0 : index
    %get3A_14 = arith.constant 0 : index
    %get3A_15 = arith.constant 0 : index
    %get3A_16 = vector.load %arg3[%get3A_13, %get3A_14, %get3A_15] : memref<1x1024x768xf32, #tpu.memory_space<vmem>>, vector<1x1024x768xf32>
    %get3A_17 = vector.shape_cast %get3A_16 : vector<1x1024x768xf32> to vector<1024x768xf32>
    %dot_general3A_18 = arith.constant dense<0.000000e+00> : vector<2048x768xf32>
    %dot_general3A_19 = tpu.matmul %mul3A, %get3A_17, %dot_general3A_18 {dimension_numbers = #tpu.dot_dimension_numbers<[1], [0], [0], [1], [0, 0, 1, 1], [], []>, transpose_lhs_hint = false} : vector<2048x1024xf32>, vector<1024x768xf32>, vector<2048x768xf32> -> vector<2048x768xf32>
    %get3A_20 = arith.constant 0 : index
    %get3A_21 = arith.constant 0 : index
    %get3A_22 = vector.load %arg4[%get3A_20, %get3A_21] : memref<8x2048xf32, #tpu.memory_space<vmem>>, vector<8x2048xf32>
    %transpose3A = tpu.transpose %get3A_22, [1, 0] : vector<8x2048xf32> -> vector<2048x8xf32>
    %iota3A = tpu.iota {dimensions = array<i32: 1>} : vector<2048x8xi32>
    %eq3A = vector.broadcast %arg0 : i32 to vector<2048x8xi32>
    %eq3A_23 = arith.cmpi eq, %iota3A, %eq3A : vector<2048x8xi32>
    %jit3A = arith.constant 0.000000e+00 : f32
    %broadcast_in_dim3A = vector.broadcast %jit3A : f32 to vector<2048x8xf32>
    %select_n3A = arith.select %eq3A_23, %transpose3A, %broadcast_in_dim3A : vector<2048x8xi1>, vector<2048x8xf32>
    %reduce_sum3A = arith.constant dense<0.000000e+00> : vector<2048xf32>
    %reduce_sum3A_24 = vector.multi_reduction <add>, %select_n3A, %reduce_sum3A [1] : vector<2048x8xf32> to vector<2048xf32>
    %broadcast_in_dim3A_25 = vector.shape_cast %reduce_sum3A_24 : vector<2048xf32> to vector<2048x1xf32>
    %mul3A_26 = vector.broadcast %broadcast_in_dim3A_25 : vector<2048x1xf32> to vector<2048x768xf32>
    %mul3A_27 = arith.mulf %dot_general3A_19, %mul3A_26 : vector<2048x768xf32>
    %eq3A_28 = arith.constant 0 : i32
    %eq3A_29 = arith.cmpi eq, %arg0, %eq3A_28 : i32
    %convert_element_type3A = arith.extui %eq3A_29 : i1 to i32
    %cond3A = arith.constant 0 : i32
    %cond3A_30 = arith.cmpi ne, %convert_element_type3A, %cond3A : i32
    scf.if %cond3A_30 {
      %swap3A = arith.constant 0 : index
      %swap3A_35 = arith.constant 0 : index
      %swap3A_36 = vector.load %arg5[%swap3A, %swap3A_35] : memref<2048x768xf32, #tpu.memory_space<vmem>>, vector<2048x768xf32>
      tpu.vector_store %arg5[%swap3A, %swap3A_35], %mul3A_27 {strides = array<i32>} : memref<2048x768xf32, #tpu.memory_space<vmem>>, vector<2048x768xf32>,
    } else {
    }
    %gt3A = arith.constant 0 : i32
    %gt3A_31 = arith.cmpi sgt, %arg0, %gt3A : i32
    %convert_element_type3A_32 = arith.extui %gt3A_31 : i1 to i32
    %cond3A_33 = arith.constant 0 : i32
    %cond3A_34 = arith.cmpi ne, %convert_element_type3A_32, %cond3A_33 : i32
    scf.if %cond3A_34 {
      %get3A_35 = arith.constant 0 : index
      %get3A_36 = arith.constant 0 : index
      %get3A_37 = vector.load %arg5[%get3A_35, %get3A_36] : memref<2048x768xf32, #tpu.memory_space<vmem>>, vector<2048x768xf32>
      %add3A = arith.addf %get3A_37, %mul3A_27 : vector<2048x768xf32>
      %swap3A = arith.constant 0 : index
      %swap3A_38 = arith.constant 0 : index
      %swap3A_39 = vector.load %arg5[%swap3A, %swap3A_38] : memref<2048x768xf32, #tpu.memory_space<vmem>>, vector<2048x768xf32>
      tpu.vector_store %arg5[%swap3A, %swap3A_38], %add3A {strides = array<i32>} : memref<2048x768xf32, #tpu.memory_space<vmem>>, vector<2048x768xf32>,
    } else {
    }
    return
  }
  func.func @transform_0(%arg0: i32) -> (i32, i32) {
    %c0_i32 = arith.constant 0 : i32
    %c0_i32_0 = arith.constant 0 : i32
    %c0_i32_1 = arith.constant 0 : i32
    return %c0_i32, %c0_i32_0 : i32, i32
  }
  func.func @transform_1(%arg0: i32) -> (i32, i32, i32) {
    %c0_i32 = arith.constant 0 : i32
    %c0_i32_0 = arith.constant 0 : i32
    %c0_i32_1 = arith.constant 0 : i32
    return %arg0, %c0_i32, %c0_i32_0 : i32, i32, i32
  }
  func.func @transform_2(%arg0: i32) -> (i32, i32, i32) {
    %c0_i32 = arith.constant 0 : i32
    %c0_i32_0 = arith.constant 0 : i32
    %c0_i32_1 = arith.constant 0 : i32
    return %arg0, %c0_i32, %c0_i32_0 : i32, i32, i32
  }
  func.func @transform_3(%arg0: i32) -> (i32, i32) {
    %c0_i32 = arith.constant 0 : i32
    %c0_i32_0 = arith.constant 0 : i32
    %c0_i32_1 = arith.constant 0 : i32
    return %c0_i32, %c0_i32_0 : i32, i32
  }
  func.func @transform_4(%arg0: i32) -> (i32, i32) {
    %c0_i32 = arith.constant 0 : i32
    %c0_i32_0 = arith.constant 0 : i32
    %c0_i32_1 = arith.constant 0 : i32
    return %c0_i32, %c0_i32_0 : i32, i32
  }
}

</mosaic_0001>

<sc_bundles>
// kernel: kernel.5.cloned.1.call-start
scs
__scs_entry_jumppad:
0x0: {  	(pc) =	sbr.rel $0x88, $3  }
0x1: {  	(tag) =	ssettag $0x0;
	lr =	simm.s32 $0x1  }
0x2: {  	[smem:$0x3F9D] =	sst lr;
	_ =	strace $0xD0000000  }
0x3: {  	_ = 	snop  }
0x4: {  	_ = 	snop  }
0x5: {  	_ = 	snop  }
0x6: {  	_ = 	snop  }
0x7: {  	_ = 	snop  }
__scs_overlays_trampoline_lowered:
0x8: {  	[smem:$0x3FAC] =	sst s0  }
0x9: {  	[smem:$0x3FAD] =	sst s1  }
0xa: {  	[smem:$0x3FAE] =	sst s2  }
0xb: {  	[smem:$0x3FAF] =	sst s3  }
0xc: {  	[smem:$0x3FB0] =	sst s4  }
0xd: {  	[smem:$0x3FB1] =	sst s5  }
0xe: {  	[smem:$0x3FB2] =	sst s6  }
0xf: {  	[smem:$0x3FB3] =	sst s7  }
0x10: {  	[smem:$0x3FB4] =	sst s8  }
0x11: {  	[smem:$0x3FB5] =	sst s9;
	s0 =	simm.s32 @!p0 $0x0  }
0x12: {  	s1 =	sld [smem:$0x3F9B];
	s0 =	simm.s32 @p0 $0x1  }
0x13: {  	[smem:$0x3FB6] =	sst s0;
	s0 =	simm.s32 @!p1 $0x0  }
0x14: {  	s2 =	sld [smem:$0x3F9A];
	s0 =	simm.s32 @p1 $0x1  }
0x15: {  	[smem:$0x3FB7] =	sst s0;
	s0 =	simm.s32 @!p2 $0x0  }
0x16: {  	s3 =	sld [smem:$0x3FDB];
	s0 =	simm.s32 @p2 $0x1  }
0x17: {  	s4 =	simm.s32 $0x1BF5;
	[smem:$0x3FB9] =	sst s0  }
0x18: {  	s0 =	sld [smem:$0x3F9C];
	_ =	swait.ge [sflag:s4], $0x0  }
0x19: {  	s7 =	sld [smem:$0x3F9D]  }
0x1a: {  	s8 =	sadd.s32 $0xFFFFE003, lr  }
0x1b: {  	s9 =	sadd.s32 $0xFFFFFEF7, lr;
	s5 =	simm.s32 $0xFFFFFFFF;
	p2 =	slt.u32 s8, $0xFFFFF086  }
0x1c: {  	p1 =	slt.u32 s9, $0xF7A;
	s5 =	simm.s32 @!p2 $0x0  }
0x1d: {  	s5 =	simm.s32 @p1 $0x1;
	p0 =	seq.s32 s7, s2  }
0x1e: {  	s7 =	smul.u32 @!p0 $0xF7A, s2;
	p2 =	seq.s32 @!p0 s5, $0x0  }
0x1f: {  	s9 =	smul.u32 $0xF7A, s1;
	s8 =	simm.s32 @!p0 $0x1BF5;
	p2 =	por !p2, p0  }
0x20: {  	[sflag:s8] =	ssyncset.s32 @!p0 $0xFFFFF086;
	s6 =	sadd.s32 @!p0 s3, s7;
	s7 =	simm.s32 @!p0 $0x108  }
0x21: {  	s3 =	sadd.s32 s3, s9;
	s6 =	sadd.s32 @!p0 $0x88, s6;
	s7 =	simm.s32 @p2 $0x1082  }
0x22: {  	[simem:s7], [sflag:s8] =	dma.local @!p0 [hbm:s6], $0xF7A  }
0x23: {  	s9 =	sor.u32 $0xD0000000, s2;
	s6 =	simm.s32 $0x108;
	_ =	swait.ge @!p0 [sflag:s8], $0x0  }
0x24: {  	s3 =	sadd.s32 $0x88, s3;
	s6 =	simm.s32 @!p1 $0x1082;
	[sflag:s4] =	ssyncset.s32 $0xFFFFF086  }
0x25: {  	[simem:s6], [sflag:s4] =	dma.local [hbm:s3], $0xF7A  }
0x26: {  	[smem:$0x3F9D] =	sst s1;
	(tag) =	ssettag s2;
	_ =	strace s9  }
0x27: {  	s1 =	sld [smem:$0x3FAD]  }
0x28: {  	s2 =	sld [smem:$0x3FAE]  }
0x29: {  	s4 =	sld [smem:$0x3FB0]  }
0x2a: {  	p0 =	seq.s32 s5, $0x0;
	s5 =	sld [smem:$0x3FB1]  }
0x2b: {  	s6 =	sld [smem:$0x3FB2]  }
0x2c: {  	s7 =	sld [smem:$0x3FB3]  }
0x2d: {  	s3 =	simm.s32 $0x108;
	s8 =	sld [smem:$0x3FB4]  }
0x2e: {  	s3 =	simm.s32 @!p0 $0x1082;
	s9 =	sld [smem:$0x3FB5]  }
0x2f: {  	lr =	sadd.s32 s0, s3;
	s0 =	sld [smem:$0x3FAC]  }
0x30: {  	s3 =	sld [smem:$0x3FAF]  }
0x31: {  	[smem:$0x3FB8] =	sst s10  }
0x32: {  	s10 =	sld [smem:$0x3FB6];
	_ =	sdelay $0x3  }
0x33: {  	p0 =	seq.s32 s10, $0x1;
	s10 =	sld [smem:$0x3FB8];
	_ =	sdelay $0x3  }
0x34: {  	[smem:$0x3FB8] =	sst s10  }
0x35: {  	s10 =	sld [smem:$0x3FB7];
	_ =	sdelay $0x3  }
0x36: {  	p1 =	seq.s32 s10, $0x1;
	s10 =	sld [smem:$0x3FB8];
	_ =	sdelay $0x3  }
0x37: {  	[smem:$0x3FB8] =	sst s10  }
0x38: {  	s10 =	sld [smem:$0x3FB9]  }
0x39: {  	_ = 	snop;
	(pc) =	sbr.ind lr, $3  }
0x3a: {  	_ = 	snop  }
0x3b: {  	_ = 	snop  }
0x3c: {  	p2 =	seq.s32 s10, $0x1;
	s10 =	sld [smem:$0x3FB8]  }
0x3d: {  	_ =	shalt  }
0x3e: {  	_ =	shalt  }
0x3f: {  	_ =	shalt  }
0x40: {  	_ =	shalt  }
0x41: {  	_ =	shalt  }
0x42: {  	_ =	shalt  }
0x43: {  	_ =	shalt  }
0x44: {  	_ =	shalt  }
0x45: {  	_ =	shalt  }
0x46: {  	_ =	shalt  }
0x47: {  	_ =	shalt  }
0x48: {  	_ =	shalt  }
0x49: {  	_ =	shalt  }
0x4a: {  	_ =	shalt  }
0x4b: {  	_ =	shalt  }
0x4c: {  	_ =	shalt  }
0x4d: {  	_ =	shalt  }
0x4e: {  	_ =	shalt  }
0x4f: {  	_ =	shalt  }
0x50: {  	_ =	shalt  }
0x51: {  	_ =	shalt  }
0x52: {  	_ =	shalt  }
0x53: {  	_ =	shalt  }
0x54: {  	_ =	shalt  }
0x55: {  	_ =	shalt  }
0x56: {  	_ =	shalt  }
0x57: {  	_ =	shalt  }
0x58: {  	_ =	shalt  }
0x59: {  	_ =	shalt  }
0x5a: {  	_ =	shalt  }
0x5b: {  	_ =	shalt  }
0x5c: {  	_ =	shalt  }
0x5d: {  	_ =	shalt  }
0x5e: {  	_ =	shalt  }
0x5f: {  	_ =	shalt  }
0x60: {  	_ =	shalt  }
0x61: {  	_ =	shalt  }
0x62: {  	_ =	shalt  }
0x63: {  	_ =	shalt  }
0x64: {  	_ =	shalt  }
0x65: {  	_ =	shalt  }
0x66: {  	_ =	shalt  }
0x67: {  	_ =	shalt  }
0x68: {  	_ =	shalt  }
0x69: {  	_ =	shalt  }
0x6a: {  	_ =	shalt  }
0x6b: {  	_ =	shalt  }
0x6c: {  	_ =	shalt  }
0x6d: {  	_ =	shalt  }
0x6e: {  	_ =	shalt  }
0x6f: {  	_ =	shalt  }
0x70: {  	_ =	shalt  }
0x71: {  	_ =	shalt  }
0x72: {  	_ =	shalt  }
0x73: {  	_ =	shalt  }
0x74: {  	_ =	shalt  }
0x75: {  	_ =	shalt  }
0x76: {  	_ =	shalt  }
0x77: {  	_ =	shalt  }
0x78: {  	_ =	shalt  }
0x79: {  	_ =	shalt  }
0x7a: {  	_ =	shalt  }
0x7b: {  	_ =	shalt  }
0x7c: {  	_ =	shalt  }
0x7d: {  	_ =	shalt  }
0x7e: {  	_ =	shalt  }
0x7f: {  	_ =	shalt  }
0x80: {  	_ =	shalt  }
0x81: {  	_ =	shalt  }
0x82: {  	_ =	shalt  }
0x83: {  	_ =	shalt  }
0x84: {  	_ =	shalt  }
0x85: {  	_ =	shalt  }
0x86: {  	_ =	shalt  }
0x87: {  	_ =	shalt  }
.Lfunc_end0:
.L_simem_size_0:
called_computation_lowered:
.L_overlay_start_0:
0x88: {  	s2 =	sld [smem:$0x3FD9]  }
0x89: {  	s3 =	sld [smem:$0x3FFE];
	_ =	sdelay $0x1  }
0x8a: {  	s1 =	srdreg.scid  }
0x8b: {  	s0 =	sand.u32 $0x1, s1  }
0x8c: {  	s17 =	sshll.u32 s0, $0xA;
	s2 =	sadd.s32 s3, s2  }
0x8d: {  	s2 =	sadd.s32 s2, s17  }
0x8e: {  	[smem:$0x3FC4] =	sst s2  }
0x8f: {  	_ = 	snop  }
0x90: {  	s2 =	sld [smem:$0x3FD0];
	(tm) =	ssettm $0x1  }
0x91: {  	s18 =	sld [smem:$0x3FFB];
	_ =	sdelay $0x3  }
0x92: {  	_ =	strace s18  }
0x93: {  	s3 =	sld [smem:$0x3FFC];
	_ =	sdelay $0x3  }
0x94: {  	_ =	strace s3  }
0x95: {  	s3 =	sld [smem:$0x3FFD];
	_ =	sdelay $0x3  }
0x96: {  	_ =	strace s3  }
0x97: {  	_ =	strace $0x8FFFFFFF  }
0x98: {  	s19 =	sld [smem:$0x3FDB];
	_ =	sdelay $0x1  }
0x99: {  	s4 =	simm.s32 $_scs_section_size  }
0x9a: {  	s5 =	simm.s32 $_size__tile_overlayer_lowered;
	s6 =	simm.s32 $_tile_overlayer_lowered  }
0x9b: {  	s22 =	simm.s32 $0x1BFF;
	s21 =	sshll.u32 s6, $0x1;
	s3 =	sadd.s32 s4, s19  }
0x9c: {  	s7 =	simm.s32 $0x0;
	s20 =	sshll.u32 s5, $0x1;
	s5 =	sadd.s32 s21, s3  }
0x9d: {  	[timem:s7], [sflag:s22] =	dma.local [hbm:s5], s20  }
0x9e: {  	_ =	swait.ge [sflag:s22], s20  }
0x9f: {  	s4 =	ssub.s32 $0x0, s20;
	[sflag:s22] =	ssyncset.done $0x0  }
0xa0: {  	[sflag:s22] =	ssyncadd.s32 s4;
	_ =	sdelay $0x1  }
0xa1: {  	s23 =	simm.s32 $0x1B8B  }
0xa2: {  	_ =	swait.ge [sflag:s23], $0x1  }
0xa3: {  	[sflag:s23] =	ssyncset.done $0x0  }
0xa4: {  	s25 =	simm.s32 $0x1B8E;
	s24 =	sld [smem:$0x3FFE];
	[sflag:s23] =	ssyncadd.s32 $0xFFFFFFFF  }
0xa5: {  	s26 =	simm.s32 $execute0_lowered;
	[smem:$0x3FD2] =	sst s25  }
0xa6: {  	s5 =	sshll.u32 s26, $0x1;
	_ =	strace $0x80000046;
	[dreg:$0x1] =	wrdreg $0xFFFFFFFF  }
0xa7: {  	s28 =	simm.s32 $_size_execute0_lowered;
	s3 =	sadd.s32 s3, s5;
	[dreg:$0x0] =	wrdreg $0x0  }
0xa8: {  	s5 =	sshll.u32 s28, $0x1;
	[dreg:$0x2] =	wrdreg s3  }
0xa9: {  	[dreg:$0x3] =	wrdreg s5  }
0xaa: {  	[dreg:$0x4] =	wrdreg $0xC0  }
0xab: {  	_ =	task [dreg:s7], $0x5FFFF  }
0xac: {  	[dreg:$0x1] =	wrdreg $0xFFFFFFFF  }
0xad: {  	[dreg:$0x0] =	wrdreg $0x60  }
0xae: {  	[dreg:$0x2] =	wrdreg s2  }
0xaf: {  	[dreg:$0x3] =	wrdreg s24  }
0xb0: {  	[dreg:$0x4] =	wrdreg $0x9  }
0xb1: {  	_ =	task.clear_ibuf [dreg:s7], $0x5FFFF;
	_ =	strace $0x90000046  }
0xb2: {  	s29 =	simm.s32 $0x9;
	_ =	strace $0x80000048  }
0xb3: {  	_ =	swait.ge [sflag:s29], $0x1  }
0xb4: {  	[sflag:s29] =	ssyncadd.s32 $0xFFFFFFFF  }
0xb5: {  	_ =	strace $0x90000048  }
0xb6: {  	_ =	sfence  }
0xb7: {  	s30 =	sld [smem:$0x0];
	_ =	sdelay $0x2  }
0xb8: {  	s31 =	sshll.u32 s1, $0xD;
	s1 =	sshrl.u32 s1, $0x2  }
0xb9: {  	s3 =	sand.u32 $0x4000, s31;
	s1 =	sadd.s32 s1, s30  }
0xba: {  	s0 =	sor.u32 s3, s0;
	s1 =	sshll.u32 s1, $0x11  }
0xbb: {  	s0 =	sor.u32 s1, s0  }
0xbc: {  	s0 =	sadd.s32 $0x8F2B, s0  }
0xbd: {  	[sflag:s0] =	ssyncadd.remote.s32 $0x1  }
0xbe: {  	_ =	sfence.sel $0xFFFF  }
0xbf: {  	[dreg:$0x0] =	wrdreg $0xFFFFFFFF;
	(pc) =	sbr.abs _section_cstart, $3  }
0xc0: {  	[dreg:$0x1] =	wrdreg $0xFFFFFFFF  }
0xc1: {  	_ =	task.clear_ibuf [dreg:s7], $0x2FFFF;
	_ =	strace $0x9FFFFFFF  }
0xc2: {  	(tm) =	ssettm $0x7FFFFFFF  }
0xc3: {  	_ =	shalt  }
tec
execute0_lowered:
.L_overlay_start_1:
0x0: {  	(tag) =	ssettag $0x1  }
0x1: {  	s1 =	stileid.u32  }
0x2: {  	p0 =	sgt.u32 s1, $0x7  }
.Ltmp0:
0x3: {  	_ = 	snop;
	(pc) =	sbr.rel @p0 .LBB2_3-.Ltmp0, $4  }
0x4: {  	s4 =	rddreg [dreg:$0x0]  }
0x5: {  	s3 =	rddreg [dreg:$0x1];
	s2 =	simm.s32 $0x0  }
0x6: {  	[smem:$0x7FF] =	sst s2  }
0x7: {  	s0 =	rddreg [dreg:$0x2];
	_ =	strace $0x80000047  }
0x8: {  	s5 =	srdreg.scid  }
0x9: {  	s5 =	sand.u32 $0x1, s5  }
0xa: {  	s6 =	sshll.u32 s1, $0x8;
	s7 =	sshll.u32 s5, $0x7;
	s5 =	ssub.s32 $0x2, s5  }
0xb: {  	s6 =	sor.u32 s7, s6;
	s31 =	sshrl.u32 s5, $0x1;
	s7 =	simm.s32 $0x400  }
0xc: {  	s3 =	sadd.s32 s6, s3;
	s5 =	ssub.s32 s5, s31;
	s4 =	sadd.s32 s4, s6  }
0xd: {  	s6 =	simm.s32 $0x1;
	s3 =	sadd.s32 $0xA00, s3;
	s5 =	smax.u32 s5, $0x1  }
.LBB2_2:
0xe: {  	[tilespmem:s2], [sflag:$0x1] =	stream.linear.gather [hbm4b:s4+s2], $0x400, $0x38;
	[tilespmem:$0x800] =	vst v63  }
0xf: {  	_ =	swait.ge [sflag:s6], $0x400  }
0x10: {  	[sflag:s6] =	ssyncset.done $0x0  }
0x11: {  	[sflag:s6] =	ssyncadd.s32 $0xFFFFFC00  }
0x12: {  	v1 =	vld [tilespmem:$0x0]  }
0x13: {  	v2 =	vld [tilespmem:$0x80]  }
0x14: {  	v4 =	vld [tilespmem:$0x100]  }
0x15: {  	v5 =	vld [tilespmem:$0x180]  }
0x16: {  	v6 =	vld [tilespmem:$0x200]  }
0x17: {  	v8 =	vld [tilespmem:$0x280];
	v7 =	vmax.f32 v1, $-1.000000020e+30  }
0x18: {  	v10 =	vld [tilespmem:$0x300];
	v9 =	vmax.f32 v7, v2  }
0x19: {  	v9 =	vmax.f32 v9, v4  }
0x1a: {  	v9 =	vmax.f32 v9, v5  }
0x1b: {  	v9 =	vmax.f32 v9, v6  }
0x1c: {  	v9 =	vmax.f32 v9, v8  }
0x1d: {  	v9 =	vmax.f32 v9, v10  }
0x1e: {  	v0 =	vimm.f32 $9.900000000e+01;
	vm0 =	veq.f32 v10, v9  }
0x1f: {  	vm9 =	veq.f32 v8, v9;
	v11 =	vsel vm0, $0x40C00000, v0  }
0x20: {  	vm10 =	veq.f32 v6, v9;
	v11 =	vsel vm9, $0x40A00000, v11  }
0x21: {  	vm11 =	veq.f32 v5, v9;
	v11 =	vsel vm10, $0x40800000, v11  }
0x22: {  	vm12 =	veq.f32 v4, v9;
	v11 =	vsel vm11, $0x40400000, v11  }
0x23: {  	vm13 =	veq.f32 v2, v9;
	v11 =	vsel vm12, $0x40000000, v11  }
0x24: {  	vm6 =	veq.f32 v1, v9;
	v11 =	vsel vm13, $0x3F800000, v11  }
0x25: {  	v11 =	vsel vm6, $0x0, v11  }
0x26: {  	vm5 =	veq.f32 v11, $1.000000000e+00  }
0x27: {  	v7 =	vsel vm6, $0xF149F2CA, v7;
	vm4 =	veq.f32 v11, $2.000000000e+00;
	v12 =	vsel vm5, $0xF149F2CA, v2  }
0x28: {  	vm3 =	veq.f32 v11, $3.000000000e+00;
	v45 =	vsel vm4, $0xF149F2CA, v4;
	v7 =	vmax.f32 v7, v12  }
0x29: {  	vm2 =	veq.f32 v11, $4.000000000e+00;
	v46 =	vsel vm3, $0xF149F2CA, v5;
	v7 =	vmax.f32 v7, v45  }
0x2a: {  	vm1 =	veq.f32 v11, $5.000000000e+00;
	v47 =	vsel vm2, $0xF149F2CA, v6;
	v7 =	vmax.f32 v7, v46  }
0x2b: {  	vm0 =	veq.f32 v11, $6.000000000e+00;
	v48 =	vsel vm1, $0xF149F2CA, v8;
	v7 =	vmax.f32 v7, v47  }
0x2c: {  	v49 =	vsel vm0, $0xF149F2CA, v10;
	v7 =	vmax.f32 v7, v48  }
0x2d: {  	v7 =	vmax.f32 v7, v49  }
0x2e: {  	v9 =	vsub.f32 v7, v9;
	_ =	sdelay $0x1  }
0x2f: {  	v9 =	vmul.f32 $1.442695020e+00, v9  }
0x30: {  	v0 =	vimm.f32 $9.900000000e+01;
	vm7 =	vlt.f32 v11, $6.000000000e+00  }
0x31: {  	vm8 =	vgt.f32 v11, $6.000000000e+00;
	vm14 =	vlt.f32 v11, $5.000000000e+00;
	(erf) = vpow2.f32 v9  }
0x32: {  	vm15 =	vgt.f32 v11, $5.000000000e+00;
	vm13 =	vlt.f32 v11, $4.000000000e+00;
	vm7 =	vmor vm8, vm7  }
0x33: {  	vm8 =	vmor vm15, vm14;
	vm14 =	vgt.f32 v11, $4.000000000e+00;
	vm9 =	veq.f32 v10, v7  }
0x34: {  	vm10 =	veq.f32 v8, v7;
	vm15 =	veq.f32 v6, v7;
	vm7 =	vmand vm7, vm9  }
0x35: {  	vm12 =	vmand vm8, vm10;
	vm8 =	vmor vm14, vm13;
	vm13 =	vgt.f32 v11, $3.000000000e+00  }
0x36: {  	v8 =	vld [tilespmem:$0x10];
	vm14 =	veq.f32 v5, v7;
	v52 =	vsel vm7, $0x40C00000, v0;
	vm7 =	vmand vm8, vm15  }
0x37: {  	vm15 =	vlt.f32 v11, $2.000000000e+00;
	v53 =	vsel vm12, $0x40A00000, v52;
	vm12 =	vlt.f32 v11, $3.000000000e+00  }
0x38: {  	v54 =	vsel vm7, $0x40800000, v53;
	vm8 =	vmor vm13, vm12;
	vm12 =	vgt.f32 v11, $2.000000000e+00  }
0x39: {  	vm13 =	veq.f32 v4, v7;
	vm7 =	vmand vm8, vm14;
	vm8 =	vmor vm12, vm15  }
0x3a: {  	v56 =	vld [tilespmem:$0x90];
	vm14 =	vlt.f32 v11, $1.000000000e+00;
	vm15 =	vgt.f32 v11, $1.000000000e+00;
	vm12 =	veq.f32 v2, v7;
	v50 =	vpop (erf)  }
0x3b: {  	v58 =	vld [tilespmem:$0x110];
	v62 =	vmax.f32 v8, $-1.000000020e+30;
	v55 =	vsel vm7, $0x40400000, v54;
	v51 =	vadd.f32 $1.000000000e+00, v50  }
0x3c: {  	v59 =	vld [tilespmem:$0x190];
	vm7 =	vmand vm8, vm13;
	vm8 =	vmor vm15, vm14;
	vm13 =	vlt.f32 v11, $0.0e+00  }
0x3d: {  	v13 =	vld [tilespmem:$0x210];
	vm14 =	vgt.f32 v11, $0.0e+00;
	vm15 =	veq.f32 v1, v7;
	(erf) = vrcp.f32 v51  }
0x3e: {  	v63 =	vld [tilespmem:$0x290];
	v57 =	vsel vm7, $0x40000000, v55;
	vm7 =	vmand vm8, vm12;
	vm8 =	vmor vm14, vm13  }
0x3f: {  	v14 =	vld [tilespmem:$0x310];
	v20 =	vmax.f32 v62, v56;
	v4 =	vsel vm7, $0x3F800000, v57;
	vm7 =	vmand vm8, vm15  }
0x40: {  	v15 =	vsel vm7, $0x0, v4;
	v4 =	vmax.f32 v20, v58  }
0x41: {  	v4 =	vmax.f32 v4, v59  }
0x42: {  	v4 =	vmax.f32 v4, v13  }
0x43: {  	vm11 =	veq.f32 v15, $1.000000000e+00;
	v4 =	vmax.f32 v4, v63  }
0x44: {  	vm12 =	veq.f32 v15, $2.000000000e+00;
	vm14 =	veq.f32 v15, $3.000000000e+00;
	v17 =	vmax.f32 v4, v14  }
0x45: {  	vm9 =	veq.f32 v15, $4.000000000e+00;
	vm13 =	veq.f32 v14, v17;
	vm15 =	veq.f32 v63, v17  }
0x46: {  	vm8 =	veq.f32 v58, v17;
	vm10 =	veq.f32 v56, v17;
	v30 =	vsel vm13, $0x40C00000, v0;
	v60 =	vpop (erf)  }
0x47: {  	v6 =	vsel vm15, $0x40A00000, v30;
	v61 =	vmul.f32 v60, v50;
	v21 =	vnsel vm6, $0x0, v60  }
0x48: {  	v23 =	vnsel vm5, $0x0, v60;
	v26 =	vnsel vm4, $0x0, v60;
	v29 =	vnsel vm3, $0x0, v60  }
0x49: {  	vm6 =	veq.f32 v13, v17;
	v32 =	vnsel vm2, $0x0, v60;
	v35 =	vnsel vm1, $0x0, v60  }
0x4a: {  	v43 =	vnsel vm0, $0x0, v60;
	vm0 =	veq.f32 v15, $6.000000000e+00;
	v6 =	vsel vm6, $0x40800000, v6  }
0x4b: {  	v22 =	vnsel vm7, $0x0, v61;
	v24 =	vnsel vm11, $0x0, v61;
	v27 =	vnsel vm12, $0x0, v61  }
0x4c: {  	v16 =	vnsel vm14, $0x0, v61;
	vm7 =	veq.f32 v59, v17;
	v18 =	vnsel vm9, $0x0, v61  }
0x4d: {  	vm11 =	veq.f32 v15, $5.000000000e+00;
	v2 =	vnsel vm0, $0x0, v61;
	v6 =	vsel vm7, $0x40400000, v6  }
0x4e: {  	v3 =	vadd.f32 v22, v21;
	v25 =	vadd.f32 v24, v23;
	v6 =	vsel vm8, $0x40000000, v6  }
0x4f: {  	v28 =	vadd.f32 v27, v26;
	vm7 =	veq.f32 v8, v17;
	v19 =	vsel vm10, $0x3F800000, v6  }
0x50: {  	v31 =	vadd.f32 v16, v29;
	v36 =	vnsel vm11, $0x0, v61;
	v34 =	vsel vm7, $0x0, v19  }
0x51: {  	v16 =	vld [tilespmem:$0x20];
	v7 =	vsel vm7, $0xF149F2CA, v62;
	vm8 =	veq.f32 v34, $1.000000000e+00;
	vm9 =	veq.f32 v34, $2.000000000e+00  }
0x52: {  	v45 =	vld [tilespmem:$0xA0];
	vm6 =	veq.f32 v34, $3.000000000e+00;
	vm5 =	veq.f32 v34, $4.000000000e+00;
	vm4 =	veq.f32 v34, $5.000000000e+00  }
0x53: {  	v47 =	vld [tilespmem:$0x120];
	vm1 =	veq.f32 v34, $6.000000000e+00;
	vm12 =	vlt.f32 v34, $6.000000000e+00;
	vm13 =	vgt.f32 v34, $6.000000000e+00  }
0x54: {  	v48 =	vld [tilespmem:$0x1A0];
	vm15 =	vlt.f32 v34, $5.000000000e+00;
	vm10 =	vlt.f32 v34, $1.000000000e+00;
	v20 =	vsel vm8, $0xF149F2CA, v56  }
0x55: {  	v49 =	vld [tilespmem:$0x220];
	v37 =	vsel vm9, $0xF149F2CA, v58;
	v38 =	vsel vm6, $0xF149F2CA, v59;
	v39 =	vsel vm5, $0xF149F2CA, v13  }
0x56: {  	v22 =	vld [tilespmem:$0x2A0];
	v21 =	vsel vm4, $0xF149F2CA, v63;
	v50 =	vmax.f32 v16, $-1.000000020e+30;
	v7 =	vmax.f32 v7, v20  }
0x57: {  	v23 =	vld [tilespmem:$0x320];
	v42 =	vsel vm1, $0xF149F2CA, v14;
	v51 =	vmax.f32 v50, v45;
	v7 =	vmax.f32 v7, v37  }
0x58: {  	vm2 =	vmor vm13, vm12;
	v52 =	vmax.f32 v51, v47;
	v7 =	vmax.f32 v7, v38  }
0x59: {  	vm12 =	vgt.f32 v34, $5.000000000e+00;
	v11 =	vmax.f32 v52, v48;
	v20 =	vmax.f32 v7, v39  }
0x5a: {  	vm3 =	vmor vm12, vm15;
	v11 =	vmax.f32 v11, v49;
	v41 =	vmax.f32 v20, v21  }
0x5b: {  	vm15 =	vlt.f32 v34, $4.000000000e+00;
	v11 =	vmax.f32 v11, v22;
	v19 =	vmax.f32 v41, v42  }
0x5c: {  	vm12 =	vgt.f32 v34, $4.000000000e+00;
	v11 =	vmax.f32 v11, v23;
	v44 =	vsub.f32 v19, v17  }
0x5d: {  	vm14 =	veq.f32 v14, v19;
	vm13 =	veq.f32 v63, v19;
	vm11 =	veq.f32 v59, v19  }
0x5e: {  	vm2 =	vmand vm2, vm14;
	vm14 =	vmand vm3, vm13;
	v10 =	vmul.f32 $1.442695020e+00, v44  }
0x5f: {  	vm13 =	veq.f32 v13, v19;
	vm3 =	vmor vm12, vm15;
	vm15 =	vgt.f32 v34, $3.000000000e+00  }
0x60: {  	v46 =	vsel vm2, $0x40C00000, v0;
	vm2 =	vmand vm3, vm13;
	(erf) = vpow2.f32 v10  }
0x61: {  	vm13 =	vlt.f32 v34, $2.000000000e+00;
	v15 =	vsel vm14, $0x40A00000, v46;
	vm14 =	vlt.f32 v34, $3.000000000e+00  }
0x62: {  	vm3 =	vmor vm15, vm14;
	v53 =	vsel vm2, $0x40800000, v15;
	vm14 =	vgt.f32 v34, $2.000000000e+00  }
0x63: {  	vm15 =	veq.f32 v58, v19;
	vm2 =	veq.f32 v56, v19;
	vm12 =	vmand vm3, vm11  }
0x64: {  	vm3 =	vmor vm14, vm13;
	v54 =	vsel vm12, $0x40400000, v53;
	vm12 =	veq.f32 v23, v11  }
0x65: {  	vm13 =	veq.f32 v22, v11;
	vm14 =	vgt.f32 v34, $1.000000000e+00;
	v55 =	vsel vm12, $0x40C00000, v0  }
0x66: {  	vm11 =	vmand vm3, vm15;
	vm15 =	veq.f32 v49, v11;
	v9 =	vsel vm13, $0x40A00000, v55  }
0x67: {  	vm10 =	vmor vm14, vm10;
	vm12 =	veq.f32 v48, v11;
	v9 =	vsel vm15, $0x40800000, v9  }
0x68: {  	vm14 =	veq.f32 v45, v11;
	vm13 =	veq.f32 v47, v11;
	v9 =	vsel vm12, $0x40400000, v9  }
0x69: {  	v12 =	vsel vm11, $0x40000000, v54;
	vm2 =	vmand vm10, vm2;
	v9 =	vsel vm13, $0x40000000, v9;
	v56 =	vpop (erf)  }
0x6a: {  	vm12 =	veq.f32 v16, v11;
	v9 =	vsel vm14, $0x3F800000, v9;
	v57 =	vadd.f32 $1.000000000e+00, v56  }
0x6b: {  	v33 =	vadd.f32 v18, v32;
	v12 =	vsel vm2, $0x3F800000, v12;
	v24 =	vsel vm12, $0x0, v9  }
0x6c: {  	vm15 =	vgt.f32 v34, $0.0e+00;
	vm13 =	veq.f32 v24, $1.000000000e+00;
	(erf) = vrcp.f32 v57  }
0x6d: {  	v58 =	vsel vm12, $0xF149F2CA, v50;
	vm11 =	veq.f32 v24, $2.000000000e+00;
	v59 =	vsel vm13, $0xF149F2CA, v45  }
0x6e: {  	vm10 =	veq.f32 v24, $3.000000000e+00;
	v60 =	vsel vm11, $0xF149F2CA, v47;
	v9 =	vmax.f32 v58, v59  }
0x6f: {  	vm3 =	veq.f32 v24, $4.000000000e+00;
	v61 =	vsel vm10, $0xF149F2CA, v48;
	v9 =	vmax.f32 v9, v60  }
0x70: {  	vm2 =	veq.f32 v24, $5.000000000e+00;
	v62 =	vsel vm3, $0xF149F2CA, v49;
	v9 =	vmax.f32 v9, v61  }
0x71: {  	vm0 =	veq.f32 v24, $6.000000000e+00;
	v63 =	vsel vm2, $0xF149F2CA, v22;
	v9 =	vmax.f32 v9, v62  }
0x72: {  	[tilespmem:$0x1FF60] =	vst v3;
	vm14 =	vlt.f32 v34, $0.0e+00;
	v3 =	vsel vm0, $0xF149F2CA, v23;
	v9 =	vmax.f32 v9, v63  }
0x73: {  	vm14 =	vmor vm15, vm14;
	vm15 =	veq.f32 v8, v19;
	v5 =	vmax.f32 v9, v3  }
0x74: {  	v40 =	vadd.f32 v36, v35;
	vm14 =	vmand vm14, vm15;
	v6 =	vsub.f32 v5, v11  }
0x75: {  	v10 =	vimm.f32 $9.900000000e+01;
	v8 =	vadd.f32 v2, v43;
	v7 =	vsel vm14, $0x0, v12;
	v15 =	vpop (erf)  }
0x76: {  	vm15 =	veq.f32 v7, $1.000000000e+00;
	v2 =	vmul.f32 $1.442695020e+00, v6;
	v4 =	vmul.f32 v15, v56  }
0x77: {  	[tilespmem:$0x1FF80] =	vst v28;
	v26 =	vnsel vm7, $0x0, v15;
	v28 =	vnsel vm8, $0x0, v15;
	v30 =	vnsel vm9, $0x0, v15  }
0x78: {  	(erf) = vpow2.f32 v2;
	v32 =	vnsel vm6, $0x0, v15;
	vm9 =	veq.f32 v7, $4.000000000e+00  }
0x79: {  	v34 =	vnsel vm5, $0x0, v15;
	v35 =	vnsel vm4, $0x0, v15;
	vm4 =	veq.f32 v23, v5  }
0x7a: {  	vm7 =	veq.f32 v7, $5.000000000e+00;
	v41 =	vnsel vm1, $0x0, v15;
	vm1 =	veq.f32 v7, $6.000000000e+00  }
0x7b: {  	vm8 =	vgt.f32 v24, $0.0e+00;
	v27 =	vnsel vm14, $0x0, v4;
	v29 =	vnsel vm15, $0x0, v4  }
0x7c: {  	vm14 =	veq.f32 v7, $2.000000000e+00;
	vm15 =	veq.f32 v7, $3.000000000e+00;
	v39 =	vnsel vm7, $0x0, v4  }
0x7d: {  	[tilespmem:$0x1FF70] =	vst v25;
	v43 =	vnsel vm1, $0x0, v4;
	v9 =	vadd.f32 v27, v26;
	v25 =	vnsel vm14, $0x0, v4  }
0x7e: {  	[tilespmem:$0x1FFA0] =	vst v33;
	v12 =	vadd.f32 v29, v28;
	v33 =	vnsel vm15, $0x0, v4;
	v26 =	vnsel vm9, $0x0, v4  }
0x7f: {  	vm14 =	vlt.f32 v24, $6.000000000e+00;
	vm15 =	vgt.f32 v24, $6.000000000e+00;
	vm9 =	vlt.f32 v24, $5.000000000e+00  }
0x80: {  	vm5 =	vmor vm15, vm14;
	vm14 =	vgt.f32 v24, $5.000000000e+00;
	vm15 =	veq.f32 v22, v5  }
0x81: {  	vm4 =	vmand vm5, vm4;
	vm6 =	vmor vm14, vm9;
	vm14 =	vlt.f32 v24, $4.000000000e+00  }
0x82: {  	v36 =	vsel vm4, $0x40C00000, v0;
	vm9 =	vmand vm6, vm15;
	vm15 =	vgt.f32 v24, $4.000000000e+00  }
0x83: {  	v22 =	vsel vm9, $0x40A00000, v36;
	vm9 =	veq.f32 v49, v5;
	vm4 =	vmor vm15, vm14  }
0x84: {  	[tilespmem:$0x1FF90] =	vst v31;
	v15 =	vadd.f32 v39, v35;
	v14 =	vadd.f32 v43, v41;
	vm4 =	vmand vm4, vm9  }
0x85: {  	[tilespmem:$0x1FFB0] =	vst v40;
	v31 =	vadd.f32 v25, v30;
	v13 =	vadd.f32 v33, v32;
	v40 =	vsel vm4, $0x40800000, v22;
	v22 =	vld [tilespmem:$0x30]  }
0x86: {  	v23 =	vld [tilespmem:$0xB0];
	vm5 =	vlt.f32 v24, $3.000000000e+00;
	vm14 =	vgt.f32 v24, $3.000000000e+00;
	vm15 =	veq.f32 v48, v5;
	v37 =	vpop (erf)  }
0x87: {  	v29 =	vld [tilespmem:$0x130];
	vm5 =	vmor vm14, vm5;
	vm9 =	vgt.f32 v24, $2.000000000e+00;
	v38 =	vadd.f32 $1.000000000e+00, v37  }
0x88: {  	v30 =	vld [tilespmem:$0x1B0];
	vm14 =	vmand vm5, vm15;
	vm4 =	veq.f32 v47, v5;
	vm15 =	vlt.f32 v24, $2.000000000e+00  }
0x89: {  	[tilespmem:$0x1FFC0] =	vst v31;
	v31 =	vld [tilespmem:$0x230];
	v42 =	vsel vm14, $0x40400000, v40;
	vm5 =	vmor vm9, vm15;
	(erf) = vrcp.f32 v38  }
0x8a: {  	v47 =	vld [tilespmem:$0x2B0];
	vm14 =	vlt.f32 v24, $1.000000000e+00;
	vm15 =	vgt.f32 v24, $1.000000000e+00;
	v46 =	vmax.f32 v22, $-1.000000020e+30  }
0x8b: {  	v49 =	vld [tilespmem:$0x330];
	vm9 =	veq.f32 v45, v5;
	vm6 =	vmor vm15, vm14;
	v48 =	vmax.f32 v46, v23  }
0x8c: {  	vm14 =	vmand vm6, vm9;
	vm9 =	veq.f32 v16, v5;
	v16 =	vmax.f32 v48, v29  }
0x8d: {  	vm4 =	vmand vm5, vm4;
	vm15 =	vlt.f32 v24, $0.0e+00;
	v16 =	vmax.f32 v16, v30  }
0x8e: {  	v44 =	vsel vm4, $0x40000000, v42;
	vm1 =	vmor vm8, vm15;
	v16 =	vmax.f32 v16, v31  }
0x8f: {  	v45 =	vsel vm14, $0x3F800000, v44;
	vm1 =	vmand vm1, vm9;
	v55 =	vmax.f32 v16, v47  }
0x90: {  	v11 =	vadd.f32 v26, v34;
	v1 =	vsel vm1, $0x0, v45;
	v25 =	vmax.f32 v55, v49  }
0x91: {  	v45 =	vimm.f32 $9.900000000e+01;
	vm14 =	veq.f32 v1, $2.000000000e+00;
	vm15 =	veq.f32 v49, v25  }
0x92: {  	v28 =	vpop (erf);
	vm7 =	veq.f32 v47, v25;
	vm8 =	veq.f32 v31, v25;
	vm9 =	veq.f32 v30, v25  }
0x93: {  	v26 =	vld [tilespmem:$0x40];
	vm4 =	veq.f32 v22, v25;
	v50 =	vmul.f32 v28, v37;
	v51 =	vnsel vm12, $0x0, v28  }
0x94: {  	vm12 =	veq.f32 v1, $1.000000000e+00;
	v53 =	vnsel vm13, $0x0, v28;
	v56 =	vnsel vm11, $0x0, v28  }
0x95: {  	v58 =	vsel vm15, $0x40C00000, v0;
	v60 =	vnsel vm10, $0x0, v28;
	vm10 =	veq.f32 v1, $3.000000000e+00  }
0x96: {  	vm11 =	veq.f32 v29, v25;
	vm13 =	veq.f32 v1, $4.000000000e+00;
	v32 =	vnsel vm3, $0x0, v28  }
0x97: {  	v2 =	vsel vm4, $0xF149F2CA, v46;
	v5 =	vnsel vm2, $0x0, v28;
	v7 =	vnsel vm0, $0x0, v28  }
0x98: {  	v37 =	vmax.f32 v26, $-1.000000020e+30;
	v59 =	vsel vm7, $0x40A00000, v58;
	v52 =	vnsel vm1, $0x0, v50  }
0x99: {  	v54 =	vnsel vm12, $0x0, v50;
	v57 =	vnsel vm14, $0x0, v50;
	v19 =	vsel vm8, $0x40800000, v59  }
0x9a: {  	v27 =	vnsel vm10, $0x0, v50;
	vm12 =	veq.f32 v23, v25;
	v33 =	vnsel vm13, $0x0, v50  }
0x9b: {  	vm14 =	veq.f32 v1, $5.000000000e+00;
	v17 =	vadd.f32 v52, v51;
	v19 =	vsel vm9, $0x40400000, v19  }
0x9c: {  	v16 =	vadd.f32 v54, v53;
	v18 =	vadd.f32 v57, v56;
	v19 =	vsel vm11, $0x40000000, v19  }
0x9d: {  	v20 =	vadd.f32 v27, v60;
	v6 =	vnsel vm14, $0x0, v50;
	v19 =	vsel vm12, $0x3F800000, v19  }
0x9e: {  	v21 =	vadd.f32 v6, v5;
	v34 =	vsel vm4, $0x0, v19;
	v19 =	vadd.f32 v33, v32  }
0x9f: {  	vm6 =	veq.f32 v34, $1.000000000e+00;
	vm7 =	veq.f32 v34, $2.000000000e+00;
	vm8 =	veq.f32 v34, $3.000000000e+00  }
0xa0: {  	vm9 =	veq.f32 v34, $4.000000000e+00;
	vm10 =	veq.f32 v34, $5.000000000e+00;
	v61 =	vsel vm6, $0xF149F2CA, v23  }
0xa1: {  	vm3 =	veq.f32 v34, $6.000000000e+00;
	v62 =	vsel vm7, $0xF149F2CA, v29;
	v2 =	vmax.f32 v2, v61  }
0xa2: {  	vm11 =	vlt.f32 v34, $6.000000000e+00;
	v63 =	vsel vm8, $0xF149F2CA, v30;
	v2 =	vmax.f32 v2, v62  }
0xa3: {  	v27 =	vld [tilespmem:$0xC0];
	vm12 =	vgt.f32 v34, $6.000000000e+00;
	v0 =	vsel vm9, $0xF149F2CA, v31;
	v2 =	vmax.f32 v2, v63  }
0xa4: {  	vm13 =	vlt.f32 v34, $5.000000000e+00;
	v3 =	vsel vm10, $0xF149F2CA, v47;
	v2 =	vmax.f32 v2, v0  }
0xa5: {  	vm14 =	vgt.f32 v34, $5.000000000e+00;
	v4 =	vsel vm3, $0xF149F2CA, v49;
	v2 =	vmax.f32 v2, v3  }
0xa6: {  	vm2 =	vmor vm12, vm11;
	vm5 =	vmor vm14, vm13;
	v35 =	vmax.f32 v2, v4  }
0xa7: {  	vm13 =	vlt.f32 v34, $4.000000000e+00;
	vm14 =	vgt.f32 v34, $4.000000000e+00;
	vm15 =	veq.f32 v49, v35  }
0xa8: {  	v38 =	vmax.f32 v37, v27;
	v2 =	vld [tilespmem:$0x140];
	v25 =	vsub.f32 v35, v25;
	vm1 =	vmand vm2, vm15  }
0xa9: {  	vm12 =	veq.f32 v31, v35;
	vm15 =	veq.f32 v47, v35;
	v36 =	vsel vm1, $0x40C00000, v10  }
0xaa: {  	v28 =	vld [tilespmem:$0x1C0];
	vm11 =	vmand vm5, vm15;
	vm1 =	vmor vm14, vm13;
	v25 =	vmul.f32 $1.442695020e+00, v25  }
0xab: {  	v31 =	vld [tilespmem:$0x240];
	vm15 =	vlt.f32 v34, $3.000000000e+00;
	vm14 =	veq.f32 v29, v35;
	v36 =	vsel vm11, $0x40A00000, v36  }
0xac: {  	v41 =	vld [tilespmem:$0x2C0];
	vm0 =	vmand vm1, vm12;
	vm11 =	vgt.f32 v34, $3.000000000e+00;
	vm12 =	veq.f32 v30, v35  }
0xad: {  	v47 =	vld [tilespmem:$0x340];
	v38 =	vmax.f32 v38, v2;
	(erf) = vpow2.f32 v25;
	vm1 =	vmor vm11, vm15  }
0xae: {  	v42 =	vsel vm0, $0x40800000, v36;
	vm15 =	vlt.f32 v34, $2.000000000e+00;
	vm11 =	vgt.f32 v34, $2.000000000e+00  }
0xaf: {  	v40 =	vmax.f32 v38, v28;
	vm13 =	vmand vm1, vm12;
	vm1 =	vmor vm11, vm15  }
0xb0: {  	vm11 =	vgt.f32 v34, $1.000000000e+00;
	v25 =	vmax.f32 v40, v31;
	v30 =	vsel vm13, $0x40400000, v42  }
0xb1: {  	vm0 =	vmand vm1, vm14;
	vm1 =	vlt.f32 v34, $1.000000000e+00;
	v25 =	vmax.f32 v25, v41  }
0xb2: {  	v30 =	vsel vm0, $0x40000000, v30;
	vm1 =	vmor vm11, vm1;
	v25 =	vmax.f32 v25, v47  }
0xb3: {  	vm12 =	veq.f32 v47, v25;
	vm13 =	veq.f32 v41, v25;
	vm14 =	veq.f32 v31, v25  }
0xb4: {  	vm15 =	veq.f32 v28, v25;
	vm5 =	veq.f32 v2, v25;
	v43 =	vsel vm12, $0x40C00000, v10  }
0xb5: {  	vm12 =	veq.f32 v26, v25;
	v29 =	vsel vm13, $0x40A00000, v43;
	vm13 =	veq.f32 v27, v25  }
0xb6: {  	v52 =	vsel vm12, $0xF149F2CA, v37;
	v29 =	vsel vm14, $0x40800000, v29;
	vm14 =	veq.f32 v23, v35;
	v46 =	vpop (erf)  }
0xb7: {  	v29 =	vsel vm15, $0x40400000, v29;
	vm15 =	veq.f32 v1, $6.000000000e+00;
	v51 =	vadd.f32 $1.000000000e+00, v46  }
0xb8: {  	vm14 =	vmand vm1, vm14;
	v29 =	vsel vm5, $0x40000000, v29;
	v60 =	vnsel vm15, $0x0, v50  }
0xb9: {  	v30 =	vsel vm14, $0x3F800000, v30;
	v29 =	vsel vm13, $0x3F800000, v29;
	(erf) = vrcp.f32 v51  }
0xba: {  	vm14 =	vlt.f32 v34, $0.0e+00;
	vm15 =	vgt.f32 v34, $0.0e+00;
	v29 =	vsel vm12, $0x0, v29  }
0xbb: {  	vm14 =	vmor vm15, vm14;
	vm15 =	veq.f32 v22, v35;
	vm13 =	veq.f32 v29, $1.000000000e+00  }
0xbc: {  	vm14 =	vmand vm14, vm15;
	vm11 =	veq.f32 v29, $2.000000000e+00;
	v53 =	vsel vm13, $0xF149F2CA, v27  }
0xbd: {  	vm5 =	veq.f32 v29, $3.000000000e+00;
	v54 =	vsel vm11, $0xF149F2CA, v2;
	v23 =	vmax.f32 v52, v53  }
0xbe: {  	vm2 =	veq.f32 v29, $4.000000000e+00;
	v55 =	vsel vm5, $0xF149F2CA, v28;
	v23 =	vmax.f32 v23, v54  }
0xbf: {  	vm1 =	veq.f32 v29, $5.000000000e+00;
	v56 =	vsel vm2, $0xF149F2CA, v31;
	v23 =	vmax.f32 v23, v55  }
0xc0: {  	vm0 =	veq.f32 v29, $6.000000000e+00;
	v57 =	vsel vm1, $0xF149F2CA, v41;
	v23 =	vmax.f32 v23, v56  }
0xc1: {  	v30 =	vsel vm14, $0x0, v30;
	v59 =	vsel vm0, $0xF149F2CA, v47;
	v58 =	vmax.f32 v23, v57  }
0xc2: {  	v10 =	vadd.f32 v60, v7;
	vm15 =	veq.f32 v30, $1.000000000e+00;
	v48 =	vmax.f32 v58, v59;
	v61 =	vpop (erf)  }
0xc3: {  	v1 =	vsub.f32 v48, v25;
	v62 =	vmul.f32 v61, v46;
	v36 =	vnsel vm4, $0x0, v61  }
0xc4: {  	v38 =	vnsel vm6, $0x0, v61;
	v40 =	vnsel vm7, $0x0, v61;
	v6 =	vnsel vm8, $0x0, v61  }
0xc5: {  	vm8 =	veq.f32 v30, $4.000000000e+00;
	v7 =	vnsel vm9, $0x0, v61;
	v1 =	vmul.f32 $1.442695020e+00, v1  }
0xc6: {  	v50 =	vld [tilespmem:$0x50];
	v23 =	vnsel vm10, $0x0, v61;
	vm9 =	veq.f32 v30, $5.000000000e+00;
	vm10 =	vlt.f32 v29, $6.000000000e+00  }
0xc7: {  	v25 =	vnsel vm3, $0x0, v61;
	v37 =	vnsel vm14, $0x0, v62;
	(erf) = vpow2.f32 v1  }
0xc8: {  	v39 =	vnsel vm15, $0x0, v62;
	vm14 =	veq.f32 v30, $2.000000000e+00;
	vm15 =	veq.f32 v30, $3.000000000e+00  }
0xc9: {  	v24 =	vnsel vm9, $0x0, v62;
	vm9 =	vlt.f32 v29, $5.000000000e+00;
	v42 =	vnsel vm14, $0x0, v62  }
0xca: {  	v4 =	vnsel vm15, $0x0, v62;
	vm14 =	vgt.f32 v29, $6.000000000e+00;
	vm15 =	veq.f32 v47, v48  }
0xcb: {  	v47 =	vmax.f32 v50, $-1.000000020e+30;
	vm6 =	vmor vm14, vm10;
	vm10 =	vgt.f32 v29, $5.000000000e+00  }
0xcc: {  	vm14 =	veq.f32 v41, v48;
	vm4 =	vmand vm6, vm15;
	vm6 =	vmor vm10, vm9  }
0xcd: {  	vm15 =	vgt.f32 v29, $4.000000000e+00;
	vm9 =	vlt.f32 v29, $3.000000000e+00;
	vm10 =	vgt.f32 v29, $3.000000000e+00  }
0xce: {  	v63 =	vsel vm4, $0x40C00000, v45;
	vm4 =	vmand vm6, vm14;
	vm6 =	vlt.f32 v29, $4.000000000e+00  }
0xcf: {  	vm14 =	veq.f32 v31, v48;
	vm6 =	vmor vm15, vm6;
	v1 =	vsel vm4, $0x40A00000, v63  }
0xd0: {  	vm4 =	vmor vm10, vm9;
	vm9 =	vgt.f32 v29, $2.000000000e+00;
	vm15 =	vmand vm6, vm14;
	v22 =	vpop (erf)  }
0xd1: {  	vm14 =	veq.f32 v28, v48;
	v44 =	vsel vm15, $0x40800000, v1;
	v1 =	vld [tilespmem:$0xD0];
	v43 =	vadd.f32 $1.000000000e+00, v22  }
0xd2: {  	v51 =	vld [tilespmem:$0x150];
	vm10 =	veq.f32 v2, v48;
	vm3 =	vmand vm4, vm14;
	vm15 =	vlt.f32 v29, $2.000000000e+00  }
0xd3: {  	v2 =	vld [tilespmem:$0x1D0];
	vm14 =	vlt.f32 v29, $1.000000000e+00;
	v46 =	vsel vm3, $0x40400000, v44;
	(erf) = vrcp.f32 v43  }
0xd4: {  	v52 =	vld [tilespmem:$0x250];
	vm4 =	vmor vm9, vm15;
	vm15 =	vgt.f32 v29, $1.000000000e+00;
	vm9 =	veq.f32 v27, v48  }
0xd5: {  	v53 =	vld [tilespmem:$0x2D0];
	vm3 =	vmand vm4, vm10;
	vm4 =	vmor vm15, vm14;
	vm15 =	vlt.f32 v29, $0.0e+00  }
0xd6: {  	v49 =	vld [tilespmem:$0x350];
	v55 =	vsel vm3, $0x40000000, v46;
	vm10 =	vmand vm4, vm9;
	v56 =	vmax.f32 v47, v1  }
0xd7: {  	vm9 =	vgt.f32 v29, $0.0e+00;
	v27 =	vsel vm10, $0x3F800000, v55;
	v28 =	vmax.f32 v56, v51  }
0xd8: {  	vm10 =	veq.f32 v26, v48;
	vm3 =	vmor vm9, vm15;
	v28 =	vmax.f32 v28, v2  }
0xd9: {  	v5 =	vnsel vm8, $0x0, v62;
	vm3 =	vmand vm3, vm10;
	v57 =	vmax.f32 v28, v52  }
0xda: {  	vm14 =	veq.f32 v30, $6.000000000e+00;
	v56 =	vsel vm3, $0x0, v27;
	v28 =	vmax.f32 v57, v53  }
0xdb: {  	v26 =	vnsel vm14, $0x0, v62;
	vm15 =	veq.f32 v56, $1.000000000e+00;
	v48 =	vmax.f32 v28, v49  }
0xdc: {  	vm4 =	veq.f32 v56, $6.000000000e+00;
	vm14 =	veq.f32 v53, v48;
	vm8 =	veq.f32 v52, v48;
	v54 =	vpop (erf)  }
0xdd: {  	vm9 =	veq.f32 v2, v48;
	vm10 =	veq.f32 v51, v48;
	v55 =	vmul.f32 v54, v22  }
0xde: {  	v28 =	vnsel vm12, $0x0, v54;
	vm12 =	veq.f32 v49, v48;
	v27 =	vnsel vm13, $0x0, v54  }
0xdf: {  	v31 =	vnsel vm11, $0x0, v54;
	vm11 =	veq.f32 v56, $2.000000000e+00;
	v58 =	vsel vm12, $0x40C00000, v45  }
0xe0: {  	v33 =	vnsel vm5, $0x0, v54;
	vm13 =	veq.f32 v56, $3.000000000e+00;
	v59 =	vsel vm14, $0x40A00000, v58  }
0xe1: {  	v34 =	vnsel vm2, $0x0, v54;
	vm12 =	veq.f32 v1, v48;
	v60 =	vsel vm8, $0x40800000, v59  }
0xe2: {  	v29 =	vnsel vm3, $0x0, v55;
	v30 =	vnsel vm15, $0x0, v55;
	v32 =	vsel vm9, $0x40400000, v60  }
0xe3: {  	vm3 =	veq.f32 v50, v48;
	v35 =	vnsel vm13, $0x0, v55;
	v61 =	vsel vm10, $0x40000000, v32  }
0xe4: {  	vm14 =	veq.f32 v56, $4.000000000e+00;
	vm13 =	veq.f32 v56, $5.000000000e+00;
	v62 =	vsel vm12, $0x3F800000, v61  }
0xe5: {  	v41 =	vsel vm3, $0xF149F2CA, v47;
	v47 =	vnsel vm14, $0x0, v55;
	v57 =	vsel vm3, $0x0, v62  }
0xe6: {  	v32 =	vnsel vm11, $0x0, v55;
	vm11 =	veq.f32 v57, $1.000000000e+00;
	vm5 =	veq.f32 v57, $2.000000000e+00  }
0xe7: {  	vm9 =	veq.f32 v57, $3.000000000e+00;
	vm10 =	veq.f32 v57, $4.000000000e+00;
	v63 =	vsel vm11, $0xF149F2CA, v1  }
0xe8: {  	vm7 =	veq.f32 v57, $5.000000000e+00;
	v0 =	vsel vm5, $0xF149F2CA, v51;
	v41 =	vmax.f32 v41, v63  }
0xe9: {  	vm8 =	veq.f32 v57, $6.000000000e+00;
	v3 =	vsel vm9, $0xF149F2CA, v2;
	v41 =	vmax.f32 v41, v0  }
0xea: {  	vm15 =	vlt.f32 v57, $6.000000000e+00;
	v22 =	vsel vm10, $0xF149F2CA, v52;
	v41 =	vmax.f32 v41, v3  }
0xeb: {  	vm12 =	vgt.f32 v57, $6.000000000e+00;
	v43 =	vsel vm7, $0xF149F2CA, v53;
	v41 =	vmax.f32 v41, v22  }
0xec: {  	vm6 =	vlt.f32 v57, $5.000000000e+00;
	v59 =	vsel vm8, $0xF149F2CA, v49;
	v3 =	vld [tilespmem:$0x60];
	v58 =	vmax.f32 v41, v43  }
0xed: {  	v41 =	vnsel vm1, $0x0, v54;
	vm1 =	vmor vm12, vm15;
	v58 =	vmax.f32 v58, v59  }
0xee: {  	vm12 =	vgt.f32 v57, $5.000000000e+00;
	v59 =	vsub.f32 v58, v48;
	vm14 =	veq.f32 v49, v58  }
0xef: {  	v48 =	vnsel vm13, $0x0, v55;
	v49 =	vnsel vm0, $0x0, v54;
	vm15 =	veq.f32 v53, v58  }
0xf0: {  	vm13 =	vlt.f32 v57, $4.000000000e+00;
	vm1 =	vmand vm1, vm14;
	v59 =	vmul.f32 $1.442695020e+00, v59  }
0xf1: {  	v0 =	vld [tilespmem:$0xE0];
	vm14 =	vgt.f32 v57, $4.000000000e+00;
	v22 =	vmax.f32 v3, $-1.000000020e+30;
	v46 =	vsel vm1, $0x40C00000, v45  }
0xf2: {  	vm1 =	vmor vm12, vm6;
	vm2 =	vmor vm14, vm13;
	(erf) = vpow2.f32 v59  }
0xf3: {  	vm13 =	vlt.f32 v57, $3.000000000e+00;
	vm14 =	vgt.f32 v57, $3.000000000e+00;
	vm0 =	vmand vm1, vm15;
	v59 =	vld [tilespmem:$0x160]  }
0xf4: {  	v60 =	vld [tilespmem:$0x1E0];
	vm15 =	veq.f32 v52, v58;
	vm1 =	vmor vm14, vm13;
	vm13 =	vlt.f32 v57, $2.000000000e+00  }
0xf5: {  	v61 =	vld [tilespmem:$0x260];
	vm14 =	vgt.f32 v57, $2.000000000e+00;
	v56 =	vsel vm0, $0x40A00000, v46;
	vm12 =	vmand vm2, vm15  }
0xf6: {  	v62 =	vld [tilespmem:$0x2E0];
	vm15 =	veq.f32 v2, v58;
	v46 =	vmax.f32 v22, v0;
	vm0 =	vlt.f32 v57, $0.0e+00  }
0xf7: {  	v63 =	vld [tilespmem:$0x360];
	v52 =	vsel vm12, $0x40800000, v56;
	vm12 =	vmand vm1, vm15;
	vm15 =	veq.f32 v51, v58  }
0xf8: {  	vm1 =	vmor vm14, vm13;
	v51 =	vnsel vm4, $0x0, v55;
	v2 =	vmax.f32 v46, v59  }
0xf9: {  	vm14 =	vlt.f32 v57, $1.000000000e+00;
	vm4 =	vgt.f32 v57, $0.0e+00;
	v2 =	vmax.f32 v2, v60  }
0xfa: {  	v52 =	vsel vm12, $0x40400000, v52;
	vm6 =	vmand vm1, vm15;
	v2 =	vmax.f32 v2, v61  }
0xfb: {  	vm1 =	veq.f32 v1, v58;
	v55 =	vsel vm6, $0x40000000, v52;
	v2 =	vmax.f32 v2, v62;
	v43 =	vpop (erf)  }
0xfc: {  	v52 =	vimm.s32 $0x0;
	v44 =	vmax.f32 v2, v63;
	v54 =	vadd.f32 $1.000000000e+00, v43  }
0xfd: {  	vm12 =	veq.f32 v63, v44;
	vm13 =	veq.f32 v62, v44;
	vm15 =	veq.f32 v61, v44  }
0xfe: {  	vm6 =	veq.f32 v3, v44;
	v56 =	vsel vm12, $0x40C00000, v45;
	vm12 =	vgt.f32 v57, $1.000000000e+00  }
0xff: {  	(erf) = vrcp.f32 v54;
	v1 =	vsel vm13, $0x40A00000, v56;
	vm13 =	veq.f32 v60, v44  }
0x100: {  	vm2 =	vmor vm12, vm14;
	vm14 =	veq.f32 v59, v44;
	v1 =	vsel vm15, $0x40800000, v1  }
0x101: {  	vm12 =	veq.f32 v50, v58;
	v58 =	vsel vm6, $0xF149F2CA, v22;
	v1 =	vsel vm13, $0x40400000, v1  }
0x102: {  	v54 =	vimm.s32 $0x0;
	vm15 =	veq.f32 v0, v44;
	v1 =	vsel vm14, $0x40000000, v1  }
0x103: {  	vm1 =	vmand vm2, vm1;
	vm13 =	vmor vm4, vm0;
	v1 =	vsel vm15, $0x3F800000, v1  }
0x104: {  	v2 =	vsel vm1, $0x3F800000, v55;
	vm12 =	vmand vm13, vm12;
	v45 =	vsel vm6, $0x0, v1  }
0x105: {  	vm4 =	veq.f32 v45, $1.000000000e+00;
	vm14 =	veq.f32 v45, $2.000000000e+00;
	vm15 =	veq.f32 v45, $3.000000000e+00  }
0x106: {  	vm0 =	veq.f32 v45, $4.000000000e+00;
	v46 =	vsel vm4, $0xF149F2CA, v0;
	v22 =	vsel vm14, $0xFFFFFFFF, v52  }
0x107: {  	v53 =	vsel vm14, $0xF149F2CA, v59;
	v55 =	vsel vm15, $0xF149F2CA, v60;
	v1 =	vmax.f32 v58, v46  }
0x108: {  	[tilespmem:$0x1FFD0] =	vst v22;
	v22 =	vsel vm15, $0xFFFFFFFF, v54;
	v58 =	vimm.s32 $0x0;
	v1 =	vmax.f32 v1, v53  }
0x109: {  	v2 =	vsel vm12, $0x0, v2;
	[tilespmem:$0x1FFE0] =	vst v22;
	v22 =	vsel vm0, $0xFFFFFFFF, v58;
	v57 =	vpop (erf);
	v1 =	vmax.f32 v1, v55  }
0x10a: {  	[tilespmem:$0x1FFF0] =	vst v22;
	v22 =	vsel vm0, $0xF149F2CA, v61;
	v52 =	vnsel vm3, $0x0, v57;
	v53 =	vnsel vm11, $0x0, v57  }
0x10b: {  	vm0 =	veq.f32 v2, $4.000000000e+00;
	v56 =	vnsel vm5, $0x0, v57;
	vm5 =	veq.f32 v45, $5.000000000e+00  }
0x10c: {  	vm3 =	veq.f32 v45, $6.000000000e+00;
	v1 =	vmax.f32 v1, v22;
	v46 =	vsel vm5, $0xF149F2CA, v62  }
0x10d: {  	v54 =	vnsel vm9, $0x0, v57;
	v58 =	vsel vm3, $0xF149F2CA, v63;
	v1 =	vmax.f32 v1, v46  }
0x10e: {  	v55 =	vnsel vm10, $0x0, v57;
	v43 =	vmul.f32 v57, v43;
	v46 =	vmax.f32 v1, v58  }
0x10f: {  	v58 =	vnsel vm7, $0x0, v57;
	v57 =	vnsel vm8, $0x0, v57;
	vm2 =	veq.f32 v63, v46  }
0x110: {  	vm7 =	veq.f32 v62, v46;
	v63 =	vnsel vm12, $0x0, v43;
	vm11 =	veq.f32 v61, v46  }
0x111: {  	vm10 =	veq.f32 v60, v46;
	vm12 =	veq.f32 v59, v46;
	v62 =	vnsel vm0, $0x0, v43  }
0x112: {  	vm8 =	veq.f32 v0, v46;
	v22 =	vsub.f32 v46, v44;
	vm0 =	veq.f32 v3, v46;
	v46 =	vld [tilespmem:$0x1FF60];
	_ =	sdelay $0x4  }
0x113: {  	[tilespmem:$0x480] =	vst v46;
	v46 =	vld [tilespmem:$0x1FF70];
	_ =	sdelay $0x2  }
0x114: {  	v5 =	vadd.f32 v5, v7;
	v23 =	vadd.f32 v24, v23;
	v50 =	vld [tilespmem:$0x70]  }
0x115: {  	v6 =	vadd.f32 v4, v6;
	v26 =	vadd.f32 v26, v25;
	v0 =	vmul.f32 $1.442695020e+00, v22  }
0x116: {  	v28 =	vadd.f32 v29, v28;
	v30 =	vadd.f32 v30, v27;
	[tilespmem:$0x500] =	vst v46;
	v46 =	vld [tilespmem:$0x1FF80]  }
0x117: {  	v48 =	vadd.f32 v48, v41;
	v41 =	vimm.f32 $1.000000000e+00;
	(erf) = vpow2.f32 v0  }
0x118: {  	v51 =	vadd.f32 v51, v49;
	vm13 =	veq.f32 v2, $1.000000000e+00;
	vm1 =	veq.f32 v2, $5.000000000e+00  }
0x119: {  	v7 =	vmax.f32 v50, $-1.000000020e+30;
	vm14 =	veq.f32 v2, $2.000000000e+00;
	vm15 =	veq.f32 v2, $3.000000000e+00  }
0x11a: {  	vm9 =	veq.f32 v2, $6.000000000e+00;
	v2 =	vnsel vm13, $0x0, v43;
	vm13 =	vgt.f32 v45, $6.000000000e+00  }
0x11b: {  	v1 =	vnsel vm14, $0x0, v43;
	vm14 =	vlt.f32 v45, $5.000000000e+00;
	v2 =	vadd.f32 v2, v53;
	[tilespmem:$0x580] =	vst v46;
	v46 =	vld [tilespmem:$0x1FF90]  }
0x11c: {  	v61 =	vnsel vm15, $0x0, v43;
	v60 =	vnsel vm1, $0x0, v43;
	v59 =	vnsel vm9, $0x0, v43  }
0x11d: {  	vm9 =	vlt.f32 v45, $6.000000000e+00;
	v3 =	vadd.f32 v37, v36;
	v43 =	vadd.f32 v39, v38  }
0x11e: {  	vm15 =	vgt.f32 v45, $5.000000000e+00;
	v36 =	vld [tilespmem:$0xF0];
	v44 =	vadd.f32 v42, v40;
	v1 =	vadd.f32 v1, v56  }
0x11f: {  	[tilespmem:$0x780] =	vst v8;
	v37 =	vld [tilespmem:$0x170];
	vm1 =	vmor vm13, vm9;
	vm9 =	vmor vm15, vm14;
	v52 =	vadd.f32 v63, v52  }
0x120: {  	vm14 =	vlt.f32 v45, $4.000000000e+00;
	v61 =	vadd.f32 v61, v54;
	v63 =	vadd.f32 v62, v55;
	v8 =	vpop (erf);
	[tilespmem:$0x600] =	vst v46;
	v46 =	vld [tilespmem:$0x1FFA0]  }
0x121: {  	[tilespmem:$0x490] =	vst v9;
	v38 =	vld [tilespmem:$0x1F0];
	vm15 =	vgt.f32 v45, $4.000000000e+00;
	v27 =	vadd.f32 v59, v57;
	v9 =	vadd.f32 $1.000000000e+00, v8  }
0x122: {  	v39 =	vld [tilespmem:$0x270];
	vm1 =	vmand vm1, vm2;
	vm13 =	vmand vm9, vm7;
	vm7 =	vmor vm15, vm14  }
0x123: {  	v40 =	vld [tilespmem:$0x2F0];
	v22 =	vimm.f32 $9.900000000e+01;
	vm14 =	vgt.f32 v45, $3.000000000e+00;
	(erf) = vrcp.f32 v9  }
0x124: {  	v42 =	vld [tilespmem:$0x370];
	vm9 =	vlt.f32 v45, $2.000000000e+00;
	[tilespmem:$0x5B0] =	vst v44;
	v44 =	vadd.f32 v32, v31;
	vm11 =	vmand vm7, vm11  }
0x125: {  	vm7 =	vgt.f32 v45, $1.000000000e+00;
	v0 =	vsel vm1, $0x40C00000, v22;
	v4 =	vmax.f32 v7, v36;
	[tilespmem:$0x680] =	vst v46;
	v46 =	vld [tilespmem:$0x1FFB0]  }
0x126: {  	v0 =	vsel vm13, $0x40A00000, v0;
	vm13 =	vlt.f32 v45, $3.000000000e+00;
	v4 =	vmax.f32 v4, v37  }
0x127: {  	v0 =	vsel vm11, $0x40800000, v0;
	vm15 =	vmor vm14, vm13;
	v4 =	vmax.f32 v4, v38  }
0x128: {  	vm11 =	vgt.f32 v45, $2.000000000e+00;
	vm1 =	vmand vm15, vm10;
	v4 =	vmax.f32 v4, v39  }
0x129: {  	[tilespmem:$0x510] =	vst v12;
	vm2 =	vmor vm11, vm9;
	vm10 =	vlt.f32 v45, $0.0e+00;
	v4 =	vmax.f32 v4, v40  }
0x12a: {  	v12 =	vld [tilespmem:$0x1FFC0];
	v0 =	vsel vm1, $0x40400000, v0;
	vm1 =	vmand vm2, vm12;
	[tilespmem:$0x700] =	vst v46;
	v46 =	vmax.f32 v4, v42  }
0x12b: {  	[tilespmem:$0x710] =	vst v15;
	v25 =	vld [tilespmem:$0x1FFD0];
	vm2 =	vlt.f32 v45, $1.000000000e+00;
	v0 =	vsel vm1, $0x40000000, v0;
	vm12 =	veq.f32 v42, v46  }
0x12c: {  	[tilespmem:$0x790] =	vst v14;
	vm2 =	vmor vm7, vm2;
	v9 =	vpop (erf);
	vm13 =	veq.f32 v40, v46;
	v4 =	vsel vm12, $0x40C00000, v22  }
0x12d: {  	[tilespmem:$0x610] =	vst v13;
	v29 =	vnsel vm6, $0x0, v9;
	vm9 =	veq.f32 v39, v46;
	v4 =	vsel vm13, $0x40A00000, v4  }
0x12e: {  	[tilespmem:$0x690] =	vst v11;
	v8 =	vmul.f32 v9, v8;
	vm14 =	veq.f32 v38, v46;
	v4 =	vsel vm9, $0x40800000, v4  }
0x12f: {  	[tilespmem:$0x590] =	vst v12;
	v53 =	vnsel vm4, $0x0, v9;
	vm15 =	veq.f32 v37, v46;
	v4 =	vsel vm14, $0x40400000, v4  }
0x130: {  	[tilespmem:$0x4A0] =	vst v17;
	vm6 =	vnez.u8 v25;
	vm13 =	veq.f32 v36, v46;
	v4 =	vsel vm15, $0x40000000, v4  }
0x131: {  	[tilespmem:$0x520] =	vst v16;
	v32 =	vnsel vm5, $0x0, v9;
	vm11 =	veq.f32 v50, v46;
	v4 =	vsel vm13, $0x3F800000, v4  }
0x132: {  	[tilespmem:$0x5A0] =	vst v18;
	v22 =	vimm.f32 $9.900000000e+01;
	vm12 =	vgt.f32 v45, $0.0e+00;
	v4 =	vsel vm11, $0x0, v4  }
0x133: {  	[tilespmem:$0x620] =	vst v20;
	v7 =	vsel vm11, $0xF149F2CA, v7;
	vm14 =	vmand vm2, vm8;
	vm13 =	veq.f32 v4, $1.000000000e+00  }
0x134: {  	[tilespmem:$0x720] =	vst v21;
	vm15 =	vmor vm12, vm10;
	vm12 =	veq.f32 v4, $2.000000000e+00;
	v16 =	vsel vm13, $0xF149F2CA, v36  }
0x135: {  	[tilespmem:$0x6A0] =	vst v19;
	vm10 =	veq.f32 v4, $3.000000000e+00;
	v17 =	vsel vm12, $0xF149F2CA, v37;
	v7 =	vmax.f32 v7, v16  }
0x136: {  	[tilespmem:$0x4C0] =	vst v28;
	v28 =	vld [tilespmem:$0x1FFE0];
	vm9 =	veq.f32 v4, $4.000000000e+00;
	v18 =	vsel vm10, $0xF149F2CA, v38;
	v7 =	vmax.f32 v7, v17  }
0x137: {  	[tilespmem:$0x7A0] =	vst v10;
	vm8 =	veq.f32 v4, $5.000000000e+00;
	v20 =	vsel vm9, $0xF149F2CA, v39;
	v7 =	vmax.f32 v7, v18  }
0x138: {  	[tilespmem:$0x6B0] =	vst v5;
	vm7 =	veq.f32 v4, $6.000000000e+00;
	v21 =	vsel vm8, $0xF149F2CA, v40;
	v7 =	vmax.f32 v7, v20  }
0x139: {  	[tilespmem:$0x730] =	vst v23;
	v45 =	vadd.f32 v35, v33;
	v24 =	vsel vm7, $0xF149F2CA, v42;
	v7 =	vmax.f32 v7, v21  }
0x13a: {  	[tilespmem:$0x540] =	vst v30;
	v30 =	vld [tilespmem:$0x1FFF0];
	v0 =	vsel vm14, $0x3F800000, v0;
	vm2 =	vmand vm15, vm0;
	v7 =	vmax.f32 v7, v24  }
0x13b: {  	[tilespmem:$0x530] =	vst v43;
	vm15 =	vnez.u8 v28;
	v0 =	vsel vm2, $0x0, v0;
	v43 =	vsub.f32 v7, v46  }
0x13c: {  	[tilespmem:$0x630] =	vst v6;
	vm4 =	veq.f32 v0, $1.000000000e+00;
	vm14 =	veq.f32 v0, $2.000000000e+00;
	vm5 =	vlt.f32 v4, $6.000000000e+00  }
0x13d: {  	[tilespmem:$0x7B0] =	vst v26;
	v56 =	vnsel vm4, $0x0, v8;
	v26 =	vnsel vm14, $0x0, v8;
	v14 =	vmul.f32 $1.442695020e+00, v43  }
0x13e: {  	[tilespmem:$0x4B0] =	vst v3;
	vm4 =	veq.f32 v0, $3.000000000e+00;
	vm14 =	veq.f32 v0, $4.000000000e+00;
	v3 =	vadd.f32 v56, v53  }
0x13f: {  	[tilespmem:$0x400] =	vst v41;
	v20 =	vnsel vm6, $0x0, v9;
	vm6 =	vnez.u8 v30;
	(erf) = vpow2.f32 v14  }
0x140: {  	[tilespmem:$0x410] =	vst v41;
	v31 =	vnsel vm14, $0x0, v8;
	v16 =	vnsel vm6, $0x0, v9;
	vm6 =	vgt.f32 v4, $6.000000000e+00  }
0x141: {  	[tilespmem:$0x420] =	vst v41;
	v24 =	vadd.f32 v60, v58;
	vm0 =	vmor vm6, vm5;
	vm6 =	vgt.f32 v4, $5.000000000e+00  }
0x142: {  	[tilespmem:$0x430] =	vst v41;
	vm5 =	vgt.f32 v4, $3.000000000e+00;
	v46 =	vadd.f32 v47, v34;
	v47 =	vnsel vm2, $0x0, v8  }
0x143: {  	[tilespmem:$0x440] =	vst v41;
	v5 =	vadd.f32 v31, v16;
	vm14 =	veq.f32 v42, v7;
	v12 =	vadd.f32 v47, v29  }
0x144: {  	[tilespmem:$0x450] =	vst v41;
	v29 =	vnsel vm4, $0x0, v8;
	vm4 =	veq.f32 v0, $6.000000000e+00;
	vm0 =	vmand vm0, vm14  }
0x145: {  	[tilespmem:$0x460] =	vst v41;
	vm14 =	veq.f32 v40, v7;
	v40 =	vsel vm0, $0x40C00000, v22;
	vm0 =	veq.f32 v38, v7  }
0x146: {  	[tilespmem:$0x470] =	vst v41;
	v14 =	vnsel vm15, $0x0, v9;
	vm15 =	veq.f32 v0, $5.000000000e+00;
	v9 =	vnsel vm3, $0x0, v9  }
0x147: {  	[tilespmem:$0x740] =	vst v48;
	vm3 =	veq.f32 v36, v7;
	v33 =	vnsel vm15, $0x0, v8;
	vm15 =	vlt.f32 v4, $5.000000000e+00  }
0x148: {  	[tilespmem:$0x7C0] =	vst v51;
	v8 =	vnsel vm4, $0x0, v8;
	vm4 =	vlt.f32 v4, $3.000000000e+00;
	vm1 =	vmor vm6, vm15;
	v34 =	vpop (erf)  }
0x149: {  	[tilespmem:$0x550] =	vst v2;
	vm15 =	vlt.f32 v4, $4.000000000e+00;
	vm6 =	vgt.f32 v4, $4.000000000e+00;
	v35 =	vadd.f32 $1.000000000e+00, v34  }
0x14a: {  	[tilespmem:$0x5D0] =	vst v1;
	vm1 =	vmand vm1, vm14;
	vm2 =	vmor vm6, vm15;
	vm14 =	veq.f32 v39, v7  }
0x14b: {  	[tilespmem:$0x4D0] =	vst v52;
	vm6 =	vlt.f32 v4, $2.000000000e+00;
	v1 =	vsel vm1, $0x40A00000, v40;
	(erf) = vrcp.f32 v35  }
0x14c: {  	[tilespmem:$0x650] =	vst v61;
	vm15 =	vmand vm2, vm14;
	vm1 =	vmor vm5, vm4;
	vm14 =	vgt.f32 v4, $2.000000000e+00  }
0x14d: {  	[tilespmem:$0x6D0] =	vst v63;
	vm4 =	vlt.f32 v4, $0.0e+00;
	vm5 =	vgt.f32 v4, $0.0e+00;
	v1 =	vsel vm15, $0x40800000, v1  }
0x14e: {  	[tilespmem:$0x7D0] =	vst v27;
	vm0 =	vmand vm1, vm0;
	vm15 =	veq.f32 v37, v7;
	vm2 =	vmor vm14, vm6  }
0x14f: {  	[tilespmem:$0x5C0] =	vst v44;
	vm14 =	vlt.f32 v4, $1.000000000e+00;
	vm6 =	vmand vm2, vm15;
	vm15 =	vgt.f32 v4, $1.000000000e+00  }
0x150: {  	[tilespmem:$0x640] =	vst v45;
	vm1 =	vmor vm5, vm4;
	v1 =	vsel vm0, $0x40400000, v1;
	vm0 =	vmor vm15, vm14  }
0x151: {  	[tilespmem:$0x560] =	vst v3;
	v1 =	vsel vm6, $0x40000000, v1;
	vm6 =	veq.f32 v50, v7;
	vm0 =	vmand vm0, vm3  }
0x152: {  	[tilespmem:$0x750] =	vst v24;
	vm1 =	vmand vm1, vm6;
	v1 =	vsel vm0, $0x3F800000, v1  }
0x153: {  	v42 =	vadd.f32 v26, v20;
	[tilespmem:$0x6E0] =	vst v5;
	v43 =	vadd.f32 v29, v14;
	v1 =	vsel vm1, $0x0, v1  }
0x154: {  	[tilespmem:$0x6C0] =	vst v46;
	v0 =	vadd.f32 v33, v32;
	v47 =	vadd.f32 v8, v9;
	vm14 =	veq.f32 v1, $5.000000000e+00;
	v2 =	vpop (erf)  }
0x155: {  	[tilespmem:$0x5E0] =	vst v42;
	vm15 =	veq.f32 v1, $6.000000000e+00;
	v44 =	vmul.f32 v2, v34;
	v45 =	vnsel vm11, $0x0, v2  }
0x156: {  	[tilespmem:$0x4E0] =	vst v12;
	v48 =	vnsel vm13, $0x0, v2;
	vm11 =	veq.f32 v1, $1.000000000e+00;
	v50 =	vnsel vm12, $0x0, v2  }
0x157: {  	[tilespmem:$0x660] =	vst v43;
	v53 =	vnsel vm10, $0x0, v2;
	vm12 =	veq.f32 v1, $3.000000000e+00;
	v46 =	vnsel vm1, $0x0, v44  }
0x158: {  	[tilespmem:$0x760] =	vst v0;
	vm13 =	veq.f32 v1, $4.000000000e+00;
	v49 =	vnsel vm11, $0x0, v44;
	v3 =	vadd.f32 v46, v45  }
0x159: {  	[tilespmem:$0x7E0] =	vst v47;
	v55 =	vnsel vm9, $0x0, v2;
	v54 =	vnsel vm12, $0x0, v44;
	v0 =	vadd.f32 v49, v48  }
0x15a: {  	v59 =	vnsel vm8, $0x0, v2;
	v56 =	vnsel vm13, $0x0, v44;
	v57 =	vadd.f32 v54, v53;
	[tilespmem:$0x4F0] =	vst v3  }
0x15b: {  	v62 =	vnsel vm7, $0x0, v2;
	v60 =	vnsel vm14, $0x0, v44;
	v58 =	vadd.f32 v56, v55;
	[tilespmem:$0x570] =	vst v0  }
0x15c: {  	vm1 =	veq.f32 v1, $2.000000000e+00;
	v63 =	vnsel vm15, $0x0, v44;
	v61 =	vadd.f32 v60, v59;
	[tilespmem:$0x670] =	vst v57  }
0x15d: {  	v51 =	vnsel vm1, $0x0, v44;
	v1 =	vadd.f32 v63, v62;
	[tilespmem:$0x6F0] =	vst v58  }
0x15e: {  	v52 =	vadd.f32 v51, v50;
	[tilespmem:$0x770] =	vst v61  }
0x15f: {  	p0 =	sne.s32 s5, $0x1;
	[tilespmem:$0x7F0] =	vst v1  }
.Ltmp1:
0x160: {  	[tilespmem:$0x5F0] =	vst v52;
	(pc) =	sbr.rel @p0 .LBB2_2-.Ltmp1, $4  }
0x161: {  	[hbm4b:s3+s2] =	stream.linear.scatter [tilespmem:s7], [sflag:$0x1], $0x400, $0x38;
	[tilespmem:$0x800] =	vst v63  }
0x162: {  	_ =	swait.ge [sflag:s6], $0x400  }
0x163: {  	[sflag:s6] =	ssyncset.done $0x0  }
0x164: {  	s5 =	sadd.s32 $0xFFFFFFFF, s5;
	[sflag:s6] =	ssyncadd.s32 $0xFFFFFC00  }
.LBB2_3:
0x165: {  	_ =	sfence.sel $0x180000  }
0x166: {  	[bflag:$0x0] =	sbarrier.arrive $0xFFFF  }
0x167: {  	p0 =	sne.s32 s1, $0x0;
	_ =	strace $0x90000047  }
0x168: {  	s0 =	sadd.s32 @!p0 $0x100000, s0;
	[bflag:$0x2] =	sbarrier.arrive $0xFFFF  }
0x169: {  	[sflag:s0] =	ssyncadd.tile.s32 @!p0 $0x1;
	_ =	shalt  }
.Lfunc_end2:
_tile_overlayer_lowered:
.L_overlay_start_2:
0x16a: {  	(tag) =	ssettag $0x2  }
0x16b: {  	s0 =	rddreg [dreg:$0x0];
	s2 =	stileid.u32  }
0x16c: {  	s1 =	rddreg [dreg:$0x1];
	p0 =	sne.s32 s2, $0x0  }
0x16d: {  	s3 =	rddreg [dreg:$0x2];
	[bflag:$0x3] =	sbarrier.arrive $0xFFFF;
	s2 =	simm.s32 @!p0 $0x1C01  }
0x16e: {  	[timem:s3], [sflag:s2] =	dma.local @!p0 [hbm:s0], s1  }
0x16f: {  	s0 =	simm.s32 @!p0 $0x1  }
0x170: {  	_ =	swait.ge @!p0 [sflag:s0], s1  }
0x171: {  	s1 =	ssub.s32 @!p0 $0x0, s1;
	[sflag:s0] =	ssyncset.done @!p0 $0x0  }
0x172: {  	[sflag:s0] =	ssyncadd.s32 @!p0 s1  }
0x173: {  	[bflag:$0x3] =	sbarrier.arrive $0xFFFF  }
0x174: {  	_ =	shalt  }

</sc_bundles>
